<compile_context>
chip_gen: v7x
topology: tpu7x:2x2x1
jax: 0.10.2.dev20260603
libtpu: 0.0.44.dev20260713+nightly
codegen_flags: <defaults>
</compile_context>

<pallas_src>
import functools
import jax
import jax.numpy as jnp
from jax import lax
from jax.experimental import pallas as pl
from jax.experimental.pallas import tpu as pltpu, tpu_sc as plsc

HIDDEN = 128
N_NODES = 10000
N_EDGES = 320000
SCALE = (12.0 / 6.0) / 100.0

NC = 2
NS = 16
NW = NC * NS
CHUNK = 128
NCHUNKS = N_EDGES // CHUNK
ITERS = (NCHUNKS + NW - 1) // NW
NP_PAD = 10240
ZROWS = NP_PAD // NS
TW = 8


def _nodeproj_body(h_ref, w1a_ref, w1b_ref, b1_ref, a_ref, b_ref):
    hb = h_ref[...]
    a = jnp.dot(hb, w1a_ref[...], preferred_element_type=jnp.float32) + b1_ref[...]
    b = jnp.dot(hb, w1b_ref[...], preferred_element_type=jnp.float32)
    a_ref[...] = a
    b_ref[...] = b


def _node_proj(h, w1a, w1b, b1r):
    blk = 2000
    grid = N_NODES // blk
    return pl.pallas_call(
        _nodeproj_body,
        grid=(grid,),
        in_specs=[
            pl.BlockSpec((blk, HIDDEN), lambda i: (i, 0)),
            pl.BlockSpec((HIDDEN, HIDDEN), lambda i: (0, 0)),
            pl.BlockSpec((HIDDEN, HIDDEN), lambda i: (0, 0)),
            pl.BlockSpec((1, HIDDEN), lambda i: (0, 0)),
        ],
        out_specs=[
            pl.BlockSpec((blk, HIDDEN), lambda i: (i, 0)),
            pl.BlockSpec((blk, HIDDEN), lambda i: (i, 0)),
        ],
        out_shape=[
            jax.ShapeDtypeStruct((N_NODES, HIDDEN), jnp.float32),
            jax.ShapeDtypeStruct((N_NODES, HIDDEN), jnp.float32),
        ],
    )(h, w1a, w1b, b1r)


SEG = 5
E_SEG = N_EDGES // SEG
NCHUNKS_S = E_SEG // CHUNK
_G = (NCHUNKS_S + NW - 1) // NW
GITERS_S = _G + (_G % 2)


def _gather_body(a_hbm, b_hbm, row_hbm, col_hbm, g1_hbm, g2_hbm,
                 i1a, i1b, i2a, i2b, r1a, r1b, r2a, r2b,
                 sia, sib, sga, sgb, swa, swb):
    w = lax.axis_index("s") * NC + lax.axis_index("c")

    idx_bufs = ((i1a, i2a), (i1b, i2b))
    row_bufs = ((r1a, r2a), (r1b, r2b))
    isems = (sia, sib)
    gsems = (sga, sgb)
    wsems = (swa, swb)

    def rd_base(j):
        c = w + NW * j
        return jnp.where(c < NCHUNKS_S, c, 0) * CHUNK

    def wr_base(j):
        c = w + NW * j
        return jnp.where(c < NCHUNKS_S, c * CHUNK, E_SEG)

    def start_idx(j, b):
        base = rd_base(j)
        pltpu.async_copy(row_hbm.at[pl.ds(base, CHUNK)], idx_bufs[b][0], isems[b])
        pltpu.async_copy(col_hbm.at[pl.ds(base, CHUNK)], idx_bufs[b][1], isems[b])

    def wait_idx(b):
        pltpu.make_async_copy(row_hbm.at[pl.ds(0, CHUNK)], idx_bufs[b][0], isems[b]).wait()
        pltpu.make_async_copy(col_hbm.at[pl.ds(0, CHUNK)], idx_bufs[b][1], isems[b]).wait()

    def start_gather(b):
        pltpu.async_copy(a_hbm.at[idx_bufs[b][0]], row_bufs[b][0], gsems[b])
        pltpu.async_copy(b_hbm.at[idx_bufs[b][1]], row_bufs[b][1], gsems[b])

    def wait_gather(b):
        pltpu.make_async_copy(a_hbm.at[idx_bufs[b][0]], row_bufs[b][0], gsems[b]).wait()
        pltpu.make_async_copy(b_hbm.at[idx_bufs[b][1]], row_bufs[b][1], gsems[b]).wait()

    def start_write(j, b):
        base = wr_base(j)
        pltpu.async_copy(row_bufs[b][0], g1_hbm.at[pl.ds(base, CHUNK)], wsems[b])
        pltpu.async_copy(row_bufs[b][1], g2_hbm.at[pl.ds(base, CHUNK)], wsems[b])

    def wait_write(b):
        pltpu.make_async_copy(row_bufs[b][0], g1_hbm.at[pl.ds(0, CHUNK)], wsems[b]).wait()
        pltpu.make_async_copy(row_bufs[b][1], g2_hbm.at[pl.ds(0, CHUNK)], wsems[b]).wait()

    start_idx(0, 0)
    start_idx(1, 1)
    wait_idx(0)
    start_gather(0)
    start_write(GITERS_S, 1)

    def step(j2, carry):
        j = 2 * j2

        wait_idx(1)
        wait_write(1)
        start_gather(1)
        wait_gather(0)
        start_write(j, 0)
        start_idx(j + 2, 0)

        wait_idx(0)
        wait_write(0)
        start_gather(0)
        wait_gather(1)
        start_write(j + 1, 1)
        start_idx(j + 3, 1)

        return carry

    lax.fori_loop(0, GITERS_S // 2 - 1, step, 0)

    j = GITERS_S - 2
    wait_idx(1)
    wait_write(1)
    start_gather(1)
    wait_gather(0)
    start_write(j, 0)
    wait_gather(1)
    wait_write(0)
    start_write(j + 1, 1)
    wait_write(1)


def _sc_gather(a, b, row, col):
    mesh = plsc.VectorSubcoreMesh(core_axis_name="c", subcore_axis_name="s", num_cores=NC, num_subcores=NS)
    kern = pl.kernel(
        _gather_body,
        out_type=[
            jax.ShapeDtypeStruct((E_SEG + CHUNK, HIDDEN), jnp.float32),
            jax.ShapeDtypeStruct((E_SEG + CHUNK, HIDDEN), jnp.float32),
        ],
        mesh=mesh,
        scratch_types=[
            pltpu.VMEM((CHUNK,), jnp.int32),
            pltpu.VMEM((CHUNK,), jnp.int32),
            pltpu.VMEM((CHUNK,), jnp.int32),
            pltpu.VMEM((CHUNK,), jnp.int32),
            pltpu.VMEM((CHUNK, HIDDEN), jnp.float32),
            pltpu.VMEM((CHUNK, HIDDEN), jnp.float32),
            pltpu.VMEM((CHUNK, HIDDEN), jnp.float32),
            pltpu.VMEM((CHUNK, HIDDEN), jnp.float32),
            pltpu.SemaphoreType.DMA,
            pltpu.SemaphoreType.DMA,
            pltpu.SemaphoreType.DMA,
            pltpu.SemaphoreType.DMA,
            pltpu.SemaphoreType.DMA,
            pltpu.SemaphoreType.DMA,
        ],
    )
    return kern(a, b, row, col)


EBLK = 1280
DROWS = EBLK // HIDDEN


def _edgemlp_body(g1_ref, g2_ref, d_ref, do_ref, cdt_ref,
                  w1d_ref, w1e_ref, w2_ref, b2_ref, w3_ref, eye_ref, out_ref):
    eye = eye_ref[...]
    dt = lax.dot_general(eye, d_ref[0], (((1,), (1,)), ((), ())),
                         preferred_element_type=jnp.float32)
    dot_ = lax.dot_general(eye, do_ref[0], (((1,), (1,)), ((), ())),
                           preferred_element_type=jnp.float32)
    dcol = jnp.concatenate([dt[:, r:r + 1] for r in range(DROWS)], axis=0)
    docol = jnp.concatenate([dot_[:, r:r + 1] for r in range(DROWS)], axis=0)
    s = (g1_ref[...] + g2_ref[...]
         + dcol * w1d_ref[...]
         + docol * w1e_ref[...])
    t1 = s * (1.0 / (1.0 + jnp.exp(-s)))
    t2p = jnp.dot(t1.astype(jnp.bfloat16), w2_ref[...],
                  preferred_element_type=jnp.float32) + b2_ref[...]
    t2 = t2p * (1.0 / (1.0 + jnp.exp(-t2p)))
    t3t = lax.dot_general(w3_ref[...], t2.astype(jnp.bfloat16),
                          (((0,), (1,)), ((), ())),
                          preferred_element_type=jnp.float32)
    out_ref[...] = cdt_ref[...] * (jnp.tanh(t3t) * SCALE)


def _edge_mlp(g1, g2, d2d, do2d, cdt, w1d, w1e, W2, b2r, W3):
    grid = E_SEG // EBLK
    return pl.pallas_call(
        _edgemlp_body,
        grid=(grid,),
        in_specs=[
            pl.BlockSpec((EBLK, HIDDEN), lambda i: (i, 0)),
            pl.BlockSpec((EBLK, HIDDEN), lambda i: (i, 0)),
            pl.BlockSpec((1, DROWS, HIDDEN), lambda i: (i, 0, 0)),
            pl.BlockSpec((1, DROWS, HIDDEN), lambda i: (i, 0, 0)),
            pl.BlockSpec((3, EBLK), lambda i: (0, i)),
            pl.BlockSpec((1, HIDDEN), lambda i: (0, 0)),
            pl.BlockSpec((1, HIDDEN), lambda i: (0, 0)),
            pl.BlockSpec((HIDDEN, HIDDEN), lambda i: (0, 0)),
            pl.BlockSpec((1, HIDDEN), lambda i: (0, 0)),
            pl.BlockSpec((HIDDEN, 1), lambda i: (0, 0)),
            pl.BlockSpec((HIDDEN, HIDDEN), lambda i: (0, 0)),
        ],
        out_specs=pl.BlockSpec((3, EBLK), lambda i: (0, i)),
        out_shape=jax.ShapeDtypeStruct((3, E_SEG), jnp.float32),
    )(g1, g2, d2d, do2d, cdt, w1d, w1e, W2, b2r, W3,
      jnp.eye(HIDDEN, dtype=jnp.float32))


def _scatter_body(trans_hbm, row_hbm, zero_hbm, out_hbm, idx_v, t_v, acc_v):
    cid = lax.axis_index("c")
    sid = lax.axis_index("s")
    w = sid * NC + cid

    pltpu.sync_copy(zero_hbm, acc_v)

    def step(j, carry):
        c = w + NW * j

        @pl.when(c < NCHUNKS)
        def _():
            base = c * CHUNK
            pltpu.sync_copy(row_hbm.at[pl.ds(base, CHUNK)], idx_v)
            pltpu.sync_copy(trans_hbm.at[:, pl.ds(base, CHUNK)], t_v)
            lane = lax.iota(jnp.int32, 16)
            for k in range(CHUNK // 16):
                row16 = idx_v[pl.ds(k * 16, 16)]
                for comp in range(3):
                    vals = t_v[comp, pl.ds(k * 16, 16)]
                    plsc.addupdate_scatter(
                        acc_v, [row16 + (comp * NP_PAD)], vals)

        return carry

    lax.fori_loop(0, ITERS, step, 0)

    pltpu.sync_copy(acc_v, out_hbm.at[pl.ds(w * 3 * NP_PAD, 3 * NP_PAD)])


def _sc_scatter(trans, row, zeros_flat):
    mesh = plsc.VectorSubcoreMesh(core_axis_name="c", subcore_axis_name="s", num_cores=NC, num_subcores=NS)
    kern = pl.kernel(
        _scatter_body,
        out_type=jax.ShapeDtypeStruct((NW * 3 * NP_PAD,), jnp.float32),
        mesh=mesh,
        compiler_params=pltpu.CompilerParams(needs_layout_passes=False),
        scratch_types=[
            pltpu.VMEM((CHUNK,), jnp.int32),
            pltpu.VMEM((3, CHUNK), jnp.float32),
            pltpu.VMEM((3 * NP_PAD,), jnp.float32),
        ],
    )
    return kern(trans, row, zeros_flat)


def _reduce_body(p_ref, xt_ref, out_ref):
    out_ref[...] = xt_ref[...] + jnp.sum(p_ref[...], axis=0)


def _tc_reduce(partials, xt):
    blk = 2048
    grid = NP_PAD // blk
    return pl.pallas_call(
        _reduce_body,
        grid=(grid,),
        in_specs=[
            pl.BlockSpec((NW, 3, blk), lambda i: (0, 0, i)),
            pl.BlockSpec((3, blk), lambda i: (0, i)),
        ],
        out_specs=pl.BlockSpec((3, blk), lambda i: (0, i)),
        out_shape=jax.ShapeDtypeStruct((3, NP_PAD), jnp.float32),
    )(partials, xt)


@jax.jit
def kernel(h, x, edges, coord_diff, distances, distance_org, W1, b1, W2, b2, W3):
    row = edges[0].astype(jnp.int32)
    col = edges[1].astype(jnp.int32)
    W2 = W2.astype(jnp.bfloat16)
    W3 = W3.astype(jnp.bfloat16)

    w1a = W1[:HIDDEN]
    w1b = W1[HIDDEN:2 * HIDDEN]
    w1d = W1[2 * HIDDEN].reshape(1, HIDDEN)
    w1e = W1[2 * HIDDEN + 1].reshape(1, HIDDEN)
    b1r = b1.reshape(1, HIDDEN)
    b2r = b2.reshape(1, HIDDEN)

    a, b = _node_proj(h, w1a, w1b, b1r)

    d2d = distances.reshape(N_EDGES // EBLK, DROWS, HIDDEN)
    do2d = distance_org.reshape(N_EDGES // EBLK, DROWS, HIDDEN)
    cdt = coord_diff.T
    bps = E_SEG // EBLK
    trans_parts = []
    for sgi in range(SEG):
        g1, g2 = _sc_gather(a, b,
                            lax.dynamic_slice_in_dim(row, sgi * E_SEG, E_SEG),
                            lax.dynamic_slice_in_dim(col, sgi * E_SEG, E_SEG))
        trans_parts.append(_edge_mlp(
            g1, g2,
            d2d[sgi * bps:(sgi + 1) * bps],
            do2d[sgi * bps:(sgi + 1) * bps],
            cdt[:, sgi * E_SEG:(sgi + 1) * E_SEG],
            w1d, w1e, W2, b2r, W3))
    trans = jnp.concatenate(trans_parts, axis=1)

    zeros_flat = jnp.zeros((3 * NP_PAD,), jnp.float32)
    partials = _sc_scatter(trans, row, zeros_flat)

    xt = jnp.pad(x.T, ((0, 0), (0, NP_PAD - N_NODES)))
    out = _tc_reduce(partials.reshape(NW, 3, NP_PAD), xt)
    return out[:, :N_NODES].T

# --- scband reference (transcript-rebuilt; emitter-appended) ---
"""Pipeline reference for scband-equpdate-24833500905740 (READ-ONLY COPY).

The authoritative reference and input builder live on the scoring server;
editing this copy changes nothing except your own understanding.
"""

import jax, jax.numpy as jnp
import numpy as np

HIDDEN = 128
N_NODES = 10000
N_EDGES = 320000
COORD_RANGE = 12.0 / 6.0


def setup_inputs(seed: int = 0) -> dict:
    key = jax.random.key(seed)
    ks = jax.random.split(key, 12)
    h = jax.random.normal(ks[0], (N_NODES, HIDDEN), dtype=jnp.float32)
    x = jax.random.normal(ks[1], (N_NODES, 3), dtype=jnp.float32)
    edges = jax.random.randint(ks[2], (2, N_EDGES), 0, N_NODES, dtype=jnp.int64)
    coord_diff = jax.random.normal(ks[3], (N_EDGES, 3), dtype=jnp.float32)
    distances = jax.random.uniform(ks[4], (N_EDGES, 1), dtype=jnp.float32)
    distance_org = jax.random.uniform(ks[5], (N_EDGES, 1), dtype=jnp.float32)
    # Parameters (torch Linear default init: U(-1/sqrt(fan_in), 1/sqrt(fan_in)))
    fan1 = HIDDEN * 2 + 2
    b = 1.0 / np.sqrt(fan1)
    W1 = jax.random.uniform(ks[6], (fan1, HIDDEN), minval=-b, maxval=b, dtype=jnp.float32)
    b1 = jax.random.uniform(ks[7], (HIDDEN,), minval=-b, maxval=b, dtype=jnp.float32)
    b2s = 1.0 / np.sqrt(HIDDEN)
    W2 = jax.random.uniform(ks[8], (HIDDEN, HIDDEN), minval=-b2s, maxval=b2s, dtype=jnp.float32)
    b2 = jax.random.uniform(ks[9], (HIDDEN,), minval=-b2s, maxval=b2s, dtype=jnp.float32)
    W3 = jax.random.uniform(ks[10], (HIDDEN, 1), minval=-b2s, maxval=b2s, dtype=jnp.float32)
    return {"h": h, "x": x, "edges": edges, "coord_diff": coord_diff,
            "distances": distances, "distance_org": distance_org,
            "W1": W1, "b1": b1, "W2": W2, "b2": b2, "W3": W3}


def reference(h, x, edges, coord_diff, distances, distance_org, W1, b1, W2, b2, W3):
    row = edges[0]
    col = edges[1]
    inp = jnp.concatenate([jnp.take(h, row, axis=0), jnp.take(h, col, axis=0), distances, distance_org], axis=1)
    t = jax.nn.silu(inp @ W1 + b1)
    t = jax.nn.silu(t @ W2 + b2)
    t = t @ W3  # [E, 1]
    trans = coord_diff * jnp.tanh(t) * COORD_RANGE
    agg = jnp.zeros((x.shape[0], trans.shape[1]), dtype=trans.dtype).at[row].add(trans)
    agg = agg / 100.0
    return x + agg

if __name__ == "__main__":
    import jax
    _d = setup_inputs()
    print(jax.jit(kernel)(*tuple(_d.values())))

</pallas_src>

<mosaic_0001>
#map = affine_map<(d0, d1) -> (0, 0)>
#map1 = affine_map<(d0, d1) -> (0)>
module attributes {stable_mosaic.version = 14 : i64} {
  func.func @_gather_body(%arg0: i32, %arg1: i32, %arg2: memref<10000x128xf32, #tpu.memory_space<hbm>>, %arg3: memref<10000x128xf32, #tpu.memory_space<hbm>>, %arg4: memref<64000xi32, #tpu.memory_space<hbm>>, %arg5: memref<64000xi32, #tpu.memory_space<hbm>>, %arg6: memref<64128x128xf32, #tpu.memory_space<hbm>>, %arg7: memref<64128x128xf32, #tpu.memory_space<hbm>>, %arg8: memref<128xi32, #tpu.memory_space<vmem>>, %arg9: memref<128xi32, #tpu.memory_space<vmem>>, %arg10: memref<128xi32, #tpu.memory_space<vmem>>, %arg11: memref<128xi32, #tpu.memory_space<vmem>>, %arg12: memref<128x128xf32, #tpu.memory_space<vmem>>, %arg13: memref<128x128xf32, #tpu.memory_space<vmem>>, %arg14: memref<128x128xf32, #tpu.memory_space<vmem>>, %arg15: memref<128x128xf32, #tpu.memory_space<vmem>>, %arg16: memref<!tpu.dma_semaphore, #tpu.memory_space<semaphore_mem>>, %arg17: memref<!tpu.dma_semaphore, #tpu.memory_space<semaphore_mem>>, %arg18: memref<!tpu.dma_semaphore, #tpu.memory_space<semaphore_mem>>, %arg19: memref<!tpu.dma_semaphore, #tpu.memory_space<semaphore_mem>>, %arg20: memref<!tpu.dma_semaphore, #tpu.memory_space<semaphore_mem>>, %arg21: memref<!tpu.dma_semaphore, #tpu.memory_space<semaphore_mem>>) attributes {dimension_semantics = [#tpu.dimension_semantics<core_parallel>, #tpu.dimension_semantics<subcore_parallel>], iteration_bounds = array<i64: 2, 16>, scalar_prefetch = 0 : i64, scratch_operands = 14 : i64, tpu.core_type = #tpu.core_type<sc_vector_subcore>, window_params = [{transform_indices = #map}, {transform_indices = #map}, {transform_indices = #map1}, {transform_indices = #map1}, {transform_indices = #map}, {transform_indices = #map}]} {
    %mul3A = arith.constant 2 : i32
    %mul3A_0 = arith.muli %arg1, %mul3A : i32
    %add3A = arith.addi %mul3A_0, %arg0 : i32
    %add3A_1 = arith.constant 0 : i32
    %add3A_2 = arith.addi %add3A, %add3A_1 : i32
    %lt3A = arith.constant 500 : i32
    %lt3A_3 = arith.cmpi slt, %add3A_2, %lt3A : i32
    %jit3A = arith.constant 0 : i32
    %select_n3A = arith.select %lt3A_3, %add3A_2, %jit3A : i32
    %mul3A_4 = arith.constant 128 : i32
    %mul3A_5 = arith.muli %select_n3A, %mul3A_4 : i32
    %dma_start3A = tpu.memref_slice %arg4[%mul3A_5] : memref<64000xi32, #tpu.memory_space<hbm>> -> memref<128xi32, #tpu.memory_space<hbm>>
    %dma_start3A_6 = tpu.memref_slice %arg4[%mul3A_5] : memref<64000xi32, #tpu.memory_space<hbm>> -> memref<128xi32, #tpu.memory_space<hbm>>
    tpu.enqueue_dma source(%dma_start3A_6 : memref<128xi32, #tpu.memory_space<hbm>>) target(%arg8 : memref<128xi32, #tpu.memory_space<vmem>>) target_semaphore(%arg16 : memref<!tpu.dma_semaphore, #tpu.memory_space<semaphore_mem>>)
    %dma_start3A_7 = tpu.memref_slice %arg5[%mul3A_5] : memref<64000xi32, #tpu.memory_space<hbm>> -> memref<128xi32, #tpu.memory_space<hbm>>
    %dma_start3A_8 = tpu.memref_slice %arg5[%mul3A_5] : memref<64000xi32, #tpu.memory_space<hbm>> -> memref<128xi32, #tpu.memory_space<hbm>>
    tpu.enqueue_dma source(%dma_start3A_8 : memref<128xi32, #tpu.memory_space<hbm>>) target(%arg10 : memref<128xi32, #tpu.memory_space<vmem>>) target_semaphore(%arg16 : memref<!tpu.dma_semaphore, #tpu.memory_space<semaphore_mem>>)
    %add3A_9 = arith.constant 32 : i32
    %add3A_10 = arith.addi %add3A, %add3A_9 : i32
    %lt3A_11 = arith.constant 500 : i32
    %lt3A_12 = arith.cmpi slt, %add3A_10, %lt3A_11 : i32
    %jit3A_13 = arith.constant 0 : i32
    %select_n3A_14 = arith.select %lt3A_12, %add3A_10, %jit3A_13 : i32
    %mul3A_15 = arith.constant 128 : i32
    %mul3A_16 = arith.muli %select_n3A_14, %mul3A_15 : i32
    %dma_start3A_17 = tpu.memref_slice %arg4[%mul3A_16] : memref<64000xi32, #tpu.memory_space<hbm>> -> memref<128xi32, #tpu.memory_space<hbm>>
    %dma_start3A_18 = tpu.memref_slice %arg4[%mul3A_16] : memref<64000xi32, #tpu.memory_space<hbm>> -> memref<128xi32, #tpu.memory_space<hbm>>
    tpu.enqueue_dma source(%dma_start3A_18 : memref<128xi32, #tpu.memory_space<hbm>>) target(%arg9 : memref<128xi32, #tpu.memory_space<vmem>>) target_semaphore(%arg17 : memref<!tpu.dma_semaphore, #tpu.memory_space<semaphore_mem>>)
    %dma_start3A_19 = tpu.memref_slice %arg5[%mul3A_16] : memref<64000xi32, #tpu.memory_space<hbm>> -> memref<128xi32, #tpu.memory_space<hbm>>
    %dma_start3A_20 = tpu.memref_slice %arg5[%mul3A_16] : memref<64000xi32, #tpu.memory_space<hbm>> -> memref<128xi32, #tpu.memory_space<hbm>>
    tpu.enqueue_dma source(%dma_start3A_20 : memref<128xi32, #tpu.memory_space<hbm>>) target(%arg11 : memref<128xi32, #tpu.memory_space<vmem>>) target_semaphore(%arg17 : memref<!tpu.dma_semaphore, #tpu.memory_space<semaphore_mem>>)
    %dma_wait3A = arith.constant 0 : i32
    %dma_wait3A_21 = tpu.memref_slice %arg4[%dma_wait3A] : memref<64000xi32, #tpu.memory_space<hbm>> -> memref<128xi32, #tpu.memory_space<hbm>>
    %dma_wait3A_22 = arith.constant 0 : i32
    %dma_wait3A_23 = tpu.memref_slice %arg4[%dma_wait3A_22] : memref<64000xi32, #tpu.memory_space<hbm>> -> memref<128xi32, #tpu.memory_space<hbm>>
    tpu.wait_dma2 semaphore(%arg16 : memref<!tpu.dma_semaphore, #tpu.memory_space<semaphore_mem>>) src(%dma_wait3A_23 : memref<128xi32, #tpu.memory_space<hbm>>) dst(%arg8 : memref<128xi32, #tpu.memory_space<vmem>>)
    %dma_wait3A_24 = arith.constant 0 : i32
    %dma_wait3A_25 = tpu.memref_slice %arg5[%dma_wait3A_24] : memref<64000xi32, #tpu.memory_space<hbm>> -> memref<128xi32, #tpu.memory_space<hbm>>
    %dma_wait3A_26 = arith.constant 0 : i32
    %dma_wait3A_27 = tpu.memref_slice %arg5[%dma_wait3A_26] : memref<64000xi32, #tpu.memory_space<hbm>> -> memref<128xi32, #tpu.memory_space<hbm>>
    tpu.wait_dma2 semaphore(%arg16 : memref<!tpu.dma_semaphore, #tpu.memory_space<semaphore_mem>>) src(%dma_wait3A_27 : memref<128xi32, #tpu.memory_space<hbm>>) dst(%arg10 : memref<128xi32, #tpu.memory_space<vmem>>)
    %dma_start3A_28 = arith.constant 0 : i32
    %dma_start3A_29 = arith.constant 0 : i32
    %dma_start3A_30 = tpu.memref_slice %arg2[%dma_start3A_28, %dma_start3A_29] : memref<10000x128xf32, #tpu.memory_space<hbm>> -> memref<10000x128xf32, #tpu.memory_space<hbm>>
    tpu.enqueue_indirect_dma source(%dma_start3A_30 : memref<10000x128xf32, #tpu.memory_space<hbm>>) target(%arg12 : memref<128x128xf32, #tpu.memory_space<vmem>>) offsets(%arg8 : memref<128xi32, #tpu.memory_space<vmem>>) semaphore(%arg18 : memref<!tpu.dma_semaphore, #tpu.memory_space<semaphore_mem>>)
    %dma_start3A_31 = arith.constant 0 : i32
    %dma_start3A_32 = arith.constant 0 : i32
    %dma_start3A_33 = tpu.memref_slice %arg3[%dma_start3A_31, %dma_start3A_32] : memref<10000x128xf32, #tpu.memory_space<hbm>> -> memref<10000x128xf32, #tpu.memory_space<hbm>>
    tpu.enqueue_indirect_dma source(%dma_start3A_33 : memref<10000x128xf32, #tpu.memory_space<hbm>>) target(%arg14 : memref<128x128xf32, #tpu.memory_space<vmem>>) offsets(%arg10 : memref<128xi32, #tpu.memory_space<vmem>>) semaphore(%arg18 : memref<!tpu.dma_semaphore, #tpu.memory_space<semaphore_mem>>)
    %add3A_34 = arith.constant 512 : i32
    %add3A_35 = arith.addi %add3A, %add3A_34 : i32
    %lt3A_36 = arith.constant 500 : i32
    %lt3A_37 = arith.cmpi slt, %add3A_35, %lt3A_36 : i32
    %mul3A_38 = arith.constant 128 : i32
    %mul3A_39 = arith.muli %add3A_35, %mul3A_38 : i32
    %jit3A_40 = arith.constant 64000 : i32
    %select_n3A_41 = arith.select %lt3A_37, %mul3A_39, %jit3A_40 : i32
    %dma_start3A_42 = arith.constant 0 : i32
    %dma_start3A_43 = tpu.memref_slice %arg6[%select_n3A_41, %dma_start3A_42] : memref<64128x128xf32, #tpu.memory_space<hbm>> -> memref<128x128xf32, #tpu.memory_space<hbm>>
    %dma_start3A_44 = arith.constant 0 : i32
    %dma_start3A_45 = tpu.memref_slice %arg6[%select_n3A_41, %dma_start3A_44] : memref<64128x128xf32, #tpu.memory_space<hbm>> -> memref<128x128xf32, #tpu.memory_space<hbm>>
    tpu.enqueue_dma source(%arg13 : memref<128x128xf32, #tpu.memory_space<vmem>>) target(%dma_start3A_45 : memref<128x128xf32, #tpu.memory_space<hbm>>) target_semaphore(%arg21 : memref<!tpu.dma_semaphore, #tpu.memory_space<semaphore_mem>>)
    %dma_start3A_46 = arith.constant 0 : i32
    %dma_start3A_47 = tpu.memref_slice %arg7[%select_n3A_41, %dma_start3A_46] : memref<64128x128xf32, #tpu.memory_space<hbm>> -> memref<128x128xf32, #tpu.memory_space<hbm>>
    %dma_start3A_48 = arith.constant 0 : i32
    %dma_start3A_49 = tpu.memref_slice %arg7[%select_n3A_41, %dma_start3A_48] : memref<64128x128xf32, #tpu.memory_space<hbm>> -> memref<128x128xf32, #tpu.memory_space<hbm>>
    tpu.enqueue_dma source(%arg15 : memref<128x128xf32, #tpu.memory_space<vmem>>) target(%dma_start3A_49 : memref<128x128xf32, #tpu.memory_space<hbm>>) target_semaphore(%arg21 : memref<!tpu.dma_semaphore, #tpu.memory_space<semaphore_mem>>)
    %scan3A = arith.constant 0 : i32
    %scan3A_50 = arith.constant 0 : i32
    %scan3A_51 = arith.constant 7 : i32
    %scan3A_52 = arith.addi %scan3A_50, %scan3A_51 : i32
    %scan3A_53 = arith.constant 1 : i32
    scf.for %scan3A_149 = %scan3A_50 to %scan3A_52 step %scan3A_53  : i32 {
      %mul3A_150 = arith.constant 2 : i32
      %mul3A_151 = arith.muli %mul3A_150, %scan3A_149 : i32
      %dma_wait3A_152 = arith.constant 0 : i32
      %dma_wait3A_153 = tpu.memref_slice %arg4[%dma_wait3A_152] : memref<64000xi32, #tpu.memory_space<hbm>> -> memref<128xi32, #tpu.memory_space<hbm>>
      %dma_wait3A_154 = arith.constant 0 : i32
      %dma_wait3A_155 = tpu.memref_slice %arg4[%dma_wait3A_154] : memref<64000xi32, #tpu.memory_space<hbm>> -> memref<128xi32, #tpu.memory_space<hbm>>
      tpu.wait_dma2 semaphore(%arg17 : memref<!tpu.dma_semaphore, #tpu.memory_space<semaphore_mem>>) src(%dma_wait3A_155 : memref<128xi32, #tpu.memory_space<hbm>>) dst(%arg9 : memref<128xi32, #tpu.memory_space<vmem>>)
      %dma_wait3A_156 = arith.constant 0 : i32
      %dma_wait3A_157 = tpu.memref_slice %arg5[%dma_wait3A_156] : memref<64000xi32, #tpu.memory_space<hbm>> -> memref<128xi32, #tpu.memory_space<hbm>>
      %dma_wait3A_158 = arith.constant 0 : i32
      %dma_wait3A_159 = tpu.memref_slice %arg5[%dma_wait3A_158] : memref<64000xi32, #tpu.memory_space<hbm>> -> memref<128xi32, #tpu.memory_space<hbm>>
      tpu.wait_dma2 semaphore(%arg17 : memref<!tpu.dma_semaphore, #tpu.memory_space<semaphore_mem>>) src(%dma_wait3A_159 : memref<128xi32, #tpu.memory_space<hbm>>) dst(%arg11 : memref<128xi32, #tpu.memory_space<vmem>>)
      %dma_wait3A_160 = arith.constant 0 : i32
      %dma_wait3A_161 = arith.constant 0 : i32
      %dma_wait3A_162 = tpu.memref_slice %arg6[%dma_wait3A_160, %dma_wait3A_161] : memref<64128x128xf32, #tpu.memory_space<hbm>> -> memref<128x128xf32, #tpu.memory_space<hbm>>
      %dma_wait3A_163 = arith.constant 0 : i32
      %dma_wait3A_164 = arith.constant 0 : i32
      %dma_wait3A_165 = tpu.memref_slice %arg6[%dma_wait3A_163, %dma_wait3A_164] : memref<64128x128xf32, #tpu.memory_space<hbm>> -> memref<128x128xf32, #tpu.memory_space<hbm>>
      tpu.wait_dma2 semaphore(%arg21 : memref<!tpu.dma_semaphore, #tpu.memory_space<semaphore_mem>>) src(%arg13 : memref<128x128xf32, #tpu.memory_space<vmem>>) dst(%dma_wait3A_165 : memref<128x128xf32, #tpu.memory_space<hbm>>)
      %dma_wait3A_166 = arith.constant 0 : i32
      %dma_wait3A_167 = arith.constant 0 : i32
      %dma_wait3A_168 = tpu.memref_slice %arg7[%dma_wait3A_166, %dma_wait3A_167] : memref<64128x128xf32, #tpu.memory_space<hbm>> -> memref<128x128xf32, #tpu.memory_space<hbm>>
      %dma_wait3A_169 = arith.constant 0 : i32
      %dma_wait3A_170 = arith.constant 0 : i32
      %dma_wait3A_171 = tpu.memref_slice %arg7[%dma_wait3A_169, %dma_wait3A_170] : memref<64128x128xf32, #tpu.memory_space<hbm>> -> memref<128x128xf32, #tpu.memory_space<hbm>>
      tpu.wait_dma2 semaphore(%arg21 : memref<!tpu.dma_semaphore, #tpu.memory_space<semaphore_mem>>) src(%arg15 : memref<128x128xf32, #tpu.memory_space<vmem>>) dst(%dma_wait3A_171 : memref<128x128xf32, #tpu.memory_space<hbm>>)
      %dma_start3A_172 = arith.constant 0 : i32
      %dma_start3A_173 = arith.constant 0 : i32
      %dma_start3A_174 = tpu.memref_slice %arg2[%dma_start3A_172, %dma_start3A_173] : memref<10000x128xf32, #tpu.memory_space<hbm>> -> memref<10000x128xf32, #tpu.memory_space<hbm>>
      tpu.enqueue_indirect_dma source(%dma_start3A_174 : memref<10000x128xf32, #tpu.memory_space<hbm>>) target(%arg13 : memref<128x128xf32, #tpu.memory_space<vmem>>) offsets(%arg9 : memref<128xi32, #tpu.memory_space<vmem>>) semaphore(%arg19 : memref<!tpu.dma_semaphore, #tpu.memory_space<semaphore_mem>>)
      %dma_start3A_175 = arith.constant 0 : i32
      %dma_start3A_176 = arith.constant 0 : i32
      %dma_start3A_177 = tpu.memref_slice %arg3[%dma_start3A_175, %dma_start3A_176] : memref<10000x128xf32, #tpu.memory_space<hbm>> -> memref<10000x128xf32, #tpu.memory_space<hbm>>
      tpu.enqueue_indirect_dma source(%dma_start3A_177 : memref<10000x128xf32, #tpu.memory_space<hbm>>) target(%arg15 : memref<128x128xf32, #tpu.memory_space<vmem>>) offsets(%arg11 : memref<128xi32, #tpu.memory_space<vmem>>) semaphore(%arg19 : memref<!tpu.dma_semaphore, #tpu.memory_space<semaphore_mem>>)
      %dma_wait3A_178 = arith.constant 0 : i32
      %dma_wait3A_179 = arith.constant 0 : i32
      %dma_wait3A_180 = tpu.memref_slice %arg2[%dma_wait3A_178, %dma_wait3A_179] : memref<10000x128xf32, #tpu.memory_space<hbm>> -> memref<10000x128xf32, #tpu.memory_space<hbm>>
      tpu.wait_indirect_dma semaphore(%arg18 : memref<!tpu.dma_semaphore, #tpu.memory_space<semaphore_mem>>) src(%dma_wait3A_180 : memref<10000x128xf32, #tpu.memory_space<hbm>>) dst(%arg12 : memref<128x128xf32, #tpu.memory_space<vmem>>)
      %dma_wait3A_181 = arith.constant 0 : i32
      %dma_wait3A_182 = arith.constant 0 : i32
      %dma_wait3A_183 = tpu.memref_slice %arg3[%dma_wait3A_181, %dma_wait3A_182] : memref<10000x128xf32, #tpu.memory_space<hbm>> -> memref<10000x128xf32, #tpu.memory_space<hbm>>
      tpu.wait_indirect_dma semaphore(%arg18 : memref<!tpu.dma_semaphore, #tpu.memory_space<semaphore_mem>>) src(%dma_wait3A_183 : memref<10000x128xf32, #tpu.memory_space<hbm>>) dst(%arg14 : memref<128x128xf32, #tpu.memory_space<vmem>>)
      %mul3A_184 = arith.constant 32 : i32
      %mul3A_185 = arith.muli %mul3A_184, %mul3A_151 : i32
      %add3A_186 = arith.addi %add3A, %mul3A_185 : i32
      %lt3A_187 = arith.constant 500 : i32
      %lt3A_188 = arith.cmpi slt, %add3A_186, %lt3A_187 : i32
      %mul3A_189 = arith.constant 128 : i32
      %mul3A_190 = arith.muli %add3A_186, %mul3A_189 : i32
      %jit3A_191 = arith.constant 64000 : i32
      %select_n3A_192 = arith.select %lt3A_188, %mul3A_190, %jit3A_191 : i32
      %dma_start3A_193 = arith.constant 0 : i32
      %dma_start3A_194 = tpu.memref_slice %arg6[%select_n3A_192, %dma_start3A_193] : memref<64128x128xf32, #tpu.memory_space<hbm>> -> memref<128x128xf32, #tpu.memory_space<hbm>>
      %dma_start3A_195 = arith.constant 0 : i32
      %dma_start3A_196 = tpu.memref_slice %arg6[%select_n3A_192, %dma_start3A_195] : memref<64128x128xf32, #tpu.memory_space<hbm>> -> memref<128x128xf32, #tpu.memory_space<hbm>>
      tpu.enqueue_dma source(%arg12 : memref<128x128xf32, #tpu.memory_space<vmem>>) target(%dma_start3A_196 : memref<128x128xf32, #tpu.memory_space<hbm>>) target_semaphore(%arg20 : memref<!tpu.dma_semaphore, #tpu.memory_space<semaphore_mem>>)
      %dma_start3A_197 = arith.constant 0 : i32
      %dma_start3A_198 = tpu.memref_slice %arg7[%select_n3A_192, %dma_start3A_197] : memref<64128x128xf32, #tpu.memory_space<hbm>> -> memref<128x128xf32, #tpu.memory_space<hbm>>
      %dma_start3A_199 = arith.constant 0 : i32
      %dma_start3A_200 = tpu.memref_slice %arg7[%select_n3A_192, %dma_start3A_199] : memref<64128x128xf32, #tpu.memory_space<hbm>> -> memref<128x128xf32, #tpu.memory_space<hbm>>
      tpu.enqueue_dma source(%arg14 : memref<128x128xf32, #tpu.memory_space<vmem>>) target(%dma_start3A_200 : memref<128x128xf32, #tpu.memory_space<hbm>>) target_semaphore(%arg20 : memref<!tpu.dma_semaphore, #tpu.memory_space<semaphore_mem>>)
      %add3A_201 = arith.constant 2 : i32
      %add3A_202 = arith.addi %mul3A_151, %add3A_201 : i32
      %mul3A_203 = arith.constant 32 : i32
      %mul3A_204 = arith.muli %mul3A_203, %add3A_202 : i32
      %add3A_205 = arith.addi %add3A, %mul3A_204 : i32
      %lt3A_206 = arith.constant 500 : i32
      %lt3A_207 = arith.cmpi slt, %add3A_205, %lt3A_206 : i32
      %jit3A_208 = arith.constant 0 : i32
      %select_n3A_209 = arith.select %lt3A_207, %add3A_205, %jit3A_208 : i32
      %mul3A_210 = arith.constant 128 : i32
      %mul3A_211 = arith.muli %select_n3A_209, %mul3A_210 : i32
      %dma_start3A_212 = tpu.memref_slice %arg4[%mul3A_211] : memref<64000xi32, #tpu.memory_space<hbm>> -> memref<128xi32, #tpu.memory_space<hbm>>
      %dma_start3A_213 = tpu.memref_slice %arg4[%mul3A_211] : memref<64000xi32, #tpu.memory_space<hbm>> -> memref<128xi32, #tpu.memory_space<hbm>>
      tpu.enqueue_dma source(%dma_start3A_213 : memref<128xi32, #tpu.memory_space<hbm>>) target(%arg8 : memref<128xi32, #tpu.memory_space<vmem>>) target_semaphore(%arg16 : memref<!tpu.dma_semaphore, #tpu.memory_space<semaphore_mem>>)
      %dma_start3A_214 = tpu.memref_slice %arg5[%mul3A_211] : memref<64000xi32, #tpu.memory_space<hbm>> -> memref<128xi32, #tpu.memory_space<hbm>>
      %dma_start3A_215 = tpu.memref_slice %arg5[%mul3A_211] : memref<64000xi32, #tpu.memory_space<hbm>> -> memref<128xi32, #tpu.memory_space<hbm>>
      tpu.enqueue_dma source(%dma_start3A_215 : memref<128xi32, #tpu.memory_space<hbm>>) target(%arg10 : memref<128xi32, #tpu.memory_space<vmem>>) target_semaphore(%arg16 : memref<!tpu.dma_semaphore, #tpu.memory_space<semaphore_mem>>)
      %dma_wait3A_216 = arith.constant 0 : i32
      %dma_wait3A_217 = tpu.memref_slice %arg4[%dma_wait3A_216] : memref<64000xi32, #tpu.memory_space<hbm>> -> memref<128xi32, #tpu.memory_space<hbm>>
      %dma_wait3A_218 = arith.constant 0 : i32
      %dma_wait3A_219 = tpu.memref_slice %arg4[%dma_wait3A_218] : memref<64000xi32, #tpu.memory_space<hbm>> -> memref<128xi32, #tpu.memory_space<hbm>>
      tpu.wait_dma2 semaphore(%arg16 : memref<!tpu.dma_semaphore, #tpu.memory_space<semaphore_mem>>) src(%dma_wait3A_219 : memref<128xi32, #tpu.memory_space<hbm>>) dst(%arg8 : memref<128xi32, #tpu.memory_space<vmem>>)
      %dma_wait3A_220 = arith.constant 0 : i32
      %dma_wait3A_221 = tpu.memref_slice %arg5[%dma_wait3A_220] : memref<64000xi32, #tpu.memory_space<hbm>> -> memref<128xi32, #tpu.memory_space<hbm>>
      %dma_wait3A_222 = arith.constant 0 : i32
      %dma_wait3A_223 = tpu.memref_slice %arg5[%dma_wait3A_222] : memref<64000xi32, #tpu.memory_space<hbm>> -> memref<128xi32, #tpu.memory_space<hbm>>
      tpu.wait_dma2 semaphore(%arg16 : memref<!tpu.dma_semaphore, #tpu.memory_space<semaphore_mem>>) src(%dma_wait3A_223 : memref<128xi32, #tpu.memory_space<hbm>>) dst(%arg10 : memref<128xi32, #tpu.memory_space<vmem>>)
      %dma_wait3A_224 = arith.constant 0 : i32
      %dma_wait3A_225 = arith.constant 0 : i32
      %dma_wait3A_226 = tpu.memref_slice %arg6[%dma_wait3A_224, %dma_wait3A_225] : memref<64128x128xf32, #tpu.memory_space<hbm>> -> memref<128x128xf32, #tpu.memory_space<hbm>>
      %dma_wait3A_227 = arith.constant 0 : i32
      %dma_wait3A_228 = arith.constant 0 : i32
      %dma_wait3A_229 = tpu.memref_slice %arg6[%dma_wait3A_227, %dma_wait3A_228] : memref<64128x128xf32, #tpu.memory_space<hbm>> -> memref<128x128xf32, #tpu.memory_space<hbm>>
      tpu.wait_dma2 semaphore(%arg20 : memref<!tpu.dma_semaphore, #tpu.memory_space<semaphore_mem>>) src(%arg12 : memref<128x128xf32, #tpu.memory_space<vmem>>) dst(%dma_wait3A_229 : memref<128x128xf32, #tpu.memory_space<hbm>>)
      %dma_wait3A_230 = arith.constant 0 : i32
      %dma_wait3A_231 = arith.constant 0 : i32
      %dma_wait3A_232 = tpu.memref_slice %arg7[%dma_wait3A_230, %dma_wait3A_231] : memref<64128x128xf32, #tpu.memory_space<hbm>> -> memref<128x128xf32, #tpu.memory_space<hbm>>
      %dma_wait3A_233 = arith.constant 0 : i32
      %dma_wait3A_234 = arith.constant 0 : i32
      %dma_wait3A_235 = tpu.memref_slice %arg7[%dma_wait3A_233, %dma_wait3A_234] : memref<64128x128xf32, #tpu.memory_space<hbm>> -> memref<128x128xf32, #tpu.memory_space<hbm>>
      tpu.wait_dma2 semaphore(%arg20 : memref<!tpu.dma_semaphore, #tpu.memory_space<semaphore_mem>>) src(%arg14 : memref<128x128xf32, #tpu.memory_space<vmem>>) dst(%dma_wait3A_235 : memref<128x128xf32, #tpu.memory_space<hbm>>)
      %dma_start3A_236 = arith.constant 0 : i32
      %dma_start3A_237 = arith.constant 0 : i32
      %dma_start3A_238 = tpu.memref_slice %arg2[%dma_start3A_236, %dma_start3A_237] : memref<10000x128xf32, #tpu.memory_space<hbm>> -> memref<10000x128xf32, #tpu.memory_space<hbm>>
      tpu.enqueue_indirect_dma source(%dma_start3A_238 : memref<10000x128xf32, #tpu.memory_space<hbm>>) target(%arg12 : memref<128x128xf32, #tpu.memory_space<vmem>>) offsets(%arg8 : memref<128xi32, #tpu.memory_space<vmem>>) semaphore(%arg18 : memref<!tpu.dma_semaphore, #tpu.memory_space<semaphore_mem>>)
      %dma_start3A_239 = arith.constant 0 : i32
      %dma_start3A_240 = arith.constant 0 : i32
      %dma_start3A_241 = tpu.memref_slice %arg3[%dma_start3A_239, %dma_start3A_240] : memref<10000x128xf32, #tpu.memory_space<hbm>> -> memref<10000x128xf32, #tpu.memory_space<hbm>>
      tpu.enqueue_indirect_dma source(%dma_start3A_241 : memref<10000x128xf32, #tpu.memory_space<hbm>>) target(%arg14 : memref<128x128xf32, #tpu.memory_space<vmem>>) offsets(%arg10 : memref<128xi32, #tpu.memory_space<vmem>>) semaphore(%arg18 : memref<!tpu.dma_semaphore, #tpu.memory_space<semaphore_mem>>)
      %dma_wait3A_242 = arith.constant 0 : i32
      %dma_wait3A_243 = arith.constant 0 : i32
      %dma_wait3A_244 = tpu.memref_slice %arg2[%dma_wait3A_242, %dma_wait3A_243] : memref<10000x128xf32, #tpu.memory_space<hbm>> -> memref<10000x128xf32, #tpu.memory_space<hbm>>
      tpu.wait_indirect_dma semaphore(%arg19 : memref<!tpu.dma_semaphore, #tpu.memory_space<semaphore_mem>>) src(%dma_wait3A_244 : memref<10000x128xf32, #tpu.memory_space<hbm>>) dst(%arg13 : memref<128x128xf32, #tpu.memory_space<vmem>>)
      %dma_wait3A_245 = arith.constant 0 : i32
      %dma_wait3A_246 = arith.constant 0 : i32
      %dma_wait3A_247 = tpu.memref_slice %arg3[%dma_wait3A_245, %dma_wait3A_246] : memref<10000x128xf32, #tpu.memory_space<hbm>> -> memref<10000x128xf32, #tpu.memory_space<hbm>>
      tpu.wait_indirect_dma semaphore(%arg19 : memref<!tpu.dma_semaphore, #tpu.memory_space<semaphore_mem>>) src(%dma_wait3A_247 : memref<10000x128xf32, #tpu.memory_space<hbm>>) dst(%arg15 : memref<128x128xf32, #tpu.memory_space<vmem>>)
      %add3A_248 = arith.constant 1 : i32
      %add3A_249 = arith.addi %mul3A_151, %add3A_248 : i32
      %mul3A_250 = arith.constant 32 : i32
      %mul3A_251 = arith.muli %mul3A_250, %add3A_249 : i32
      %add3A_252 = arith.addi %add3A, %mul3A_251 : i32
      %lt3A_253 = arith.constant 500 : i32
      %lt3A_254 = arith.cmpi slt, %add3A_252, %lt3A_253 : i32
      %mul3A_255 = arith.constant 128 : i32
      %mul3A_256 = arith.muli %add3A_252, %mul3A_255 : i32
      %jit3A_257 = arith.constant 64000 : i32
      %select_n3A_258 = arith.select %lt3A_254, %mul3A_256, %jit3A_257 : i32
      %dma_start3A_259 = arith.constant 0 : i32
      %dma_start3A_260 = tpu.memref_slice %arg6[%select_n3A_258, %dma_start3A_259] : memref<64128x128xf32, #tpu.memory_space<hbm>> -> memref<128x128xf32, #tpu.memory_space<hbm>>
      %dma_start3A_261 = arith.constant 0 : i32
      %dma_start3A_262 = tpu.memref_slice %arg6[%select_n3A_258, %dma_start3A_261] : memref<64128x128xf32, #tpu.memory_space<hbm>> -> memref<128x128xf32, #tpu.memory_space<hbm>>
      tpu.enqueue_dma source(%arg13 : memref<128x128xf32, #tpu.memory_space<vmem>>) target(%dma_start3A_262 : memref<128x128xf32, #tpu.memory_space<hbm>>) target_semaphore(%arg21 : memref<!tpu.dma_semaphore, #tpu.memory_space<semaphore_mem>>)
      %dma_start3A_263 = arith.constant 0 : i32
      %dma_start3A_264 = tpu.memref_slice %arg7[%select_n3A_258, %dma_start3A_263] : memref<64128x128xf32, #tpu.memory_space<hbm>> -> memref<128x128xf32, #tpu.memory_space<hbm>>
      %dma_start3A_265 = arith.constant 0 : i32
      %dma_start3A_266 = tpu.memref_slice %arg7[%select_n3A_258, %dma_start3A_265] : memref<64128x128xf32, #tpu.memory_space<hbm>> -> memref<128x128xf32, #tpu.memory_space<hbm>>
      tpu.enqueue_dma source(%arg15 : memref<128x128xf32, #tpu.memory_space<vmem>>) target(%dma_start3A_266 : memref<128x128xf32, #tpu.memory_space<hbm>>) target_semaphore(%arg21 : memref<!tpu.dma_semaphore, #tpu.memory_space<semaphore_mem>>)
      %add3A_267 = arith.constant 3 : i32
      %add3A_268 = arith.addi %mul3A_151, %add3A_267 : i32
      %mul3A_269 = arith.constant 32 : i32
      %mul3A_270 = arith.muli %mul3A_269, %add3A_268 : i32
      %add3A_271 = arith.addi %add3A, %mul3A_270 : i32
      %lt3A_272 = arith.constant 500 : i32
      %lt3A_273 = arith.cmpi slt, %add3A_271, %lt3A_272 : i32
      %jit3A_274 = arith.constant 0 : i32
      %select_n3A_275 = arith.select %lt3A_273, %add3A_271, %jit3A_274 : i32
      %mul3A_276 = arith.constant 128 : i32
      %mul3A_277 = arith.muli %select_n3A_275, %mul3A_276 : i32
      %dma_start3A_278 = tpu.memref_slice %arg4[%mul3A_277] : memref<64000xi32, #tpu.memory_space<hbm>> -> memref<128xi32, #tpu.memory_space<hbm>>
      %dma_start3A_279 = tpu.memref_slice %arg4[%mul3A_277] : memref<64000xi32, #tpu.memory_space<hbm>> -> memref<128xi32, #tpu.memory_space<hbm>>
      tpu.enqueue_dma source(%dma_start3A_279 : memref<128xi32, #tpu.memory_space<hbm>>) target(%arg9 : memref<128xi32, #tpu.memory_space<vmem>>) target_semaphore(%arg17 : memref<!tpu.dma_semaphore, #tpu.memory_space<semaphore_mem>>)
      %dma_start3A_280 = tpu.memref_slice %arg5[%mul3A_277] : memref<64000xi32, #tpu.memory_space<hbm>> -> memref<128xi32, #tpu.memory_space<hbm>>
      %dma_start3A_281 = tpu.memref_slice %arg5[%mul3A_277] : memref<64000xi32, #tpu.memory_space<hbm>> -> memref<128xi32, #tpu.memory_space<hbm>>
      tpu.enqueue_dma source(%dma_start3A_281 : memref<128xi32, #tpu.memory_space<hbm>>) target(%arg11 : memref<128xi32, #tpu.memory_space<vmem>>) target_semaphore(%arg17 : memref<!tpu.dma_semaphore, #tpu.memory_space<semaphore_mem>>)
    }
    %scan3A_54 = arith.constant 7 : i32
    %dma_wait3A_55 = arith.constant 0 : i32
    %dma_wait3A_56 = tpu.memref_slice %arg4[%dma_wait3A_55] : memref<64000xi32, #tpu.memory_space<hbm>> -> memref<128xi32, #tpu.memory_space<hbm>>
    %dma_wait3A_57 = arith.constant 0 : i32
    %dma_wait3A_58 = tpu.memref_slice %arg4[%dma_wait3A_57] : memref<64000xi32, #tpu.memory_space<hbm>> -> memref<128xi32, #tpu.memory_space<hbm>>
    tpu.wait_dma2 semaphore(%arg17 : memref<!tpu.dma_semaphore, #tpu.memory_space<semaphore_mem>>) src(%dma_wait3A_58 : memref<128xi32, #tpu.memory_space<hbm>>) dst(%arg9 : memref<128xi32, #tpu.memory_space<vmem>>)
    %dma_wait3A_59 = arith.constant 0 : i32
    %dma_wait3A_60 = tpu.memref_slice %arg5[%dma_wait3A_59] : memref<64000xi32, #tpu.memory_space<hbm>> -> memref<128xi32, #tpu.memory_space<hbm>>
    %dma_wait3A_61 = arith.constant 0 : i32
    %dma_wait3A_62 = tpu.memref_slice %arg5[%dma_wait3A_61] : memref<64000xi32, #tpu.memory_space<hbm>> -> memref<128xi32, #tpu.memory_space<hbm>>
    tpu.wait_dma2 semaphore(%arg17 : memref<!tpu.dma_semaphore, #tpu.memory_space<semaphore_mem>>) src(%dma_wait3A_62 : memref<128xi32, #tpu.memory_space<hbm>>) dst(%arg11 : memref<128xi32, #tpu.memory_space<vmem>>)
    %dma_wait3A_63 = arith.constant 0 : i32
    %dma_wait3A_64 = arith.constant 0 : i32
    %dma_wait3A_65 = tpu.memref_slice %arg6[%dma_wait3A_63, %dma_wait3A_64] : memref<64128x128xf32, #tpu.memory_space<hbm>> -> memref<128x128xf32, #tpu.memory_space<hbm>>
    %dma_wait3A_66 = arith.constant 0 : i32
    %dma_wait3A_67 = arith.constant 0 : i32
    %dma_wait3A_68 = tpu.memref_slice %arg6[%dma_wait3A_66, %dma_wait3A_67] : memref<64128x128xf32, #tpu.memory_space<hbm>> -> memref<128x128xf32, #tpu.memory_space<hbm>>
    tpu.wait_dma2 semaphore(%arg21 : memref<!tpu.dma_semaphore, #tpu.memory_space<semaphore_mem>>) src(%arg13 : memref<128x128xf32, #tpu.memory_space<vmem>>) dst(%dma_wait3A_68 : memref<128x128xf32, #tpu.memory_space<hbm>>)
    %dma_wait3A_69 = arith.constant 0 : i32
    %dma_wait3A_70 = arith.constant 0 : i32
    %dma_wait3A_71 = tpu.memref_slice %arg7[%dma_wait3A_69, %dma_wait3A_70] : memref<64128x128xf32, #tpu.memory_space<hbm>> -> memref<128x128xf32, #tpu.memory_space<hbm>>
    %dma_wait3A_72 = arith.constant 0 : i32
    %dma_wait3A_73 = arith.constant 0 : i32
    %dma_wait3A_74 = tpu.memref_slice %arg7[%dma_wait3A_72, %dma_wait3A_73] : memref<64128x128xf32, #tpu.memory_space<hbm>> -> memref<128x128xf32, #tpu.memory_space<hbm>>
    tpu.wait_dma2 semaphore(%arg21 : memref<!tpu.dma_semaphore, #tpu.memory_space<semaphore_mem>>) src(%arg15 : memref<128x128xf32, #tpu.memory_space<vmem>>) dst(%dma_wait3A_74 : memref<128x128xf32, #tpu.memory_space<hbm>>)
    %dma_start3A_75 = arith.constant 0 : i32
    %dma_start3A_76 = arith.constant 0 : i32
    %dma_start3A_77 = tpu.memref_slice %arg2[%dma_start3A_75, %dma_start3A_76] : memref<10000x128xf32, #tpu.memory_space<hbm>> -> memref<10000x128xf32, #tpu.memory_space<hbm>>
    tpu.enqueue_indirect_dma source(%dma_start3A_77 : memref<10000x128xf32, #tpu.memory_space<hbm>>) target(%arg13 : memref<128x128xf32, #tpu.memory_space<vmem>>) offsets(%arg9 : memref<128xi32, #tpu.memory_space<vmem>>) semaphore(%arg19 : memref<!tpu.dma_semaphore, #tpu.memory_space<semaphore_mem>>)
    %dma_start3A_78 = arith.constant 0 : i32
    %dma_start3A_79 = arith.constant 0 : i32
    %dma_start3A_80 = tpu.memref_slice %arg3[%dma_start3A_78, %dma_start3A_79] : memref<10000x128xf32, #tpu.memory_space<hbm>> -> memref<10000x128xf32, #tpu.memory_space<hbm>>
    tpu.enqueue_indirect_dma source(%dma_start3A_80 : memref<10000x128xf32, #tpu.memory_space<hbm>>) target(%arg15 : memref<128x128xf32, #tpu.memory_space<vmem>>) offsets(%arg11 : memref<128xi32, #tpu.memory_space<vmem>>) semaphore(%arg19 : memref<!tpu.dma_semaphore, #tpu.memory_space<semaphore_mem>>)
    %dma_wait3A_81 = arith.constant 0 : i32
    %dma_wait3A_82 = arith.constant 0 : i32
    %dma_wait3A_83 = tpu.memref_slice %arg2[%dma_wait3A_81, %dma_wait3A_82] : memref<10000x128xf32, #tpu.memory_space<hbm>> -> memref<10000x128xf32, #tpu.memory_space<hbm>>
    tpu.wait_indirect_dma semaphore(%arg18 : memref<!tpu.dma_semaphore, #tpu.memory_space<semaphore_mem>>) src(%dma_wait3A_83 : memref<10000x128xf32, #tpu.memory_space<hbm>>) dst(%arg12 : memref<128x128xf32, #tpu.memory_space<vmem>>)
    %dma_wait3A_84 = arith.constant 0 : i32
    %dma_wait3A_85 = arith.constant 0 : i32
    %dma_wait3A_86 = tpu.memref_slice %arg3[%dma_wait3A_84, %dma_wait3A_85] : memref<10000x128xf32, #tpu.memory_space<hbm>> -> memref<10000x128xf32, #tpu.memory_space<hbm>>
    tpu.wait_indirect_dma semaphore(%arg18 : memref<!tpu.dma_semaphore, #tpu.memory_space<semaphore_mem>>) src(%dma_wait3A_86 : memref<10000x128xf32, #tpu.memory_space<hbm>>) dst(%arg14 : memref<128x128xf32, #tpu.memory_space<vmem>>)
    %add3A_87 = arith.constant 448 : i32
    %add3A_88 = arith.addi %add3A, %add3A_87 : i32
    %lt3A_89 = arith.constant 500 : i32
    %lt3A_90 = arith.cmpi slt, %add3A_88, %lt3A_89 : i32
    %mul3A_91 = arith.constant 128 : i32
    %mul3A_92 = arith.muli %add3A_88, %mul3A_91 : i32
    %jit3A_93 = arith.constant 64000 : i32
    %select_n3A_94 = arith.select %lt3A_90, %mul3A_92, %jit3A_93 : i32
    %dma_start3A_95 = arith.constant 0 : i32
    %dma_start3A_96 = tpu.memref_slice %arg6[%select_n3A_94, %dma_start3A_95] : memref<64128x128xf32, #tpu.memory_space<hbm>> -> memref<128x128xf32, #tpu.memory_space<hbm>>
    %dma_start3A_97 = arith.constant 0 : i32
    %dma_start3A_98 = tpu.memref_slice %arg6[%select_n3A_94, %dma_start3A_97] : memref<64128x128xf32, #tpu.memory_space<hbm>> -> memref<128x128xf32, #tpu.memory_space<hbm>>
    tpu.enqueue_dma source(%arg12 : memref<128x128xf32, #tpu.memory_space<vmem>>) target(%dma_start3A_98 : memref<128x128xf32, #tpu.memory_space<hbm>>) target_semaphore(%arg20 : memref<!tpu.dma_semaphore, #tpu.memory_space<semaphore_mem>>)
    %dma_start3A_99 = arith.constant 0 : i32
    %dma_start3A_100 = tpu.memref_slice %arg7[%select_n3A_94, %dma_start3A_99] : memref<64128x128xf32, #tpu.memory_space<hbm>> -> memref<128x128xf32, #tpu.memory_space<hbm>>
    %dma_start3A_101 = arith.constant 0 : i32
    %dma_start3A_102 = tpu.memref_slice %arg7[%select_n3A_94, %dma_start3A_101] : memref<64128x128xf32, #tpu.memory_space<hbm>> -> memref<128x128xf32, #tpu.memory_space<hbm>>
    tpu.enqueue_dma source(%arg14 : memref<128x128xf32, #tpu.memory_space<vmem>>) target(%dma_start3A_102 : memref<128x128xf32, #tpu.memory_space<hbm>>) target_semaphore(%arg20 : memref<!tpu.dma_semaphore, #tpu.memory_space<semaphore_mem>>)
    %dma_wait3A_103 = arith.constant 0 : i32
    %dma_wait3A_104 = arith.constant 0 : i32
    %dma_wait3A_105 = tpu.memref_slice %arg2[%dma_wait3A_103, %dma_wait3A_104] : memref<10000x128xf32, #tpu.memory_space<hbm>> -> memref<10000x128xf32, #tpu.memory_space<hbm>>
    tpu.wait_indirect_dma semaphore(%arg19 : memref<!tpu.dma_semaphore, #tpu.memory_space<semaphore_mem>>) src(%dma_wait3A_105 : memref<10000x128xf32, #tpu.memory_space<hbm>>) dst(%arg13 : memref<128x128xf32, #tpu.memory_space<vmem>>)
    %dma_wait3A_106 = arith.constant 0 : i32
    %dma_wait3A_107 = arith.constant 0 : i32
    %dma_wait3A_108 = tpu.memref_slice %arg3[%dma_wait3A_106, %dma_wait3A_107] : memref<10000x128xf32, #tpu.memory_space<hbm>> -> memref<10000x128xf32, #tpu.memory_space<hbm>>
    tpu.wait_indirect_dma semaphore(%arg19 : memref<!tpu.dma_semaphore, #tpu.memory_space<semaphore_mem>>) src(%dma_wait3A_108 : memref<10000x128xf32, #tpu.memory_space<hbm>>) dst(%arg15 : memref<128x128xf32, #tpu.memory_space<vmem>>)
    %dma_wait3A_109 = arith.constant 0 : i32
    %dma_wait3A_110 = arith.constant 0 : i32
    %dma_wait3A_111 = tpu.memref_slice %arg6[%dma_wait3A_109, %dma_wait3A_110] : memref<64128x128xf32, #tpu.memory_space<hbm>> -> memref<128x128xf32, #tpu.memory_space<hbm>>
    %dma_wait3A_112 = arith.constant 0 : i32
    %dma_wait3A_113 = arith.constant 0 : i32
    %dma_wait3A_114 = tpu.memref_slice %arg6[%dma_wait3A_112, %dma_wait3A_113] : memref<64128x128xf32, #tpu.memory_space<hbm>> -> memref<128x128xf32, #tpu.memory_space<hbm>>
    tpu.wait_dma2 semaphore(%arg20 : memref<!tpu.dma_semaphore, #tpu.memory_space<semaphore_mem>>) src(%arg12 : memref<128x128xf32, #tpu.memory_space<vmem>>) dst(%dma_wait3A_114 : memref<128x128xf32, #tpu.memory_space<hbm>>)
    %dma_wait3A_115 = arith.constant 0 : i32
    %dma_wait3A_116 = arith.constant 0 : i32
    %dma_wait3A_117 = tpu.memref_slice %arg7[%dma_wait3A_115, %dma_wait3A_116] : memref<64128x128xf32, #tpu.memory_space<hbm>> -> memref<128x128xf32, #tpu.memory_space<hbm>>
    %dma_wait3A_118 = arith.constant 0 : i32
    %dma_wait3A_119 = arith.constant 0 : i32
    %dma_wait3A_120 = tpu.memref_slice %arg7[%dma_wait3A_118, %dma_wait3A_119] : memref<64128x128xf32, #tpu.memory_space<hbm>> -> memref<128x128xf32, #tpu.memory_space<hbm>>
    tpu.wait_dma2 semaphore(%arg20 : memref<!tpu.dma_semaphore, #tpu.memory_space<semaphore_mem>>) src(%arg14 : memref<128x128xf32, #tpu.memory_space<vmem>>) dst(%dma_wait3A_120 : memref<128x128xf32, #tpu.memory_space<hbm>>)
    %add3A_121 = arith.constant 480 : i32
    %add3A_122 = arith.addi %add3A, %add3A_121 : i32
    %lt3A_123 = arith.constant 500 : i32
    %lt3A_124 = arith.cmpi slt, %add3A_122, %lt3A_123 : i32
    %mul3A_125 = arith.constant 128 : i32
    %mul3A_126 = arith.muli %add3A_122, %mul3A_125 : i32
    %jit3A_127 = arith.constant 64000 : i32
    %select_n3A_128 = arith.select %lt3A_124, %mul3A_126, %jit3A_127 : i32
    %dma_start3A_129 = arith.constant 0 : i32
    %dma_start3A_130 = tpu.memref_slice %arg6[%select_n3A_128, %dma_start3A_129] : memref<64128x128xf32, #tpu.memory_space<hbm>> -> memref<128x128xf32, #tpu.memory_space<hbm>>
    %dma_start3A_131 = arith.constant 0 : i32
    %dma_start3A_132 = tpu.memref_slice %arg6[%select_n3A_128, %dma_start3A_131] : memref<64128x128xf32, #tpu.memory_space<hbm>> -> memref<128x128xf32, #tpu.memory_space<hbm>>
    tpu.enqueue_dma source(%arg13 : memref<128x128xf32, #tpu.memory_space<vmem>>) target(%dma_start3A_132 : memref<128x128xf32, #tpu.memory_space<hbm>>) target_semaphore(%arg21 : memref<!tpu.dma_semaphore, #tpu.memory_space<semaphore_mem>>)
    %dma_start3A_133 = arith.constant 0 : i32
    %dma_start3A_134 = tpu.memref_slice %arg7[%select_n3A_128, %dma_start3A_133] : memref<64128x128xf32, #tpu.memory_space<hbm>> -> memref<128x128xf32, #tpu.memory_space<hbm>>
    %dma_start3A_135 = arith.constant 0 : i32
    %dma_start3A_136 = tpu.memref_slice %arg7[%select_n3A_128, %dma_start3A_135] : memref<64128x128xf32, #tpu.memory_space<hbm>> -> memref<128x128xf32, #tpu.memory_space<hbm>>
    tpu.enqueue_dma source(%arg15 : memref<128x128xf32, #tpu.memory_space<vmem>>) target(%dma_start3A_136 : memref<128x128xf32, #tpu.memory_space<hbm>>) target_semaphore(%arg21 : memref<!tpu.dma_semaphore, #tpu.memory_space<semaphore_mem>>)
    %dma_wait3A_137 = arith.constant 0 : i32
    %dma_wait3A_138 = arith.constant 0 : i32
    %dma_wait3A_139 = tpu.memref_slice %arg6[%dma_wait3A_137, %dma_wait3A_138] : memref<64128x128xf32, #tpu.memory_space<hbm>> -> memref<128x128xf32, #tpu.memory_space<hbm>>
    %dma_wait3A_140 = arith.constant 0 : i32
    %dma_wait3A_141 = arith.constant 0 : i32
    %dma_wait3A_142 = tpu.memref_slice %arg6[%dma_wait3A_140, %dma_wait3A_141] : memref<64128x128xf32, #tpu.memory_space<hbm>> -> memref<128x128xf32, #tpu.memory_space<hbm>>
    tpu.wait_dma2 semaphore(%arg21 : memref<!tpu.dma_semaphore, #tpu.memory_space<semaphore_mem>>) src(%arg13 : memref<128x128xf32, #tpu.memory_space<vmem>>) dst(%dma_wait3A_142 : memref<128x128xf32, #tpu.memory_space<hbm>>)
    %dma_wait3A_143 = arith.constant 0 : i32
    %dma_wait3A_144 = arith.constant 0 : i32
    %dma_wait3A_145 = tpu.memref_slice %arg7[%dma_wait3A_143, %dma_wait3A_144] : memref<64128x128xf32, #tpu.memory_space<hbm>> -> memref<128x128xf32, #tpu.memory_space<hbm>>
    %dma_wait3A_146 = arith.constant 0 : i32
    %dma_wait3A_147 = arith.constant 0 : i32
    %dma_wait3A_148 = tpu.memref_slice %arg7[%dma_wait3A_146, %dma_wait3A_147] : memref<64128x128xf32, #tpu.memory_space<hbm>> -> memref<128x128xf32, #tpu.memory_space<hbm>>
    tpu.wait_dma2 semaphore(%arg21 : memref<!tpu.dma_semaphore, #tpu.memory_space<semaphore_mem>>) src(%arg15 : memref<128x128xf32, #tpu.memory_space<vmem>>) dst(%dma_wait3A_148 : memref<128x128xf32, #tpu.memory_space<hbm>>)
    return
  }
}

#map = affine_map<(d0, d1) -> (0, 0)>
#map1 = affine_map<(d0, d1) -> (0)>
module attributes {stable_mosaic.version = 14 : i64} {
  func.func @_gather_body(%arg0: i32, %arg1: i32, %arg2: memref<10000x128xf32, #tpu.memory_space<hbm>>, %arg3: memref<10000x128xf32, #tpu.memory_space<hbm>>, %arg4: memref<64000xi32, #tpu.memory_space<hbm>>, %arg5: memref<64000xi32, #tpu.memory_space<hbm>>, %arg6: memref<64128x128xf32, #tpu.memory_space<hbm>>, %arg7: memref<64128x128xf32, #tpu.memory_space<hbm>>, %arg8: memref<128xi32, #tpu.memory_space<vmem>>, %arg9: memref<128xi32, #tpu.memory_space<vmem>>, %arg10: memref<128xi32, #tpu.memory_space<vmem>>, %arg11: memref<128xi32, #tpu.memory_space<vmem>>, %arg12: memref<128x128xf32, #tpu.memory_space<vmem>>, %arg13: memref<128x128xf32, #tpu.memory_space<vmem>>, %arg14: memref<128x128xf32, #tpu.memory_space<vmem>>, %arg15: memref<128x128xf32, #tpu.memory_space<vmem>>, %arg16: memref<!tpu.dma_semaphore, #tpu.memory_space<semaphore_mem>>, %arg17: memref<!tpu.dma_semaphore, #tpu.memory_space<semaphore_mem>>, %arg18: memref<!tpu.dma_semaphore, #tpu.memory_space<semaphore_mem>>, %arg19: memref<!tpu.dma_semaphore, #tpu.memory_space<semaphore_mem>>, %arg20: memref<!tpu.dma_semaphore, #tpu.memory_space<semaphore_mem>>, %arg21: memref<!tpu.dma_semaphore, #tpu.memory_space<semaphore_mem>>) attributes {dimension_semantics = [#tpu.dimension_semantics<core_parallel>, #tpu.dimension_semantics<subcore_parallel>], iteration_bounds = array<i64: 2, 16>, scalar_prefetch = 0 : i64, scratch_operands = 14 : i64, tpu.core_type = #tpu.core_type<sc_vector_subcore>, window_params = [{transform_indices = #map}, {transform_indices = #map}, {transform_indices = #map1}, {transform_indices = #map1}, {transform_indices = #map}, {transform_indices = #map}]} {
    %mul3A = arith.constant 2 : i32
    %mul3A_0 = arith.muli %arg1, %mul3A : i32
    %add3A = arith.addi %mul3A_0, %arg0 : i32
    %add3A_1 = arith.constant 0 : i32
    %add3A_2 = arith.addi %add3A, %add3A_1 : i32
    %lt3A = arith.constant 500 : i32
    %lt3A_3 = arith.cmpi slt, %add3A_2, %lt3A : i32
    %jit3A = arith.constant 0 : i32
    %select_n3A = arith.select %lt3A_3, %add3A_2, %jit3A : i32
    %mul3A_4 = arith.constant 128 : i32
    %mul3A_5 = arith.muli %select_n3A, %mul3A_4 : i32
    %dma_start3A = tpu.memref_slice %arg4[%mul3A_5] : memref<64000xi32, #tpu.memory_space<hbm>> -> memref<128xi32, #tpu.memory_space<hbm>>
    %dma_start3A_6 = tpu.memref_slice %arg4[%mul3A_5] : memref<64000xi32, #tpu.memory_space<hbm>> -> memref<128xi32, #tpu.memory_space<hbm>>
    tpu.enqueue_dma source(%dma_start3A_6 : memref<128xi32, #tpu.memory_space<hbm>>) target(%arg8 : memref<128xi32, #tpu.memory_space<vmem>>) target_semaphore(%arg16 : memref<!tpu.dma_semaphore, #tpu.memory_space<semaphore_mem>>)
    %dma_start3A_7 = tpu.memref_slice %arg5[%mul3A_5] : memref<64000xi32, #tpu.memory_space<hbm>> -> memref<128xi32, #tpu.memory_space<hbm>>
    %dma_start3A_8 = tpu.memref_slice %arg5[%mul3A_5] : memref<64000xi32, #tpu.memory_space<hbm>> -> memref<128xi32, #tpu.memory_space<hbm>>
    tpu.enqueue_dma source(%dma_start3A_8 : memref<128xi32, #tpu.memory_space<hbm>>) target(%arg10 : memref<128xi32, #tpu.memory_space<vmem>>) target_semaphore(%arg16 : memref<!tpu.dma_semaphore, #tpu.memory_space<semaphore_mem>>)
    %add3A_9 = arith.constant 32 : i32
    %add3A_10 = arith.addi %add3A, %add3A_9 : i32
    %lt3A_11 = arith.constant 500 : i32
    %lt3A_12 = arith.cmpi slt, %add3A_10, %lt3A_11 : i32
    %jit3A_13 = arith.constant 0 : i32
    %select_n3A_14 = arith.select %lt3A_12, %add3A_10, %jit3A_13 : i32
    %mul3A_15 = arith.constant 128 : i32
    %mul3A_16 = arith.muli %select_n3A_14, %mul3A_15 : i32
    %dma_start3A_17 = tpu.memref_slice %arg4[%mul3A_16] : memref<64000xi32, #tpu.memory_space<hbm>> -> memref<128xi32, #tpu.memory_space<hbm>>
    %dma_start3A_18 = tpu.memref_slice %arg4[%mul3A_16] : memref<64000xi32, #tpu.memory_space<hbm>> -> memref<128xi32, #tpu.memory_space<hbm>>
    tpu.enqueue_dma source(%dma_start3A_18 : memref<128xi32, #tpu.memory_space<hbm>>) target(%arg9 : memref<128xi32, #tpu.memory_space<vmem>>) target_semaphore(%arg17 : memref<!tpu.dma_semaphore, #tpu.memory_space<semaphore_mem>>)
    %dma_start3A_19 = tpu.memref_slice %arg5[%mul3A_16] : memref<64000xi32, #tpu.memory_space<hbm>> -> memref<128xi32, #tpu.memory_space<hbm>>
    %dma_start3A_20 = tpu.memref_slice %arg5[%mul3A_16] : memref<64000xi32, #tpu.memory_space<hbm>> -> memref<128xi32, #tpu.memory_space<hbm>>
    tpu.enqueue_dma source(%dma_start3A_20 : memref<128xi32, #tpu.memory_space<hbm>>) target(%arg11 : memref<128xi32, #tpu.memory_space<vmem>>) target_semaphore(%arg17 : memref<!tpu.dma_semaphore, #tpu.memory_space<semaphore_mem>>)
    %dma_wait3A = arith.constant 0 : i32
    %dma_wait3A_21 = tpu.memref_slice %arg4[%dma_wait3A] : memref<64000xi32, #tpu.memory_space<hbm>> -> memref<128xi32, #tpu.memory_space<hbm>>
    %dma_wait3A_22 = arith.constant 0 : i32
    %dma_wait3A_23 = tpu.memref_slice %arg4[%dma_wait3A_22] : memref<64000xi32, #tpu.memory_space<hbm>> -> memref<128xi32, #tpu.memory_space<hbm>>
    tpu.wait_dma2 semaphore(%arg16 : memref<!tpu.dma_semaphore, #tpu.memory_space<semaphore_mem>>) src(%dma_wait3A_23 : memref<128xi32, #tpu.memory_space<hbm>>) dst(%arg8 : memref<128xi32, #tpu.memory_space<vmem>>)
    %dma_wait3A_24 = arith.constant 0 : i32
    %dma_wait3A_25 = tpu.memref_slice %arg5[%dma_wait3A_24] : memref<64000xi32, #tpu.memory_space<hbm>> -> memref<128xi32, #tpu.memory_space<hbm>>
    %dma_wait3A_26 = arith.constant 0 : i32
    %dma_wait3A_27 = tpu.memref_slice %arg5[%dma_wait3A_26] : memref<64000xi32, #tpu.memory_space<hbm>> -> memref<128xi32, #tpu.memory_space<hbm>>
    tpu.wait_dma2 semaphore(%arg16 : memref<!tpu.dma_semaphore, #tpu.memory_space<semaphore_mem>>) src(%dma_wait3A_27 : memref<128xi32, #tpu.memory_space<hbm>>) dst(%arg10 : memref<128xi32, #tpu.memory_space<vmem>>)
    %dma_start3A_28 = arith.constant 0 : i32
    %dma_start3A_29 = arith.constant 0 : i32
    %dma_start3A_30 = tpu.memref_slice %arg2[%dma_start3A_28, %dma_start3A_29] : memref<10000x128xf32, #tpu.memory_space<hbm>> -> memref<10000x128xf32, #tpu.memory_space<hbm>>
    tpu.enqueue_indirect_dma source(%dma_start3A_30 : memref<10000x128xf32, #tpu.memory_space<hbm>>) target(%arg12 : memref<128x128xf32, #tpu.memory_space<vmem>>) offsets(%arg8 : memref<128xi32, #tpu.memory_space<vmem>>) semaphore(%arg18 : memref<!tpu.dma_semaphore, #tpu.memory_space<semaphore_mem>>)
    %dma_start3A_31 = arith.constant 0 : i32
    %dma_start3A_32 = arith.constant 0 : i32
    %dma_start3A_33 = tpu.memref_slice %arg3[%dma_start3A_31, %dma_start3A_32] : memref<10000x128xf32, #tpu.memory_space<hbm>> -> memref<10000x128xf32, #tpu.memory_space<hbm>>
    tpu.enqueue_indirect_dma source(%dma_start3A_33 : memref<10000x128xf32, #tpu.memory_space<hbm>>) target(%arg14 : memref<128x128xf32, #tpu.memory_space<vmem>>) offsets(%arg10 : memref<128xi32, #tpu.memory_space<vmem>>) semaphore(%arg18 : memref<!tpu.dma_semaphore, #tpu.memory_space<semaphore_mem>>)
    %add3A_34 = arith.constant 512 : i32
    %add3A_35 = arith.addi %add3A, %add3A_34 : i32
    %lt3A_36 = arith.constant 500 : i32
    %lt3A_37 = arith.cmpi slt, %add3A_35, %lt3A_36 : i32
    %mul3A_38 = arith.constant 128 : i32
    %mul3A_39 = arith.muli %add3A_35, %mul3A_38 : i32
    %jit3A_40 = arith.constant 64000 : i32
    %select_n3A_41 = arith.select %lt3A_37, %mul3A_39, %jit3A_40 : i32
    %dma_start3A_42 = arith.constant 0 : i32
    %dma_start3A_43 = tpu.memref_slice %arg6[%select_n3A_41, %dma_start3A_42] : memref<64128x128xf32, #tpu.memory_space<hbm>> -> memref<128x128xf32, #tpu.memory_space<hbm>>
    %dma_start3A_44 = arith.constant 0 : i32
    %dma_start3A_45 = tpu.memref_slice %arg6[%select_n3A_41, %dma_start3A_44] : memref<64128x128xf32, #tpu.memory_space<hbm>> -> memref<128x128xf32, #tpu.memory_space<hbm>>
    tpu.enqueue_dma source(%arg13 : memref<128x128xf32, #tpu.memory_space<vmem>>) target(%dma_start3A_45 : memref<128x128xf32, #tpu.memory_space<hbm>>) target_semaphore(%arg21 : memref<!tpu.dma_semaphore, #tpu.memory_space<semaphore_mem>>)
    %dma_start3A_46 = arith.constant 0 : i32
    %dma_start3A_47 = tpu.memref_slice %arg7[%select_n3A_41, %dma_start3A_46] : memref<64128x128xf32, #tpu.memory_space<hbm>> -> memref<128x128xf32, #tpu.memory_space<hbm>>
    %dma_start3A_48 = arith.constant 0 : i32
    %dma_start3A_49 = tpu.memref_slice %arg7[%select_n3A_41, %dma_start3A_48] : memref<64128x128xf32, #tpu.memory_space<hbm>> -> memref<128x128xf32, #tpu.memory_space<hbm>>
    tpu.enqueue_dma source(%arg15 : memref<128x128xf32, #tpu.memory_space<vmem>>) target(%dma_start3A_49 : memref<128x128xf32, #tpu.memory_space<hbm>>) target_semaphore(%arg21 : memref<!tpu.dma_semaphore, #tpu.memory_space<semaphore_mem>>)
    %scan3A = arith.constant 0 : i32
    %scan3A_50 = arith.constant 0 : i32
    %scan3A_51 = arith.constant 7 : i32
    %scan3A_52 = arith.addi %scan3A_50, %scan3A_51 : i32
    %scan3A_53 = arith.constant 1 : i32
    scf.for %scan3A_149 = %scan3A_50 to %scan3A_52 step %scan3A_53  : i32 {
      %mul3A_150 = arith.constant 2 : i32
      %mul3A_151 = arith.muli %mul3A_150, %scan3A_149 : i32
      %dma_wait3A_152 = arith.constant 0 : i32
      %dma_wait3A_153 = tpu.memref_slice %arg4[%dma_wait3A_152] : memref<64000xi32, #tpu.memory_space<hbm>> -> memref<128xi32, #tpu.memory_space<hbm>>
      %dma_wait3A_154 = arith.constant 0 : i32
      %dma_wait3A_155 = tpu.memref_slice %arg4[%dma_wait3A_154] : memref<64000xi32, #tpu.memory_space<hbm>> -> memref<128xi32, #tpu.memory_space<hbm>>
      tpu.wait_dma2 semaphore(%arg17 : memref<!tpu.dma_semaphore, #tpu.memory_space<semaphore_mem>>) src(%dma_wait3A_155 : memref<128xi32, #tpu.memory_space<hbm>>) dst(%arg9 : memref<128xi32, #tpu.memory_space<vmem>>)
      %dma_wait3A_156 = arith.constant 0 : i32
      %dma_wait3A_157 = tpu.memref_slice %arg5[%dma_wait3A_156] : memref<64000xi32, #tpu.memory_space<hbm>> -> memref<128xi32, #tpu.memory_space<hbm>>
      %dma_wait3A_158 = arith.constant 0 : i32
      %dma_wait3A_159 = tpu.memref_slice %arg5[%dma_wait3A_158] : memref<64000xi32, #tpu.memory_space<hbm>> -> memref<128xi32, #tpu.memory_space<hbm>>
      tpu.wait_dma2 semaphore(%arg17 : memref<!tpu.dma_semaphore, #tpu.memory_space<semaphore_mem>>) src(%dma_wait3A_159 : memref<128xi32, #tpu.memory_space<hbm>>) dst(%arg11 : memref<128xi32, #tpu.memory_space<vmem>>)
      %dma_wait3A_160 = arith.constant 0 : i32
      %dma_wait3A_161 = arith.constant 0 : i32
      %dma_wait3A_162 = tpu.memref_slice %arg6[%dma_wait3A_160, %dma_wait3A_161] : memref<64128x128xf32, #tpu.memory_space<hbm>> -> memref<128x128xf32, #tpu.memory_space<hbm>>
      %dma_wait3A_163 = arith.constant 0 : i32
      %dma_wait3A_164 = arith.constant 0 : i32
      %dma_wait3A_165 = tpu.memref_slice %arg6[%dma_wait3A_163, %dma_wait3A_164] : memref<64128x128xf32, #tpu.memory_space<hbm>> -> memref<128x128xf32, #tpu.memory_space<hbm>>
      tpu.wait_dma2 semaphore(%arg21 : memref<!tpu.dma_semaphore, #tpu.memory_space<semaphore_mem>>) src(%arg13 : memref<128x128xf32, #tpu.memory_space<vmem>>) dst(%dma_wait3A_165 : memref<128x128xf32, #tpu.memory_space<hbm>>)
      %dma_wait3A_166 = arith.constant 0 : i32
      %dma_wait3A_167 = arith.constant 0 : i32
      %dma_wait3A_168 = tpu.memref_slice %arg7[%dma_wait3A_166, %dma_wait3A_167] : memref<64128x128xf32, #tpu.memory_space<hbm>> -> memref<128x128xf32, #tpu.memory_space<hbm>>
      %dma_wait3A_169 = arith.constant 0 : i32
      %dma_wait3A_170 = arith.constant 0 : i32
      %dma_wait3A_171 = tpu.memref_slice %arg7[%dma_wait3A_169, %dma_wait3A_170] : memref<64128x128xf32, #tpu.memory_space<hbm>> -> memref<128x128xf32, #tpu.memory_space<hbm>>
      tpu.wait_dma2 semaphore(%arg21 : memref<!tpu.dma_semaphore, #tpu.memory_space<semaphore_mem>>) src(%arg15 : memref<128x128xf32, #tpu.memory_space<vmem>>) dst(%dma_wait3A_171 : memref<128x128xf32, #tpu.memory_space<hbm>>)
      %dma_start3A_172 = arith.constant 0 : i32
      %dma_start3A_173 = arith.constant 0 : i32
      %dma_start3A_174 = tpu.memref_slice %arg2[%dma_start3A_172, %dma_start3A_173] : memref<10000x128xf32, #tpu.memory_space<hbm>> -> memref<10000x128xf32, #tpu.memory_space<hbm>>
      tpu.enqueue_indirect_dma source(%dma_start3A_174 : memref<10000x128xf32, #tpu.memory_space<hbm>>) target(%arg13 : memref<128x128xf32, #tpu.memory_space<vmem>>) offsets(%arg9 : memref<128xi32, #tpu.memory_space<vmem>>) semaphore(%arg19 : memref<!tpu.dma_semaphore, #tpu.memory_space<semaphore_mem>>)
      %dma_start3A_175 = arith.constant 0 : i32
      %dma_start3A_176 = arith.constant 0 : i32
      %dma_start3A_177 = tpu.memref_slice %arg3[%dma_start3A_175, %dma_start3A_176] : memref<10000x128xf32, #tpu.memory_space<hbm>> -> memref<10000x128xf32, #tpu.memory_space<hbm>>
      tpu.enqueue_indirect_dma source(%dma_start3A_177 : memref<10000x128xf32, #tpu.memory_space<hbm>>) target(%arg15 : memref<128x128xf32, #tpu.memory_space<vmem>>) offsets(%arg11 : memref<128xi32, #tpu.memory_space<vmem>>) semaphore(%arg19 : memref<!tpu.dma_semaphore, #tpu.memory_space<semaphore_mem>>)
      %dma_wait3A_178 = arith.constant 0 : i32
      %dma_wait3A_179 = arith.constant 0 : i32
      %dma_wait3A_180 = tpu.memref_slice %arg2[%dma_wait3A_178, %dma_wait3A_179] : memref<10000x128xf32, #tpu.memory_space<hbm>> -> memref<10000x128xf32, #tpu.memory_space<hbm>>
      tpu.wait_indirect_dma semaphore(%arg18 : memref<!tpu.dma_semaphore, #tpu.memory_space<semaphore_mem>>) src(%dma_wait3A_180 : memref<10000x128xf32, #tpu.memory_space<hbm>>) dst(%arg12 : memref<128x128xf32, #tpu.memory_space<vmem>>)
      %dma_wait3A_181 = arith.constant 0 : i32
      %dma_wait3A_182 = arith.constant 0 : i32
      %dma_wait3A_183 = tpu.memref_slice %arg3[%dma_wait3A_181, %dma_wait3A_182] : memref<10000x128xf32, #tpu.memory_space<hbm>> -> memref<10000x128xf32, #tpu.memory_space<hbm>>
      tpu.wait_indirect_dma semaphore(%arg18 : memref<!tpu.dma_semaphore, #tpu.memory_space<semaphore_mem>>) src(%dma_wait3A_183 : memref<10000x128xf32, #tpu.memory_space<hbm>>) dst(%arg14 : memref<128x128xf32, #tpu.memory_space<vmem>>)
      %mul3A_184 = arith.constant 32 : i32
      %mul3A_185 = arith.muli %mul3A_184, %mul3A_151 : i32
      %add3A_186 = arith.addi %add3A, %mul3A_185 : i32
      %lt3A_187 = arith.constant 500 : i32
      %lt3A_188 = arith.cmpi slt, %add3A_186, %lt3A_187 : i32
      %mul3A_189 = arith.constant 128 : i32
      %mul3A_190 = arith.muli %add3A_186, %mul3A_189 : i32
      %jit3A_191 = arith.constant 64000 : i32
      %select_n3A_192 = arith.select %lt3A_188, %mul3A_190, %jit3A_191 : i32
      %dma_start3A_193 = arith.constant 0 : i32
      %dma_start3A_194 = tpu.memref_slice %arg6[%select_n3A_192, %dma_start3A_193] : memref<64128x128xf32, #tpu.memory_space<hbm>> -> memref<128x128xf32, #tpu.memory_space<hbm>>
      %dma_start3A_195 = arith.constant 0 : i32
      %dma_start3A_196 = tpu.memref_slice %arg6[%select_n3A_192, %dma_start3A_195] : memref<64128x128xf32, #tpu.memory_space<hbm>> -> memref<128x128xf32, #tpu.memory_space<hbm>>
      tpu.enqueue_dma source(%arg12 : memref<128x128xf32, #tpu.memory_space<vmem>>) target(%dma_start3A_196 : memref<128x128xf32, #tpu.memory_space<hbm>>) target_semaphore(%arg20 : memref<!tpu.dma_semaphore, #tpu.memory_space<semaphore_mem>>)
      %dma_start3A_197 = arith.constant 0 : i32
      %dma_start3A_198 = tpu.memref_slice %arg7[%select_n3A_192, %dma_start3A_197] : memref<64128x128xf32, #tpu.memory_space<hbm>> -> memref<128x128xf32, #tpu.memory_space<hbm>>
      %dma_start3A_199 = arith.constant 0 : i32
      %dma_start3A_200 = tpu.memref_slice %arg7[%select_n3A_192, %dma_start3A_199] : memref<64128x128xf32, #tpu.memory_space<hbm>> -> memref<128x128xf32, #tpu.memory_space<hbm>>
      tpu.enqueue_dma source(%arg14 : memref<128x128xf32, #tpu.memory_space<vmem>>) target(%dma_start3A_200 : memref<128x128xf32, #tpu.memory_space<hbm>>) target_semaphore(%arg20 : memref<!tpu.dma_semaphore, #tpu.memory_space<semaphore_mem>>)
      %add3A_201 = arith.constant 2 : i32
      %add3A_202 = arith.addi %mul3A_151, %add3A_201 : i32
      %mul3A_203 = arith.constant 32 : i32
      %mul3A_204 = arith.muli %mul3A_203, %add3A_202 : i32
      %add3A_205 = arith.addi %add3A, %mul3A_204 : i32
      %lt3A_206 = arith.constant 500 : i32
      %lt3A_207 = arith.cmpi slt, %add3A_205, %lt3A_206 : i32
      %jit3A_208 = arith.constant 0 : i32
      %select_n3A_209 = arith.select %lt3A_207, %add3A_205, %jit3A_208 : i32
      %mul3A_210 = arith.constant 128 : i32
      %mul3A_211 = arith.muli %select_n3A_209, %mul3A_210 : i32
      %dma_start3A_212 = tpu.memref_slice %arg4[%mul3A_211] : memref<64000xi32, #tpu.memory_space<hbm>> -> memref<128xi32, #tpu.memory_space<hbm>>
      %dma_start3A_213 = tpu.memref_slice %arg4[%mul3A_211] : memref<64000xi32, #tpu.memory_space<hbm>> -> memref<128xi32, #tpu.memory_space<hbm>>
      tpu.enqueue_dma source(%dma_start3A_213 : memref<128xi32, #tpu.memory_space<hbm>>) target(%arg8 : memref<128xi32, #tpu.memory_space<vmem>>) target_semaphore(%arg16 : memref<!tpu.dma_semaphore, #tpu.memory_space<semaphore_mem>>)
      %dma_start3A_214 = tpu.memref_slice %arg5[%mul3A_211] : memref<64000xi32, #tpu.memory_space<hbm>> -> memref<128xi32, #tpu.memory_space<hbm>>
      %dma_start3A_215 = tpu.memref_slice %arg5[%mul3A_211] : memref<64000xi32, #tpu.memory_space<hbm>> -> memref<128xi32, #tpu.memory_space<hbm>>
      tpu.enqueue_dma source(%dma_start3A_215 : memref<128xi32, #tpu.memory_space<hbm>>) target(%arg10 : memref<128xi32, #tpu.memory_space<vmem>>) target_semaphore(%arg16 : memref<!tpu.dma_semaphore, #tpu.memory_space<semaphore_mem>>)
      %dma_wait3A_216 = arith.constant 0 : i32
      %dma_wait3A_217 = tpu.memref_slice %arg4[%dma_wait3A_216] : memref<64000xi32, #tpu.memory_space<hbm>> -> memref<128xi32, #tpu.memory_space<hbm>>
      %dma_wait3A_218 = arith.constant 0 : i32
      %dma_wait3A_219 = tpu.memref_slice %arg4[%dma_wait3A_218] : memref<64000xi32, #tpu.memory_space<hbm>> -> memref<128xi32, #tpu.memory_space<hbm>>
      tpu.wait_dma2 semaphore(%arg16 : memref<!tpu.dma_semaphore, #tpu.memory_space<semaphore_mem>>) src(%dma_wait3A_219 : memref<128xi32, #tpu.memory_space<hbm>>) dst(%arg8 : memref<128xi32, #tpu.memory_space<vmem>>)
      %dma_wait3A_220 = arith.constant 0 : i32
      %dma_wait3A_221 = tpu.memref_slice %arg5[%dma_wait3A_220] : memref<64000xi32, #tpu.memory_space<hbm>> -> memref<128xi32, #tpu.memory_space<hbm>>
      %dma_wait3A_222 = arith.constant 0 : i32
      %dma_wait3A_223 = tpu.memref_slice %arg5[%dma_wait3A_222] : memref<64000xi32, #tpu.memory_space<hbm>> -> memref<128xi32, #tpu.memory_space<hbm>>
      tpu.wait_dma2 semaphore(%arg16 : memref<!tpu.dma_semaphore, #tpu.memory_space<semaphore_mem>>) src(%dma_wait3A_223 : memref<128xi32, #tpu.memory_space<hbm>>) dst(%arg10 : memref<128xi32, #tpu.memory_space<vmem>>)
      %dma_wait3A_224 = arith.constant 0 : i32
      %dma_wait3A_225 = arith.constant 0 : i32
      %dma_wait3A_226 = tpu.memref_slice %arg6[%dma_wait3A_224, %dma_wait3A_225] : memref<64128x128xf32, #tpu.memory_space<hbm>> -> memref<128x128xf32, #tpu.memory_space<hbm>>
      %dma_wait3A_227 = arith.constant 0 : i32
      %dma_wait3A_228 = arith.constant 0 : i32
      %dma_wait3A_229 = tpu.memref_slice %arg6[%dma_wait3A_227, %dma_wait3A_228] : memref<64128x128xf32, #tpu.memory_space<hbm>> -> memref<128x128xf32, #tpu.memory_space<hbm>>
      tpu.wait_dma2 semaphore(%arg20 : memref<!tpu.dma_semaphore, #tpu.memory_space<semaphore_mem>>) src(%arg12 : memref<128x128xf32, #tpu.memory_space<vmem>>) dst(%dma_wait3A_229 : memref<128x128xf32, #tpu.memory_space<hbm>>)
      %dma_wait3A_230 = arith.constant 0 : i32
      %dma_wait3A_231 = arith.constant 0 : i32
      %dma_wait3A_232 = tpu.memref_slice %arg7[%dma_wait3A_230, %dma_wait3A_231] : memref<64128x128xf32, #tpu.memory_space<hbm>> -> memref<128x128xf32, #tpu.memory_space<hbm>>
      %dma_wait3A_233 = arith.constant 0 : i32
      %dma_wait3A_234 = arith.constant 0 : i32
      %dma_wait3A_235 = tpu.memref_slice %arg7[%dma_wait3A_233, %dma_wait3A_234] : memref<64128x128xf32, #tpu.memory_space<hbm>> -> memref<128x128xf32, #tpu.memory_space<hbm>>
      tpu.wait_dma2 semaphore(%arg20 : memref<!tpu.dma_semaphore, #tpu.memory_space<semaphore_mem>>) src(%arg14 : memref<128x128xf32, #tpu.memory_space<vmem>>) dst(%dma_wait3A_235 : memref<128x128xf32, #tpu.memory_space<hbm>>)
      %dma_start3A_236 = arith.constant 0 : i32
      %dma_start3A_237 = arith.constant 0 : i32
      %dma_start3A_238 = tpu.memref_slice %arg2[%dma_start3A_236, %dma_start3A_237] : memref<10000x128xf32, #tpu.memory_space<hbm>> -> memref<10000x128xf32, #tpu.memory_space<hbm>>
      tpu.enqueue_indirect_dma source(%dma_start3A_238 : memref<10000x128xf32, #tpu.memory_space<hbm>>) target(%arg12 : memref<128x128xf32, #tpu.memory_space<vmem>>) offsets(%arg8 : memref<128xi32, #tpu.memory_space<vmem>>) semaphore(%arg18 : memref<!tpu.dma_semaphore, #tpu.memory_space<semaphore_mem>>)
      %dma_start3A_239 = arith.constant 0 : i32
      %dma_start3A_240 = arith.constant 0 : i32
      %dma_start3A_241 = tpu.memref_slice %arg3[%dma_start3A_239, %dma_start3A_240] : memref<10000x128xf32, #tpu.memory_space<hbm>> -> memref<10000x128xf32, #tpu.memory_space<hbm>>
      tpu.enqueue_indirect_dma source(%dma_start3A_241 : memref<10000x128xf32, #tpu.memory_space<hbm>>) target(%arg14 : memref<128x128xf32, #tpu.memory_space<vmem>>) offsets(%arg10 : memref<128xi32, #tpu.memory_space<vmem>>) semaphore(%arg18 : memref<!tpu.dma_semaphore, #tpu.memory_space<semaphore_mem>>)
      %dma_wait3A_242 = arith.constant 0 : i32
      %dma_wait3A_243 = arith.constant 0 : i32
      %dma_wait3A_244 = tpu.memref_slice %arg2[%dma_wait3A_242, %dma_wait3A_243] : memref<10000x128xf32, #tpu.memory_space<hbm>> -> memref<10000x128xf32, #tpu.memory_space<hbm>>
      tpu.wait_indirect_dma semaphore(%arg19 : memref<!tpu.dma_semaphore, #tpu.memory_space<semaphore_mem>>) src(%dma_wait3A_244 : memref<10000x128xf32, #tpu.memory_space<hbm>>) dst(%arg13 : memref<128x128xf32, #tpu.memory_space<vmem>>)
      %dma_wait3A_245 = arith.constant 0 : i32
      %dma_wait3A_246 = arith.constant 0 : i32
      %dma_wait3A_247 = tpu.memref_slice %arg3[%dma_wait3A_245, %dma_wait3A_246] : memref<10000x128xf32, #tpu.memory_space<hbm>> -> memref<10000x128xf32, #tpu.memory_space<hbm>>
      tpu.wait_indirect_dma semaphore(%arg19 : memref<!tpu.dma_semaphore, #tpu.memory_space<semaphore_mem>>) src(%dma_wait3A_247 : memref<10000x128xf32, #tpu.memory_space<hbm>>) dst(%arg15 : memref<128x128xf32, #tpu.memory_space<vmem>>)
      %add3A_248 = arith.constant 1 : i32
      %add3A_249 = arith.addi %mul3A_151, %add3A_248 : i32
      %mul3A_250 = arith.constant 32 : i32
      %mul3A_251 = arith.muli %mul3A_250, %add3A_249 : i32
      %add3A_252 = arith.addi %add3A, %mul3A_251 : i32
      %lt3A_253 = arith.constant 500 : i32
      %lt3A_254 = arith.cmpi slt, %add3A_252, %lt3A_253 : i32
      %mul3A_255 = arith.constant 128 : i32
      %mul3A_256 = arith.muli %add3A_252, %mul3A_255 : i32
      %jit3A_257 = arith.constant 64000 : i32
      %select_n3A_258 = arith.select %lt3A_254, %mul3A_256, %jit3A_257 : i32
      %dma_start3A_259 = arith.constant 0 : i32
      %dma_start3A_260 = tpu.memref_slice %arg6[%select_n3A_258, %dma_start3A_259] : memref<64128x128xf32, #tpu.memory_space<hbm>> -> memref<128x128xf32, #tpu.memory_space<hbm>>
      %dma_start3A_261 = arith.constant 0 : i32
      %dma_start3A_262 = tpu.memref_slice %arg6[%select_n3A_258, %dma_start3A_261] : memref<64128x128xf32, #tpu.memory_space<hbm>> -> memref<128x128xf32, #tpu.memory_space<hbm>>
      tpu.enqueue_dma source(%arg13 : memref<128x128xf32, #tpu.memory_space<vmem>>) target(%dma_start3A_262 : memref<128x128xf32, #tpu.memory_space<hbm>>) target_semaphore(%arg21 : memref<!tpu.dma_semaphore, #tpu.memory_space<semaphore_mem>>)
      %dma_start3A_263 = arith.constant 0 : i32
      %dma_start3A_264 = tpu.memref_slice %arg7[%select_n3A_258, %dma_start3A_263] : memref<64128x128xf32, #tpu.memory_space<hbm>> -> memref<128x128xf32, #tpu.memory_space<hbm>>
      %dma_start3A_265 = arith.constant 0 : i32
      %dma_start3A_266 = tpu.memref_slice %arg7[%select_n3A_258, %dma_start3A_265] : memref<64128x128xf32, #tpu.memory_space<hbm>> -> memref<128x128xf32, #tpu.memory_space<hbm>>
      tpu.enqueue_dma source(%arg15 : memref<128x128xf32, #tpu.memory_space<vmem>>) target(%dma_start3A_266 : memref<128x128xf32, #tpu.memory_space<hbm>>) target_semaphore(%arg21 : memref<!tpu.dma_semaphore, #tpu.memory_space<semaphore_mem>>)
      %add3A_267 = arith.constant 3 : i32
      %add3A_268 = arith.addi %mul3A_151, %add3A_267 : i32
      %mul3A_269 = arith.constant 32 : i32
      %mul3A_270 = arith.muli %mul3A_269, %add3A_268 : i32
      %add3A_271 = arith.addi %add3A, %mul3A_270 : i32
      %lt3A_272 = arith.constant 500 : i32
      %lt3A_273 = arith.cmpi slt, %add3A_271, %lt3A_272 : i32
      %jit3A_274 = arith.constant 0 : i32
      %select_n3A_275 = arith.select %lt3A_273, %add3A_271, %jit3A_274 : i32
      %mul3A_276 = arith.constant 128 : i32
      %mul3A_277 = arith.muli %select_n3A_275, %mul3A_276 : i32
      %dma_start3A_278 = tpu.memref_slice %arg4[%mul3A_277] : memref<64000xi32, #tpu.memory_space<hbm>> -> memref<128xi32, #tpu.memory_space<hbm>>
      %dma_start3A_279 = tpu.memref_slice %arg4[%mul3A_277] : memref<64000xi32, #tpu.memory_space<hbm>> -> memref<128xi32, #tpu.memory_space<hbm>>
      tpu.enqueue_dma source(%dma_start3A_279 : memref<128xi32, #tpu.memory_space<hbm>>) target(%arg9 : memref<128xi32, #tpu.memory_space<vmem>>) target_semaphore(%arg17 : memref<!tpu.dma_semaphore, #tpu.memory_space<semaphore_mem>>)
      %dma_start3A_280 = tpu.memref_slice %arg5[%mul3A_277] : memref<64000xi32, #tpu.memory_space<hbm>> -> memref<128xi32, #tpu.memory_space<hbm>>
      %dma_start3A_281 = tpu.memref_slice %arg5[%mul3A_277] : memref<64000xi32, #tpu.memory_space<hbm>> -> memref<128xi32, #tpu.memory_space<hbm>>
      tpu.enqueue_dma source(%dma_start3A_281 : memref<128xi32, #tpu.memory_space<hbm>>) target(%arg11 : memref<128xi32, #tpu.memory_space<vmem>>) target_semaphore(%arg17 : memref<!tpu.dma_semaphore, #tpu.memory_space<semaphore_mem>>)
    }
    %scan3A_54 = arith.constant 7 : i32
    %dma_wait3A_55 = arith.constant 0 : i32
    %dma_wait3A_56 = tpu.memref_slice %arg4[%dma_wait3A_55] : memref<64000xi32, #tpu.memory_space<hbm>> -> memref<128xi32, #tpu.memory_space<hbm>>
    %dma_wait3A_57 = arith.constant 0 : i32
    %dma_wait3A_58 = tpu.memref_slice %arg4[%dma_wait3A_57] : memref<64000xi32, #tpu.memory_space<hbm>> -> memref<128xi32, #tpu.memory_space<hbm>>
    tpu.wait_dma2 semaphore(%arg17 : memref<!tpu.dma_semaphore, #tpu.memory_space<semaphore_mem>>) src(%dma_wait3A_58 : memref<128xi32, #tpu.memory_space<hbm>>) dst(%arg9 : memref<128xi32, #tpu.memory_space<vmem>>)
    %dma_wait3A_59 = arith.constant 0 : i32
    %dma_wait3A_60 = tpu.memref_slice %arg5[%dma_wait3A_59] : memref<64000xi32, #tpu.memory_space<hbm>> -> memref<128xi32, #tpu.memory_space<hbm>>
    %dma_wait3A_61 = arith.constant 0 : i32
    %dma_wait3A_62 = tpu.memref_slice %arg5[%dma_wait3A_61] : memref<64000xi32, #tpu.memory_space<hbm>> -> memref<128xi32, #tpu.memory_space<hbm>>
    tpu.wait_dma2 semaphore(%arg17 : memref<!tpu.dma_semaphore, #tpu.memory_space<semaphore_mem>>) src(%dma_wait3A_62 : memref<128xi32, #tpu.memory_space<hbm>>) dst(%arg11 : memref<128xi32, #tpu.memory_space<vmem>>)
    %dma_wait3A_63 = arith.constant 0 : i32
    %dma_wait3A_64 = arith.constant 0 : i32
    %dma_wait3A_65 = tpu.memref_slice %arg6[%dma_wait3A_63, %dma_wait3A_64] : memref<64128x128xf32, #tpu.memory_space<hbm>> -> memref<128x128xf32, #tpu.memory_space<hbm>>
    %dma_wait3A_66 = arith.constant 0 : i32
    %dma_wait3A_67 = arith.constant 0 : i32
    %dma_wait3A_68 = tpu.memref_slice %arg6[%dma_wait3A_66, %dma_wait3A_67] : memref<64128x128xf32, #tpu.memory_space<hbm>> -> memref<128x128xf32, #tpu.memory_space<hbm>>
    tpu.wait_dma2 semaphore(%arg21 : memref<!tpu.dma_semaphore, #tpu.memory_space<semaphore_mem>>) src(%arg13 : memref<128x128xf32, #tpu.memory_space<vmem>>) dst(%dma_wait3A_68 : memref<128x128xf32, #tpu.memory_space<hbm>>)
    %dma_wait3A_69 = arith.constant 0 : i32
    %dma_wait3A_70 = arith.constant 0 : i32
    %dma_wait3A_71 = tpu.memref_slice %arg7[%dma_wait3A_69, %dma_wait3A_70] : memref<64128x128xf32, #tpu.memory_space<hbm>> -> memref<128x128xf32, #tpu.memory_space<hbm>>
    %dma_wait3A_72 = arith.constant 0 : i32
    %dma_wait3A_73 = arith.constant 0 : i32
    %dma_wait3A_74 = tpu.memref_slice %arg7[%dma_wait3A_72, %dma_wait3A_73] : memref<64128x128xf32, #tpu.memory_space<hbm>> -> memref<128x128xf32, #tpu.memory_space<hbm>>
    tpu.wait_dma2 semaphore(%arg21 : memref<!tpu.dma_semaphore, #tpu.memory_space<semaphore_mem>>) src(%arg15 : memref<128x128xf32, #tpu.memory_space<vmem>>) dst(%dma_wait3A_74 : memref<128x128xf32, #tpu.memory_space<hbm>>)
    %dma_start3A_75 = arith.constant 0 : i32
    %dma_start3A_76 = arith.constant 0 : i32
    %dma_start3A_77 = tpu.memref_slice %arg2[%dma_start3A_75, %dma_start3A_76] : memref<10000x128xf32, #tpu.memory_space<hbm>> -> memref<10000x128xf32, #tpu.memory_space<hbm>>
    tpu.enqueue_indirect_dma source(%dma_start3A_77 : memref<10000x128xf32, #tpu.memory_space<hbm>>) target(%arg13 : memref<128x128xf32, #tpu.memory_space<vmem>>) offsets(%arg9 : memref<128xi32, #tpu.memory_space<vmem>>) semaphore(%arg19 : memref<!tpu.dma_semaphore, #tpu.memory_space<semaphore_mem>>)
    %dma_start3A_78 = arith.constant 0 : i32
    %dma_start3A_79 = arith.constant 0 : i32
    %dma_start3A_80 = tpu.memref_slice %arg3[%dma_start3A_78, %dma_start3A_79] : memref<10000x128xf32, #tpu.memory_space<hbm>> -> memref<10000x128xf32, #tpu.memory_space<hbm>>
    tpu.enqueue_indirect_dma source(%dma_start3A_80 : memref<10000x128xf32, #tpu.memory_space<hbm>>) target(%arg15 : memref<128x128xf32, #tpu.memory_space<vmem>>) offsets(%arg11 : memref<128xi32, #tpu.memory_space<vmem>>) semaphore(%arg19 : memref<!tpu.dma_semaphore, #tpu.memory_space<semaphore_mem>>)
    %dma_wait3A_81 = arith.constant 0 : i32
    %dma_wait3A_82 = arith.constant 0 : i32
    %dma_wait3A_83 = tpu.memref_slice %arg2[%dma_wait3A_81, %dma_wait3A_82] : memref<10000x128xf32, #tpu.memory_space<hbm>> -> memref<10000x128xf32, #tpu.memory_space<hbm>>
    tpu.wait_indirect_dma semaphore(%arg18 : memref<!tpu.dma_semaphore, #tpu.memory_space<semaphore_mem>>) src(%dma_wait3A_83 : memref<10000x128xf32, #tpu.memory_space<hbm>>) dst(%arg12 : memref<128x128xf32, #tpu.memory_space<vmem>>)
    %dma_wait3A_84 = arith.constant 0 : i32
    %dma_wait3A_85 = arith.constant 0 : i32
    %dma_wait3A_86 = tpu.memref_slice %arg3[%dma_wait3A_84, %dma_wait3A_85] : memref<10000x128xf32, #tpu.memory_space<hbm>> -> memref<10000x128xf32, #tpu.memory_space<hbm>>
    tpu.wait_indirect_dma semaphore(%arg18 : memref<!tpu.dma_semaphore, #tpu.memory_space<semaphore_mem>>) src(%dma_wait3A_86 : memref<10000x128xf32, #tpu.memory_space<hbm>>) dst(%arg14 : memref<128x128xf32, #tpu.memory_space<vmem>>)
    %add3A_87 = arith.constant 448 : i32
    %add3A_88 = arith.addi %add3A, %add3A_87 : i32
    %lt3A_89 = arith.constant 500 : i32
    %lt3A_90 = arith.cmpi slt, %add3A_88, %lt3A_89 : i32
    %mul3A_91 = arith.constant 128 : i32
    %mul3A_92 = arith.muli %add3A_88, %mul3A_91 : i32
    %jit3A_93 = arith.constant 64000 : i32
    %select_n3A_94 = arith.select %lt3A_90, %mul3A_92, %jit3A_93 : i32
    %dma_start3A_95 = arith.constant 0 : i32
    %dma_start3A_96 = tpu.memref_slice %arg6[%select_n3A_94, %dma_start3A_95] : memref<64128x128xf32, #tpu.memory_space<hbm>> -> memref<128x128xf32, #tpu.memory_space<hbm>>
    %dma_start3A_97 = arith.constant 0 : i32
    %dma_start3A_98 = tpu.memref_slice %arg6[%select_n3A_94, %dma_start3A_97] : memref<64128x128xf32, #tpu.memory_space<hbm>> -> memref<128x128xf32, #tpu.memory_space<hbm>>
    tpu.enqueue_dma source(%arg12 : memref<128x128xf32, #tpu.memory_space<vmem>>) target(%dma_start3A_98 : memref<128x128xf32, #tpu.memory_space<hbm>>) target_semaphore(%arg20 : memref<!tpu.dma_semaphore, #tpu.memory_space<semaphore_mem>>)
    %dma_start3A_99 = arith.constant 0 : i32
    %dma_start3A_100 = tpu.memref_slice %arg7[%select_n3A_94, %dma_start3A_99] : memref<64128x128xf32, #tpu.memory_space<hbm>> -> memref<128x128xf32, #tpu.memory_space<hbm>>
    %dma_start3A_101 = arith.constant 0 : i32
    %dma_start3A_102 = tpu.memref_slice %arg7[%select_n3A_94, %dma_start3A_101] : memref<64128x128xf32, #tpu.memory_space<hbm>> -> memref<128x128xf32, #tpu.memory_space<hbm>>
    tpu.enqueue_dma source(%arg14 : memref<128x128xf32, #tpu.memory_space<vmem>>) target(%dma_start3A_102 : memref<128x128xf32, #tpu.memory_space<hbm>>) target_semaphore(%arg20 : memref<!tpu.dma_semaphore, #tpu.memory_space<semaphore_mem>>)
    %dma_wait3A_103 = arith.constant 0 : i32
    %dma_wait3A_104 = arith.constant 0 : i32
    %dma_wait3A_105 = tpu.memref_slice %arg2[%dma_wait3A_103, %dma_wait3A_104] : memref<10000x128xf32, #tpu.memory_space<hbm>> -> memref<10000x128xf32, #tpu.memory_space<hbm>>
    tpu.wait_indirect_dma semaphore(%arg19 : memref<!tpu.dma_semaphore, #tpu.memory_space<semaphore_mem>>) src(%dma_wait3A_105 : memref<10000x128xf32, #tpu.memory_space<hbm>>) dst(%arg13 : memref<128x128xf32, #tpu.memory_space<vmem>>)
    %dma_wait3A_106 = arith.constant 0 : i32
    %dma_wait3A_107 = arith.constant 0 : i32
    %dma_wait3A_108 = tpu.memref_slice %arg3[%dma_wait3A_106, %dma_wait3A_107] : memref<10000x128xf32, #tpu.memory_space<hbm>> -> memref<10000x128xf32, #tpu.memory_space<hbm>>
    tpu.wait_indirect_dma semaphore(%arg19 : memref<!tpu.dma_semaphore, #tpu.memory_space<semaphore_mem>>) src(%dma_wait3A_108 : memref<10000x128xf32, #tpu.memory_space<hbm>>) dst(%arg15 : memref<128x128xf32, #tpu.memory_space<vmem>>)
    %dma_wait3A_109 = arith.constant 0 : i32
    %dma_wait3A_110 = arith.constant 0 : i32
    %dma_wait3A_111 = tpu.memref_slice %arg6[%dma_wait3A_109, %dma_wait3A_110] : memref<64128x128xf32, #tpu.memory_space<hbm>> -> memref<128x128xf32, #tpu.memory_space<hbm>>
    %dma_wait3A_112 = arith.constant 0 : i32
    %dma_wait3A_113 = arith.constant 0 : i32
    %dma_wait3A_114 = tpu.memref_slice %arg6[%dma_wait3A_112, %dma_wait3A_113] : memref<64128x128xf32, #tpu.memory_space<hbm>> -> memref<128x128xf32, #tpu.memory_space<hbm>>
    tpu.wait_dma2 semaphore(%arg20 : memref<!tpu.dma_semaphore, #tpu.memory_space<semaphore_mem>>) src(%arg12 : memref<128x128xf32, #tpu.memory_space<vmem>>) dst(%dma_wait3A_114 : memref<128x128xf32, #tpu.memory_space<hbm>>)
    %dma_wait3A_115 = arith.constant 0 : i32
    %dma_wait3A_116 = arith.constant 0 : i32
    %dma_wait3A_117 = tpu.memref_slice %arg7[%dma_wait3A_115, %dma_wait3A_116] : memref<64128x128xf32, #tpu.memory_space<hbm>> -> memref<128x128xf32, #tpu.memory_space<hbm>>
    %dma_wait3A_118 = arith.constant 0 : i32
    %dma_wait3A_119 = arith.constant 0 : i32
    %dma_wait3A_120 = tpu.memref_slice %arg7[%dma_wait3A_118, %dma_wait3A_119] : memref<64128x128xf32, #tpu.memory_space<hbm>> -> memref<128x128xf32, #tpu.memory_space<hbm>>
    tpu.wait_dma2 semaphore(%arg20 : memref<!tpu.dma_semaphore, #tpu.memory_space<semaphore_mem>>) src(%arg14 : memref<128x128xf32, #tpu.memory_space<vmem>>) dst(%dma_wait3A_120 : memref<128x128xf32, #tpu.memory_space<hbm>>)
    %add3A_121 = arith.constant 480 : i32
    %add3A_122 = arith.addi %add3A, %add3A_121 : i32
    %lt3A_123 = arith.constant 500 : i32
    %lt3A_124 = arith.cmpi slt, %add3A_122, %lt3A_123 : i32
    %mul3A_125 = arith.constant 128 : i32
    %mul3A_126 = arith.muli %add3A_122, %mul3A_125 : i32
    %jit3A_127 = arith.constant 64000 : i32
    %select_n3A_128 = arith.select %lt3A_124, %mul3A_126, %jit3A_127 : i32
    %dma_start3A_129 = arith.constant 0 : i32
    %dma_start3A_130 = tpu.memref_slice %arg6[%select_n3A_128, %dma_start3A_129] : memref<64128x128xf32, #tpu.memory_space<hbm>> -> memref<128x128xf32, #tpu.memory_space<hbm>>
    %dma_start3A_131 = arith.constant 0 : i32
    %dma_start3A_132 = tpu.memref_slice %arg6[%select_n3A_128, %dma_start3A_131] : memref<64128x128xf32, #tpu.memory_space<hbm>> -> memref<128x128xf32, #tpu.memory_space<hbm>>
    tpu.enqueue_dma source(%arg13 : memref<128x128xf32, #tpu.memory_space<vmem>>) target(%dma_start3A_132 : memref<128x128xf32, #tpu.memory_space<hbm>>) target_semaphore(%arg21 : memref<!tpu.dma_semaphore, #tpu.memory_space<semaphore_mem>>)
    %dma_start3A_133 = arith.constant 0 : i32
    %dma_start3A_134 = tpu.memref_slice %arg7[%select_n3A_128, %dma_start3A_133] : memref<64128x128xf32, #tpu.memory_space<hbm>> -> memref<128x128xf32, #tpu.memory_space<hbm>>
    %dma_start3A_135 = arith.constant 0 : i32
    %dma_start3A_136 = tpu.memref_slice %arg7[%select_n3A_128, %dma_start3A_135] : memref<64128x128xf32, #tpu.memory_space<hbm>> -> memref<128x128xf32, #tpu.memory_space<hbm>>
    tpu.enqueue_dma source(%arg15 : memref<128x128xf32, #tpu.memory_space<vmem>>) target(%dma_start3A_136 : memref<128x128xf32, #tpu.memory_space<hbm>>) target_semaphore(%arg21 : memref<!tpu.dma_semaphore, #tpu.memory_space<semaphore_mem>>)
    %dma_wait3A_137 = arith.constant 0 : i32
    %dma_wait3A_138 = arith.constant 0 : i32
    %dma_wait3A_139 = tpu.memref_slice %arg6[%dma_wait3A_137, %dma_wait3A_138] : memref<64128x128xf32, #tpu.memory_space<hbm>> -> memref<128x128xf32, #tpu.memory_space<hbm>>
    %dma_wait3A_140 = arith.constant 0 : i32
    %dma_wait3A_141 = arith.constant 0 : i32
    %dma_wait3A_142 = tpu.memref_slice %arg6[%dma_wait3A_140, %dma_wait3A_141] : memref<64128x128xf32, #tpu.memory_space<hbm>> -> memref<128x128xf32, #tpu.memory_space<hbm>>
    tpu.wait_dma2 semaphore(%arg21 : memref<!tpu.dma_semaphore, #tpu.memory_space<semaphore_mem>>) src(%arg13 : memref<128x128xf32, #tpu.memory_space<vmem>>) dst(%dma_wait3A_142 : memref<128x128xf32, #tpu.memory_space<hbm>>)
    %dma_wait3A_143 = arith.constant 0 : i32
    %dma_wait3A_144 = arith.constant 0 : i32
    %dma_wait3A_145 = tpu.memref_slice %arg7[%dma_wait3A_143, %dma_wait3A_144] : memref<64128x128xf32, #tpu.memory_space<hbm>> -> memref<128x128xf32, #tpu.memory_space<hbm>>
    %dma_wait3A_146 = arith.constant 0 : i32
    %dma_wait3A_147 = arith.constant 0 : i32
    %dma_wait3A_148 = tpu.memref_slice %arg7[%dma_wait3A_146, %dma_wait3A_147] : memref<64128x128xf32, #tpu.memory_space<hbm>> -> memref<128x128xf32, #tpu.memory_space<hbm>>
    tpu.wait_dma2 semaphore(%arg21 : memref<!tpu.dma_semaphore, #tpu.memory_space<semaphore_mem>>) src(%arg15 : memref<128x128xf32, #tpu.memory_space<vmem>>) dst(%dma_wait3A_148 : memref<128x128xf32, #tpu.memory_space<hbm>>)
    return
  }
}

#map = affine_map<(d0, d1) -> (0, 0)>
#map1 = affine_map<(d0, d1) -> (0)>
module attributes {stable_mosaic.version = 14 : i64} {
  func.func @_gather_body(%arg0: i32, %arg1: i32, %arg2: memref<10000x128xf32, #tpu.memory_space<hbm>>, %arg3: memref<10000x128xf32, #tpu.memory_space<hbm>>, %arg4: memref<64000xi32, #tpu.memory_space<hbm>>, %arg5: memref<64000xi32, #tpu.memory_space<hbm>>, %arg6: memref<64128x128xf32, #tpu.memory_space<hbm>>, %arg7: memref<64128x128xf32, #tpu.memory_space<hbm>>, %arg8: memref<128xi32, #tpu.memory_space<vmem>>, %arg9: memref<128xi32, #tpu.memory_space<vmem>>, %arg10: memref<128xi32, #tpu.memory_space<vmem>>, %arg11: memref<128xi32, #tpu.memory_space<vmem>>, %arg12: memref<128x128xf32, #tpu.memory_space<vmem>>, %arg13: memref<128x128xf32, #tpu.memory_space<vmem>>, %arg14: memref<128x128xf32, #tpu.memory_space<vmem>>, %arg15: memref<128x128xf32, #tpu.memory_space<vmem>>, %arg16: memref<!tpu.dma_semaphore, #tpu.memory_space<semaphore_mem>>, %arg17: memref<!tpu.dma_semaphore, #tpu.memory_space<semaphore_mem>>, %arg18: memref<!tpu.dma_semaphore, #tpu.memory_space<semaphore_mem>>, %arg19: memref<!tpu.dma_semaphore, #tpu.memory_space<semaphore_mem>>, %arg20: memref<!tpu.dma_semaphore, #tpu.memory_space<semaphore_mem>>, %arg21: memref<!tpu.dma_semaphore, #tpu.memory_space<semaphore_mem>>) attributes {dimension_semantics = [#tpu.dimension_semantics<core_parallel>, #tpu.dimension_semantics<subcore_parallel>], iteration_bounds = array<i64: 2, 16>, scalar_prefetch = 0 : i64, scratch_operands = 14 : i64, tpu.core_type = #tpu.core_type<sc_vector_subcore>, window_params = [{transform_indices = #map}, {transform_indices = #map}, {transform_indices = #map1}, {transform_indices = #map1}, {transform_indices = #map}, {transform_indices = #map}]} {
    %mul3A = arith.constant 2 : i32
    %mul3A_0 = arith.muli %arg1, %mul3A : i32
    %add3A = arith.addi %mul3A_0, %arg0 : i32
    %add3A_1 = arith.constant 0 : i32
    %add3A_2 = arith.addi %add3A, %add3A_1 : i32
    %lt3A = arith.constant 500 : i32
    %lt3A_3 = arith.cmpi slt, %add3A_2, %lt3A : i32
    %jit3A = arith.constant 0 : i32
    %select_n3A = arith.select %lt3A_3, %add3A_2, %jit3A : i32
    %mul3A_4 = arith.constant 128 : i32
    %mul3A_5 = arith.muli %select_n3A, %mul3A_4 : i32
    %dma_start3A = tpu.memref_slice %arg4[%mul3A_5] : memref<64000xi32, #tpu.memory_space<hbm>> -> memref<128xi32, #tpu.memory_space<hbm>>
    %dma_start3A_6 = tpu.memref_slice %arg4[%mul3A_5] : memref<64000xi32, #tpu.memory_space<hbm>> -> memref<128xi32, #tpu.memory_space<hbm>>
    tpu.enqueue_dma source(%dma_start3A_6 : memref<128xi32, #tpu.memory_space<hbm>>) target(%arg8 : memref<128xi32, #tpu.memory_space<vmem>>) target_semaphore(%arg16 : memref<!tpu.dma_semaphore, #tpu.memory_space<semaphore_mem>>)
    %dma_start3A_7 = tpu.memref_slice %arg5[%mul3A_5] : memref<64000xi32, #tpu.memory_space<hbm>> -> memref<128xi32, #tpu.memory_space<hbm>>
    %dma_start3A_8 = tpu.memref_slice %arg5[%mul3A_5] : memref<64000xi32, #tpu.memory_space<hbm>> -> memref<128xi32, #tpu.memory_space<hbm>>
    tpu.enqueue_dma source(%dma_start3A_8 : memref<128xi32, #tpu.memory_space<hbm>>) target(%arg10 : memref<128xi32, #tpu.memory_space<vmem>>) target_semaphore(%arg16 : memref<!tpu.dma_semaphore, #tpu.memory_space<semaphore_mem>>)
    %add3A_9 = arith.constant 32 : i32
    %add3A_10 = arith.addi %add3A, %add3A_9 : i32
    %lt3A_11 = arith.constant 500 : i32
    %lt3A_12 = arith.cmpi slt, %add3A_10, %lt3A_11 : i32
    %jit3A_13 = arith.constant 0 : i32
    %select_n3A_14 = arith.select %lt3A_12, %add3A_10, %jit3A_13 : i32
    %mul3A_15 = arith.constant 128 : i32
    %mul3A_16 = arith.muli %select_n3A_14, %mul3A_15 : i32
    %dma_start3A_17 = tpu.memref_slice %arg4[%mul3A_16] : memref<64000xi32, #tpu.memory_space<hbm>> -> memref<128xi32, #tpu.memory_space<hbm>>
    %dma_start3A_18 = tpu.memref_slice %arg4[%mul3A_16] : memref<64000xi32, #tpu.memory_space<hbm>> -> memref<128xi32, #tpu.memory_space<hbm>>
    tpu.enqueue_dma source(%dma_start3A_18 : memref<128xi32, #tpu.memory_space<hbm>>) target(%arg9 : memref<128xi32, #tpu.memory_space<vmem>>) target_semaphore(%arg17 : memref<!tpu.dma_semaphore, #tpu.memory_space<semaphore_mem>>)
    %dma_start3A_19 = tpu.memref_slice %arg5[%mul3A_16] : memref<64000xi32, #tpu.memory_space<hbm>> -> memref<128xi32, #tpu.memory_space<hbm>>
    %dma_start3A_20 = tpu.memref_slice %arg5[%mul3A_16] : memref<64000xi32, #tpu.memory_space<hbm>> -> memref<128xi32, #tpu.memory_space<hbm>>
    tpu.enqueue_dma source(%dma_start3A_20 : memref<128xi32, #tpu.memory_space<hbm>>) target(%arg11 : memref<128xi32, #tpu.memory_space<vmem>>) target_semaphore(%arg17 : memref<!tpu.dma_semaphore, #tpu.memory_space<semaphore_mem>>)
    %dma_wait3A = arith.constant 0 : i32
    %dma_wait3A_21 = tpu.memref_slice %arg4[%dma_wait3A] : memref<64000xi32, #tpu.memory_space<hbm>> -> memref<128xi32, #tpu.memory_space<hbm>>
    %dma_wait3A_22 = arith.constant 0 : i32
    %dma_wait3A_23 = tpu.memref_slice %arg4[%dma_wait3A_22] : memref<64000xi32, #tpu.memory_space<hbm>> -> memref<128xi32, #tpu.memory_space<hbm>>
    tpu.wait_dma2 semaphore(%arg16 : memref<!tpu.dma_semaphore, #tpu.memory_space<semaphore_mem>>) src(%dma_wait3A_23 : memref<128xi32, #tpu.memory_space<hbm>>) dst(%arg8 : memref<128xi32, #tpu.memory_space<vmem>>)
    %dma_wait3A_24 = arith.constant 0 : i32
    %dma_wait3A_25 = tpu.memref_slice %arg5[%dma_wait3A_24] : memref<64000xi32, #tpu.memory_space<hbm>> -> memref<128xi32, #tpu.memory_space<hbm>>
    %dma_wait3A_26 = arith.constant 0 : i32
    %dma_wait3A_27 = tpu.memref_slice %arg5[%dma_wait3A_26] : memref<64000xi32, #tpu.memory_space<hbm>> -> memref<128xi32, #tpu.memory_space<hbm>>
    tpu.wait_dma2 semaphore(%arg16 : memref<!tpu.dma_semaphore, #tpu.memory_space<semaphore_mem>>) src(%dma_wait3A_27 : memref<128xi32, #tpu.memory_space<hbm>>) dst(%arg10 : memref<128xi32, #tpu.memory_space<vmem>>)
    %dma_start3A_28 = arith.constant 0 : i32
    %dma_start3A_29 = arith.constant 0 : i32
    %dma_start3A_30 = tpu.memref_slice %arg2[%dma_start3A_28, %dma_start3A_29] : memref<10000x128xf32, #tpu.memory_space<hbm>> -> memref<10000x128xf32, #tpu.memory_space<hbm>>
    tpu.enqueue_indirect_dma source(%dma_start3A_30 : memref<10000x128xf32, #tpu.memory_space<hbm>>) target(%arg12 : memref<128x128xf32, #tpu.memory_space<vmem>>) offsets(%arg8 : memref<128xi32, #tpu.memory_space<vmem>>) semaphore(%arg18 : memref<!tpu.dma_semaphore, #tpu.memory_space<semaphore_mem>>)
    %dma_start3A_31 = arith.constant 0 : i32
    %dma_start3A_32 = arith.constant 0 : i32
    %dma_start3A_33 = tpu.memref_slice %arg3[%dma_start3A_31, %dma_start3A_32] : memref<10000x128xf32, #tpu.memory_space<hbm>> -> memref<10000x128xf32, #tpu.memory_space<hbm>>
    tpu.enqueue_indirect_dma source(%dma_start3A_33 : memref<10000x128xf32, #tpu.memory_space<hbm>>) target(%arg14 : memref<128x128xf32, #tpu.memory_space<vmem>>) offsets(%arg10 : memref<128xi32, #tpu.memory_space<vmem>>) semaphore(%arg18 : memref<!tpu.dma_semaphore, #tpu.memory_space<semaphore_mem>>)
    %add3A_34 = arith.constant 512 : i32
    %add3A_35 = arith.addi %add3A, %add3A_34 : i32
    %lt3A_36 = arith.constant 500 : i32
    %lt3A_37 = arith.cmpi slt, %add3A_35, %lt3A_36 : i32
    %mul3A_38 = arith.constant 128 : i32
    %mul3A_39 = arith.muli %add3A_35, %mul3A_38 : i32
    %jit3A_40 = arith.constant 64000 : i32
    %select_n3A_41 = arith.select %lt3A_37, %mul3A_39, %jit3A_40 : i32
    %dma_start3A_42 = arith.constant 0 : i32
    %dma_start3A_43 = tpu.memref_slice %arg6[%select_n3A_41, %dma_start3A_42] : memref<64128x128xf32, #tpu.memory_space<hbm>> -> memref<128x128xf32, #tpu.memory_space<hbm>>
    %dma_start3A_44 = arith.constant 0 : i32
    %dma_start3A_45 = tpu.memref_slice %arg6[%select_n3A_41, %dma_start3A_44] : memref<64128x128xf32, #tpu.memory_space<hbm>> -> memref<128x128xf32, #tpu.memory_space<hbm>>
    tpu.enqueue_dma source(%arg13 : memref<128x128xf32, #tpu.memory_space<vmem>>) target(%dma_start3A_45 : memref<128x128xf32, #tpu.memory_space<hbm>>) target_semaphore(%arg21 : memref<!tpu.dma_semaphore, #tpu.memory_space<semaphore_mem>>)
    %dma_start3A_46 = arith.constant 0 : i32
    %dma_start3A_47 = tpu.memref_slice %arg7[%select_n3A_41, %dma_start3A_46] : memref<64128x128xf32, #tpu.memory_space<hbm>> -> memref<128x128xf32, #tpu.memory_space<hbm>>
    %dma_start3A_48 = arith.constant 0 : i32
    %dma_start3A_49 = tpu.memref_slice %arg7[%select_n3A_41, %dma_start3A_48] : memref<64128x128xf32, #tpu.memory_space<hbm>> -> memref<128x128xf32, #tpu.memory_space<hbm>>
    tpu.enqueue_dma source(%arg15 : memref<128x128xf32, #tpu.memory_space<vmem>>) target(%dma_start3A_49 : memref<128x128xf32, #tpu.memory_space<hbm>>) target_semaphore(%arg21 : memref<!tpu.dma_semaphore, #tpu.memory_space<semaphore_mem>>)
    %scan3A = arith.constant 0 : i32
    %scan3A_50 = arith.constant 0 : i32
    %scan3A_51 = arith.constant 7 : i32
    %scan3A_52 = arith.addi %scan3A_50, %scan3A_51 : i32
    %scan3A_53 = arith.constant 1 : i32
    scf.for %scan3A_149 = %scan3A_50 to %scan3A_52 step %scan3A_53  : i32 {
      %mul3A_150 = arith.constant 2 : i32
      %mul3A_151 = arith.muli %mul3A_150, %scan3A_149 : i32
      %dma_wait3A_152 = arith.constant 0 : i32
      %dma_wait3A_153 = tpu.memref_slice %arg4[%dma_wait3A_152] : memref<64000xi32, #tpu.memory_space<hbm>> -> memref<128xi32, #tpu.memory_space<hbm>>
      %dma_wait3A_154 = arith.constant 0 : i32
      %dma_wait3A_155 = tpu.memref_slice %arg4[%dma_wait3A_154] : memref<64000xi32, #tpu.memory_space<hbm>> -> memref<128xi32, #tpu.memory_space<hbm>>
      tpu.wait_dma2 semaphore(%arg17 : memref<!tpu.dma_semaphore, #tpu.memory_space<semaphore_mem>>) src(%dma_wait3A_155 : memref<128xi32, #tpu.memory_space<hbm>>) dst(%arg9 : memref<128xi32, #tpu.memory_space<vmem>>)
      %dma_wait3A_156 = arith.constant 0 : i32
      %dma_wait3A_157 = tpu.memref_slice %arg5[%dma_wait3A_156] : memref<64000xi32, #tpu.memory_space<hbm>> -> memref<128xi32, #tpu.memory_space<hbm>>
      %dma_wait3A_158 = arith.constant 0 : i32
      %dma_wait3A_159 = tpu.memref_slice %arg5[%dma_wait3A_158] : memref<64000xi32, #tpu.memory_space<hbm>> -> memref<128xi32, #tpu.memory_space<hbm>>
      tpu.wait_dma2 semaphore(%arg17 : memref<!tpu.dma_semaphore, #tpu.memory_space<semaphore_mem>>) src(%dma_wait3A_159 : memref<128xi32, #tpu.memory_space<hbm>>) dst(%arg11 : memref<128xi32, #tpu.memory_space<vmem>>)
      %dma_wait3A_160 = arith.constant 0 : i32
      %dma_wait3A_161 = arith.constant 0 : i32
      %dma_wait3A_162 = tpu.memref_slice %arg6[%dma_wait3A_160, %dma_wait3A_161] : memref<64128x128xf32, #tpu.memory_space<hbm>> -> memref<128x128xf32, #tpu.memory_space<hbm>>
      %dma_wait3A_163 = arith.constant 0 : i32
      %dma_wait3A_164 = arith.constant 0 : i32
      %dma_wait3A_165 = tpu.memref_slice %arg6[%dma_wait3A_163, %dma_wait3A_164] : memref<64128x128xf32, #tpu.memory_space<hbm>> -> memref<128x128xf32, #tpu.memory_space<hbm>>
      tpu.wait_dma2 semaphore(%arg21 : memref<!tpu.dma_semaphore, #tpu.memory_space<semaphore_mem>>) src(%arg13 : memref<128x128xf32, #tpu.memory_space<vmem>>) dst(%dma_wait3A_165 : memref<128x128xf32, #tpu.memory_space<hbm>>)
      %dma_wait3A_166 = arith.constant 0 : i32
      %dma_wait3A_167 = arith.constant 0 : i32
      %dma_wait3A_168 = tpu.memref_slice %arg7[%dma_wait3A_166, %dma_wait3A_167] : memref<64128x128xf32, #tpu.memory_space<hbm>> -> memref<128x128xf32, #tpu.memory_space<hbm>>
      %dma_wait3A_169 = arith.constant 0 : i32
      %dma_wait3A_170 = arith.constant 0 : i32
      %dma_wait3A_171 = tpu.memref_slice %arg7[%dma_wait3A_169, %dma_wait3A_170] : memref<64128x128xf32, #tpu.memory_space<hbm>> -> memref<128x128xf32, #tpu.memory_space<hbm>>
      tpu.wait_dma2 semaphore(%arg21 : memref<!tpu.dma_semaphore, #tpu.memory_space<semaphore_mem>>) src(%arg15 : memref<128x128xf32, #tpu.memory_space<vmem>>) dst(%dma_wait3A_171 : memref<128x128xf32, #tpu.memory_space<hbm>>)
      %dma_start3A_172 = arith.constant 0 : i32
      %dma_start3A_173 = arith.constant 0 : i32
      %dma_start3A_174 = tpu.memref_slice %arg2[%dma_start3A_172, %dma_start3A_173] : memref<10000x128xf32, #tpu.memory_space<hbm>> -> memref<10000x128xf32, #tpu.memory_space<hbm>>
      tpu.enqueue_indirect_dma source(%dma_start3A_174 : memref<10000x128xf32, #tpu.memory_space<hbm>>) target(%arg13 : memref<128x128xf32, #tpu.memory_space<vmem>>) offsets(%arg9 : memref<128xi32, #tpu.memory_space<vmem>>) semaphore(%arg19 : memref<!tpu.dma_semaphore, #tpu.memory_space<semaphore_mem>>)
      %dma_start3A_175 = arith.constant 0 : i32
      %dma_start3A_176 = arith.constant 0 : i32
      %dma_start3A_177 = tpu.memref_slice %arg3[%dma_start3A_175, %dma_start3A_176] : memref<10000x128xf32, #tpu.memory_space<hbm>> -> memref<10000x128xf32, #tpu.memory_space<hbm>>
      tpu.enqueue_indirect_dma source(%dma_start3A_177 : memref<10000x128xf32, #tpu.memory_space<hbm>>) target(%arg15 : memref<128x128xf32, #tpu.memory_space<vmem>>) offsets(%arg11 : memref<128xi32, #tpu.memory_space<vmem>>) semaphore(%arg19 : memref<!tpu.dma_semaphore, #tpu.memory_space<semaphore_mem>>)
      %dma_wait3A_178 = arith.constant 0 : i32
      %dma_wait3A_179 = arith.constant 0 : i32
      %dma_wait3A_180 = tpu.memref_slice %arg2[%dma_wait3A_178, %dma_wait3A_179] : memref<10000x128xf32, #tpu.memory_space<hbm>> -> memref<10000x128xf32, #tpu.memory_space<hbm>>
      tpu.wait_indirect_dma semaphore(%arg18 : memref<!tpu.dma_semaphore, #tpu.memory_space<semaphore_mem>>) src(%dma_wait3A_180 : memref<10000x128xf32, #tpu.memory_space<hbm>>) dst(%arg12 : memref<128x128xf32, #tpu.memory_space<vmem>>)
      %dma_wait3A_181 = arith.constant 0 : i32
      %dma_wait3A_182 = arith.constant 0 : i32
      %dma_wait3A_183 = tpu.memref_slice %arg3[%dma_wait3A_181, %dma_wait3A_182] : memref<10000x128xf32, #tpu.memory_space<hbm>> -> memref<10000x128xf32, #tpu.memory_space<hbm>>
      tpu.wait_indirect_dma semaphore(%arg18 : memref<!tpu.dma_semaphore, #tpu.memory_space<semaphore_mem>>) src(%dma_wait3A_183 : memref<10000x128xf32, #tpu.memory_space<hbm>>) dst(%arg14 : memref<128x128xf32, #tpu.memory_space<vmem>>)
      %mul3A_184 = arith.constant 32 : i32
      %mul3A_185 = arith.muli %mul3A_184, %mul3A_151 : i32
      %add3A_186 = arith.addi %add3A, %mul3A_185 : i32
      %lt3A_187 = arith.constant 500 : i32
      %lt3A_188 = arith.cmpi slt, %add3A_186, %lt3A_187 : i32
      %mul3A_189 = arith.constant 128 : i32
      %mul3A_190 = arith.muli %add3A_186, %mul3A_189 : i32
      %jit3A_191 = arith.constant 64000 : i32
      %select_n3A_192 = arith.select %lt3A_188, %mul3A_190, %jit3A_191 : i32
      %dma_start3A_193 = arith.constant 0 : i32
      %dma_start3A_194 = tpu.memref_slice %arg6[%select_n3A_192, %dma_start3A_193] : memref<64128x128xf32, #tpu.memory_space<hbm>> -> memref<128x128xf32, #tpu.memory_space<hbm>>
      %dma_start3A_195 = arith.constant 0 : i32
      %dma_start3A_196 = tpu.memref_slice %arg6[%select_n3A_192, %dma_start3A_195] : memref<64128x128xf32, #tpu.memory_space<hbm>> -> memref<128x128xf32, #tpu.memory_space<hbm>>
      tpu.enqueue_dma source(%arg12 : memref<128x128xf32, #tpu.memory_space<vmem>>) target(%dma_start3A_196 : memref<128x128xf32, #tpu.memory_space<hbm>>) target_semaphore(%arg20 : memref<!tpu.dma_semaphore, #tpu.memory_space<semaphore_mem>>)
      %dma_start3A_197 = arith.constant 0 : i32
      %dma_start3A_198 = tpu.memref_slice %arg7[%select_n3A_192, %dma_start3A_197] : memref<64128x128xf32, #tpu.memory_space<hbm>> -> memref<128x128xf32, #tpu.memory_space<hbm>>
      %dma_start3A_199 = arith.constant 0 : i32
      %dma_start3A_200 = tpu.memref_slice %arg7[%select_n3A_192, %dma_start3A_199] : memref<64128x128xf32, #tpu.memory_space<hbm>> -> memref<128x128xf32, #tpu.memory_space<hbm>>
      tpu.enqueue_dma source(%arg14 : memref<128x128xf32, #tpu.memory_space<vmem>>) target(%dma_start3A_200 : memref<128x128xf32, #tpu.memory_space<hbm>>) target_semaphore(%arg20 : memref<!tpu.dma_semaphore, #tpu.memory_space<semaphore_mem>>)
      %add3A_201 = arith.constant 2 : i32
      %add3A_202 = arith.addi %mul3A_151, %add3A_201 : i32
      %mul3A_203 = arith.constant 32 : i32
      %mul3A_204 = arith.muli %mul3A_203, %add3A_202 : i32
      %add3A_205 = arith.addi %add3A, %mul3A_204 : i32
      %lt3A_206 = arith.constant 500 : i32
      %lt3A_207 = arith.cmpi slt, %add3A_205, %lt3A_206 : i32
      %jit3A_208 = arith.constant 0 : i32
      %select_n3A_209 = arith.select %lt3A_207, %add3A_205, %jit3A_208 : i32
      %mul3A_210 = arith.constant 128 : i32
      %mul3A_211 = arith.muli %select_n3A_209, %mul3A_210 : i32
      %dma_start3A_212 = tpu.memref_slice %arg4[%mul3A_211] : memref<64000xi32, #tpu.memory_space<hbm>> -> memref<128xi32, #tpu.memory_space<hbm>>
      %dma_start3A_213 = tpu.memref_slice %arg4[%mul3A_211] : memref<64000xi32, #tpu.memory_space<hbm>> -> memref<128xi32, #tpu.memory_space<hbm>>
      tpu.enqueue_dma source(%dma_start3A_213 : memref<128xi32, #tpu.memory_space<hbm>>) target(%arg8 : memref<128xi32, #tpu.memory_space<vmem>>) target_semaphore(%arg16 : memref<!tpu.dma_semaphore, #tpu.memory_space<semaphore_mem>>)
      %dma_start3A_214 = tpu.memref_slice %arg5[%mul3A_211] : memref<64000xi32, #tpu.memory_space<hbm>> -> memref<128xi32, #tpu.memory_space<hbm>>
      %dma_start3A_215 = tpu.memref_slice %arg5[%mul3A_211] : memref<64000xi32, #tpu.memory_space<hbm>> -> memref<128xi32, #tpu.memory_space<hbm>>
      tpu.enqueue_dma source(%dma_start3A_215 : memref<128xi32, #tpu.memory_space<hbm>>) target(%arg10 : memref<128xi32, #tpu.memory_space<vmem>>) target_semaphore(%arg16 : memref<!tpu.dma_semaphore, #tpu.memory_space<semaphore_mem>>)
      %dma_wait3A_216 = arith.constant 0 : i32
      %dma_wait3A_217 = tpu.memref_slice %arg4[%dma_wait3A_216] : memref<64000xi32, #tpu.memory_space<hbm>> -> memref<128xi32, #tpu.memory_space<hbm>>
      %dma_wait3A_218 = arith.constant 0 : i32
      %dma_wait3A_219 = tpu.memref_slice %arg4[%dma_wait3A_218] : memref<64000xi32, #tpu.memory_space<hbm>> -> memref<128xi32, #tpu.memory_space<hbm>>
      tpu.wait_dma2 semaphore(%arg16 : memref<!tpu.dma_semaphore, #tpu.memory_space<semaphore_mem>>) src(%dma_wait3A_219 : memref<128xi32, #tpu.memory_space<hbm>>) dst(%arg8 : memref<128xi32, #tpu.memory_space<vmem>>)
      %dma_wait3A_220 = arith.constant 0 : i32
      %dma_wait3A_221 = tpu.memref_slice %arg5[%dma_wait3A_220] : memref<64000xi32, #tpu.memory_space<hbm>> -> memref<128xi32, #tpu.memory_space<hbm>>
      %dma_wait3A_222 = arith.constant 0 : i32
      %dma_wait3A_223 = tpu.memref_slice %arg5[%dma_wait3A_222] : memref<64000xi32, #tpu.memory_space<hbm>> -> memref<128xi32, #tpu.memory_space<hbm>>
      tpu.wait_dma2 semaphore(%arg16 : memref<!tpu.dma_semaphore, #tpu.memory_space<semaphore_mem>>) src(%dma_wait3A_223 : memref<128xi32, #tpu.memory_space<hbm>>) dst(%arg10 : memref<128xi32, #tpu.memory_space<vmem>>)
      %dma_wait3A_224 = arith.constant 0 : i32
      %dma_wait3A_225 = arith.constant 0 : i32
      %dma_wait3A_226 = tpu.memref_slice %arg6[%dma_wait3A_224, %dma_wait3A_225] : memref<64128x128xf32, #tpu.memory_space<hbm>> -> memref<128x128xf32, #tpu.memory_space<hbm>>
      %dma_wait3A_227 = arith.constant 0 : i32
      %dma_wait3A_228 = arith.constant 0 : i32
      %dma_wait3A_229 = tpu.memref_slice %arg6[%dma_wait3A_227, %dma_wait3A_228] : memref<64128x128xf32, #tpu.memory_space<hbm>> -> memref<128x128xf32, #tpu.memory_space<hbm>>
      tpu.wait_dma2 semaphore(%arg20 : memref<!tpu.dma_semaphore, #tpu.memory_space<semaphore_mem>>) src(%arg12 : memref<128x128xf32, #tpu.memory_space<vmem>>) dst(%dma_wait3A_229 : memref<128x128xf32, #tpu.memory_space<hbm>>)
      %dma_wait3A_230 = arith.constant 0 : i32
      %dma_wait3A_231 = arith.constant 0 : i32
      %dma_wait3A_232 = tpu.memref_slice %arg7[%dma_wait3A_230, %dma_wait3A_231] : memref<64128x128xf32, #tpu.memory_space<hbm>> -> memref<128x128xf32, #tpu.memory_space<hbm>>
      %dma_wait3A_233 = arith.constant 0 : i32
      %dma_wait3A_234 = arith.constant 0 : i32
      %dma_wait3A_235 = tpu.memref_slice %arg7[%dma_wait3A_233, %dma_wait3A_234] : memref<64128x128xf32, #tpu.memory_space<hbm>> -> memref<128x128xf32, #tpu.memory_space<hbm>>
      tpu.wait_dma2 semaphore(%arg20 : memref<!tpu.dma_semaphore, #tpu.memory_space<semaphore_mem>>) src(%arg14 : memref<128x128xf32, #tpu.memory_space<vmem>>) dst(%dma_wait3A_235 : memref<128x128xf32, #tpu.memory_space<hbm>>)
      %dma_start3A_236 = arith.constant 0 : i32
      %dma_start3A_237 = arith.constant 0 : i32
      %dma_start3A_238 = tpu.memref_slice %arg2[%dma_start3A_236, %dma_start3A_237] : memref<10000x128xf32, #tpu.memory_space<hbm>> -> memref<10000x128xf32, #tpu.memory_space<hbm>>
      tpu.enqueue_indirect_dma source(%dma_start3A_238 : memref<10000x128xf32, #tpu.memory_space<hbm>>) target(%arg12 : memref<128x128xf32, #tpu.memory_space<vmem>>) offsets(%arg8 : memref<128xi32, #tpu.memory_space<vmem>>) semaphore(%arg18 : memref<!tpu.dma_semaphore, #tpu.memory_space<semaphore_mem>>)
      %dma_start3A_239 = arith.constant 0 : i32
      %dma_start3A_240 = arith.constant 0 : i32
      %dma_start3A_241 = tpu.memref_slice %arg3[%dma_start3A_239, %dma_start3A_240] : memref<10000x128xf32, #tpu.memory_space<hbm>> -> memref<10000x128xf32, #tpu.memory_space<hbm>>
      tpu.enqueue_indirect_dma source(%dma_start3A_241 : memref<10000x128xf32, #tpu.memory_space<hbm>>) target(%arg14 : memref<128x128xf32, #tpu.memory_space<vmem>>) offsets(%arg10 : memref<128xi32, #tpu.memory_space<vmem>>) semaphore(%arg18 : memref<!tpu.dma_semaphore, #tpu.memory_space<semaphore_mem>>)
      %dma_wait3A_242 = arith.constant 0 : i32
      %dma_wait3A_243 = arith.constant 0 : i32
      %dma_wait3A_244 = tpu.memref_slice %arg2[%dma_wait3A_242, %dma_wait3A_243] : memref<10000x128xf32, #tpu.memory_space<hbm>> -> memref<10000x128xf32, #tpu.memory_space<hbm>>
      tpu.wait_indirect_dma semaphore(%arg19 : memref<!tpu.dma_semaphore, #tpu.memory_space<semaphore_mem>>) src(%dma_wait3A_244 : memref<10000x128xf32, #tpu.memory_space<hbm>>) dst(%arg13 : memref<128x128xf32, #tpu.memory_space<vmem>>)
      %dma_wait3A_245 = arith.constant 0 : i32
      %dma_wait3A_246 = arith.constant 0 : i32
      %dma_wait3A_247 = tpu.memref_slice %arg3[%dma_wait3A_245, %dma_wait3A_246] : memref<10000x128xf32, #tpu.memory_space<hbm>> -> memref<10000x128xf32, #tpu.memory_space<hbm>>
      tpu.wait_indirect_dma semaphore(%arg19 : memref<!tpu.dma_semaphore, #tpu.memory_space<semaphore_mem>>) src(%dma_wait3A_247 : memref<10000x128xf32, #tpu.memory_space<hbm>>) dst(%arg15 : memref<128x128xf32, #tpu.memory_space<vmem>>)
      %add3A_248 = arith.constant 1 : i32
      %add3A_249 = arith.addi %mul3A_151, %add3A_248 : i32
      %mul3A_250 = arith.constant 32 : i32
      %mul3A_251 = arith.muli %mul3A_250, %add3A_249 : i32
      %add3A_252 = arith.addi %add3A, %mul3A_251 : i32
      %lt3A_253 = arith.constant 500 : i32
      %lt3A_254 = arith.cmpi slt, %add3A_252, %lt3A_253 : i32
      %mul3A_255 = arith.constant 128 : i32
      %mul3A_256 = arith.muli %add3A_252, %mul3A_255 : i32
      %jit3A_257 = arith.constant 64000 : i32
      %select_n3A_258 = arith.select %lt3A_254, %mul3A_256, %jit3A_257 : i32
      %dma_start3A_259 = arith.constant 0 : i32
      %dma_start3A_260 = tpu.memref_slice %arg6[%select_n3A_258, %dma_start3A_259] : memref<64128x128xf32, #tpu.memory_space<hbm>> -> memref<128x128xf32, #tpu.memory_space<hbm>>
      %dma_start3A_261 = arith.constant 0 : i32
      %dma_start3A_262 = tpu.memref_slice %arg6[%select_n3A_258, %dma_start3A_261] : memref<64128x128xf32, #tpu.memory_space<hbm>> -> memref<128x128xf32, #tpu.memory_space<hbm>>
      tpu.enqueue_dma source(%arg13 : memref<128x128xf32, #tpu.memory_space<vmem>>) target(%dma_start3A_262 : memref<128x128xf32, #tpu.memory_space<hbm>>) target_semaphore(%arg21 : memref<!tpu.dma_semaphore, #tpu.memory_space<semaphore_mem>>)
      %dma_start3A_263 = arith.constant 0 : i32
      %dma_start3A_264 = tpu.memref_slice %arg7[%select_n3A_258, %dma_start3A_263] : memref<64128x128xf32, #tpu.memory_space<hbm>> -> memref<128x128xf32, #tpu.memory_space<hbm>>
      %dma_start3A_265 = arith.constant 0 : i32
      %dma_start3A_266 = tpu.memref_slice %arg7[%select_n3A_258, %dma_start3A_265] : memref<64128x128xf32, #tpu.memory_space<hbm>> -> memref<128x128xf32, #tpu.memory_space<hbm>>
      tpu.enqueue_dma source(%arg15 : memref<128x128xf32, #tpu.memory_space<vmem>>) target(%dma_start3A_266 : memref<128x128xf32, #tpu.memory_space<hbm>>) target_semaphore(%arg21 : memref<!tpu.dma_semaphore, #tpu.memory_space<semaphore_mem>>)
      %add3A_267 = arith.constant 3 : i32
      %add3A_268 = arith.addi %mul3A_151, %add3A_267 : i32
      %mul3A_269 = arith.constant 32 : i32
      %mul3A_270 = arith.muli %mul3A_269, %add3A_268 : i32
      %add3A_271 = arith.addi %add3A, %mul3A_270 : i32
      %lt3A_272 = arith.constant 500 : i32
      %lt3A_273 = arith.cmpi slt, %add3A_271, %lt3A_272 : i32
      %jit3A_274 = arith.constant 0 : i32
      %select_n3A_275 = arith.select %lt3A_273, %add3A_271, %jit3A_274 : i32
      %mul3A_276 = arith.constant 128 : i32
      %mul3A_277 = arith.muli %select_n3A_275, %mul3A_276 : i32
      %dma_start3A_278 = tpu.memref_slice %arg4[%mul3A_277] : memref<64000xi32, #tpu.memory_space<hbm>> -> memref<128xi32, #tpu.memory_space<hbm>>
      %dma_start3A_279 = tpu.memref_slice %arg4[%mul3A_277] : memref<64000xi32, #tpu.memory_space<hbm>> -> memref<128xi32, #tpu.memory_space<hbm>>
      tpu.enqueue_dma source(%dma_start3A_279 : memref<128xi32, #tpu.memory_space<hbm>>) target(%arg9 : memref<128xi32, #tpu.memory_space<vmem>>) target_semaphore(%arg17 : memref<!tpu.dma_semaphore, #tpu.memory_space<semaphore_mem>>)
      %dma_start3A_280 = tpu.memref_slice %arg5[%mul3A_277] : memref<64000xi32, #tpu.memory_space<hbm>> -> memref<128xi32, #tpu.memory_space<hbm>>
      %dma_start3A_281 = tpu.memref_slice %arg5[%mul3A_277] : memref<64000xi32, #tpu.memory_space<hbm>> -> memref<128xi32, #tpu.memory_space<hbm>>
      tpu.enqueue_dma source(%dma_start3A_281 : memref<128xi32, #tpu.memory_space<hbm>>) target(%arg11 : memref<128xi32, #tpu.memory_space<vmem>>) target_semaphore(%arg17 : memref<!tpu.dma_semaphore, #tpu.memory_space<semaphore_mem>>)
    }
    %scan3A_54 = arith.constant 7 : i32
    %dma_wait3A_55 = arith.constant 0 : i32
    %dma_wait3A_56 = tpu.memref_slice %arg4[%dma_wait3A_55] : memref<64000xi32, #tpu.memory_space<hbm>> -> memref<128xi32, #tpu.memory_space<hbm>>
    %dma_wait3A_57 = arith.constant 0 : i32
    %dma_wait3A_58 = tpu.memref_slice %arg4[%dma_wait3A_57] : memref<64000xi32, #tpu.memory_space<hbm>> -> memref<128xi32, #tpu.memory_space<hbm>>
    tpu.wait_dma2 semaphore(%arg17 : memref<!tpu.dma_semaphore, #tpu.memory_space<semaphore_mem>>) src(%dma_wait3A_58 : memref<128xi32, #tpu.memory_space<hbm>>) dst(%arg9 : memref<128xi32, #tpu.memory_space<vmem>>)
    %dma_wait3A_59 = arith.constant 0 : i32
    %dma_wait3A_60 = tpu.memref_slice %arg5[%dma_wait3A_59] : memref<64000xi32, #tpu.memory_space<hbm>> -> memref<128xi32, #tpu.memory_space<hbm>>
    %dma_wait3A_61 = arith.constant 0 : i32
    %dma_wait3A_62 = tpu.memref_slice %arg5[%dma_wait3A_61] : memref<64000xi32, #tpu.memory_space<hbm>> -> memref<128xi32, #tpu.memory_space<hbm>>
    tpu.wait_dma2 semaphore(%arg17 : memref<!tpu.dma_semaphore, #tpu.memory_space<semaphore_mem>>) src(%dma_wait3A_62 : memref<128xi32, #tpu.memory_space<hbm>>) dst(%arg11 : memref<128xi32, #tpu.memory_space<vmem>>)
    %dma_wait3A_63 = arith.constant 0 : i32
    %dma_wait3A_64 = arith.constant 0 : i32
    %dma_wait3A_65 = tpu.memref_slice %arg6[%dma_wait3A_63, %dma_wait3A_64] : memref<64128x128xf32, #tpu.memory_space<hbm>> -> memref<128x128xf32, #tpu.memory_space<hbm>>
    %dma_wait3A_66 = arith.constant 0 : i32
    %dma_wait3A_67 = arith.constant 0 : i32
    %dma_wait3A_68 = tpu.memref_slice %arg6[%dma_wait3A_66, %dma_wait3A_67] : memref<64128x128xf32, #tpu.memory_space<hbm>> -> memref<128x128xf32, #tpu.memory_space<hbm>>
    tpu.wait_dma2 semaphore(%arg21 : memref<!tpu.dma_semaphore, #tpu.memory_space<semaphore_mem>>) src(%arg13 : memref<128x128xf32, #tpu.memory_space<vmem>>) dst(%dma_wait3A_68 : memref<128x128xf32, #tpu.memory_space<hbm>>)
    %dma_wait3A_69 = arith.constant 0 : i32
    %dma_wait3A_70 = arith.constant 0 : i32
    %dma_wait3A_71 = tpu.memref_slice %arg7[%dma_wait3A_69, %dma_wait3A_70] : memref<64128x128xf32, #tpu.memory_space<hbm>> -> memref<128x128xf32, #tpu.memory_space<hbm>>
    %dma_wait3A_72 = arith.constant 0 : i32
    %dma_wait3A_73 = arith.constant 0 : i32
    %dma_wait3A_74 = tpu.memref_slice %arg7[%dma_wait3A_72, %dma_wait3A_73] : memref<64128x128xf32, #tpu.memory_space<hbm>> -> memref<128x128xf32, #tpu.memory_space<hbm>>
    tpu.wait_dma2 semaphore(%arg21 : memref<!tpu.dma_semaphore, #tpu.memory_space<semaphore_mem>>) src(%arg15 : memref<128x128xf32, #tpu.memory_space<vmem>>) dst(%dma_wait3A_74 : memref<128x128xf32, #tpu.memory_space<hbm>>)
    %dma_start3A_75 = arith.constant 0 : i32
    %dma_start3A_76 = arith.constant 0 : i32
    %dma_start3A_77 = tpu.memref_slice %arg2[%dma_start3A_75, %dma_start3A_76] : memref<10000x128xf32, #tpu.memory_space<hbm>> -> memref<10000x128xf32, #tpu.memory_space<hbm>>
    tpu.enqueue_indirect_dma source(%dma_start3A_77 : memref<10000x128xf32, #tpu.memory_space<hbm>>) target(%arg13 : memref<128x128xf32, #tpu.memory_space<vmem>>) offsets(%arg9 : memref<128xi32, #tpu.memory_space<vmem>>) semaphore(%arg19 : memref<!tpu.dma_semaphore, #tpu.memory_space<semaphore_mem>>)
    %dma_start3A_78 = arith.constant 0 : i32
    %dma_start3A_79 = arith.constant 0 : i32
    %dma_start3A_80 = tpu.memref_slice %arg3[%dma_start3A_78, %dma_start3A_79] : memref<10000x128xf32, #tpu.memory_space<hbm>> -> memref<10000x128xf32, #tpu.memory_space<hbm>>
    tpu.enqueue_indirect_dma source(%dma_start3A_80 : memref<10000x128xf32, #tpu.memory_space<hbm>>) target(%arg15 : memref<128x128xf32, #tpu.memory_space<vmem>>) offsets(%arg11 : memref<128xi32, #tpu.memory_space<vmem>>) semaphore(%arg19 : memref<!tpu.dma_semaphore, #tpu.memory_space<semaphore_mem>>)
    %dma_wait3A_81 = arith.constant 0 : i32
    %dma_wait3A_82 = arith.constant 0 : i32
    %dma_wait3A_83 = tpu.memref_slice %arg2[%dma_wait3A_81, %dma_wait3A_82] : memref<10000x128xf32, #tpu.memory_space<hbm>> -> memref<10000x128xf32, #tpu.memory_space<hbm>>
    tpu.wait_indirect_dma semaphore(%arg18 : memref<!tpu.dma_semaphore, #tpu.memory_space<semaphore_mem>>) src(%dma_wait3A_83 : memref<10000x128xf32, #tpu.memory_space<hbm>>) dst(%arg12 : memref<128x128xf32, #tpu.memory_space<vmem>>)
    %dma_wait3A_84 = arith.constant 0 : i32
    %dma_wait3A_85 = arith.constant 0 : i32
    %dma_wait3A_86 = tpu.memref_slice %arg3[%dma_wait3A_84, %dma_wait3A_85] : memref<10000x128xf32, #tpu.memory_space<hbm>> -> memref<10000x128xf32, #tpu.memory_space<hbm>>
    tpu.wait_indirect_dma semaphore(%arg18 : memref<!tpu.dma_semaphore, #tpu.memory_space<semaphore_mem>>) src(%dma_wait3A_86 : memref<10000x128xf32, #tpu.memory_space<hbm>>) dst(%arg14 : memref<128x128xf32, #tpu.memory_space<vmem>>)
    %add3A_87 = arith.constant 448 : i32
    %add3A_88 = arith.addi %add3A, %add3A_87 : i32
    %lt3A_89 = arith.constant 500 : i32
    %lt3A_90 = arith.cmpi slt, %add3A_88, %lt3A_89 : i32
    %mul3A_91 = arith.constant 128 : i32
    %mul3A_92 = arith.muli %add3A_88, %mul3A_91 : i32
    %jit3A_93 = arith.constant 64000 : i32
    %select_n3A_94 = arith.select %lt3A_90, %mul3A_92, %jit3A_93 : i32
    %dma_start3A_95 = arith.constant 0 : i32
    %dma_start3A_96 = tpu.memref_slice %arg6[%select_n3A_94, %dma_start3A_95] : memref<64128x128xf32, #tpu.memory_space<hbm>> -> memref<128x128xf32, #tpu.memory_space<hbm>>
    %dma_start3A_97 = arith.constant 0 : i32
    %dma_start3A_98 = tpu.memref_slice %arg6[%select_n3A_94, %dma_start3A_97] : memref<64128x128xf32, #tpu.memory_space<hbm>> -> memref<128x128xf32, #tpu.memory_space<hbm>>
    tpu.enqueue_dma source(%arg12 : memref<128x128xf32, #tpu.memory_space<vmem>>) target(%dma_start3A_98 : memref<128x128xf32, #tpu.memory_space<hbm>>) target_semaphore(%arg20 : memref<!tpu.dma_semaphore, #tpu.memory_space<semaphore_mem>>)
    %dma_start3A_99 = arith.constant 0 : i32
    %dma_start3A_100 = tpu.memref_slice %arg7[%select_n3A_94, %dma_start3A_99] : memref<64128x128xf32, #tpu.memory_space<hbm>> -> memref<128x128xf32, #tpu.memory_space<hbm>>
    %dma_start3A_101 = arith.constant 0 : i32
    %dma_start3A_102 = tpu.memref_slice %arg7[%select_n3A_94, %dma_start3A_101] : memref<64128x128xf32, #tpu.memory_space<hbm>> -> memref<128x128xf32, #tpu.memory_space<hbm>>
    tpu.enqueue_dma source(%arg14 : memref<128x128xf32, #tpu.memory_space<vmem>>) target(%dma_start3A_102 : memref<128x128xf32, #tpu.memory_space<hbm>>) target_semaphore(%arg20 : memref<!tpu.dma_semaphore, #tpu.memory_space<semaphore_mem>>)
    %dma_wait3A_103 = arith.constant 0 : i32
    %dma_wait3A_104 = arith.constant 0 : i32
    %dma_wait3A_105 = tpu.memref_slice %arg2[%dma_wait3A_103, %dma_wait3A_104] : memref<10000x128xf32, #tpu.memory_space<hbm>> -> memref<10000x128xf32, #tpu.memory_space<hbm>>
    tpu.wait_indirect_dma semaphore(%arg19 : memref<!tpu.dma_semaphore, #tpu.memory_space<semaphore_mem>>) src(%dma_wait3A_105 : memref<10000x128xf32, #tpu.memory_space<hbm>>) dst(%arg13 : memref<128x128xf32, #tpu.memory_space<vmem>>)
    %dma_wait3A_106 = arith.constant 0 : i32
    %dma_wait3A_107 = arith.constant 0 : i32
    %dma_wait3A_108 = tpu.memref_slice %arg3[%dma_wait3A_106, %dma_wait3A_107] : memref<10000x128xf32, #tpu.memory_space<hbm>> -> memref<10000x128xf32, #tpu.memory_space<hbm>>
    tpu.wait_indirect_dma semaphore(%arg19 : memref<!tpu.dma_semaphore, #tpu.memory_space<semaphore_mem>>) src(%dma_wait3A_108 : memref<10000x128xf32, #tpu.memory_space<hbm>>) dst(%arg15 : memref<128x128xf32, #tpu.memory_space<vmem>>)
    %dma_wait3A_109 = arith.constant 0 : i32
    %dma_wait3A_110 = arith.constant 0 : i32
    %dma_wait3A_111 = tpu.memref_slice %arg6[%dma_wait3A_109, %dma_wait3A_110] : memref<64128x128xf32, #tpu.memory_space<hbm>> -> memref<128x128xf32, #tpu.memory_space<hbm>>
    %dma_wait3A_112 = arith.constant 0 : i32
    %dma_wait3A_113 = arith.constant 0 : i32
    %dma_wait3A_114 = tpu.memref_slice %arg6[%dma_wait3A_112, %dma_wait3A_113] : memref<64128x128xf32, #tpu.memory_space<hbm>> -> memref<128x128xf32, #tpu.memory_space<hbm>>
    tpu.wait_dma2 semaphore(%arg20 : memref<!tpu.dma_semaphore, #tpu.memory_space<semaphore_mem>>) src(%arg12 : memref<128x128xf32, #tpu.memory_space<vmem>>) dst(%dma_wait3A_114 : memref<128x128xf32, #tpu.memory_space<hbm>>)
    %dma_wait3A_115 = arith.constant 0 : i32
    %dma_wait3A_116 = arith.constant 0 : i32
    %dma_wait3A_117 = tpu.memref_slice %arg7[%dma_wait3A_115, %dma_wait3A_116] : memref<64128x128xf32, #tpu.memory_space<hbm>> -> memref<128x128xf32, #tpu.memory_space<hbm>>
    %dma_wait3A_118 = arith.constant 0 : i32
    %dma_wait3A_119 = arith.constant 0 : i32
    %dma_wait3A_120 = tpu.memref_slice %arg7[%dma_wait3A_118, %dma_wait3A_119] : memref<64128x128xf32, #tpu.memory_space<hbm>> -> memref<128x128xf32, #tpu.memory_space<hbm>>
    tpu.wait_dma2 semaphore(%arg20 : memref<!tpu.dma_semaphore, #tpu.memory_space<semaphore_mem>>) src(%arg14 : memref<128x128xf32, #tpu.memory_space<vmem>>) dst(%dma_wait3A_120 : memref<128x128xf32, #tpu.memory_space<hbm>>)
    %add3A_121 = arith.constant 480 : i32
    %add3A_122 = arith.addi %add3A, %add3A_121 : i32
    %lt3A_123 = arith.constant 500 : i32
    %lt3A_124 = arith.cmpi slt, %add3A_122, %lt3A_123 : i32
    %mul3A_125 = arith.constant 128 : i32
    %mul3A_126 = arith.muli %add3A_122, %mul3A_125 : i32
    %jit3A_127 = arith.constant 64000 : i32
    %select_n3A_128 = arith.select %lt3A_124, %mul3A_126, %jit3A_127 : i32
    %dma_start3A_129 = arith.constant 0 : i32
    %dma_start3A_130 = tpu.memref_slice %arg6[%select_n3A_128, %dma_start3A_129] : memref<64128x128xf32, #tpu.memory_space<hbm>> -> memref<128x128xf32, #tpu.memory_space<hbm>>
    %dma_start3A_131 = arith.constant 0 : i32
    %dma_start3A_132 = tpu.memref_slice %arg6[%select_n3A_128, %dma_start3A_131] : memref<64128x128xf32, #tpu.memory_space<hbm>> -> memref<128x128xf32, #tpu.memory_space<hbm>>
    tpu.enqueue_dma source(%arg13 : memref<128x128xf32, #tpu.memory_space<vmem>>) target(%dma_start3A_132 : memref<128x128xf32, #tpu.memory_space<hbm>>) target_semaphore(%arg21 : memref<!tpu.dma_semaphore, #tpu.memory_space<semaphore_mem>>)
    %dma_start3A_133 = arith.constant 0 : i32
    %dma_start3A_134 = tpu.memref_slice %arg7[%select_n3A_128, %dma_start3A_133] : memref<64128x128xf32, #tpu.memory_space<hbm>> -> memref<128x128xf32, #tpu.memory_space<hbm>>
    %dma_start3A_135 = arith.constant 0 : i32
    %dma_start3A_136 = tpu.memref_slice %arg7[%select_n3A_128, %dma_start3A_135] : memref<64128x128xf32, #tpu.memory_space<hbm>> -> memref<128x128xf32, #tpu.memory_space<hbm>>
    tpu.enqueue_dma source(%arg15 : memref<128x128xf32, #tpu.memory_space<vmem>>) target(%dma_start3A_136 : memref<128x128xf32, #tpu.memory_space<hbm>>) target_semaphore(%arg21 : memref<!tpu.dma_semaphore, #tpu.memory_space<semaphore_mem>>)
    %dma_wait3A_137 = arith.constant 0 : i32
    %dma_wait3A_138 = arith.constant 0 : i32
    %dma_wait3A_139 = tpu.memref_slice %arg6[%dma_wait3A_137, %dma_wait3A_138] : memref<64128x128xf32, #tpu.memory_space<hbm>> -> memref<128x128xf32, #tpu.memory_space<hbm>>
    %dma_wait3A_140 = arith.constant 0 : i32
    %dma_wait3A_141 = arith.constant 0 : i32
    %dma_wait3A_142 = tpu.memref_slice %arg6[%dma_wait3A_140, %dma_wait3A_141] : memref<64128x128xf32, #tpu.memory_space<hbm>> -> memref<128x128xf32, #tpu.memory_space<hbm>>
    tpu.wait_dma2 semaphore(%arg21 : memref<!tpu.dma_semaphore, #tpu.memory_space<semaphore_mem>>) src(%arg13 : memref<128x128xf32, #tpu.memory_space<vmem>>) dst(%dma_wait3A_142 : memref<128x128xf32, #tpu.memory_space<hbm>>)
    %dma_wait3A_143 = arith.constant 0 : i32
    %dma_wait3A_144 = arith.constant 0 : i32
    %dma_wait3A_145 = tpu.memref_slice %arg7[%dma_wait3A_143, %dma_wait3A_144] : memref<64128x128xf32, #tpu.memory_space<hbm>> -> memref<128x128xf32, #tpu.memory_space<hbm>>
    %dma_wait3A_146 = arith.constant 0 : i32
    %dma_wait3A_147 = arith.constant 0 : i32
    %dma_wait3A_148 = tpu.memref_slice %arg7[%dma_wait3A_146, %dma_wait3A_147] : memref<64128x128xf32, #tpu.memory_space<hbm>> -> memref<128x128xf32, #tpu.memory_space<hbm>>
    tpu.wait_dma2 semaphore(%arg21 : memref<!tpu.dma_semaphore, #tpu.memory_space<semaphore_mem>>) src(%arg15 : memref<128x128xf32, #tpu.memory_space<vmem>>) dst(%dma_wait3A_148 : memref<128x128xf32, #tpu.memory_space<hbm>>)
    return
  }
}

#map = affine_map<(d0, d1) -> (0, 0)>
#map1 = affine_map<(d0, d1) -> (0)>
module attributes {stable_mosaic.version = 14 : i64} {
  func.func @_gather_body(%arg0: i32, %arg1: i32, %arg2: memref<10000x128xf32, #tpu.memory_space<hbm>>, %arg3: memref<10000x128xf32, #tpu.memory_space<hbm>>, %arg4: memref<64000xi32, #tpu.memory_space<hbm>>, %arg5: memref<64000xi32, #tpu.memory_space<hbm>>, %arg6: memref<64128x128xf32, #tpu.memory_space<hbm>>, %arg7: memref<64128x128xf32, #tpu.memory_space<hbm>>, %arg8: memref<128xi32, #tpu.memory_space<vmem>>, %arg9: memref<128xi32, #tpu.memory_space<vmem>>, %arg10: memref<128xi32, #tpu.memory_space<vmem>>, %arg11: memref<128xi32, #tpu.memory_space<vmem>>, %arg12: memref<128x128xf32, #tpu.memory_space<vmem>>, %arg13: memref<128x128xf32, #tpu.memory_space<vmem>>, %arg14: memref<128x128xf32, #tpu.memory_space<vmem>>, %arg15: memref<128x128xf32, #tpu.memory_space<vmem>>, %arg16: memref<!tpu.dma_semaphore, #tpu.memory_space<semaphore_mem>>, %arg17: memref<!tpu.dma_semaphore, #tpu.memory_space<semaphore_mem>>, %arg18: memref<!tpu.dma_semaphore, #tpu.memory_space<semaphore_mem>>, %arg19: memref<!tpu.dma_semaphore, #tpu.memory_space<semaphore_mem>>, %arg20: memref<!tpu.dma_semaphore, #tpu.memory_space<semaphore_mem>>, %arg21: memref<!tpu.dma_semaphore, #tpu.memory_space<semaphore_mem>>) attributes {dimension_semantics = [#tpu.dimension_semantics<core_parallel>, #tpu.dimension_semantics<subcore_parallel>], iteration_bounds = array<i64: 2, 16>, scalar_prefetch = 0 : i64, scratch_operands = 14 : i64, tpu.core_type = #tpu.core_type<sc_vector_subcore>, window_params = [{transform_indices = #map}, {transform_indices = #map}, {transform_indices = #map1}, {transform_indices = #map1}, {transform_indices = #map}, {transform_indices = #map}]} {
    %mul3A = arith.constant 2 : i32
    %mul3A_0 = arith.muli %arg1, %mul3A : i32
    %add3A = arith.addi %mul3A_0, %arg0 : i32
    %add3A_1 = arith.constant 0 : i32
    %add3A_2 = arith.addi %add3A, %add3A_1 : i32
    %lt3A = arith.constant 500 : i32
    %lt3A_3 = arith.cmpi slt, %add3A_2, %lt3A : i32
    %jit3A = arith.constant 0 : i32
    %select_n3A = arith.select %lt3A_3, %add3A_2, %jit3A : i32
    %mul3A_4 = arith.constant 128 : i32
    %mul3A_5 = arith.muli %select_n3A, %mul3A_4 : i32
    %dma_start3A = tpu.memref_slice %arg4[%mul3A_5] : memref<64000xi32, #tpu.memory_space<hbm>> -> memref<128xi32, #tpu.memory_space<hbm>>
    %dma_start3A_6 = tpu.memref_slice %arg4[%mul3A_5] : memref<64000xi32, #tpu.memory_space<hbm>> -> memref<128xi32, #tpu.memory_space<hbm>>
    tpu.enqueue_dma source(%dma_start3A_6 : memref<128xi32, #tpu.memory_space<hbm>>) target(%arg8 : memref<128xi32, #tpu.memory_space<vmem>>) target_semaphore(%arg16 : memref<!tpu.dma_semaphore, #tpu.memory_space<semaphore_mem>>)
    %dma_start3A_7 = tpu.memref_slice %arg5[%mul3A_5] : memref<64000xi32, #tpu.memory_space<hbm>> -> memref<128xi32, #tpu.memory_space<hbm>>
    %dma_start3A_8 = tpu.memref_slice %arg5[%mul3A_5] : memref<64000xi32, #tpu.memory_space<hbm>> -> memref<128xi32, #tpu.memory_space<hbm>>
    tpu.enqueue_dma source(%dma_start3A_8 : memref<128xi32, #tpu.memory_space<hbm>>) target(%arg10 : memref<128xi32, #tpu.memory_space<vmem>>) target_semaphore(%arg16 : memref<!tpu.dma_semaphore, #tpu.memory_space<semaphore_mem>>)
    %add3A_9 = arith.constant 32 : i32
    %add3A_10 = arith.addi %add3A, %add3A_9 : i32
    %lt3A_11 = arith.constant 500 : i32
    %lt3A_12 = arith.cmpi slt, %add3A_10, %lt3A_11 : i32
    %jit3A_13 = arith.constant 0 : i32
    %select_n3A_14 = arith.select %lt3A_12, %add3A_10, %jit3A_13 : i32
    %mul3A_15 = arith.constant 128 : i32
    %mul3A_16 = arith.muli %select_n3A_14, %mul3A_15 : i32
    %dma_start3A_17 = tpu.memref_slice %arg4[%mul3A_16] : memref<64000xi32, #tpu.memory_space<hbm>> -> memref<128xi32, #tpu.memory_space<hbm>>
    %dma_start3A_18 = tpu.memref_slice %arg4[%mul3A_16] : memref<64000xi32, #tpu.memory_space<hbm>> -> memref<128xi32, #tpu.memory_space<hbm>>
    tpu.enqueue_dma source(%dma_start3A_18 : memref<128xi32, #tpu.memory_space<hbm>>) target(%arg9 : memref<128xi32, #tpu.memory_space<vmem>>) target_semaphore(%arg17 : memref<!tpu.dma_semaphore, #tpu.memory_space<semaphore_mem>>)
    %dma_start3A_19 = tpu.memref_slice %arg5[%mul3A_16] : memref<64000xi32, #tpu.memory_space<hbm>> -> memref<128xi32, #tpu.memory_space<hbm>>
    %dma_start3A_20 = tpu.memref_slice %arg5[%mul3A_16] : memref<64000xi32, #tpu.memory_space<hbm>> -> memref<128xi32, #tpu.memory_space<hbm>>
    tpu.enqueue_dma source(%dma_start3A_20 : memref<128xi32, #tpu.memory_space<hbm>>) target(%arg11 : memref<128xi32, #tpu.memory_space<vmem>>) target_semaphore(%arg17 : memref<!tpu.dma_semaphore, #tpu.memory_space<semaphore_mem>>)
    %dma_wait3A = arith.constant 0 : i32
    %dma_wait3A_21 = tpu.memref_slice %arg4[%dma_wait3A] : memref<64000xi32, #tpu.memory_space<hbm>> -> memref<128xi32, #tpu.memory_space<hbm>>
    %dma_wait3A_22 = arith.constant 0 : i32
    %dma_wait3A_23 = tpu.memref_slice %arg4[%dma_wait3A_22] : memref<64000xi32, #tpu.memory_space<hbm>> -> memref<128xi32, #tpu.memory_space<hbm>>
    tpu.wait_dma2 semaphore(%arg16 : memref<!tpu.dma_semaphore, #tpu.memory_space<semaphore_mem>>) src(%dma_wait3A_23 : memref<128xi32, #tpu.memory_space<hbm>>) dst(%arg8 : memref<128xi32, #tpu.memory_space<vmem>>)
    %dma_wait3A_24 = arith.constant 0 : i32
    %dma_wait3A_25 = tpu.memref_slice %arg5[%dma_wait3A_24] : memref<64000xi32, #tpu.memory_space<hbm>> -> memref<128xi32, #tpu.memory_space<hbm>>
    %dma_wait3A_26 = arith.constant 0 : i32
    %dma_wait3A_27 = tpu.memref_slice %arg5[%dma_wait3A_26] : memref<64000xi32, #tpu.memory_space<hbm>> -> memref<128xi32, #tpu.memory_space<hbm>>
    tpu.wait_dma2 semaphore(%arg16 : memref<!tpu.dma_semaphore, #tpu.memory_space<semaphore_mem>>) src(%dma_wait3A_27 : memref<128xi32, #tpu.memory_space<hbm>>) dst(%arg10 : memref<128xi32, #tpu.memory_space<vmem>>)
    %dma_start3A_28 = arith.constant 0 : i32
    %dma_start3A_29 = arith.constant 0 : i32
    %dma_start3A_30 = tpu.memref_slice %arg2[%dma_start3A_28, %dma_start3A_29] : memref<10000x128xf32, #tpu.memory_space<hbm>> -> memref<10000x128xf32, #tpu.memory_space<hbm>>
    tpu.enqueue_indirect_dma source(%dma_start3A_30 : memref<10000x128xf32, #tpu.memory_space<hbm>>) target(%arg12 : memref<128x128xf32, #tpu.memory_space<vmem>>) offsets(%arg8 : memref<128xi32, #tpu.memory_space<vmem>>) semaphore(%arg18 : memref<!tpu.dma_semaphore, #tpu.memory_space<semaphore_mem>>)
    %dma_start3A_31 = arith.constant 0 : i32
    %dma_start3A_32 = arith.constant 0 : i32
    %dma_start3A_33 = tpu.memref_slice %arg3[%dma_start3A_31, %dma_start3A_32] : memref<10000x128xf32, #tpu.memory_space<hbm>> -> memref<10000x128xf32, #tpu.memory_space<hbm>>
    tpu.enqueue_indirect_dma source(%dma_start3A_33 : memref<10000x128xf32, #tpu.memory_space<hbm>>) target(%arg14 : memref<128x128xf32, #tpu.memory_space<vmem>>) offsets(%arg10 : memref<128xi32, #tpu.memory_space<vmem>>) semaphore(%arg18 : memref<!tpu.dma_semaphore, #tpu.memory_space<semaphore_mem>>)
    %add3A_34 = arith.constant 512 : i32
    %add3A_35 = arith.addi %add3A, %add3A_34 : i32
    %lt3A_36 = arith.constant 500 : i32
    %lt3A_37 = arith.cmpi slt, %add3A_35, %lt3A_36 : i32
    %mul3A_38 = arith.constant 128 : i32
    %mul3A_39 = arith.muli %add3A_35, %mul3A_38 : i32
    %jit3A_40 = arith.constant 64000 : i32
    %select_n3A_41 = arith.select %lt3A_37, %mul3A_39, %jit3A_40 : i32
    %dma_start3A_42 = arith.constant 0 : i32
    %dma_start3A_43 = tpu.memref_slice %arg6[%select_n3A_41, %dma_start3A_42] : memref<64128x128xf32, #tpu.memory_space<hbm>> -> memref<128x128xf32, #tpu.memory_space<hbm>>
    %dma_start3A_44 = arith.constant 0 : i32
    %dma_start3A_45 = tpu.memref_slice %arg6[%select_n3A_41, %dma_start3A_44] : memref<64128x128xf32, #tpu.memory_space<hbm>> -> memref<128x128xf32, #tpu.memory_space<hbm>>
    tpu.enqueue_dma source(%arg13 : memref<128x128xf32, #tpu.memory_space<vmem>>) target(%dma_start3A_45 : memref<128x128xf32, #tpu.memory_space<hbm>>) target_semaphore(%arg21 : memref<!tpu.dma_semaphore, #tpu.memory_space<semaphore_mem>>)
    %dma_start3A_46 = arith.constant 0 : i32
    %dma_start3A_47 = tpu.memref_slice %arg7[%select_n3A_41, %dma_start3A_46] : memref<64128x128xf32, #tpu.memory_space<hbm>> -> memref<128x128xf32, #tpu.memory_space<hbm>>
    %dma_start3A_48 = arith.constant 0 : i32
    %dma_start3A_49 = tpu.memref_slice %arg7[%select_n3A_41, %dma_start3A_48] : memref<64128x128xf32, #tpu.memory_space<hbm>> -> memref<128x128xf32, #tpu.memory_space<hbm>>
    tpu.enqueue_dma source(%arg15 : memref<128x128xf32, #tpu.memory_space<vmem>>) target(%dma_start3A_49 : memref<128x128xf32, #tpu.memory_space<hbm>>) target_semaphore(%arg21 : memref<!tpu.dma_semaphore, #tpu.memory_space<semaphore_mem>>)
    %scan3A = arith.constant 0 : i32
    %scan3A_50 = arith.constant 0 : i32
    %scan3A_51 = arith.constant 7 : i32
    %scan3A_52 = arith.addi %scan3A_50, %scan3A_51 : i32
    %scan3A_53 = arith.constant 1 : i32
    scf.for %scan3A_149 = %scan3A_50 to %scan3A_52 step %scan3A_53  : i32 {
      %mul3A_150 = arith.constant 2 : i32
      %mul3A_151 = arith.muli %mul3A_150, %scan3A_149 : i32
      %dma_wait3A_152 = arith.constant 0 : i32
      %dma_wait3A_153 = tpu.memref_slice %arg4[%dma_wait3A_152] : memref<64000xi32, #tpu.memory_space<hbm>> -> memref<128xi32, #tpu.memory_space<hbm>>
      %dma_wait3A_154 = arith.constant 0 : i32
      %dma_wait3A_155 = tpu.memref_slice %arg4[%dma_wait3A_154] : memref<64000xi32, #tpu.memory_space<hbm>> -> memref<128xi32, #tpu.memory_space<hbm>>
      tpu.wait_dma2 semaphore(%arg17 : memref<!tpu.dma_semaphore, #tpu.memory_space<semaphore_mem>>) src(%dma_wait3A_155 : memref<128xi32, #tpu.memory_space<hbm>>) dst(%arg9 : memref<128xi32, #tpu.memory_space<vmem>>)
      %dma_wait3A_156 = arith.constant 0 : i32
      %dma_wait3A_157 = tpu.memref_slice %arg5[%dma_wait3A_156] : memref<64000xi32, #tpu.memory_space<hbm>> -> memref<128xi32, #tpu.memory_space<hbm>>
      %dma_wait3A_158 = arith.constant 0 : i32
      %dma_wait3A_159 = tpu.memref_slice %arg5[%dma_wait3A_158] : memref<64000xi32, #tpu.memory_space<hbm>> -> memref<128xi32, #tpu.memory_space<hbm>>
      tpu.wait_dma2 semaphore(%arg17 : memref<!tpu.dma_semaphore, #tpu.memory_space<semaphore_mem>>) src(%dma_wait3A_159 : memref<128xi32, #tpu.memory_space<hbm>>) dst(%arg11 : memref<128xi32, #tpu.memory_space<vmem>>)
      %dma_wait3A_160 = arith.constant 0 : i32
      %dma_wait3A_161 = arith.constant 0 : i32
      %dma_wait3A_162 = tpu.memref_slice %arg6[%dma_wait3A_160, %dma_wait3A_161] : memref<64128x128xf32, #tpu.memory_space<hbm>> -> memref<128x128xf32, #tpu.memory_space<hbm>>
      %dma_wait3A_163 = arith.constant 0 : i32
      %dma_wait3A_164 = arith.constant 0 : i32
      %dma_wait3A_165 = tpu.memref_slice %arg6[%dma_wait3A_163, %dma_wait3A_164] : memref<64128x128xf32, #tpu.memory_space<hbm>> -> memref<128x128xf32, #tpu.memory_space<hbm>>
      tpu.wait_dma2 semaphore(%arg21 : memref<!tpu.dma_semaphore, #tpu.memory_space<semaphore_mem>>) src(%arg13 : memref<128x128xf32, #tpu.memory_space<vmem>>) dst(%dma_wait3A_165 : memref<128x128xf32, #tpu.memory_space<hbm>>)
      %dma_wait3A_166 = arith.constant 0 : i32
      %dma_wait3A_167 = arith.constant 0 : i32
      %dma_wait3A_168 = tpu.memref_slice %arg7[%dma_wait3A_166, %dma_wait3A_167] : memref<64128x128xf32, #tpu.memory_space<hbm>> -> memref<128x128xf32, #tpu.memory_space<hbm>>
      %dma_wait3A_169 = arith.constant 0 : i32
      %dma_wait3A_170 = arith.constant 0 : i32
      %dma_wait3A_171 = tpu.memref_slice %arg7[%dma_wait3A_169, %dma_wait3A_170] : memref<64128x128xf32, #tpu.memory_space<hbm>> -> memref<128x128xf32, #tpu.memory_space<hbm>>
      tpu.wait_dma2 semaphore(%arg21 : memref<!tpu.dma_semaphore, #tpu.memory_space<semaphore_mem>>) src(%arg15 : memref<128x128xf32, #tpu.memory_space<vmem>>) dst(%dma_wait3A_171 : memref<128x128xf32, #tpu.memory_space<hbm>>)
      %dma_start3A_172 = arith.constant 0 : i32
      %dma_start3A_173 = arith.constant 0 : i32
      %dma_start3A_174 = tpu.memref_slice %arg2[%dma_start3A_172, %dma_start3A_173] : memref<10000x128xf32, #tpu.memory_space<hbm>> -> memref<10000x128xf32, #tpu.memory_space<hbm>>
      tpu.enqueue_indirect_dma source(%dma_start3A_174 : memref<10000x128xf32, #tpu.memory_space<hbm>>) target(%arg13 : memref<128x128xf32, #tpu.memory_space<vmem>>) offsets(%arg9 : memref<128xi32, #tpu.memory_space<vmem>>) semaphore(%arg19 : memref<!tpu.dma_semaphore, #tpu.memory_space<semaphore_mem>>)
      %dma_start3A_175 = arith.constant 0 : i32
      %dma_start3A_176 = arith.constant 0 : i32
      %dma_start3A_177 = tpu.memref_slice %arg3[%dma_start3A_175, %dma_start3A_176] : memref<10000x128xf32, #tpu.memory_space<hbm>> -> memref<10000x128xf32, #tpu.memory_space<hbm>>
      tpu.enqueue_indirect_dma source(%dma_start3A_177 : memref<10000x128xf32, #tpu.memory_space<hbm>>) target(%arg15 : memref<128x128xf32, #tpu.memory_space<vmem>>) offsets(%arg11 : memref<128xi32, #tpu.memory_space<vmem>>) semaphore(%arg19 : memref<!tpu.dma_semaphore, #tpu.memory_space<semaphore_mem>>)
      %dma_wait3A_178 = arith.constant 0 : i32
      %dma_wait3A_179 = arith.constant 0 : i32
      %dma_wait3A_180 = tpu.memref_slice %arg2[%dma_wait3A_178, %dma_wait3A_179] : memref<10000x128xf32, #tpu.memory_space<hbm>> -> memref<10000x128xf32, #tpu.memory_space<hbm>>
      tpu.wait_indirect_dma semaphore(%arg18 : memref<!tpu.dma_semaphore, #tpu.memory_space<semaphore_mem>>) src(%dma_wait3A_180 : memref<10000x128xf32, #tpu.memory_space<hbm>>) dst(%arg12 : memref<128x128xf32, #tpu.memory_space<vmem>>)
      %dma_wait3A_181 = arith.constant 0 : i32
      %dma_wait3A_182 = arith.constant 0 : i32
      %dma_wait3A_183 = tpu.memref_slice %arg3[%dma_wait3A_181, %dma_wait3A_182] : memref<10000x128xf32, #tpu.memory_space<hbm>> -> memref<10000x128xf32, #tpu.memory_space<hbm>>
      tpu.wait_indirect_dma semaphore(%arg18 : memref<!tpu.dma_semaphore, #tpu.memory_space<semaphore_mem>>) src(%dma_wait3A_183 : memref<10000x128xf32, #tpu.memory_space<hbm>>) dst(%arg14 : memref<128x128xf32, #tpu.memory_space<vmem>>)
      %mul3A_184 = arith.constant 32 : i32
      %mul3A_185 = arith.muli %mul3A_184, %mul3A_151 : i32
      %add3A_186 = arith.addi %add3A, %mul3A_185 : i32
      %lt3A_187 = arith.constant 500 : i32
      %lt3A_188 = arith.cmpi slt, %add3A_186, %lt3A_187 : i32
      %mul3A_189 = arith.constant 128 : i32
      %mul3A_190 = arith.muli %add3A_186, %mul3A_189 : i32
      %jit3A_191 = arith.constant 64000 : i32
      %select_n3A_192 = arith.select %lt3A_188, %mul3A_190, %jit3A_191 : i32
      %dma_start3A_193 = arith.constant 0 : i32
      %dma_start3A_194 = tpu.memref_slice %arg6[%select_n3A_192, %dma_start3A_193] : memref<64128x128xf32, #tpu.memory_space<hbm>> -> memref<128x128xf32, #tpu.memory_space<hbm>>
      %dma_start3A_195 = arith.constant 0 : i32
      %dma_start3A_196 = tpu.memref_slice %arg6[%select_n3A_192, %dma_start3A_195] : memref<64128x128xf32, #tpu.memory_space<hbm>> -> memref<128x128xf32, #tpu.memory_space<hbm>>
      tpu.enqueue_dma source(%arg12 : memref<128x128xf32, #tpu.memory_space<vmem>>) target(%dma_start3A_196 : memref<128x128xf32, #tpu.memory_space<hbm>>) target_semaphore(%arg20 : memref<!tpu.dma_semaphore, #tpu.memory_space<semaphore_mem>>)
      %dma_start3A_197 = arith.constant 0 : i32
      %dma_start3A_198 = tpu.memref_slice %arg7[%select_n3A_192, %dma_start3A_197] : memref<64128x128xf32, #tpu.memory_space<hbm>> -> memref<128x128xf32, #tpu.memory_space<hbm>>
      %dma_start3A_199 = arith.constant 0 : i32
      %dma_start3A_200 = tpu.memref_slice %arg7[%select_n3A_192, %dma_start3A_199] : memref<64128x128xf32, #tpu.memory_space<hbm>> -> memref<128x128xf32, #tpu.memory_space<hbm>>
      tpu.enqueue_dma source(%arg14 : memref<128x128xf32, #tpu.memory_space<vmem>>) target(%dma_start3A_200 : memref<128x128xf32, #tpu.memory_space<hbm>>) target_semaphore(%arg20 : memref<!tpu.dma_semaphore, #tpu.memory_space<semaphore_mem>>)
      %add3A_201 = arith.constant 2 : i32
      %add3A_202 = arith.addi %mul3A_151, %add3A_201 : i32
      %mul3A_203 = arith.constant 32 : i32
      %mul3A_204 = arith.muli %mul3A_203, %add3A_202 : i32
      %add3A_205 = arith.addi %add3A, %mul3A_204 : i32
      %lt3A_206 = arith.constant 500 : i32
      %lt3A_207 = arith.cmpi slt, %add3A_205, %lt3A_206 : i32
      %jit3A_208 = arith.constant 0 : i32
      %select_n3A_209 = arith.select %lt3A_207, %add3A_205, %jit3A_208 : i32
      %mul3A_210 = arith.constant 128 : i32
      %mul3A_211 = arith.muli %select_n3A_209, %mul3A_210 : i32
      %dma_start3A_212 = tpu.memref_slice %arg4[%mul3A_211] : memref<64000xi32, #tpu.memory_space<hbm>> -> memref<128xi32, #tpu.memory_space<hbm>>
      %dma_start3A_213 = tpu.memref_slice %arg4[%mul3A_211] : memref<64000xi32, #tpu.memory_space<hbm>> -> memref<128xi32, #tpu.memory_space<hbm>>
      tpu.enqueue_dma source(%dma_start3A_213 : memref<128xi32, #tpu.memory_space<hbm>>) target(%arg8 : memref<128xi32, #tpu.memory_space<vmem>>) target_semaphore(%arg16 : memref<!tpu.dma_semaphore, #tpu.memory_space<semaphore_mem>>)
      %dma_start3A_214 = tpu.memref_slice %arg5[%mul3A_211] : memref<64000xi32, #tpu.memory_space<hbm>> -> memref<128xi32, #tpu.memory_space<hbm>>
      %dma_start3A_215 = tpu.memref_slice %arg5[%mul3A_211] : memref<64000xi32, #tpu.memory_space<hbm>> -> memref<128xi32, #tpu.memory_space<hbm>>
      tpu.enqueue_dma source(%dma_start3A_215 : memref<128xi32, #tpu.memory_space<hbm>>) target(%arg10 : memref<128xi32, #tpu.memory_space<vmem>>) target_semaphore(%arg16 : memref<!tpu.dma_semaphore, #tpu.memory_space<semaphore_mem>>)
      %dma_wait3A_216 = arith.constant 0 : i32
      %dma_wait3A_217 = tpu.memref_slice %arg4[%dma_wait3A_216] : memref<64000xi32, #tpu.memory_space<hbm>> -> memref<128xi32, #tpu.memory_space<hbm>>
      %dma_wait3A_218 = arith.constant 0 : i32
      %dma_wait3A_219 = tpu.memref_slice %arg4[%dma_wait3A_218] : memref<64000xi32, #tpu.memory_space<hbm>> -> memref<128xi32, #tpu.memory_space<hbm>>
      tpu.wait_dma2 semaphore(%arg16 : memref<!tpu.dma_semaphore, #tpu.memory_space<semaphore_mem>>) src(%dma_wait3A_219 : memref<128xi32, #tpu.memory_space<hbm>>) dst(%arg8 : memref<128xi32, #tpu.memory_space<vmem>>)
      %dma_wait3A_220 = arith.constant 0 : i32
      %dma_wait3A_221 = tpu.memref_slice %arg5[%dma_wait3A_220] : memref<64000xi32, #tpu.memory_space<hbm>> -> memref<128xi32, #tpu.memory_space<hbm>>
      %dma_wait3A_222 = arith.constant 0 : i32
      %dma_wait3A_223 = tpu.memref_slice %arg5[%dma_wait3A_222] : memref<64000xi32, #tpu.memory_space<hbm>> -> memref<128xi32, #tpu.memory_space<hbm>>
      tpu.wait_dma2 semaphore(%arg16 : memref<!tpu.dma_semaphore, #tpu.memory_space<semaphore_mem>>) src(%dma_wait3A_223 : memref<128xi32, #tpu.memory_space<hbm>>) dst(%arg10 : memref<128xi32, #tpu.memory_space<vmem>>)
      %dma_wait3A_224 = arith.constant 0 : i32
      %dma_wait3A_225 = arith.constant 0 : i32
      %dma_wait3A_226 = tpu.memref_slice %arg6[%dma_wait3A_224, %dma_wait3A_225] : memref<64128x128xf32, #tpu.memory_space<hbm>> -> memref<128x128xf32, #tpu.memory_space<hbm>>
      %dma_wait3A_227 = arith.constant 0 : i32
      %dma_wait3A_228 = arith.constant 0 : i32
      %dma_wait3A_229 = tpu.memref_slice %arg6[%dma_wait3A_227, %dma_wait3A_228] : memref<64128x128xf32, #tpu.memory_space<hbm>> -> memref<128x128xf32, #tpu.memory_space<hbm>>
      tpu.wait_dma2 semaphore(%arg20 : memref<!tpu.dma_semaphore, #tpu.memory_space<semaphore_mem>>) src(%arg12 : memref<128x128xf32, #tpu.memory_space<vmem>>) dst(%dma_wait3A_229 : memref<128x128xf32, #tpu.memory_space<hbm>>)
      %dma_wait3A_230 = arith.constant 0 : i32
      %dma_wait3A_231 = arith.constant 0 : i32
      %dma_wait3A_232 = tpu.memref_slice %arg7[%dma_wait3A_230, %dma_wait3A_231] : memref<64128x128xf32, #tpu.memory_space<hbm>> -> memref<128x128xf32, #tpu.memory_space<hbm>>
      %dma_wait3A_233 = arith.constant 0 : i32
      %dma_wait3A_234 = arith.constant 0 : i32
      %dma_wait3A_235 = tpu.memref_slice %arg7[%dma_wait3A_233, %dma_wait3A_234] : memref<64128x128xf32, #tpu.memory_space<hbm>> -> memref<128x128xf32, #tpu.memory_space<hbm>>
      tpu.wait_dma2 semaphore(%arg20 : memref<!tpu.dma_semaphore, #tpu.memory_space<semaphore_mem>>) src(%arg14 : memref<128x128xf32, #tpu.memory_space<vmem>>) dst(%dma_wait3A_235 : memref<128x128xf32, #tpu.memory_space<hbm>>)
      %dma_start3A_236 = arith.constant 0 : i32
      %dma_start3A_237 = arith.constant 0 : i32
      %dma_start3A_238 = tpu.memref_slice %arg2[%dma_start3A_236, %dma_start3A_237] : memref<10000x128xf32, #tpu.memory_space<hbm>> -> memref<10000x128xf32, #tpu.memory_space<hbm>>
      tpu.enqueue_indirect_dma source(%dma_start3A_238 : memref<10000x128xf32, #tpu.memory_space<hbm>>) target(%arg12 : memref<128x128xf32, #tpu.memory_space<vmem>>) offsets(%arg8 : memref<128xi32, #tpu.memory_space<vmem>>) semaphore(%arg18 : memref<!tpu.dma_semaphore, #tpu.memory_space<semaphore_mem>>)
      %dma_start3A_239 = arith.constant 0 : i32
      %dma_start3A_240 = arith.constant 0 : i32
      %dma_start3A_241 = tpu.memref_slice %arg3[%dma_start3A_239, %dma_start3A_240] : memref<10000x128xf32, #tpu.memory_space<hbm>> -> memref<10000x128xf32, #tpu.memory_space<hbm>>
      tpu.enqueue_indirect_dma source(%dma_start3A_241 : memref<10000x128xf32, #tpu.memory_space<hbm>>) target(%arg14 : memref<128x128xf32, #tpu.memory_space<vmem>>) offsets(%arg10 : memref<128xi32, #tpu.memory_space<vmem>>) semaphore(%arg18 : memref<!tpu.dma_semaphore, #tpu.memory_space<semaphore_mem>>)
      %dma_wait3A_242 = arith.constant 0 : i32
      %dma_wait3A_243 = arith.constant 0 : i32
      %dma_wait3A_244 = tpu.memref_slice %arg2[%dma_wait3A_242, %dma_wait3A_243] : memref<10000x128xf32, #tpu.memory_space<hbm>> -> memref<10000x128xf32, #tpu.memory_space<hbm>>
      tpu.wait_indirect_dma semaphore(%arg19 : memref<!tpu.dma_semaphore, #tpu.memory_space<semaphore_mem>>) src(%dma_wait3A_244 : memref<10000x128xf32, #tpu.memory_space<hbm>>) dst(%arg13 : memref<128x128xf32, #tpu.memory_space<vmem>>)
      %dma_wait3A_245 = arith.constant 0 : i32
      %dma_wait3A_246 = arith.constant 0 : i32
      %dma_wait3A_247 = tpu.memref_slice %arg3[%dma_wait3A_245, %dma_wait3A_246] : memref<10000x128xf32, #tpu.memory_space<hbm>> -> memref<10000x128xf32, #tpu.memory_space<hbm>>
      tpu.wait_indirect_dma semaphore(%arg19 : memref<!tpu.dma_semaphore, #tpu.memory_space<semaphore_mem>>) src(%dma_wait3A_247 : memref<10000x128xf32, #tpu.memory_space<hbm>>) dst(%arg15 : memref<128x128xf32, #tpu.memory_space<vmem>>)
      %add3A_248 = arith.constant 1 : i32
      %add3A_249 = arith.addi %mul3A_151, %add3A_248 : i32
      %mul3A_250 = arith.constant 32 : i32
      %mul3A_251 = arith.muli %mul3A_250, %add3A_249 : i32
      %add3A_252 = arith.addi %add3A, %mul3A_251 : i32
      %lt3A_253 = arith.constant 500 : i32
      %lt3A_254 = arith.cmpi slt, %add3A_252, %lt3A_253 : i32
      %mul3A_255 = arith.constant 128 : i32
      %mul3A_256 = arith.muli %add3A_252, %mul3A_255 : i32
      %jit3A_257 = arith.constant 64000 : i32
      %select_n3A_258 = arith.select %lt3A_254, %mul3A_256, %jit3A_257 : i32
      %dma_start3A_259 = arith.constant 0 : i32
      %dma_start3A_260 = tpu.memref_slice %arg6[%select_n3A_258, %dma_start3A_259] : memref<64128x128xf32, #tpu.memory_space<hbm>> -> memref<128x128xf32, #tpu.memory_space<hbm>>
      %dma_start3A_261 = arith.constant 0 : i32
      %dma_start3A_262 = tpu.memref_slice %arg6[%select_n3A_258, %dma_start3A_261] : memref<64128x128xf32, #tpu.memory_space<hbm>> -> memref<128x128xf32, #tpu.memory_space<hbm>>
      tpu.enqueue_dma source(%arg13 : memref<128x128xf32, #tpu.memory_space<vmem>>) target(%dma_start3A_262 : memref<128x128xf32, #tpu.memory_space<hbm>>) target_semaphore(%arg21 : memref<!tpu.dma_semaphore, #tpu.memory_space<semaphore_mem>>)
      %dma_start3A_263 = arith.constant 0 : i32
      %dma_start3A_264 = tpu.memref_slice %arg7[%select_n3A_258, %dma_start3A_263] : memref<64128x128xf32, #tpu.memory_space<hbm>> -> memref<128x128xf32, #tpu.memory_space<hbm>>
      %dma_start3A_265 = arith.constant 0 : i32
      %dma_start3A_266 = tpu.memref_slice %arg7[%select_n3A_258, %dma_start3A_265] : memref<64128x128xf32, #tpu.memory_space<hbm>> -> memref<128x128xf32, #tpu.memory_space<hbm>>
      tpu.enqueue_dma source(%arg15 : memref<128x128xf32, #tpu.memory_space<vmem>>) target(%dma_start3A_266 : memref<128x128xf32, #tpu.memory_space<hbm>>) target_semaphore(%arg21 : memref<!tpu.dma_semaphore, #tpu.memory_space<semaphore_mem>>)
      %add3A_267 = arith.constant 3 : i32
      %add3A_268 = arith.addi %mul3A_151, %add3A_267 : i32
      %mul3A_269 = arith.constant 32 : i32
      %mul3A_270 = arith.muli %mul3A_269, %add3A_268 : i32
      %add3A_271 = arith.addi %add3A, %mul3A_270 : i32
      %lt3A_272 = arith.constant 500 : i32
      %lt3A_273 = arith.cmpi slt, %add3A_271, %lt3A_272 : i32
      %jit3A_274 = arith.constant 0 : i32
      %select_n3A_275 = arith.select %lt3A_273, %add3A_271, %jit3A_274 : i32
      %mul3A_276 = arith.constant 128 : i32
      %mul3A_277 = arith.muli %select_n3A_275, %mul3A_276 : i32
      %dma_start3A_278 = tpu.memref_slice %arg4[%mul3A_277] : memref<64000xi32, #tpu.memory_space<hbm>> -> memref<128xi32, #tpu.memory_space<hbm>>
      %dma_start3A_279 = tpu.memref_slice %arg4[%mul3A_277] : memref<64000xi32, #tpu.memory_space<hbm>> -> memref<128xi32, #tpu.memory_space<hbm>>
      tpu.enqueue_dma source(%dma_start3A_279 : memref<128xi32, #tpu.memory_space<hbm>>) target(%arg9 : memref<128xi32, #tpu.memory_space<vmem>>) target_semaphore(%arg17 : memref<!tpu.dma_semaphore, #tpu.memory_space<semaphore_mem>>)
      %dma_start3A_280 = tpu.memref_slice %arg5[%mul3A_277] : memref<64000xi32, #tpu.memory_space<hbm>> -> memref<128xi32, #tpu.memory_space<hbm>>
      %dma_start3A_281 = tpu.memref_slice %arg5[%mul3A_277] : memref<64000xi32, #tpu.memory_space<hbm>> -> memref<128xi32, #tpu.memory_space<hbm>>
      tpu.enqueue_dma source(%dma_start3A_281 : memref<128xi32, #tpu.memory_space<hbm>>) target(%arg11 : memref<128xi32, #tpu.memory_space<vmem>>) target_semaphore(%arg17 : memref<!tpu.dma_semaphore, #tpu.memory_space<semaphore_mem>>)
    }
    %scan3A_54 = arith.constant 7 : i32
    %dma_wait3A_55 = arith.constant 0 : i32
    %dma_wait3A_56 = tpu.memref_slice %arg4[%dma_wait3A_55] : memref<64000xi32, #tpu.memory_space<hbm>> -> memref<128xi32, #tpu.memory_space<hbm>>
    %dma_wait3A_57 = arith.constant 0 : i32
    %dma_wait3A_58 = tpu.memref_slice %arg4[%dma_wait3A_57] : memref<64000xi32, #tpu.memory_space<hbm>> -> memref<128xi32, #tpu.memory_space<hbm>>
    tpu.wait_dma2 semaphore(%arg17 : memref<!tpu.dma_semaphore, #tpu.memory_space<semaphore_mem>>) src(%dma_wait3A_58 : memref<128xi32, #tpu.memory_space<hbm>>) dst(%arg9 : memref<128xi32, #tpu.memory_space<vmem>>)
    %dma_wait3A_59 = arith.constant 0 : i32
    %dma_wait3A_60 = tpu.memref_slice %arg5[%dma_wait3A_59] : memref<64000xi32, #tpu.memory_space<hbm>> -> memref<128xi32, #tpu.memory_space<hbm>>
    %dma_wait3A_61 = arith.constant 0 : i32
    %dma_wait3A_62 = tpu.memref_slice %arg5[%dma_wait3A_61] : memref<64000xi32, #tpu.memory_space<hbm>> -> memref<128xi32, #tpu.memory_space<hbm>>
    tpu.wait_dma2 semaphore(%arg17 : memref<!tpu.dma_semaphore, #tpu.memory_space<semaphore_mem>>) src(%dma_wait3A_62 : memref<128xi32, #tpu.memory_space<hbm>>) dst(%arg11 : memref<128xi32, #tpu.memory_space<vmem>>)
    %dma_wait3A_63 = arith.constant 0 : i32
    %dma_wait3A_64 = arith.constant 0 : i32
    %dma_wait3A_65 = tpu.memref_slice %arg6[%dma_wait3A_63, %dma_wait3A_64] : memref<64128x128xf32, #tpu.memory_space<hbm>> -> memref<128x128xf32, #tpu.memory_space<hbm>>
    %dma_wait3A_66 = arith.constant 0 : i32
    %dma_wait3A_67 = arith.constant 0 : i32
    %dma_wait3A_68 = tpu.memref_slice %arg6[%dma_wait3A_66, %dma_wait3A_67] : memref<64128x128xf32, #tpu.memory_space<hbm>> -> memref<128x128xf32, #tpu.memory_space<hbm>>
    tpu.wait_dma2 semaphore(%arg21 : memref<!tpu.dma_semaphore, #tpu.memory_space<semaphore_mem>>) src(%arg13 : memref<128x128xf32, #tpu.memory_space<vmem>>) dst(%dma_wait3A_68 : memref<128x128xf32, #tpu.memory_space<hbm>>)
    %dma_wait3A_69 = arith.constant 0 : i32
    %dma_wait3A_70 = arith.constant 0 : i32
    %dma_wait3A_71 = tpu.memref_slice %arg7[%dma_wait3A_69, %dma_wait3A_70] : memref<64128x128xf32, #tpu.memory_space<hbm>> -> memref<128x128xf32, #tpu.memory_space<hbm>>
    %dma_wait3A_72 = arith.constant 0 : i32
    %dma_wait3A_73 = arith.constant 0 : i32
    %dma_wait3A_74 = tpu.memref_slice %arg7[%dma_wait3A_72, %dma_wait3A_73] : memref<64128x128xf32, #tpu.memory_space<hbm>> -> memref<128x128xf32, #tpu.memory_space<hbm>>
    tpu.wait_dma2 semaphore(%arg21 : memref<!tpu.dma_semaphore, #tpu.memory_space<semaphore_mem>>) src(%arg15 : memref<128x128xf32, #tpu.memory_space<vmem>>) dst(%dma_wait3A_74 : memref<128x128xf32, #tpu.memory_space<hbm>>)
    %dma_start3A_75 = arith.constant 0 : i32
    %dma_start3A_76 = arith.constant 0 : i32
    %dma_start3A_77 = tpu.memref_slice %arg2[%dma_start3A_75, %dma_start3A_76] : memref<10000x128xf32, #tpu.memory_space<hbm>> -> memref<10000x128xf32, #tpu.memory_space<hbm>>
    tpu.enqueue_indirect_dma source(%dma_start3A_77 : memref<10000x128xf32, #tpu.memory_space<hbm>>) target(%arg13 : memref<128x128xf32, #tpu.memory_space<vmem>>) offsets(%arg9 : memref<128xi32, #tpu.memory_space<vmem>>) semaphore(%arg19 : memref<!tpu.dma_semaphore, #tpu.memory_space<semaphore_mem>>)
    %dma_start3A_78 = arith.constant 0 : i32
    %dma_start3A_79 = arith.constant 0 : i32
    %dma_start3A_80 = tpu.memref_slice %arg3[%dma_start3A_78, %dma_start3A_79] : memref<10000x128xf32, #tpu.memory_space<hbm>> -> memref<10000x128xf32, #tpu.memory_space<hbm>>
    tpu.enqueue_indirect_dma source(%dma_start3A_80 : memref<10000x128xf32, #tpu.memory_space<hbm>>) target(%arg15 : memref<128x128xf32, #tpu.memory_space<vmem>>) offsets(%arg11 : memref<128xi32, #tpu.memory_space<vmem>>) semaphore(%arg19 : memref<!tpu.dma_semaphore, #tpu.memory_space<semaphore_mem>>)
    %dma_wait3A_81 = arith.constant 0 : i32
    %dma_wait3A_82 = arith.constant 0 : i32
    %dma_wait3A_83 = tpu.memref_slice %arg2[%dma_wait3A_81, %dma_wait3A_82] : memref<10000x128xf32, #tpu.memory_space<hbm>> -> memref<10000x128xf32, #tpu.memory_space<hbm>>
    tpu.wait_indirect_dma semaphore(%arg18 : memref<!tpu.dma_semaphore, #tpu.memory_space<semaphore_mem>>) src(%dma_wait3A_83 : memref<10000x128xf32, #tpu.memory_space<hbm>>) dst(%arg12 : memref<128x128xf32, #tpu.memory_space<vmem>>)
    %dma_wait3A_84 = arith.constant 0 : i32
    %dma_wait3A_85 = arith.constant 0 : i32
    %dma_wait3A_86 = tpu.memref_slice %arg3[%dma_wait3A_84, %dma_wait3A_85] : memref<10000x128xf32, #tpu.memory_space<hbm>> -> memref<10000x128xf32, #tpu.memory_space<hbm>>
    tpu.wait_indirect_dma semaphore(%arg18 : memref<!tpu.dma_semaphore, #tpu.memory_space<semaphore_mem>>) src(%dma_wait3A_86 : memref<10000x128xf32, #tpu.memory_space<hbm>>) dst(%arg14 : memref<128x128xf32, #tpu.memory_space<vmem>>)
    %add3A_87 = arith.constant 448 : i32
    %add3A_88 = arith.addi %add3A, %add3A_87 : i32
    %lt3A_89 = arith.constant 500 : i32
    %lt3A_90 = arith.cmpi slt, %add3A_88, %lt3A_89 : i32
    %mul3A_91 = arith.constant 128 : i32
    %mul3A_92 = arith.muli %add3A_88, %mul3A_91 : i32
    %jit3A_93 = arith.constant 64000 : i32
    %select_n3A_94 = arith.select %lt3A_90, %mul3A_92, %jit3A_93 : i32
    %dma_start3A_95 = arith.constant 0 : i32
    %dma_start3A_96 = tpu.memref_slice %arg6[%select_n3A_94, %dma_start3A_95] : memref<64128x128xf32, #tpu.memory_space<hbm>> -> memref<128x128xf32, #tpu.memory_space<hbm>>
    %dma_start3A_97 = arith.constant 0 : i32
    %dma_start3A_98 = tpu.memref_slice %arg6[%select_n3A_94, %dma_start3A_97] : memref<64128x128xf32, #tpu.memory_space<hbm>> -> memref<128x128xf32, #tpu.memory_space<hbm>>
    tpu.enqueue_dma source(%arg12 : memref<128x128xf32, #tpu.memory_space<vmem>>) target(%dma_start3A_98 : memref<128x128xf32, #tpu.memory_space<hbm>>) target_semaphore(%arg20 : memref<!tpu.dma_semaphore, #tpu.memory_space<semaphore_mem>>)
    %dma_start3A_99 = arith.constant 0 : i32
    %dma_start3A_100 = tpu.memref_slice %arg7[%select_n3A_94, %dma_start3A_99] : memref<64128x128xf32, #tpu.memory_space<hbm>> -> memref<128x128xf32, #tpu.memory_space<hbm>>
    %dma_start3A_101 = arith.constant 0 : i32
    %dma_start3A_102 = tpu.memref_slice %arg7[%select_n3A_94, %dma_start3A_101] : memref<64128x128xf32, #tpu.memory_space<hbm>> -> memref<128x128xf32, #tpu.memory_space<hbm>>
    tpu.enqueue_dma source(%arg14 : memref<128x128xf32, #tpu.memory_space<vmem>>) target(%dma_start3A_102 : memref<128x128xf32, #tpu.memory_space<hbm>>) target_semaphore(%arg20 : memref<!tpu.dma_semaphore, #tpu.memory_space<semaphore_mem>>)
    %dma_wait3A_103 = arith.constant 0 : i32
    %dma_wait3A_104 = arith.constant 0 : i32
    %dma_wait3A_105 = tpu.memref_slice %arg2[%dma_wait3A_103, %dma_wait3A_104] : memref<10000x128xf32, #tpu.memory_space<hbm>> -> memref<10000x128xf32, #tpu.memory_space<hbm>>
    tpu.wait_indirect_dma semaphore(%arg19 : memref<!tpu.dma_semaphore, #tpu.memory_space<semaphore_mem>>) src(%dma_wait3A_105 : memref<10000x128xf32, #tpu.memory_space<hbm>>) dst(%arg13 : memref<128x128xf32, #tpu.memory_space<vmem>>)
    %dma_wait3A_106 = arith.constant 0 : i32
    %dma_wait3A_107 = arith.constant 0 : i32
    %dma_wait3A_108 = tpu.memref_slice %arg3[%dma_wait3A_106, %dma_wait3A_107] : memref<10000x128xf32, #tpu.memory_space<hbm>> -> memref<10000x128xf32, #tpu.memory_space<hbm>>
    tpu.wait_indirect_dma semaphore(%arg19 : memref<!tpu.dma_semaphore, #tpu.memory_space<semaphore_mem>>) src(%dma_wait3A_108 : memref<10000x128xf32, #tpu.memory_space<hbm>>) dst(%arg15 : memref<128x128xf32, #tpu.memory_space<vmem>>)
    %dma_wait3A_109 = arith.constant 0 : i32
    %dma_wait3A_110 = arith.constant 0 : i32
    %dma_wait3A_111 = tpu.memref_slice %arg6[%dma_wait3A_109, %dma_wait3A_110] : memref<64128x128xf32, #tpu.memory_space<hbm>> -> memref<128x128xf32, #tpu.memory_space<hbm>>
    %dma_wait3A_112 = arith.constant 0 : i32
    %dma_wait3A_113 = arith.constant 0 : i32
    %dma_wait3A_114 = tpu.memref_slice %arg6[%dma_wait3A_112, %dma_wait3A_113] : memref<64128x128xf32, #tpu.memory_space<hbm>> -> memref<128x128xf32, #tpu.memory_space<hbm>>
    tpu.wait_dma2 semaphore(%arg20 : memref<!tpu.dma_semaphore, #tpu.memory_space<semaphore_mem>>) src(%arg12 : memref<128x128xf32, #tpu.memory_space<vmem>>) dst(%dma_wait3A_114 : memref<128x128xf32, #tpu.memory_space<hbm>>)
    %dma_wait3A_115 = arith.constant 0 : i32
    %dma_wait3A_116 = arith.constant 0 : i32
    %dma_wait3A_117 = tpu.memref_slice %arg7[%dma_wait3A_115, %dma_wait3A_116] : memref<64128x128xf32, #tpu.memory_space<hbm>> -> memref<128x128xf32, #tpu.memory_space<hbm>>
    %dma_wait3A_118 = arith.constant 0 : i32
    %dma_wait3A_119 = arith.constant 0 : i32
    %dma_wait3A_120 = tpu.memref_slice %arg7[%dma_wait3A_118, %dma_wait3A_119] : memref<64128x128xf32, #tpu.memory_space<hbm>> -> memref<128x128xf32, #tpu.memory_space<hbm>>
    tpu.wait_dma2 semaphore(%arg20 : memref<!tpu.dma_semaphore, #tpu.memory_space<semaphore_mem>>) src(%arg14 : memref<128x128xf32, #tpu.memory_space<vmem>>) dst(%dma_wait3A_120 : memref<128x128xf32, #tpu.memory_space<hbm>>)
    %add3A_121 = arith.constant 480 : i32
    %add3A_122 = arith.addi %add3A, %add3A_121 : i32
    %lt3A_123 = arith.constant 500 : i32
    %lt3A_124 = arith.cmpi slt, %add3A_122, %lt3A_123 : i32
    %mul3A_125 = arith.constant 128 : i32
    %mul3A_126 = arith.muli %add3A_122, %mul3A_125 : i32
    %jit3A_127 = arith.constant 64000 : i32
    %select_n3A_128 = arith.select %lt3A_124, %mul3A_126, %jit3A_127 : i32
    %dma_start3A_129 = arith.constant 0 : i32
    %dma_start3A_130 = tpu.memref_slice %arg6[%select_n3A_128, %dma_start3A_129] : memref<64128x128xf32, #tpu.memory_space<hbm>> -> memref<128x128xf32, #tpu.memory_space<hbm>>
    %dma_start3A_131 = arith.constant 0 : i32
    %dma_start3A_132 = tpu.memref_slice %arg6[%select_n3A_128, %dma_start3A_131] : memref<64128x128xf32, #tpu.memory_space<hbm>> -> memref<128x128xf32, #tpu.memory_space<hbm>>
    tpu.enqueue_dma source(%arg13 : memref<128x128xf32, #tpu.memory_space<vmem>>) target(%dma_start3A_132 : memref<128x128xf32, #tpu.memory_space<hbm>>) target_semaphore(%arg21 : memref<!tpu.dma_semaphore, #tpu.memory_space<semaphore_mem>>)
    %dma_start3A_133 = arith.constant 0 : i32
    %dma_start3A_134 = tpu.memref_slice %arg7[%select_n3A_128, %dma_start3A_133] : memref<64128x128xf32, #tpu.memory_space<hbm>> -> memref<128x128xf32, #tpu.memory_space<hbm>>
    %dma_start3A_135 = arith.constant 0 : i32
    %dma_start3A_136 = tpu.memref_slice %arg7[%select_n3A_128, %dma_start3A_135] : memref<64128x128xf32, #tpu.memory_space<hbm>> -> memref<128x128xf32, #tpu.memory_space<hbm>>
    tpu.enqueue_dma source(%arg15 : memref<128x128xf32, #tpu.memory_space<vmem>>) target(%dma_start3A_136 : memref<128x128xf32, #tpu.memory_space<hbm>>) target_semaphore(%arg21 : memref<!tpu.dma_semaphore, #tpu.memory_space<semaphore_mem>>)
    %dma_wait3A_137 = arith.constant 0 : i32
    %dma_wait3A_138 = arith.constant 0 : i32
    %dma_wait3A_139 = tpu.memref_slice %arg6[%dma_wait3A_137, %dma_wait3A_138] : memref<64128x128xf32, #tpu.memory_space<hbm>> -> memref<128x128xf32, #tpu.memory_space<hbm>>
    %dma_wait3A_140 = arith.constant 0 : i32
    %dma_wait3A_141 = arith.constant 0 : i32
    %dma_wait3A_142 = tpu.memref_slice %arg6[%dma_wait3A_140, %dma_wait3A_141] : memref<64128x128xf32, #tpu.memory_space<hbm>> -> memref<128x128xf32, #tpu.memory_space<hbm>>
    tpu.wait_dma2 semaphore(%arg21 : memref<!tpu.dma_semaphore, #tpu.memory_space<semaphore_mem>>) src(%arg13 : memref<128x128xf32, #tpu.memory_space<vmem>>) dst(%dma_wait3A_142 : memref<128x128xf32, #tpu.memory_space<hbm>>)
    %dma_wait3A_143 = arith.constant 0 : i32
    %dma_wait3A_144 = arith.constant 0 : i32
    %dma_wait3A_145 = tpu.memref_slice %arg7[%dma_wait3A_143, %dma_wait3A_144] : memref<64128x128xf32, #tpu.memory_space<hbm>> -> memref<128x128xf32, #tpu.memory_space<hbm>>
    %dma_wait3A_146 = arith.constant 0 : i32
    %dma_wait3A_147 = arith.constant 0 : i32
    %dma_wait3A_148 = tpu.memref_slice %arg7[%dma_wait3A_146, %dma_wait3A_147] : memref<64128x128xf32, #tpu.memory_space<hbm>> -> memref<128x128xf32, #tpu.memory_space<hbm>>
    tpu.wait_dma2 semaphore(%arg21 : memref<!tpu.dma_semaphore, #tpu.memory_space<semaphore_mem>>) src(%arg15 : memref<128x128xf32, #tpu.memory_space<vmem>>) dst(%dma_wait3A_148 : memref<128x128xf32, #tpu.memory_space<hbm>>)
    return
  }
}

#map = affine_map<(d0, d1) -> (0, 0)>
#map1 = affine_map<(d0, d1) -> (0)>
module attributes {stable_mosaic.version = 14 : i64} {
  func.func @_gather_body(%arg0: i32, %arg1: i32, %arg2: memref<10000x128xf32, #tpu.memory_space<hbm>>, %arg3: memref<10000x128xf32, #tpu.memory_space<hbm>>, %arg4: memref<64000xi32, #tpu.memory_space<hbm>>, %arg5: memref<64000xi32, #tpu.memory_space<hbm>>, %arg6: memref<64128x128xf32, #tpu.memory_space<hbm>>, %arg7: memref<64128x128xf32, #tpu.memory_space<hbm>>, %arg8: memref<128xi32, #tpu.memory_space<vmem>>, %arg9: memref<128xi32, #tpu.memory_space<vmem>>, %arg10: memref<128xi32, #tpu.memory_space<vmem>>, %arg11: memref<128xi32, #tpu.memory_space<vmem>>, %arg12: memref<128x128xf32, #tpu.memory_space<vmem>>, %arg13: memref<128x128xf32, #tpu.memory_space<vmem>>, %arg14: memref<128x128xf32, #tpu.memory_space<vmem>>, %arg15: memref<128x128xf32, #tpu.memory_space<vmem>>, %arg16: memref<!tpu.dma_semaphore, #tpu.memory_space<semaphore_mem>>, %arg17: memref<!tpu.dma_semaphore, #tpu.memory_space<semaphore_mem>>, %arg18: memref<!tpu.dma_semaphore, #tpu.memory_space<semaphore_mem>>, %arg19: memref<!tpu.dma_semaphore, #tpu.memory_space<semaphore_mem>>, %arg20: memref<!tpu.dma_semaphore, #tpu.memory_space<semaphore_mem>>, %arg21: memref<!tpu.dma_semaphore, #tpu.memory_space<semaphore_mem>>) attributes {dimension_semantics = [#tpu.dimension_semantics<core_parallel>, #tpu.dimension_semantics<subcore_parallel>], iteration_bounds = array<i64: 2, 16>, scalar_prefetch = 0 : i64, scratch_operands = 14 : i64, tpu.core_type = #tpu.core_type<sc_vector_subcore>, window_params = [{transform_indices = #map}, {transform_indices = #map}, {transform_indices = #map1}, {transform_indices = #map1}, {transform_indices = #map}, {transform_indices = #map}]} {
    %mul3A = arith.constant 2 : i32
    %mul3A_0 = arith.muli %arg1, %mul3A : i32
    %add3A = arith.addi %mul3A_0, %arg0 : i32
    %add3A_1 = arith.constant 0 : i32
    %add3A_2 = arith.addi %add3A, %add3A_1 : i32
    %lt3A = arith.constant 500 : i32
    %lt3A_3 = arith.cmpi slt, %add3A_2, %lt3A : i32
    %jit3A = arith.constant 0 : i32
    %select_n3A = arith.select %lt3A_3, %add3A_2, %jit3A : i32
    %mul3A_4 = arith.constant 128 : i32
    %mul3A_5 = arith.muli %select_n3A, %mul3A_4 : i32
    %dma_start3A = tpu.memref_slice %arg4[%mul3A_5] : memref<64000xi32, #tpu.memory_space<hbm>> -> memref<128xi32, #tpu.memory_space<hbm>>
    %dma_start3A_6 = tpu.memref_slice %arg4[%mul3A_5] : memref<64000xi32, #tpu.memory_space<hbm>> -> memref<128xi32, #tpu.memory_space<hbm>>
    tpu.enqueue_dma source(%dma_start3A_6 : memref<128xi32, #tpu.memory_space<hbm>>) target(%arg8 : memref<128xi32, #tpu.memory_space<vmem>>) target_semaphore(%arg16 : memref<!tpu.dma_semaphore, #tpu.memory_space<semaphore_mem>>)
    %dma_start3A_7 = tpu.memref_slice %arg5[%mul3A_5] : memref<64000xi32, #tpu.memory_space<hbm>> -> memref<128xi32, #tpu.memory_space<hbm>>
    %dma_start3A_8 = tpu.memref_slice %arg5[%mul3A_5] : memref<64000xi32, #tpu.memory_space<hbm>> -> memref<128xi32, #tpu.memory_space<hbm>>
    tpu.enqueue_dma source(%dma_start3A_8 : memref<128xi32, #tpu.memory_space<hbm>>) target(%arg10 : memref<128xi32, #tpu.memory_space<vmem>>) target_semaphore(%arg16 : memref<!tpu.dma_semaphore, #tpu.memory_space<semaphore_mem>>)
    %add3A_9 = arith.constant 32 : i32
    %add3A_10 = arith.addi %add3A, %add3A_9 : i32
    %lt3A_11 = arith.constant 500 : i32
    %lt3A_12 = arith.cmpi slt, %add3A_10, %lt3A_11 : i32
    %jit3A_13 = arith.constant 0 : i32
    %select_n3A_14 = arith.select %lt3A_12, %add3A_10, %jit3A_13 : i32
    %mul3A_15 = arith.constant 128 : i32
    %mul3A_16 = arith.muli %select_n3A_14, %mul3A_15 : i32
    %dma_start3A_17 = tpu.memref_slice %arg4[%mul3A_16] : memref<64000xi32, #tpu.memory_space<hbm>> -> memref<128xi32, #tpu.memory_space<hbm>>
    %dma_start3A_18 = tpu.memref_slice %arg4[%mul3A_16] : memref<64000xi32, #tpu.memory_space<hbm>> -> memref<128xi32, #tpu.memory_space<hbm>>
    tpu.enqueue_dma source(%dma_start3A_18 : memref<128xi32, #tpu.memory_space<hbm>>) target(%arg9 : memref<128xi32, #tpu.memory_space<vmem>>) target_semaphore(%arg17 : memref<!tpu.dma_semaphore, #tpu.memory_space<semaphore_mem>>)
    %dma_start3A_19 = tpu.memref_slice %arg5[%mul3A_16] : memref<64000xi32, #tpu.memory_space<hbm>> -> memref<128xi32, #tpu.memory_space<hbm>>
    %dma_start3A_20 = tpu.memref_slice %arg5[%mul3A_16] : memref<64000xi32, #tpu.memory_space<hbm>> -> memref<128xi32, #tpu.memory_space<hbm>>
    tpu.enqueue_dma source(%dma_start3A_20 : memref<128xi32, #tpu.memory_space<hbm>>) target(%arg11 : memref<128xi32, #tpu.memory_space<vmem>>) target_semaphore(%arg17 : memref<!tpu.dma_semaphore, #tpu.memory_space<semaphore_mem>>)
    %dma_wait3A = arith.constant 0 : i32
    %dma_wait3A_21 = tpu.memref_slice %arg4[%dma_wait3A] : memref<64000xi32, #tpu.memory_space<hbm>> -> memref<128xi32, #tpu.memory_space<hbm>>
    %dma_wait3A_22 = arith.constant 0 : i32
    %dma_wait3A_23 = tpu.memref_slice %arg4[%dma_wait3A_22] : memref<64000xi32, #tpu.memory_space<hbm>> -> memref<128xi32, #tpu.memory_space<hbm>>
    tpu.wait_dma2 semaphore(%arg16 : memref<!tpu.dma_semaphore, #tpu.memory_space<semaphore_mem>>) src(%dma_wait3A_23 : memref<128xi32, #tpu.memory_space<hbm>>) dst(%arg8 : memref<128xi32, #tpu.memory_space<vmem>>)
    %dma_wait3A_24 = arith.constant 0 : i32
    %dma_wait3A_25 = tpu.memref_slice %arg5[%dma_wait3A_24] : memref<64000xi32, #tpu.memory_space<hbm>> -> memref<128xi32, #tpu.memory_space<hbm>>
    %dma_wait3A_26 = arith.constant 0 : i32
    %dma_wait3A_27 = tpu.memref_slice %arg5[%dma_wait3A_26] : memref<64000xi32, #tpu.memory_space<hbm>> -> memref<128xi32, #tpu.memory_space<hbm>>
    tpu.wait_dma2 semaphore(%arg16 : memref<!tpu.dma_semaphore, #tpu.memory_space<semaphore_mem>>) src(%dma_wait3A_27 : memref<128xi32, #tpu.memory_space<hbm>>) dst(%arg10 : memref<128xi32, #tpu.memory_space<vmem>>)
    %dma_start3A_28 = arith.constant 0 : i32
    %dma_start3A_29 = arith.constant 0 : i32
    %dma_start3A_30 = tpu.memref_slice %arg2[%dma_start3A_28, %dma_start3A_29] : memref<10000x128xf32, #tpu.memory_space<hbm>> -> memref<10000x128xf32, #tpu.memory_space<hbm>>
    tpu.enqueue_indirect_dma source(%dma_start3A_30 : memref<10000x128xf32, #tpu.memory_space<hbm>>) target(%arg12 : memref<128x128xf32, #tpu.memory_space<vmem>>) offsets(%arg8 : memref<128xi32, #tpu.memory_space<vmem>>) semaphore(%arg18 : memref<!tpu.dma_semaphore, #tpu.memory_space<semaphore_mem>>)
    %dma_start3A_31 = arith.constant 0 : i32
    %dma_start3A_32 = arith.constant 0 : i32
    %dma_start3A_33 = tpu.memref_slice %arg3[%dma_start3A_31, %dma_start3A_32] : memref<10000x128xf32, #tpu.memory_space<hbm>> -> memref<10000x128xf32, #tpu.memory_space<hbm>>
    tpu.enqueue_indirect_dma source(%dma_start3A_33 : memref<10000x128xf32, #tpu.memory_space<hbm>>) target(%arg14 : memref<128x128xf32, #tpu.memory_space<vmem>>) offsets(%arg10 : memref<128xi32, #tpu.memory_space<vmem>>) semaphore(%arg18 : memref<!tpu.dma_semaphore, #tpu.memory_space<semaphore_mem>>)
    %add3A_34 = arith.constant 512 : i32
    %add3A_35 = arith.addi %add3A, %add3A_34 : i32
    %lt3A_36 = arith.constant 500 : i32
    %lt3A_37 = arith.cmpi slt, %add3A_35, %lt3A_36 : i32
    %mul3A_38 = arith.constant 128 : i32
    %mul3A_39 = arith.muli %add3A_35, %mul3A_38 : i32
    %jit3A_40 = arith.constant 64000 : i32
    %select_n3A_41 = arith.select %lt3A_37, %mul3A_39, %jit3A_40 : i32
    %dma_start3A_42 = arith.constant 0 : i32
    %dma_start3A_43 = tpu.memref_slice %arg6[%select_n3A_41, %dma_start3A_42] : memref<64128x128xf32, #tpu.memory_space<hbm>> -> memref<128x128xf32, #tpu.memory_space<hbm>>
    %dma_start3A_44 = arith.constant 0 : i32
    %dma_start3A_45 = tpu.memref_slice %arg6[%select_n3A_41, %dma_start3A_44] : memref<64128x128xf32, #tpu.memory_space<hbm>> -> memref<128x128xf32, #tpu.memory_space<hbm>>
    tpu.enqueue_dma source(%arg13 : memref<128x128xf32, #tpu.memory_space<vmem>>) target(%dma_start3A_45 : memref<128x128xf32, #tpu.memory_space<hbm>>) target_semaphore(%arg21 : memref<!tpu.dma_semaphore, #tpu.memory_space<semaphore_mem>>)
    %dma_start3A_46 = arith.constant 0 : i32
    %dma_start3A_47 = tpu.memref_slice %arg7[%select_n3A_41, %dma_start3A_46] : memref<64128x128xf32, #tpu.memory_space<hbm>> -> memref<128x128xf32, #tpu.memory_space<hbm>>
    %dma_start3A_48 = arith.constant 0 : i32
    %dma_start3A_49 = tpu.memref_slice %arg7[%select_n3A_41, %dma_start3A_48] : memref<64128x128xf32, #tpu.memory_space<hbm>> -> memref<128x128xf32, #tpu.memory_space<hbm>>
    tpu.enqueue_dma source(%arg15 : memref<128x128xf32, #tpu.memory_space<vmem>>) target(%dma_start3A_49 : memref<128x128xf32, #tpu.memory_space<hbm>>) target_semaphore(%arg21 : memref<!tpu.dma_semaphore, #tpu.memory_space<semaphore_mem>>)
    %scan3A = arith.constant 0 : i32
    %scan3A_50 = arith.constant 0 : i32
    %scan3A_51 = arith.constant 7 : i32
    %scan3A_52 = arith.addi %scan3A_50, %scan3A_51 : i32
    %scan3A_53 = arith.constant 1 : i32
    scf.for %scan3A_149 = %scan3A_50 to %scan3A_52 step %scan3A_53  : i32 {
      %mul3A_150 = arith.constant 2 : i32
      %mul3A_151 = arith.muli %mul3A_150, %scan3A_149 : i32
      %dma_wait3A_152 = arith.constant 0 : i32
      %dma_wait3A_153 = tpu.memref_slice %arg4[%dma_wait3A_152] : memref<64000xi32, #tpu.memory_space<hbm>> -> memref<128xi32, #tpu.memory_space<hbm>>
      %dma_wait3A_154 = arith.constant 0 : i32
      %dma_wait3A_155 = tpu.memref_slice %arg4[%dma_wait3A_154] : memref<64000xi32, #tpu.memory_space<hbm>> -> memref<128xi32, #tpu.memory_space<hbm>>
      tpu.wait_dma2 semaphore(%arg17 : memref<!tpu.dma_semaphore, #tpu.memory_space<semaphore_mem>>) src(%dma_wait3A_155 : memref<128xi32, #tpu.memory_space<hbm>>) dst(%arg9 : memref<128xi32, #tpu.memory_space<vmem>>)
      %dma_wait3A_156 = arith.constant 0 : i32
      %dma_wait3A_157 = tpu.memref_slice %arg5[%dma_wait3A_156] : memref<64000xi32, #tpu.memory_space<hbm>> -> memref<128xi32, #tpu.memory_space<hbm>>
      %dma_wait3A_158 = arith.constant 0 : i32
      %dma_wait3A_159 = tpu.memref_slice %arg5[%dma_wait3A_158] : memref<64000xi32, #tpu.memory_space<hbm>> -> memref<128xi32, #tpu.memory_space<hbm>>
      tpu.wait_dma2 semaphore(%arg17 : memref<!tpu.dma_semaphore, #tpu.memory_space<semaphore_mem>>) src(%dma_wait3A_159 : memref<128xi32, #tpu.memory_space<hbm>>) dst(%arg11 : memref<128xi32, #tpu.memory_space<vmem>>)
      %dma_wait3A_160 = arith.constant 0 : i32
      %dma_wait3A_161 = arith.constant 0 : i32
      %dma_wait3A_162 = tpu.memref_slice %arg6[%dma_wait3A_160, %dma_wait3A_161] : memref<64128x128xf32, #tpu.memory_space<hbm>> -> memref<128x128xf32, #tpu.memory_space<hbm>>
      %dma_wait3A_163 = arith.constant 0 : i32
      %dma_wait3A_164 = arith.constant 0 : i32
      %dma_wait3A_165 = tpu.memref_slice %arg6[%dma_wait3A_163, %dma_wait3A_164] : memref<64128x128xf32, #tpu.memory_space<hbm>> -> memref<128x128xf32, #tpu.memory_space<hbm>>
      tpu.wait_dma2 semaphore(%arg21 : memref<!tpu.dma_semaphore, #tpu.memory_space<semaphore_mem>>) src(%arg13 : memref<128x128xf32, #tpu.memory_space<vmem>>) dst(%dma_wait3A_165 : memref<128x128xf32, #tpu.memory_space<hbm>>)
      %dma_wait3A_166 = arith.constant 0 : i32
      %dma_wait3A_167 = arith.constant 0 : i32
      %dma_wait3A_168 = tpu.memref_slice %arg7[%dma_wait3A_166, %dma_wait3A_167] : memref<64128x128xf32, #tpu.memory_space<hbm>> -> memref<128x128xf32, #tpu.memory_space<hbm>>
      %dma_wait3A_169 = arith.constant 0 : i32
      %dma_wait3A_170 = arith.constant 0 : i32
      %dma_wait3A_171 = tpu.memref_slice %arg7[%dma_wait3A_169, %dma_wait3A_170] : memref<64128x128xf32, #tpu.memory_space<hbm>> -> memref<128x128xf32, #tpu.memory_space<hbm>>
      tpu.wait_dma2 semaphore(%arg21 : memref<!tpu.dma_semaphore, #tpu.memory_space<semaphore_mem>>) src(%arg15 : memref<128x128xf32, #tpu.memory_space<vmem>>) dst(%dma_wait3A_171 : memref<128x128xf32, #tpu.memory_space<hbm>>)
      %dma_start3A_172 = arith.constant 0 : i32
      %dma_start3A_173 = arith.constant 0 : i32
      %dma_start3A_174 = tpu.memref_slice %arg2[%dma_start3A_172, %dma_start3A_173] : memref<10000x128xf32, #tpu.memory_space<hbm>> -> memref<10000x128xf32, #tpu.memory_space<hbm>>
      tpu.enqueue_indirect_dma source(%dma_start3A_174 : memref<10000x128xf32, #tpu.memory_space<hbm>>) target(%arg13 : memref<128x128xf32, #tpu.memory_space<vmem>>) offsets(%arg9 : memref<128xi32, #tpu.memory_space<vmem>>) semaphore(%arg19 : memref<!tpu.dma_semaphore, #tpu.memory_space<semaphore_mem>>)
      %dma_start3A_175 = arith.constant 0 : i32
      %dma_start3A_176 = arith.constant 0 : i32
      %dma_start3A_177 = tpu.memref_slice %arg3[%dma_start3A_175, %dma_start3A_176] : memref<10000x128xf32, #tpu.memory_space<hbm>> -> memref<10000x128xf32, #tpu.memory_space<hbm>>
      tpu.enqueue_indirect_dma source(%dma_start3A_177 : memref<10000x128xf32, #tpu.memory_space<hbm>>) target(%arg15 : memref<128x128xf32, #tpu.memory_space<vmem>>) offsets(%arg11 : memref<128xi32, #tpu.memory_space<vmem>>) semaphore(%arg19 : memref<!tpu.dma_semaphore, #tpu.memory_space<semaphore_mem>>)
      %dma_wait3A_178 = arith.constant 0 : i32
      %dma_wait3A_179 = arith.constant 0 : i32
      %dma_wait3A_180 = tpu.memref_slice %arg2[%dma_wait3A_178, %dma_wait3A_179] : memref<10000x128xf32, #tpu.memory_space<hbm>> -> memref<10000x128xf32, #tpu.memory_space<hbm>>
      tpu.wait_indirect_dma semaphore(%arg18 : memref<!tpu.dma_semaphore, #tpu.memory_space<semaphore_mem>>) src(%dma_wait3A_180 : memref<10000x128xf32, #tpu.memory_space<hbm>>) dst(%arg12 : memref<128x128xf32, #tpu.memory_space<vmem>>)
      %dma_wait3A_181 = arith.constant 0 : i32
      %dma_wait3A_182 = arith.constant 0 : i32
      %dma_wait3A_183 = tpu.memref_slice %arg3[%dma_wait3A_181, %dma_wait3A_182] : memref<10000x128xf32, #tpu.memory_space<hbm>> -> memref<10000x128xf32, #tpu.memory_space<hbm>>
      tpu.wait_indirect_dma semaphore(%arg18 : memref<!tpu.dma_semaphore, #tpu.memory_space<semaphore_mem>>) src(%dma_wait3A_183 : memref<10000x128xf32, #tpu.memory_space<hbm>>) dst(%arg14 : memref<128x128xf32, #tpu.memory_space<vmem>>)
      %mul3A_184 = arith.constant 32 : i32
      %mul3A_185 = arith.muli %mul3A_184, %mul3A_151 : i32
      %add3A_186 = arith.addi %add3A, %mul3A_185 : i32
      %lt3A_187 = arith.constant 500 : i32
      %lt3A_188 = arith.cmpi slt, %add3A_186, %lt3A_187 : i32
      %mul3A_189 = arith.constant 128 : i32
      %mul3A_190 = arith.muli %add3A_186, %mul3A_189 : i32
      %jit3A_191 = arith.constant 64000 : i32
      %select_n3A_192 = arith.select %lt3A_188, %mul3A_190, %jit3A_191 : i32
      %dma_start3A_193 = arith.constant 0 : i32
      %dma_start3A_194 = tpu.memref_slice %arg6[%select_n3A_192, %dma_start3A_193] : memref<64128x128xf32, #tpu.memory_space<hbm>> -> memref<128x128xf32, #tpu.memory_space<hbm>>
      %dma_start3A_195 = arith.constant 0 : i32
      %dma_start3A_196 = tpu.memref_slice %arg6[%select_n3A_192, %dma_start3A_195] : memref<64128x128xf32, #tpu.memory_space<hbm>> -> memref<128x128xf32, #tpu.memory_space<hbm>>
      tpu.enqueue_dma source(%arg12 : memref<128x128xf32, #tpu.memory_space<vmem>>) target(%dma_start3A_196 : memref<128x128xf32, #tpu.memory_space<hbm>>) target_semaphore(%arg20 : memref<!tpu.dma_semaphore, #tpu.memory_space<semaphore_mem>>)
      %dma_start3A_197 = arith.constant 0 : i32
      %dma_start3A_198 = tpu.memref_slice %arg7[%select_n3A_192, %dma_start3A_197] : memref<64128x128xf32, #tpu.memory_space<hbm>> -> memref<128x128xf32, #tpu.memory_space<hbm>>
      %dma_start3A_199 = arith.constant 0 : i32
      %dma_start3A_200 = tpu.memref_slice %arg7[%select_n3A_192, %dma_start3A_199] : memref<64128x128xf32, #tpu.memory_space<hbm>> -> memref<128x128xf32, #tpu.memory_space<hbm>>
      tpu.enqueue_dma source(%arg14 : memref<128x128xf32, #tpu.memory_space<vmem>>) target(%dma_start3A_200 : memref<128x128xf32, #tpu.memory_space<hbm>>) target_semaphore(%arg20 : memref<!tpu.dma_semaphore, #tpu.memory_space<semaphore_mem>>)
      %add3A_201 = arith.constant 2 : i32
      %add3A_202 = arith.addi %mul3A_151, %add3A_201 : i32
      %mul3A_203 = arith.constant 32 : i32
      %mul3A_204 = arith.muli %mul3A_203, %add3A_202 : i32
      %add3A_205 = arith.addi %add3A, %mul3A_204 : i32
      %lt3A_206 = arith.constant 500 : i32
      %lt3A_207 = arith.cmpi slt, %add3A_205, %lt3A_206 : i32
      %jit3A_208 = arith.constant 0 : i32
      %select_n3A_209 = arith.select %lt3A_207, %add3A_205, %jit3A_208 : i32
      %mul3A_210 = arith.constant 128 : i32
      %mul3A_211 = arith.muli %select_n3A_209, %mul3A_210 : i32
      %dma_start3A_212 = tpu.memref_slice %arg4[%mul3A_211] : memref<64000xi32, #tpu.memory_space<hbm>> -> memref<128xi32, #tpu.memory_space<hbm>>
      %dma_start3A_213 = tpu.memref_slice %arg4[%mul3A_211] : memref<64000xi32, #tpu.memory_space<hbm>> -> memref<128xi32, #tpu.memory_space<hbm>>
      tpu.enqueue_dma source(%dma_start3A_213 : memref<128xi32, #tpu.memory_space<hbm>>) target(%arg8 : memref<128xi32, #tpu.memory_space<vmem>>) target_semaphore(%arg16 : memref<!tpu.dma_semaphore, #tpu.memory_space<semaphore_mem>>)
      %dma_start3A_214 = tpu.memref_slice %arg5[%mul3A_211] : memref<64000xi32, #tpu.memory_space<hbm>> -> memref<128xi32, #tpu.memory_space<hbm>>
      %dma_start3A_215 = tpu.memref_slice %arg5[%mul3A_211] : memref<64000xi32, #tpu.memory_space<hbm>> -> memref<128xi32, #tpu.memory_space<hbm>>
      tpu.enqueue_dma source(%dma_start3A_215 : memref<128xi32, #tpu.memory_space<hbm>>) target(%arg10 : memref<128xi32, #tpu.memory_space<vmem>>) target_semaphore(%arg16 : memref<!tpu.dma_semaphore, #tpu.memory_space<semaphore_mem>>)
      %dma_wait3A_216 = arith.constant 0 : i32
      %dma_wait3A_217 = tpu.memref_slice %arg4[%dma_wait3A_216] : memref<64000xi32, #tpu.memory_space<hbm>> -> memref<128xi32, #tpu.memory_space<hbm>>
      %dma_wait3A_218 = arith.constant 0 : i32
      %dma_wait3A_219 = tpu.memref_slice %arg4[%dma_wait3A_218] : memref<64000xi32, #tpu.memory_space<hbm>> -> memref<128xi32, #tpu.memory_space<hbm>>
      tpu.wait_dma2 semaphore(%arg16 : memref<!tpu.dma_semaphore, #tpu.memory_space<semaphore_mem>>) src(%dma_wait3A_219 : memref<128xi32, #tpu.memory_space<hbm>>) dst(%arg8 : memref<128xi32, #tpu.memory_space<vmem>>)
      %dma_wait3A_220 = arith.constant 0 : i32
      %dma_wait3A_221 = tpu.memref_slice %arg5[%dma_wait3A_220] : memref<64000xi32, #tpu.memory_space<hbm>> -> memref<128xi32, #tpu.memory_space<hbm>>
      %dma_wait3A_222 = arith.constant 0 : i32
      %dma_wait3A_223 = tpu.memref_slice %arg5[%dma_wait3A_222] : memref<64000xi32, #tpu.memory_space<hbm>> -> memref<128xi32, #tpu.memory_space<hbm>>
      tpu.wait_dma2 semaphore(%arg16 : memref<!tpu.dma_semaphore, #tpu.memory_space<semaphore_mem>>) src(%dma_wait3A_223 : memref<128xi32, #tpu.memory_space<hbm>>) dst(%arg10 : memref<128xi32, #tpu.memory_space<vmem>>)
      %dma_wait3A_224 = arith.constant 0 : i32
      %dma_wait3A_225 = arith.constant 0 : i32
      %dma_wait3A_226 = tpu.memref_slice %arg6[%dma_wait3A_224, %dma_wait3A_225] : memref<64128x128xf32, #tpu.memory_space<hbm>> -> memref<128x128xf32, #tpu.memory_space<hbm>>
      %dma_wait3A_227 = arith.constant 0 : i32
      %dma_wait3A_228 = arith.constant 0 : i32
      %dma_wait3A_229 = tpu.memref_slice %arg6[%dma_wait3A_227, %dma_wait3A_228] : memref<64128x128xf32, #tpu.memory_space<hbm>> -> memref<128x128xf32, #tpu.memory_space<hbm>>
      tpu.wait_dma2 semaphore(%arg20 : memref<!tpu.dma_semaphore, #tpu.memory_space<semaphore_mem>>) src(%arg12 : memref<128x128xf32, #tpu.memory_space<vmem>>) dst(%dma_wait3A_229 : memref<128x128xf32, #tpu.memory_space<hbm>>)
      %dma_wait3A_230 = arith.constant 0 : i32
      %dma_wait3A_231 = arith.constant 0 : i32
      %dma_wait3A_232 = tpu.memref_slice %arg7[%dma_wait3A_230, %dma_wait3A_231] : memref<64128x128xf32, #tpu.memory_space<hbm>> -> memref<128x128xf32, #tpu.memory_space<hbm>>
      %dma_wait3A_233 = arith.constant 0 : i32
      %dma_wait3A_234 = arith.constant 0 : i32
      %dma_wait3A_235 = tpu.memref_slice %arg7[%dma_wait3A_233, %dma_wait3A_234] : memref<64128x128xf32, #tpu.memory_space<hbm>> -> memref<128x128xf32, #tpu.memory_space<hbm>>
      tpu.wait_dma2 semaphore(%arg20 : memref<!tpu.dma_semaphore, #tpu.memory_space<semaphore_mem>>) src(%arg14 : memref<128x128xf32, #tpu.memory_space<vmem>>) dst(%dma_wait3A_235 : memref<128x128xf32, #tpu.memory_space<hbm>>)
      %dma_start3A_236 = arith.constant 0 : i32
      %dma_start3A_237 = arith.constant 0 : i32
      %dma_start3A_238 = tpu.memref_slice %arg2[%dma_start3A_236, %dma_start3A_237] : memref<10000x128xf32, #tpu.memory_space<hbm>> -> memref<10000x128xf32, #tpu.memory_space<hbm>>
      tpu.enqueue_indirect_dma source(%dma_start3A_238 : memref<10000x128xf32, #tpu.memory_space<hbm>>) target(%arg12 : memref<128x128xf32, #tpu.memory_space<vmem>>) offsets(%arg8 : memref<128xi32, #tpu.memory_space<vmem>>) semaphore(%arg18 : memref<!tpu.dma_semaphore, #tpu.memory_space<semaphore_mem>>)
      %dma_start3A_239 = arith.constant 0 : i32
      %dma_start3A_240 = arith.constant 0 : i32
      %dma_start3A_241 = tpu.memref_slice %arg3[%dma_start3A_239, %dma_start3A_240] : memref<10000x128xf32, #tpu.memory_space<hbm>> -> memref<10000x128xf32, #tpu.memory_space<hbm>>
      tpu.enqueue_indirect_dma source(%dma_start3A_241 : memref<10000x128xf32, #tpu.memory_space<hbm>>) target(%arg14 : memref<128x128xf32, #tpu.memory_space<vmem>>) offsets(%arg10 : memref<128xi32, #tpu.memory_space<vmem>>) semaphore(%arg18 : memref<!tpu.dma_semaphore, #tpu.memory_space<semaphore_mem>>)
      %dma_wait3A_242 = arith.constant 0 : i32
      %dma_wait3A_243 = arith.constant 0 : i32
      %dma_wait3A_244 = tpu.memref_slice %arg2[%dma_wait3A_242, %dma_wait3A_243] : memref<10000x128xf32, #tpu.memory_space<hbm>> -> memref<10000x128xf32, #tpu.memory_space<hbm>>
      tpu.wait_indirect_dma semaphore(%arg19 : memref<!tpu.dma_semaphore, #tpu.memory_space<semaphore_mem>>) src(%dma_wait3A_244 : memref<10000x128xf32, #tpu.memory_space<hbm>>) dst(%arg13 : memref<128x128xf32, #tpu.memory_space<vmem>>)
      %dma_wait3A_245 = arith.constant 0 : i32
      %dma_wait3A_246 = arith.constant 0 : i32
      %dma_wait3A_247 = tpu.memref_slice %arg3[%dma_wait3A_245, %dma_wait3A_246] : memref<10000x128xf32, #tpu.memory_space<hbm>> -> memref<10000x128xf32, #tpu.memory_space<hbm>>
      tpu.wait_indirect_dma semaphore(%arg19 : memref<!tpu.dma_semaphore, #tpu.memory_space<semaphore_mem>>) src(%dma_wait3A_247 : memref<10000x128xf32, #tpu.memory_space<hbm>>) dst(%arg15 : memref<128x128xf32, #tpu.memory_space<vmem>>)
      %add3A_248 = arith.constant 1 : i32
      %add3A_249 = arith.addi %mul3A_151, %add3A_248 : i32
      %mul3A_250 = arith.constant 32 : i32
      %mul3A_251 = arith.muli %mul3A_250, %add3A_249 : i32
      %add3A_252 = arith.addi %add3A, %mul3A_251 : i32
      %lt3A_253 = arith.constant 500 : i32
      %lt3A_254 = arith.cmpi slt, %add3A_252, %lt3A_253 : i32
      %mul3A_255 = arith.constant 128 : i32
      %mul3A_256 = arith.muli %add3A_252, %mul3A_255 : i32
      %jit3A_257 = arith.constant 64000 : i32
      %select_n3A_258 = arith.select %lt3A_254, %mul3A_256, %jit3A_257 : i32
      %dma_start3A_259 = arith.constant 0 : i32
      %dma_start3A_260 = tpu.memref_slice %arg6[%select_n3A_258, %dma_start3A_259] : memref<64128x128xf32, #tpu.memory_space<hbm>> -> memref<128x128xf32, #tpu.memory_space<hbm>>
      %dma_start3A_261 = arith.constant 0 : i32
      %dma_start3A_262 = tpu.memref_slice %arg6[%select_n3A_258, %dma_start3A_261] : memref<64128x128xf32, #tpu.memory_space<hbm>> -> memref<128x128xf32, #tpu.memory_space<hbm>>
      tpu.enqueue_dma source(%arg13 : memref<128x128xf32, #tpu.memory_space<vmem>>) target(%dma_start3A_262 : memref<128x128xf32, #tpu.memory_space<hbm>>) target_semaphore(%arg21 : memref<!tpu.dma_semaphore, #tpu.memory_space<semaphore_mem>>)
      %dma_start3A_263 = arith.constant 0 : i32
      %dma_start3A_264 = tpu.memref_slice %arg7[%select_n3A_258, %dma_start3A_263] : memref<64128x128xf32, #tpu.memory_space<hbm>> -> memref<128x128xf32, #tpu.memory_space<hbm>>
      %dma_start3A_265 = arith.constant 0 : i32
      %dma_start3A_266 = tpu.memref_slice %arg7[%select_n3A_258, %dma_start3A_265] : memref<64128x128xf32, #tpu.memory_space<hbm>> -> memref<128x128xf32, #tpu.memory_space<hbm>>
      tpu.enqueue_dma source(%arg15 : memref<128x128xf32, #tpu.memory_space<vmem>>) target(%dma_start3A_266 : memref<128x128xf32, #tpu.memory_space<hbm>>) target_semaphore(%arg21 : memref<!tpu.dma_semaphore, #tpu.memory_space<semaphore_mem>>)
      %add3A_267 = arith.constant 3 : i32
      %add3A_268 = arith.addi %mul3A_151, %add3A_267 : i32
      %mul3A_269 = arith.constant 32 : i32
      %mul3A_270 = arith.muli %mul3A_269, %add3A_268 : i32
      %add3A_271 = arith.addi %add3A, %mul3A_270 : i32
      %lt3A_272 = arith.constant 500 : i32
      %lt3A_273 = arith.cmpi slt, %add3A_271, %lt3A_272 : i32
      %jit3A_274 = arith.constant 0 : i32
      %select_n3A_275 = arith.select %lt3A_273, %add3A_271, %jit3A_274 : i32
      %mul3A_276 = arith.constant 128 : i32
      %mul3A_277 = arith.muli %select_n3A_275, %mul3A_276 : i32
      %dma_start3A_278 = tpu.memref_slice %arg4[%mul3A_277] : memref<64000xi32, #tpu.memory_space<hbm>> -> memref<128xi32, #tpu.memory_space<hbm>>
      %dma_start3A_279 = tpu.memref_slice %arg4[%mul3A_277] : memref<64000xi32, #tpu.memory_space<hbm>> -> memref<128xi32, #tpu.memory_space<hbm>>
      tpu.enqueue_dma source(%dma_start3A_279 : memref<128xi32, #tpu.memory_space<hbm>>) target(%arg9 : memref<128xi32, #tpu.memory_space<vmem>>) target_semaphore(%arg17 : memref<!tpu.dma_semaphore, #tpu.memory_space<semaphore_mem>>)
      %dma_start3A_280 = tpu.memref_slice %arg5[%mul3A_277] : memref<64000xi32, #tpu.memory_space<hbm>> -> memref<128xi32, #tpu.memory_space<hbm>>
      %dma_start3A_281 = tpu.memref_slice %arg5[%mul3A_277] : memref<64000xi32, #tpu.memory_space<hbm>> -> memref<128xi32, #tpu.memory_space<hbm>>
      tpu.enqueue_dma source(%dma_start3A_281 : memref<128xi32, #tpu.memory_space<hbm>>) target(%arg11 : memref<128xi32, #tpu.memory_space<vmem>>) target_semaphore(%arg17 : memref<!tpu.dma_semaphore, #tpu.memory_space<semaphore_mem>>)
    }
    %scan3A_54 = arith.constant 7 : i32
    %dma_wait3A_55 = arith.constant 0 : i32
    %dma_wait3A_56 = tpu.memref_slice %arg4[%dma_wait3A_55] : memref<64000xi32, #tpu.memory_space<hbm>> -> memref<128xi32, #tpu.memory_space<hbm>>
    %dma_wait3A_57 = arith.constant 0 : i32
    %dma_wait3A_58 = tpu.memref_slice %arg4[%dma_wait3A_57] : memref<64000xi32, #tpu.memory_space<hbm>> -> memref<128xi32, #tpu.memory_space<hbm>>
    tpu.wait_dma2 semaphore(%arg17 : memref<!tpu.dma_semaphore, #tpu.memory_space<semaphore_mem>>) src(%dma_wait3A_58 : memref<128xi32, #tpu.memory_space<hbm>>) dst(%arg9 : memref<128xi32, #tpu.memory_space<vmem>>)
    %dma_wait3A_59 = arith.constant 0 : i32
    %dma_wait3A_60 = tpu.memref_slice %arg5[%dma_wait3A_59] : memref<64000xi32, #tpu.memory_space<hbm>> -> memref<128xi32, #tpu.memory_space<hbm>>
    %dma_wait3A_61 = arith.constant 0 : i32
    %dma_wait3A_62 = tpu.memref_slice %arg5[%dma_wait3A_61] : memref<64000xi32, #tpu.memory_space<hbm>> -> memref<128xi32, #tpu.memory_space<hbm>>
    tpu.wait_dma2 semaphore(%arg17 : memref<!tpu.dma_semaphore, #tpu.memory_space<semaphore_mem>>) src(%dma_wait3A_62 : memref<128xi32, #tpu.memory_space<hbm>>) dst(%arg11 : memref<128xi32, #tpu.memory_space<vmem>>)
    %dma_wait3A_63 = arith.constant 0 : i32
    %dma_wait3A_64 = arith.constant 0 : i32
    %dma_wait3A_65 = tpu.memref_slice %arg6[%dma_wait3A_63, %dma_wait3A_64] : memref<64128x128xf32, #tpu.memory_space<hbm>> -> memref<128x128xf32, #tpu.memory_space<hbm>>
    %dma_wait3A_66 = arith.constant 0 : i32
    %dma_wait3A_67 = arith.constant 0 : i32
    %dma_wait3A_68 = tpu.memref_slice %arg6[%dma_wait3A_66, %dma_wait3A_67] : memref<64128x128xf32, #tpu.memory_space<hbm>> -> memref<128x128xf32, #tpu.memory_space<hbm>>
    tpu.wait_dma2 semaphore(%arg21 : memref<!tpu.dma_semaphore, #tpu.memory_space<semaphore_mem>>) src(%arg13 : memref<128x128xf32, #tpu.memory_space<vmem>>) dst(%dma_wait3A_68 : memref<128x128xf32, #tpu.memory_space<hbm>>)
    %dma_wait3A_69 = arith.constant 0 : i32
    %dma_wait3A_70 = arith.constant 0 : i32
    %dma_wait3A_71 = tpu.memref_slice %arg7[%dma_wait3A_69, %dma_wait3A_70] : memref<64128x128xf32, #tpu.memory_space<hbm>> -> memref<128x128xf32, #tpu.memory_space<hbm>>
    %dma_wait3A_72 = arith.constant 0 : i32
    %dma_wait3A_73 = arith.constant 0 : i32
    %dma_wait3A_74 = tpu.memref_slice %arg7[%dma_wait3A_72, %dma_wait3A_73] : memref<64128x128xf32, #tpu.memory_space<hbm>> -> memref<128x128xf32, #tpu.memory_space<hbm>>
    tpu.wait_dma2 semaphore(%arg21 : memref<!tpu.dma_semaphore, #tpu.memory_space<semaphore_mem>>) src(%arg15 : memref<128x128xf32, #tpu.memory_space<vmem>>) dst(%dma_wait3A_74 : memref<128x128xf32, #tpu.memory_space<hbm>>)
    %dma_start3A_75 = arith.constant 0 : i32
    %dma_start3A_76 = arith.constant 0 : i32
    %dma_start3A_77 = tpu.memref_slice %arg2[%dma_start3A_75, %dma_start3A_76] : memref<10000x128xf32, #tpu.memory_space<hbm>> -> memref<10000x128xf32, #tpu.memory_space<hbm>>
    tpu.enqueue_indirect_dma source(%dma_start3A_77 : memref<10000x128xf32, #tpu.memory_space<hbm>>) target(%arg13 : memref<128x128xf32, #tpu.memory_space<vmem>>) offsets(%arg9 : memref<128xi32, #tpu.memory_space<vmem>>) semaphore(%arg19 : memref<!tpu.dma_semaphore, #tpu.memory_space<semaphore_mem>>)
    %dma_start3A_78 = arith.constant 0 : i32
    %dma_start3A_79 = arith.constant 0 : i32
    %dma_start3A_80 = tpu.memref_slice %arg3[%dma_start3A_78, %dma_start3A_79] : memref<10000x128xf32, #tpu.memory_space<hbm>> -> memref<10000x128xf32, #tpu.memory_space<hbm>>
    tpu.enqueue_indirect_dma source(%dma_start3A_80 : memref<10000x128xf32, #tpu.memory_space<hbm>>) target(%arg15 : memref<128x128xf32, #tpu.memory_space<vmem>>) offsets(%arg11 : memref<128xi32, #tpu.memory_space<vmem>>) semaphore(%arg19 : memref<!tpu.dma_semaphore, #tpu.memory_space<semaphore_mem>>)
    %dma_wait3A_81 = arith.constant 0 : i32
    %dma_wait3A_82 = arith.constant 0 : i32
    %dma_wait3A_83 = tpu.memref_slice %arg2[%dma_wait3A_81, %dma_wait3A_82] : memref<10000x128xf32, #tpu.memory_space<hbm>> -> memref<10000x128xf32, #tpu.memory_space<hbm>>
    tpu.wait_indirect_dma semaphore(%arg18 : memref<!tpu.dma_semaphore, #tpu.memory_space<semaphore_mem>>) src(%dma_wait3A_83 : memref<10000x128xf32, #tpu.memory_space<hbm>>) dst(%arg12 : memref<128x128xf32, #tpu.memory_space<vmem>>)
    %dma_wait3A_84 = arith.constant 0 : i32
    %dma_wait3A_85 = arith.constant 0 : i32
    %dma_wait3A_86 = tpu.memref_slice %arg3[%dma_wait3A_84, %dma_wait3A_85] : memref<10000x128xf32, #tpu.memory_space<hbm>> -> memref<10000x128xf32, #tpu.memory_space<hbm>>
    tpu.wait_indirect_dma semaphore(%arg18 : memref<!tpu.dma_semaphore, #tpu.memory_space<semaphore_mem>>) src(%dma_wait3A_86 : memref<10000x128xf32, #tpu.memory_space<hbm>>) dst(%arg14 : memref<128x128xf32, #tpu.memory_space<vmem>>)
    %add3A_87 = arith.constant 448 : i32
    %add3A_88 = arith.addi %add3A, %add3A_87 : i32
    %lt3A_89 = arith.constant 500 : i32
    %lt3A_90 = arith.cmpi slt, %add3A_88, %lt3A_89 : i32
    %mul3A_91 = arith.constant 128 : i32
    %mul3A_92 = arith.muli %add3A_88, %mul3A_91 : i32
    %jit3A_93 = arith.constant 64000 : i32
    %select_n3A_94 = arith.select %lt3A_90, %mul3A_92, %jit3A_93 : i32
    %dma_start3A_95 = arith.constant 0 : i32
    %dma_start3A_96 = tpu.memref_slice %arg6[%select_n3A_94, %dma_start3A_95] : memref<64128x128xf32, #tpu.memory_space<hbm>> -> memref<128x128xf32, #tpu.memory_space<hbm>>
    %dma_start3A_97 = arith.constant 0 : i32
    %dma_start3A_98 = tpu.memref_slice %arg6[%select_n3A_94, %dma_start3A_97] : memref<64128x128xf32, #tpu.memory_space<hbm>> -> memref<128x128xf32, #tpu.memory_space<hbm>>
    tpu.enqueue_dma source(%arg12 : memref<128x128xf32, #tpu.memory_space<vmem>>) target(%dma_start3A_98 : memref<128x128xf32, #tpu.memory_space<hbm>>) target_semaphore(%arg20 : memref<!tpu.dma_semaphore, #tpu.memory_space<semaphore_mem>>)
    %dma_start3A_99 = arith.constant 0 : i32
    %dma_start3A_100 = tpu.memref_slice %arg7[%select_n3A_94, %dma_start3A_99] : memref<64128x128xf32, #tpu.memory_space<hbm>> -> memref<128x128xf32, #tpu.memory_space<hbm>>
    %dma_start3A_101 = arith.constant 0 : i32
    %dma_start3A_102 = tpu.memref_slice %arg7[%select_n3A_94, %dma_start3A_101] : memref<64128x128xf32, #tpu.memory_space<hbm>> -> memref<128x128xf32, #tpu.memory_space<hbm>>
    tpu.enqueue_dma source(%arg14 : memref<128x128xf32, #tpu.memory_space<vmem>>) target(%dma_start3A_102 : memref<128x128xf32, #tpu.memory_space<hbm>>) target_semaphore(%arg20 : memref<!tpu.dma_semaphore, #tpu.memory_space<semaphore_mem>>)
    %dma_wait3A_103 = arith.constant 0 : i32
    %dma_wait3A_104 = arith.constant 0 : i32
    %dma_wait3A_105 = tpu.memref_slice %arg2[%dma_wait3A_103, %dma_wait3A_104] : memref<10000x128xf32, #tpu.memory_space<hbm>> -> memref<10000x128xf32, #tpu.memory_space<hbm>>
    tpu.wait_indirect_dma semaphore(%arg19 : memref<!tpu.dma_semaphore, #tpu.memory_space<semaphore_mem>>) src(%dma_wait3A_105 : memref<10000x128xf32, #tpu.memory_space<hbm>>) dst(%arg13 : memref<128x128xf32, #tpu.memory_space<vmem>>)
    %dma_wait3A_106 = arith.constant 0 : i32
    %dma_wait3A_107 = arith.constant 0 : i32
    %dma_wait3A_108 = tpu.memref_slice %arg3[%dma_wait3A_106, %dma_wait3A_107] : memref<10000x128xf32, #tpu.memory_space<hbm>> -> memref<10000x128xf32, #tpu.memory_space<hbm>>
    tpu.wait_indirect_dma semaphore(%arg19 : memref<!tpu.dma_semaphore, #tpu.memory_space<semaphore_mem>>) src(%dma_wait3A_108 : memref<10000x128xf32, #tpu.memory_space<hbm>>) dst(%arg15 : memref<128x128xf32, #tpu.memory_space<vmem>>)
    %dma_wait3A_109 = arith.constant 0 : i32
    %dma_wait3A_110 = arith.constant 0 : i32
    %dma_wait3A_111 = tpu.memref_slice %arg6[%dma_wait3A_109, %dma_wait3A_110] : memref<64128x128xf32, #tpu.memory_space<hbm>> -> memref<128x128xf32, #tpu.memory_space<hbm>>
    %dma_wait3A_112 = arith.constant 0 : i32
    %dma_wait3A_113 = arith.constant 0 : i32
    %dma_wait3A_114 = tpu.memref_slice %arg6[%dma_wait3A_112, %dma_wait3A_113] : memref<64128x128xf32, #tpu.memory_space<hbm>> -> memref<128x128xf32, #tpu.memory_space<hbm>>
    tpu.wait_dma2 semaphore(%arg20 : memref<!tpu.dma_semaphore, #tpu.memory_space<semaphore_mem>>) src(%arg12 : memref<128x128xf32, #tpu.memory_space<vmem>>) dst(%dma_wait3A_114 : memref<128x128xf32, #tpu.memory_space<hbm>>)
    %dma_wait3A_115 = arith.constant 0 : i32
    %dma_wait3A_116 = arith.constant 0 : i32
    %dma_wait3A_117 = tpu.memref_slice %arg7[%dma_wait3A_115, %dma_wait3A_116] : memref<64128x128xf32, #tpu.memory_space<hbm>> -> memref<128x128xf32, #tpu.memory_space<hbm>>
    %dma_wait3A_118 = arith.constant 0 : i32
    %dma_wait3A_119 = arith.constant 0 : i32
    %dma_wait3A_120 = tpu.memref_slice %arg7[%dma_wait3A_118, %dma_wait3A_119] : memref<64128x128xf32, #tpu.memory_space<hbm>> -> memref<128x128xf32, #tpu.memory_space<hbm>>
    tpu.wait_dma2 semaphore(%arg20 : memref<!tpu.dma_semaphore, #tpu.memory_space<semaphore_mem>>) src(%arg14 : memref<128x128xf32, #tpu.memory_space<vmem>>) dst(%dma_wait3A_120 : memref<128x128xf32, #tpu.memory_space<hbm>>)
    %add3A_121 = arith.constant 480 : i32
    %add3A_122 = arith.addi %add3A, %add3A_121 : i32
    %lt3A_123 = arith.constant 500 : i32
    %lt3A_124 = arith.cmpi slt, %add3A_122, %lt3A_123 : i32
    %mul3A_125 = arith.constant 128 : i32
    %mul3A_126 = arith.muli %add3A_122, %mul3A_125 : i32
    %jit3A_127 = arith.constant 64000 : i32
    %select_n3A_128 = arith.select %lt3A_124, %mul3A_126, %jit3A_127 : i32
    %dma_start3A_129 = arith.constant 0 : i32
    %dma_start3A_130 = tpu.memref_slice %arg6[%select_n3A_128, %dma_start3A_129] : memref<64128x128xf32, #tpu.memory_space<hbm>> -> memref<128x128xf32, #tpu.memory_space<hbm>>
    %dma_start3A_131 = arith.constant 0 : i32
    %dma_start3A_132 = tpu.memref_slice %arg6[%select_n3A_128, %dma_start3A_131] : memref<64128x128xf32, #tpu.memory_space<hbm>> -> memref<128x128xf32, #tpu.memory_space<hbm>>
    tpu.enqueue_dma source(%arg13 : memref<128x128xf32, #tpu.memory_space<vmem>>) target(%dma_start3A_132 : memref<128x128xf32, #tpu.memory_space<hbm>>) target_semaphore(%arg21 : memref<!tpu.dma_semaphore, #tpu.memory_space<semaphore_mem>>)
    %dma_start3A_133 = arith.constant 0 : i32
    %dma_start3A_134 = tpu.memref_slice %arg7[%select_n3A_128, %dma_start3A_133] : memref<64128x128xf32, #tpu.memory_space<hbm>> -> memref<128x128xf32, #tpu.memory_space<hbm>>
    %dma_start3A_135 = arith.constant 0 : i32
    %dma_start3A_136 = tpu.memref_slice %arg7[%select_n3A_128, %dma_start3A_135] : memref<64128x128xf32, #tpu.memory_space<hbm>> -> memref<128x128xf32, #tpu.memory_space<hbm>>
    tpu.enqueue_dma source(%arg15 : memref<128x128xf32, #tpu.memory_space<vmem>>) target(%dma_start3A_136 : memref<128x128xf32, #tpu.memory_space<hbm>>) target_semaphore(%arg21 : memref<!tpu.dma_semaphore, #tpu.memory_space<semaphore_mem>>)
    %dma_wait3A_137 = arith.constant 0 : i32
    %dma_wait3A_138 = arith.constant 0 : i32
    %dma_wait3A_139 = tpu.memref_slice %arg6[%dma_wait3A_137, %dma_wait3A_138] : memref<64128x128xf32, #tpu.memory_space<hbm>> -> memref<128x128xf32, #tpu.memory_space<hbm>>
    %dma_wait3A_140 = arith.constant 0 : i32
    %dma_wait3A_141 = arith.constant 0 : i32
    %dma_wait3A_142 = tpu.memref_slice %arg6[%dma_wait3A_140, %dma_wait3A_141] : memref<64128x128xf32, #tpu.memory_space<hbm>> -> memref<128x128xf32, #tpu.memory_space<hbm>>
    tpu.wait_dma2 semaphore(%arg21 : memref<!tpu.dma_semaphore, #tpu.memory_space<semaphore_mem>>) src(%arg13 : memref<128x128xf32, #tpu.memory_space<vmem>>) dst(%dma_wait3A_142 : memref<128x128xf32, #tpu.memory_space<hbm>>)
    %dma_wait3A_143 = arith.constant 0 : i32
    %dma_wait3A_144 = arith.constant 0 : i32
    %dma_wait3A_145 = tpu.memref_slice %arg7[%dma_wait3A_143, %dma_wait3A_144] : memref<64128x128xf32, #tpu.memory_space<hbm>> -> memref<128x128xf32, #tpu.memory_space<hbm>>
    %dma_wait3A_146 = arith.constant 0 : i32
    %dma_wait3A_147 = arith.constant 0 : i32
    %dma_wait3A_148 = tpu.memref_slice %arg7[%dma_wait3A_146, %dma_wait3A_147] : memref<64128x128xf32, #tpu.memory_space<hbm>> -> memref<128x128xf32, #tpu.memory_space<hbm>>
    tpu.wait_dma2 semaphore(%arg21 : memref<!tpu.dma_semaphore, #tpu.memory_space<semaphore_mem>>) src(%arg15 : memref<128x128xf32, #tpu.memory_space<vmem>>) dst(%dma_wait3A_148 : memref<128x128xf32, #tpu.memory_space<hbm>>)
    return
  }
}

#map = affine_map<(d0, d1) -> (0, 0)>
#map1 = affine_map<(d0, d1) -> (0)>
module attributes {stable_mosaic.version = 14 : i64} {
  func.func @_scatter_body(%arg0: i32, %arg1: i32, %arg2: memref<3x320000xf32, #tpu.memory_space<hbm>>, %arg3: memref<320000xi32, #tpu.memory_space<hbm>>, %arg4: memref<30720xf32, #tpu.memory_space<hbm>>, %arg5: memref<983040xf32, #tpu.memory_space<hbm>>, %arg6: memref<128xi32, #tpu.memory_space<vmem>>, %arg7: memref<3x128xf32, #tpu.memory_space<vmem>>, %arg8: memref<30720xf32, #tpu.memory_space<vmem>>) attributes {dimension_semantics = [#tpu.dimension_semantics<core_parallel>, #tpu.dimension_semantics<subcore_parallel>], iteration_bounds = array<i64: 2, 16>, scalar_prefetch = 0 : i64, scratch_operands = 3 : i64, tpu.core_type = #tpu.core_type<sc_vector_subcore>, window_params = [{transform_indices = #map}, {transform_indices = #map1}, {transform_indices = #map1}, {transform_indices = #map1}]} {
    %mul3A = arith.constant 2 : i32
    %mul3A_0 = arith.muli %arg1, %mul3A : i32
    %add3A = arith.addi %mul3A_0, %arg0 : i32
    "tpu.region"() ({
      %run_scoped3A = tpu.sem_alloc : memref<!tpu.dma_semaphore, #tpu.memory_space<semaphore_mem>>
      tpu.enqueue_dma source(%arg4 : memref<30720xf32, #tpu.memory_space<hbm>>) target(%arg8 : memref<30720xf32, #tpu.memory_space<vmem>>) target_semaphore(%run_scoped3A : memref<!tpu.dma_semaphore, #tpu.memory_space<semaphore_mem>>)
      tpu.wait_dma2 semaphore(%run_scoped3A : memref<!tpu.dma_semaphore, #tpu.memory_space<semaphore_mem>>) src(%arg4 : memref<30720xf32, #tpu.memory_space<hbm>>) dst(%arg8 : memref<30720xf32, #tpu.memory_space<vmem>>)
      tpu.yield
    }) : () -> ()
    %scan3A = arith.constant 0 : i32
    %scan3A_1 = arith.constant 0 : i32
    %scan3A_2 = arith.constant 79 : i32
    %scan3A_3 = arith.addi %scan3A_1, %scan3A_2 : i32
    %scan3A_4 = arith.constant 1 : i32
    scf.for %scan3A_10 = %scan3A_1 to %scan3A_3 step %scan3A_4  : i32 {
      %mul3A_11 = arith.constant 32 : i32
      %mul3A_12 = arith.muli %mul3A_11, %scan3A_10 : i32
      %add3A_13 = arith.addi %add3A, %mul3A_12 : i32
      %lt3A = arith.constant 2500 : i32
      %lt3A_14 = arith.cmpi slt, %add3A_13, %lt3A : i32
      %convert_element_type3A = arith.extui %lt3A_14 : i1 to i32
      %cond3A = arith.constant 0 : i32
      %cond3A_15 = arith.cmpi ne, %convert_element_type3A, %cond3A : i32
      scf.if %cond3A_15 {
        %mul3A_16 = arith.constant 128 : i32
        %mul3A_17 = arith.muli %add3A_13, %mul3A_16 : i32
        "tpu.region"() ({
          %run_scoped3A = tpu.sem_alloc : memref<!tpu.dma_semaphore, #tpu.memory_space<semaphore_mem>>
          %dma_start3A = tpu.memref_slice %arg3[%mul3A_17] : memref<320000xi32, #tpu.memory_space<hbm>> -> memref<128xi32, #tpu.memory_space<hbm>>
          %dma_start3A_201 = tpu.memref_slice %arg3[%mul3A_17] : memref<320000xi32, #tpu.memory_space<hbm>> -> memref<128xi32, #tpu.memory_space<hbm>>
          tpu.enqueue_dma source(%dma_start3A_201 : memref<128xi32, #tpu.memory_space<hbm>>) target(%arg6 : memref<128xi32, #tpu.memory_space<vmem>>) target_semaphore(%run_scoped3A : memref<!tpu.dma_semaphore, #tpu.memory_space<semaphore_mem>>)
          %dma_wait3A = tpu.memref_slice %arg3[%mul3A_17] : memref<320000xi32, #tpu.memory_space<hbm>> -> memref<128xi32, #tpu.memory_space<hbm>>
          %dma_wait3A_202 = tpu.memref_slice %arg3[%mul3A_17] : memref<320000xi32, #tpu.memory_space<hbm>> -> memref<128xi32, #tpu.memory_space<hbm>>
          tpu.wait_dma2 semaphore(%run_scoped3A : memref<!tpu.dma_semaphore, #tpu.memory_space<semaphore_mem>>) src(%dma_wait3A_202 : memref<128xi32, #tpu.memory_space<hbm>>) dst(%arg6 : memref<128xi32, #tpu.memory_space<vmem>>)
          tpu.yield
        }) : () -> ()
        "tpu.region"() ({
          %run_scoped3A = tpu.sem_alloc : memref<!tpu.dma_semaphore, #tpu.memory_space<semaphore_mem>>
          %dma_start3A = arith.constant 0 : i32
          %dma_start3A_201 = tpu.memref_slice %arg2[%dma_start3A, %mul3A_17] : memref<3x320000xf32, #tpu.memory_space<hbm>> -> memref<3x128xf32, #tpu.memory_space<hbm>>
          %dma_start3A_202 = arith.constant 0 : i32
          %dma_start3A_203 = tpu.memref_slice %arg2[%dma_start3A_202, %mul3A_17] : memref<3x320000xf32, #tpu.memory_space<hbm>> -> memref<3x128xf32, #tpu.memory_space<hbm>>
          tpu.enqueue_dma source(%dma_start3A_203 : memref<3x128xf32, #tpu.memory_space<hbm>>) target(%arg7 : memref<3x128xf32, #tpu.memory_space<vmem>>) target_semaphore(%run_scoped3A : memref<!tpu.dma_semaphore, #tpu.memory_space<semaphore_mem>>)
          %dma_wait3A = arith.constant 0 : i32
          %dma_wait3A_204 = tpu.memref_slice %arg2[%dma_wait3A, %mul3A_17] : memref<3x320000xf32, #tpu.memory_space<hbm>> -> memref<3x128xf32, #tpu.memory_space<hbm>>
          %dma_wait3A_205 = arith.constant 0 : i32
          %dma_wait3A_206 = tpu.memref_slice %arg2[%dma_wait3A_205, %mul3A_17] : memref<3x320000xf32, #tpu.memory_space<hbm>> -> memref<3x128xf32, #tpu.memory_space<hbm>>
          tpu.wait_dma2 semaphore(%run_scoped3A : memref<!tpu.dma_semaphore, #tpu.memory_space<semaphore_mem>>) src(%dma_wait3A_206 : memref<3x128xf32, #tpu.memory_space<hbm>>) dst(%arg7 : memref<3x128xf32, #tpu.memory_space<vmem>>)
          tpu.yield
        }) : () -> ()
        %iota3A = tpu.iota {dimensions = array<i32: 0>} : vector<16xi32>
        %get3A = arith.constant 0 : index
        %get3A_18 = tpu.vector_load %arg6[%get3A] {strides = array<i32>} : memref<128xi32, #tpu.memory_space<vmem>>, vector<16xi32>,
        %get3A_19 = arith.constant 0 : i32
        %get3A_20 = arith.index_cast %get3A_19 : i32 to index
        %get3A_21 = arith.constant 0 : index
        %get3A_22 = tpu.vector_load %arg7[%get3A_20, %get3A_21] {strides = array<i32>} : memref<3x128xf32, #tpu.memory_space<vmem>>, vector<16xf32>,
        %add3A_23 = arith.constant 0 : i32
        %add3A_24 = vector.broadcast %add3A_23 : i32 to vector<16xi32>
        %add3A_25 = arith.addi %get3A_18, %add3A_24 : vector<16xi32>
        tpu.vector_store_idx %arg8[%add3A_25], %get3A_22 {add = true} : memref<30720xf32, #tpu.memory_space<vmem>>[vector<16xi32>], vector<16xf32>,
        %get3A_26 = arith.constant 1 : i32
        %get3A_27 = arith.index_cast %get3A_26 : i32 to index
        %get3A_28 = arith.constant 0 : index
        %get3A_29 = tpu.vector_load %arg7[%get3A_27, %get3A_28] {strides = array<i32>} : memref<3x128xf32, #tpu.memory_space<vmem>>, vector<16xf32>,
        %add3A_30 = arith.constant 10240 : i32
        %add3A_31 = vector.broadcast %add3A_30 : i32 to vector<16xi32>
        %add3A_32 = arith.addi %get3A_18, %add3A_31 : vector<16xi32>
        tpu.vector_store_idx %arg8[%add3A_32], %get3A_29 {add = true} : memref<30720xf32, #tpu.memory_space<vmem>>[vector<16xi32>], vector<16xf32>,
        %get3A_33 = arith.constant 2 : i32
        %get3A_34 = arith.index_cast %get3A_33 : i32 to index
        %get3A_35 = arith.constant 0 : index
        %get3A_36 = tpu.vector_load %arg7[%get3A_34, %get3A_35] {strides = array<i32>} : memref<3x128xf32, #tpu.memory_space<vmem>>, vector<16xf32>,
        %add3A_37 = arith.constant 20480 : i32
        %add3A_38 = vector.broadcast %add3A_37 : i32 to vector<16xi32>
        %add3A_39 = arith.addi %get3A_18, %add3A_38 : vector<16xi32>
        tpu.vector_store_idx %arg8[%add3A_39], %get3A_36 {add = true} : memref<30720xf32, #tpu.memory_space<vmem>>[vector<16xi32>], vector<16xf32>,
        %get3A_40 = arith.constant 16 : index
        %get3A_41 = tpu.vector_load %arg6[%get3A_40] {strides = array<i32>} : memref<128xi32, #tpu.memory_space<vmem>>, vector<16xi32>,
        %get3A_42 = arith.constant 0 : i32
        %get3A_43 = arith.index_cast %get3A_42 : i32 to index
        %get3A_44 = arith.constant 16 : index
        %get3A_45 = tpu.vector_load %arg7[%get3A_43, %get3A_44] {strides = array<i32>} : memref<3x128xf32, #tpu.memory_space<vmem>>, vector<16xf32>,
        %add3A_46 = arith.constant 0 : i32
        %add3A_47 = vector.broadcast %add3A_46 : i32 to vector<16xi32>
        %add3A_48 = arith.addi %get3A_41, %add3A_47 : vector<16xi32>
        tpu.vector_store_idx %arg8[%add3A_48], %get3A_45 {add = true} : memref<30720xf32, #tpu.memory_space<vmem>>[vector<16xi32>], vector<16xf32>,
        %get3A_49 = arith.constant 1 : i32
        %get3A_50 = arith.index_cast %get3A_49 : i32 to index
        %get3A_51 = arith.constant 16 : index
        %get3A_52 = tpu.vector_load %arg7[%get3A_50, %get3A_51] {strides = array<i32>} : memref<3x128xf32, #tpu.memory_space<vmem>>, vector<16xf32>,
        %add3A_53 = arith.constant 10240 : i32
        %add3A_54 = vector.broadcast %add3A_53 : i32 to vector<16xi32>
        %add3A_55 = arith.addi %get3A_41, %add3A_54 : vector<16xi32>
        tpu.vector_store_idx %arg8[%add3A_55], %get3A_52 {add = true} : memref<30720xf32, #tpu.memory_space<vmem>>[vector<16xi32>], vector<16xf32>,
        %get3A_56 = arith.constant 2 : i32
        %get3A_57 = arith.index_cast %get3A_56 : i32 to index
        %get3A_58 = arith.constant 16 : index
        %get3A_59 = tpu.vector_load %arg7[%get3A_57, %get3A_58] {strides = array<i32>} : memref<3x128xf32, #tpu.memory_space<vmem>>, vector<16xf32>,
        %add3A_60 = arith.constant 20480 : i32
        %add3A_61 = vector.broadcast %add3A_60 : i32 to vector<16xi32>
        %add3A_62 = arith.addi %get3A_41, %add3A_61 : vector<16xi32>
        tpu.vector_store_idx %arg8[%add3A_62], %get3A_59 {add = true} : memref<30720xf32, #tpu.memory_space<vmem>>[vector<16xi32>], vector<16xf32>,
        %get3A_63 = arith.constant 32 : index
        %get3A_64 = tpu.vector_load %arg6[%get3A_63] {strides = array<i32>} : memref<128xi32, #tpu.memory_space<vmem>>, vector<16xi32>,
        %get3A_65 = arith.constant 0 : i32
        %get3A_66 = arith.index_cast %get3A_65 : i32 to index
        %get3A_67 = arith.constant 32 : index
        %get3A_68 = tpu.vector_load %arg7[%get3A_66, %get3A_67] {strides = array<i32>} : memref<3x128xf32, #tpu.memory_space<vmem>>, vector<16xf32>,
        %add3A_69 = arith.constant 0 : i32
        %add3A_70 = vector.broadcast %add3A_69 : i32 to vector<16xi32>
        %add3A_71 = arith.addi %get3A_64, %add3A_70 : vector<16xi32>
        tpu.vector_store_idx %arg8[%add3A_71], %get3A_68 {add = true} : memref<30720xf32, #tpu.memory_space<vmem>>[vector<16xi32>], vector<16xf32>,
        %get3A_72 = arith.constant 1 : i32
        %get3A_73 = arith.index_cast %get3A_72 : i32 to index
        %get3A_74 = arith.constant 32 : index
        %get3A_75 = tpu.vector_load %arg7[%get3A_73, %get3A_74] {strides = array<i32>} : memref<3x128xf32, #tpu.memory_space<vmem>>, vector<16xf32>,
        %add3A_76 = arith.constant 10240 : i32
        %add3A_77 = vector.broadcast %add3A_76 : i32 to vector<16xi32>
        %add3A_78 = arith.addi %get3A_64, %add3A_77 : vector<16xi32>
        tpu.vector_store_idx %arg8[%add3A_78], %get3A_75 {add = true} : memref<30720xf32, #tpu.memory_space<vmem>>[vector<16xi32>], vector<16xf32>,
        %get3A_79 = arith.constant 2 : i32
        %get3A_80 = arith.index_cast %get3A_79 : i32 to index
        %get3A_81 = arith.constant 32 : index
        %get3A_82 = tpu.vector_load %arg7[%get3A_80, %get3A_81] {strides = array<i32>} : memref<3x128xf32, #tpu.memory_space<vmem>>, vector<16xf32>,
        %add3A_83 = arith.constant 20480 : i32
        %add3A_84 = vector.broadcast %add3A_83 : i32 to vector<16xi32>
        %add3A_85 = arith.addi %get3A_64, %add3A_84 : vector<16xi32>
        tpu.vector_store_idx %arg8[%add3A_85], %get3A_82 {add = true} : memref<30720xf32, #tpu.memory_space<vmem>>[vector<16xi32>], vector<16xf32>,
        %get3A_86 = arith.constant 48 : index
        %get3A_87 = tpu.vector_load %arg6[%get3A_86] {strides = array<i32>} : memref<128xi32, #tpu.memory_space<vmem>>, vector<16xi32>,
        %get3A_88 = arith.constant 0 : i32
        %get3A_89 = arith.index_cast %get3A_88 : i32 to index
        %get3A_90 = arith.constant 48 : index
        %get3A_91 = tpu.vector_load %arg7[%get3A_89, %get3A_90] {strides = array<i32>} : memref<3x128xf32, #tpu.memory_space<vmem>>, vector<16xf32>,
        %add3A_92 = arith.constant 0 : i32
        %add3A_93 = vector.broadcast %add3A_92 : i32 to vector<16xi32>
        %add3A_94 = arith.addi %get3A_87, %add3A_93 : vector<16xi32>
        tpu.vector_store_idx %arg8[%add3A_94], %get3A_91 {add = true} : memref<30720xf32, #tpu.memory_space<vmem>>[vector<16xi32>], vector<16xf32>,
        %get3A_95 = arith.constant 1 : i32
        %get3A_96 = arith.index_cast %get3A_95 : i32 to index
        %get3A_97 = arith.constant 48 : index
        %get3A_98 = tpu.vector_load %arg7[%get3A_96, %get3A_97] {strides = array<i32>} : memref<3x128xf32, #tpu.memory_space<vmem>>, vector<16xf32>,
        %add3A_99 = arith.constant 10240 : i32
        %add3A_100 = vector.broadcast %add3A_99 : i32 to vector<16xi32>
        %add3A_101 = arith.addi %get3A_87, %add3A_100 : vector<16xi32>
        tpu.vector_store_idx %arg8[%add3A_101], %get3A_98 {add = true} : memref<30720xf32, #tpu.memory_space<vmem>>[vector<16xi32>], vector<16xf32>,
        %get3A_102 = arith.constant 2 : i32
        %get3A_103 = arith.index_cast %get3A_102 : i32 to index
        %get3A_104 = arith.constant 48 : index
        %get3A_105 = tpu.vector_load %arg7[%get3A_103, %get3A_104] {strides = array<i32>} : memref<3x128xf32, #tpu.memory_space<vmem>>, vector<16xf32>,
        %add3A_106 = arith.constant 20480 : i32
        %add3A_107 = vector.broadcast %add3A_106 : i32 to vector<16xi32>
        %add3A_108 = arith.addi %get3A_87, %add3A_107 : vector<16xi32>
        tpu.vector_store_idx %arg8[%add3A_108], %get3A_105 {add = true} : memref<30720xf32, #tpu.memory_space<vmem>>[vector<16xi32>], vector<16xf32>,
        %get3A_109 = arith.constant 64 : index
        %get3A_110 = tpu.vector_load %arg6[%get3A_109] {strides = array<i32>} : memref<128xi32, #tpu.memory_space<vmem>>, vector<16xi32>,
        %get3A_111 = arith.constant 0 : i32
        %get3A_112 = arith.index_cast %get3A_111 : i32 to index
        %get3A_113 = arith.constant 64 : index
        %get3A_114 = tpu.vector_load %arg7[%get3A_112, %get3A_113] {strides = array<i32>} : memref<3x128xf32, #tpu.memory_space<vmem>>, vector<16xf32>,
        %add3A_115 = arith.constant 0 : i32
        %add3A_116 = vector.broadcast %add3A_115 : i32 to vector<16xi32>
        %add3A_117 = arith.addi %get3A_110, %add3A_116 : vector<16xi32>
        tpu.vector_store_idx %arg8[%add3A_117], %get3A_114 {add = true} : memref<30720xf32, #tpu.memory_space<vmem>>[vector<16xi32>], vector<16xf32>,
        %get3A_118 = arith.constant 1 : i32
        %get3A_119 = arith.index_cast %get3A_118 : i32 to index
        %get3A_120 = arith.constant 64 : index
        %get3A_121 = tpu.vector_load %arg7[%get3A_119, %get3A_120] {strides = array<i32>} : memref<3x128xf32, #tpu.memory_space<vmem>>, vector<16xf32>,
        %add3A_122 = arith.constant 10240 : i32
        %add3A_123 = vector.broadcast %add3A_122 : i32 to vector<16xi32>
        %add3A_124 = arith.addi %get3A_110, %add3A_123 : vector<16xi32>
        tpu.vector_store_idx %arg8[%add3A_124], %get3A_121 {add = true} : memref<30720xf32, #tpu.memory_space<vmem>>[vector<16xi32>], vector<16xf32>,
        %get3A_125 = arith.constant 2 : i32
        %get3A_126 = arith.index_cast %get3A_125 : i32 to index
        %get3A_127 = arith.constant 64 : index
        %get3A_128 = tpu.vector_load %arg7[%get3A_126, %get3A_127] {strides = array<i32>} : memref<3x128xf32, #tpu.memory_space<vmem>>, vector<16xf32>,
        %add3A_129 = arith.constant 20480 : i32
        %add3A_130 = vector.broadcast %add3A_129 : i32 to vector<16xi32>
        %add3A_131 = arith.addi %get3A_110, %add3A_130 : vector<16xi32>
        tpu.vector_store_idx %arg8[%add3A_131], %get3A_128 {add = true} : memref<30720xf32, #tpu.memory_space<vmem>>[vector<16xi32>], vector<16xf32>,
        %get3A_132 = arith.constant 80 : index
        %get3A_133 = tpu.vector_load %arg6[%get3A_132] {strides = array<i32>} : memref<128xi32, #tpu.memory_space<vmem>>, vector<16xi32>,
        %get3A_134 = arith.constant 0 : i32
        %get3A_135 = arith.index_cast %get3A_134 : i32 to index
        %get3A_136 = arith.constant 80 : index
        %get3A_137 = tpu.vector_load %arg7[%get3A_135, %get3A_136] {strides = array<i32>} : memref<3x128xf32, #tpu.memory_space<vmem>>, vector<16xf32>,
        %add3A_138 = arith.constant 0 : i32
        %add3A_139 = vector.broadcast %add3A_138 : i32 to vector<16xi32>
        %add3A_140 = arith.addi %get3A_133, %add3A_139 : vector<16xi32>
        tpu.vector_store_idx %arg8[%add3A_140], %get3A_137 {add = true} : memref<30720xf32, #tpu.memory_space<vmem>>[vector<16xi32>], vector<16xf32>,
        %get3A_141 = arith.constant 1 : i32
        %get3A_142 = arith.index_cast %get3A_141 : i32 to index
        %get3A_143 = arith.constant 80 : index
        %get3A_144 = tpu.vector_load %arg7[%get3A_142, %get3A_143] {strides = array<i32>} : memref<3x128xf32, #tpu.memory_space<vmem>>, vector<16xf32>,
        %add3A_145 = arith.constant 10240 : i32
        %add3A_146 = vector.broadcast %add3A_145 : i32 to vector<16xi32>
        %add3A_147 = arith.addi %get3A_133, %add3A_146 : vector<16xi32>
        tpu.vector_store_idx %arg8[%add3A_147], %get3A_144 {add = true} : memref<30720xf32, #tpu.memory_space<vmem>>[vector<16xi32>], vector<16xf32>,
        %get3A_148 = arith.constant 2 : i32
        %get3A_149 = arith.index_cast %get3A_148 : i32 to index
        %get3A_150 = arith.constant 80 : index
        %get3A_151 = tpu.vector_load %arg7[%get3A_149, %get3A_150] {strides = array<i32>} : memref<3x128xf32, #tpu.memory_space<vmem>>, vector<16xf32>,
        %add3A_152 = arith.constant 20480 : i32
        %add3A_153 = vector.broadcast %add3A_152 : i32 to vector<16xi32>
        %add3A_154 = arith.addi %get3A_133, %add3A_153 : vector<16xi32>
        tpu.vector_store_idx %arg8[%add3A_154], %get3A_151 {add = true} : memref<30720xf32, #tpu.memory_space<vmem>>[vector<16xi32>], vector<16xf32>,
        %get3A_155 = arith.constant 96 : index
        %get3A_156 = tpu.vector_load %arg6[%get3A_155] {strides = array<i32>} : memref<128xi32, #tpu.memory_space<vmem>>, vector<16xi32>,
        %get3A_157 = arith.constant 0 : i32
        %get3A_158 = arith.index_cast %get3A_157 : i32 to index
        %get3A_159 = arith.constant 96 : index
        %get3A_160 = tpu.vector_load %arg7[%get3A_158, %get3A_159] {strides = array<i32>} : memref<3x128xf32, #tpu.memory_space<vmem>>, vector<16xf32>,
        %add3A_161 = arith.constant 0 : i32
        %add3A_162 = vector.broadcast %add3A_161 : i32 to vector<16xi32>
        %add3A_163 = arith.addi %get3A_156, %add3A_162 : vector<16xi32>
        tpu.vector_store_idx %arg8[%add3A_163], %get3A_160 {add = true} : memref<30720xf32, #tpu.memory_space<vmem>>[vector<16xi32>], vector<16xf32>,
        %get3A_164 = arith.constant 1 : i32
        %get3A_165 = arith.index_cast %get3A_164 : i32 to index
        %get3A_166 = arith.constant 96 : index
        %get3A_167 = tpu.vector_load %arg7[%get3A_165, %get3A_166] {strides = array<i32>} : memref<3x128xf32, #tpu.memory_space<vmem>>, vector<16xf32>,
        %add3A_168 = arith.constant 10240 : i32
        %add3A_169 = vector.broadcast %add3A_168 : i32 to vector<16xi32>
        %add3A_170 = arith.addi %get3A_156, %add3A_169 : vector<16xi32>
        tpu.vector_store_idx %arg8[%add3A_170], %get3A_167 {add = true} : memref<30720xf32, #tpu.memory_space<vmem>>[vector<16xi32>], vector<16xf32>,
        %get3A_171 = arith.constant 2 : i32
        %get3A_172 = arith.index_cast %get3A_171 : i32 to index
        %get3A_173 = arith.constant 96 : index
        %get3A_174 = tpu.vector_load %arg7[%get3A_172, %get3A_173] {strides = array<i32>} : memref<3x128xf32, #tpu.memory_space<vmem>>, vector<16xf32>,
        %add3A_175 = arith.constant 20480 : i32
        %add3A_176 = vector.broadcast %add3A_175 : i32 to vector<16xi32>
        %add3A_177 = arith.addi %get3A_156, %add3A_176 : vector<16xi32>
        tpu.vector_store_idx %arg8[%add3A_177], %get3A_174 {add = true} : memref<30720xf32, #tpu.memory_space<vmem>>[vector<16xi32>], vector<16xf32>,
        %get3A_178 = arith.constant 112 : index
        %get3A_179 = tpu.vector_load %arg6[%get3A_178] {strides = array<i32>} : memref<128xi32, #tpu.memory_space<vmem>>, vector<16xi32>,
        %get3A_180 = arith.constant 0 : i32
        %get3A_181 = arith.index_cast %get3A_180 : i32 to index
        %get3A_182 = arith.constant 112 : index
        %get3A_183 = tpu.vector_load %arg7[%get3A_181, %get3A_182] {strides = array<i32>} : memref<3x128xf32, #tpu.memory_space<vmem>>, vector<16xf32>,
        %add3A_184 = arith.constant 0 : i32
        %add3A_185 = vector.broadcast %add3A_184 : i32 to vector<16xi32>
        %add3A_186 = arith.addi %get3A_179, %add3A_185 : vector<16xi32>
        tpu.vector_store_idx %arg8[%add3A_186], %get3A_183 {add = true} : memref<30720xf32, #tpu.memory_space<vmem>>[vector<16xi32>], vector<16xf32>,
        %get3A_187 = arith.constant 1 : i32
        %get3A_188 = arith.index_cast %get3A_187 : i32 to index
        %get3A_189 = arith.constant 112 : index
        %get3A_190 = tpu.vector_load %arg7[%get3A_188, %get3A_189] {strides = array<i32>} : memref<3x128xf32, #tpu.memory_space<vmem>>, vector<16xf32>,
        %add3A_191 = arith.constant 10240 : i32
        %add3A_192 = vector.broadcast %add3A_191 : i32 to vector<16xi32>
        %add3A_193 = arith.addi %get3A_179, %add3A_192 : vector<16xi32>
        tpu.vector_store_idx %arg8[%add3A_193], %get3A_190 {add = true} : memref<30720xf32, #tpu.memory_space<vmem>>[vector<16xi32>], vector<16xf32>,
        %get3A_194 = arith.constant 2 : i32
        %get3A_195 = arith.index_cast %get3A_194 : i32 to index
        %get3A_196 = arith.constant 112 : index
        %get3A_197 = tpu.vector_load %arg7[%get3A_195, %get3A_196] {strides = array<i32>} : memref<3x128xf32, #tpu.memory_space<vmem>>, vector<16xf32>,
        %add3A_198 = arith.constant 20480 : i32
        %add3A_199 = vector.broadcast %add3A_198 : i32 to vector<16xi32>
        %add3A_200 = arith.addi %get3A_179, %add3A_199 : vector<16xi32>
        tpu.vector_store_idx %arg8[%add3A_200], %get3A_197 {add = true} : memref<30720xf32, #tpu.memory_space<vmem>>[vector<16xi32>], vector<16xf32>,
      } else {
      }
    }
    %scan3A_5 = arith.constant 79 : i32
    %mul3A_6 = arith.constant 3 : i32
    %mul3A_7 = arith.muli %add3A, %mul3A_6 : i32
    %mul3A_8 = arith.constant 10240 : i32
    %mul3A_9 = arith.muli %mul3A_7, %mul3A_8 : i32
    "tpu.region"() ({
      %run_scoped3A = tpu.sem_alloc : memref<!tpu.dma_semaphore, #tpu.memory_space<semaphore_mem>>
      %dma_start3A = tpu.memref_slice %arg5[%mul3A_9] : memref<983040xf32, #tpu.memory_space<hbm>> -> memref<30720xf32, #tpu.memory_space<hbm>>
      %dma_start3A_10 = tpu.memref_slice %arg5[%mul3A_9] : memref<983040xf32, #tpu.memory_space<hbm>> -> memref<30720xf32, #tpu.memory_space<hbm>>
      tpu.enqueue_dma source(%arg8 : memref<30720xf32, #tpu.memory_space<vmem>>) target(%dma_start3A_10 : memref<30720xf32, #tpu.memory_space<hbm>>) target_semaphore(%run_scoped3A : memref<!tpu.dma_semaphore, #tpu.memory_space<semaphore_mem>>)
      %dma_wait3A = tpu.memref_slice %arg5[%mul3A_9] : memref<983040xf32, #tpu.memory_space<hbm>> -> memref<30720xf32, #tpu.memory_space<hbm>>
      %dma_wait3A_11 = tpu.memref_slice %arg5[%mul3A_9] : memref<983040xf32, #tpu.memory_space<hbm>> -> memref<30720xf32, #tpu.memory_space<hbm>>
      tpu.wait_dma2 semaphore(%run_scoped3A : memref<!tpu.dma_semaphore, #tpu.memory_space<semaphore_mem>>) src(%arg8 : memref<30720xf32, #tpu.memory_space<vmem>>) dst(%dma_wait3A_11 : memref<30720xf32, #tpu.memory_space<hbm>>)
      tpu.yield
    }) : () -> ()
    return
  }
}

module attributes {stable_mosaic.version = 14 : i64} {
  func.func @_nodeproj_body(%arg0: i32, %arg1: memref<2000x128xf32, #tpu.memory_space<vmem>>, %arg2: memref<128x128xf32, #tpu.memory_space<vmem>>, %arg3: memref<128x128xf32, #tpu.memory_space<vmem>>, %arg4: memref<1x128xf32, #tpu.memory_space<vmem>>, %arg5: memref<2000x128xf32, #tpu.memory_space<vmem>>, %arg6: memref<2000x128xf32, #tpu.memory_space<vmem>>) attributes {dimension_semantics = [#tpu.dimension_semantics<arbitrary>], iteration_bounds = array<i64: 5>, scalar_prefetch = 0 : i64, scratch_operands = 0 : i64, tpu.core_type = #tpu.core_type<tc>, window_params = [{transform_indices = @transform_0, window_bounds = array<i64: 2000, 128>}, {pipeline_mode = #tpu.pipeline_mode<synchronous>, transform_indices = @transform_1, window_bounds = array<i64: 128, 128>}, {pipeline_mode = #tpu.pipeline_mode<synchronous>, transform_indices = @transform_2, window_bounds = array<i64: 128, 128>}, {pipeline_mode = #tpu.pipeline_mode<synchronous>, transform_indices = @transform_3, window_bounds = array<i64: 1, 128>}, {transform_indices = @transform_4, window_bounds = array<i64: 2000, 128>}, {transform_indices = @transform_5, window_bounds = array<i64: 2000, 128>}]} {
    %get3A = arith.constant 0 : index
    %get3A_0 = arith.constant 0 : index
    %get3A_1 = vector.load %arg1[%get3A, %get3A_0] : memref<2000x128xf32, #tpu.memory_space<vmem>>, vector<2000x128xf32>
    %get3A_2 = arith.constant 0 : index
    %get3A_3 = arith.constant 0 : index
    %get3A_4 = vector.load %arg2[%get3A_2, %get3A_3] : memref<128x128xf32, #tpu.memory_space<vmem>>, vector<128x128xf32>
    %dot_general3A = arith.constant dense<0.000000e+00> : vector<2000x128xf32>
    %dot_general3A_5 = tpu.matmul %get3A_1, %get3A_4, %dot_general3A {dimension_numbers = #tpu.dot_dimension_numbers<[1], [0], [0], [1], [0, 0, 1, 1], [], []>, transpose_lhs_hint = false} : vector<2000x128xf32>, vector<128x128xf32>, vector<2000x128xf32> -> vector<2000x128xf32>
    %get3A_6 = arith.constant 0 : index
    %get3A_7 = arith.constant 0 : index
    %get3A_8 = vector.load %arg4[%get3A_6, %get3A_7] : memref<1x128xf32, #tpu.memory_space<vmem>>, vector<1x128xf32>
    %add3A = vector.broadcast %get3A_8 : vector<1x128xf32> to vector<2000x128xf32>
    %add3A_9 = arith.addf %dot_general3A_5, %add3A : vector<2000x128xf32>
    %get3A_10 = arith.constant 0 : index
    %get3A_11 = arith.constant 0 : index
    %get3A_12 = vector.load %arg3[%get3A_10, %get3A_11] : memref<128x128xf32, #tpu.memory_space<vmem>>, vector<128x128xf32>
    %dot_general3A_13 = arith.constant dense<0.000000e+00> : vector<2000x128xf32>
    %dot_general3A_14 = tpu.matmul %get3A_1, %get3A_12, %dot_general3A_13 {dimension_numbers = #tpu.dot_dimension_numbers<[1], [0], [0], [1], [0, 0, 1, 1], [], []>, transpose_lhs_hint = false} : vector<2000x128xf32>, vector<128x128xf32>, vector<2000x128xf32> -> vector<2000x128xf32>
    %swap3A = arith.constant 0 : index
    %swap3A_15 = arith.constant 0 : index
    %swap3A_16 = vector.load %arg5[%swap3A, %swap3A_15] : memref<2000x128xf32, #tpu.memory_space<vmem>>, vector<2000x128xf32>
    tpu.vector_store %arg5[%swap3A, %swap3A_15], %add3A_9 {strides = array<i32>} : memref<2000x128xf32, #tpu.memory_space<vmem>>, vector<2000x128xf32>,
    %swap3A_17 = arith.constant 0 : index
    %swap3A_18 = arith.constant 0 : index
    %swap3A_19 = vector.load %arg6[%swap3A_17, %swap3A_18] : memref<2000x128xf32, #tpu.memory_space<vmem>>, vector<2000x128xf32>
    tpu.vector_store %arg6[%swap3A_17, %swap3A_18], %dot_general3A_14 {strides = array<i32>} : memref<2000x128xf32, #tpu.memory_space<vmem>>, vector<2000x128xf32>,
    return
  }
  func.func @transform_0(%arg0: i32) -> (i32, i32) {
    %c0_i32 = arith.constant 0 : i32
    %c0_i32_0 = arith.constant 0 : i32
    return %arg0, %c0_i32 : i32, i32
  }
  func.func @transform_1(%arg0: i32) -> (i32, i32) {
    %c0_i32 = arith.constant 0 : i32
    %c0_i32_0 = arith.constant 0 : i32
    %c0_i32_1 = arith.constant 0 : i32
    return %c0_i32, %c0_i32_0 : i32, i32
  }
  func.func @transform_2(%arg0: i32) -> (i32, i32) {
    %c0_i32 = arith.constant 0 : i32
    %c0_i32_0 = arith.constant 0 : i32
    %c0_i32_1 = arith.constant 0 : i32
    return %c0_i32, %c0_i32_0 : i32, i32
  }
  func.func @transform_3(%arg0: i32) -> (i32, i32) {
    %c0_i32 = arith.constant 0 : i32
    %c0_i32_0 = arith.constant 0 : i32
    %c0_i32_1 = arith.constant 0 : i32
    return %c0_i32, %c0_i32_0 : i32, i32
  }
  func.func @transform_4(%arg0: i32) -> (i32, i32) {
    %c0_i32 = arith.constant 0 : i32
    %c0_i32_0 = arith.constant 0 : i32
    return %arg0, %c0_i32 : i32, i32
  }
  func.func @transform_5(%arg0: i32) -> (i32, i32) {
    %c0_i32 = arith.constant 0 : i32
    %c0_i32_0 = arith.constant 0 : i32
    return %arg0, %c0_i32 : i32, i32
  }
}

module attributes {stable_mosaic.version = 14 : i64} {
  func.func @_edgemlp_body(%arg0: i32, %arg1: memref<1280x128xf32, #tpu.memory_space<vmem>>, %arg2: memref<1280x128xf32, #tpu.memory_space<vmem>>, %arg3: memref<1x10x128xf32, #tpu.memory_space<vmem>>, %arg4: memref<1x10x128xf32, #tpu.memory_space<vmem>>, %arg5: memref<3x1280xf32, #tpu.memory_space<vmem>>, %arg6: memref<1x128xf32, #tpu.memory_space<vmem>>, %arg7: memref<1x128xf32, #tpu.memory_space<vmem>>, %arg8: memref<128x128xbf16, #tpu.memory_space<vmem>>, %arg9: memref<1x128xf32, #tpu.memory_space<vmem>>, %arg10: memref<128x1xbf16, #tpu.memory_space<vmem>>, %arg11: memref<128x128xf32, #tpu.memory_space<vmem>>, %arg12: memref<3x1280xf32, #tpu.memory_space<vmem>>) attributes {dimension_semantics = [#tpu.dimension_semantics<arbitrary>], iteration_bounds = array<i64: 50>, scalar_prefetch = 0 : i64, scratch_operands = 0 : i64, tpu.core_type = #tpu.core_type<tc>, window_params = [{transform_indices = @transform_0, window_bounds = array<i64: 1280, 128>}, {transform_indices = @transform_1, window_bounds = array<i64: 1280, 128>}, {transform_indices = @transform_2, window_bounds = array<i64: 1, 10, 128>}, {transform_indices = @transform_3, window_bounds = array<i64: 1, 10, 128>}, {transform_indices = @transform_4, window_bounds = array<i64: 3, 1280>}, {pipeline_mode = #tpu.pipeline_mode<synchronous>, transform_indices = @transform_5, window_bounds = array<i64: 1, 128>}, {pipeline_mode = #tpu.pipeline_mode<synchronous>, transform_indices = @transform_6, window_bounds = array<i64: 1, 128>}, {pipeline_mode = #tpu.pipeline_mode<synchronous>, transform_indices = @transform_7, window_bounds = array<i64: 128, 128>}, {pipeline_mode = #tpu.pipeline_mode<synchronous>, transform_indices = @transform_8, window_bounds = array<i64: 1, 128>}, {pipeline_mode = #tpu.pipeline_mode<synchronous>, transform_indices = @transform_9, window_bounds = array<i64: 128, 1>}, {pipeline_mode = #tpu.pipeline_mode<synchronous>, transform_indices = @transform_10, window_bounds = array<i64: 128, 128>}, {transform_indices = @transform_11, window_bounds = array<i64: 3, 1280>}]} {
    %get3A = arith.constant 0 : index
    %get3A_0 = arith.constant 0 : index
    %get3A_1 = vector.load %arg11[%get3A, %get3A_0] : memref<128x128xf32, #tpu.memory_space<vmem>>, vector<128x128xf32>
    %get3A_2 = arith.constant 0 : index
    %get3A_3 = arith.constant 0 : index
    %get3A_4 = arith.constant 0 : index
    %get3A_5 = vector.load %arg3[%get3A_2, %get3A_3, %get3A_4] : memref<1x10x128xf32, #tpu.memory_space<vmem>>, vector<1x10x128xf32>
    %get3A_6 = vector.shape_cast %get3A_5 : vector<1x10x128xf32> to vector<10x128xf32>
    %dot_general3A = arith.constant dense<0.000000e+00> : vector<128x10xf32>
    %dot_general3A_7 = tpu.matmul %get3A_1, %get3A_6, %dot_general3A {dimension_numbers = #tpu.dot_dimension_numbers<[1], [1], [0], [0], [0, 0, 1, 0], [], []>, transpose_lhs_hint = false} : vector<128x128xf32>, vector<10x128xf32>, vector<128x10xf32> -> vector<128x10xf32>
    %get3A_8 = arith.constant 0 : index
    %get3A_9 = arith.constant 0 : index
    %get3A_10 = arith.constant 0 : index
    %get3A_11 = vector.load %arg4[%get3A_8, %get3A_9, %get3A_10] : memref<1x10x128xf32, #tpu.memory_space<vmem>>, vector<1x10x128xf32>
    %get3A_12 = vector.shape_cast %get3A_11 : vector<1x10x128xf32> to vector<10x128xf32>
    %dot_general3A_13 = arith.constant dense<0.000000e+00> : vector<128x10xf32>
    %dot_general3A_14 = tpu.matmul %get3A_1, %get3A_12, %dot_general3A_13 {dimension_numbers = #tpu.dot_dimension_numbers<[1], [1], [0], [0], [0, 0, 1, 0], [], []>, transpose_lhs_hint = false} : vector<128x128xf32>, vector<10x128xf32>, vector<128x10xf32> -> vector<128x10xf32>
    %slice3A = vector.extract_strided_slice %dot_general3A_7 {offsets = [0, 0], sizes = [128, 1], strides = [1, 1]} : vector<128x10xf32> to vector<128x1xf32>
    %slice3A_15 = vector.extract_strided_slice %dot_general3A_7 {offsets = [0, 1], sizes = [128, 1], strides = [1, 1]} : vector<128x10xf32> to vector<128x1xf32>
    %slice3A_16 = vector.extract_strided_slice %dot_general3A_7 {offsets = [0, 2], sizes = [128, 1], strides = [1, 1]} : vector<128x10xf32> to vector<128x1xf32>
    %slice3A_17 = vector.extract_strided_slice %dot_general3A_7 {offsets = [0, 3], sizes = [128, 1], strides = [1, 1]} : vector<128x10xf32> to vector<128x1xf32>
    %slice3A_18 = vector.extract_strided_slice %dot_general3A_7 {offsets = [0, 4], sizes = [128, 1], strides = [1, 1]} : vector<128x10xf32> to vector<128x1xf32>
    %slice3A_19 = vector.extract_strided_slice %dot_general3A_7 {offsets = [0, 5], sizes = [128, 1], strides = [1, 1]} : vector<128x10xf32> to vector<128x1xf32>
    %slice3A_20 = vector.extract_strided_slice %dot_general3A_7 {offsets = [0, 6], sizes = [128, 1], strides = [1, 1]} : vector<128x10xf32> to vector<128x1xf32>
    %slice3A_21 = vector.extract_strided_slice %dot_general3A_7 {offsets = [0, 7], sizes = [128, 1], strides = [1, 1]} : vector<128x10xf32> to vector<128x1xf32>
    %slice3A_22 = vector.extract_strided_slice %dot_general3A_7 {offsets = [0, 8], sizes = [128, 1], strides = [1, 1]} : vector<128x10xf32> to vector<128x1xf32>
    %slice3A_23 = vector.extract_strided_slice %dot_general3A_7 {offsets = [0, 9], sizes = [128, 1], strides = [1, 1]} : vector<128x10xf32> to vector<128x1xf32>
    %concatenate3A = tpu.concatenate %slice3A, %slice3A_15, %slice3A_16, %slice3A_17, %slice3A_18, %slice3A_19, %slice3A_20, %slice3A_21, %slice3A_22, %slice3A_23 in 0 : vector<128x1xf32>, vector<128x1xf32>, vector<128x1xf32>, vector<128x1xf32>, vector<128x1xf32>, vector<128x1xf32>, vector<128x1xf32>, vector<128x1xf32>, vector<128x1xf32>, vector<128x1xf32> -> vector<1280x1xf32>
    %slice3A_24 = vector.extract_strided_slice %dot_general3A_14 {offsets = [0, 0], sizes = [128, 1], strides = [1, 1]} : vector<128x10xf32> to vector<128x1xf32>
    %slice3A_25 = vector.extract_strided_slice %dot_general3A_14 {offsets = [0, 1], sizes = [128, 1], strides = [1, 1]} : vector<128x10xf32> to vector<128x1xf32>
    %slice3A_26 = vector.extract_strided_slice %dot_general3A_14 {offsets = [0, 2], sizes = [128, 1], strides = [1, 1]} : vector<128x10xf32> to vector<128x1xf32>
    %slice3A_27 = vector.extract_strided_slice %dot_general3A_14 {offsets = [0, 3], sizes = [128, 1], strides = [1, 1]} : vector<128x10xf32> to vector<128x1xf32>
    %slice3A_28 = vector.extract_strided_slice %dot_general3A_14 {offsets = [0, 4], sizes = [128, 1], strides = [1, 1]} : vector<128x10xf32> to vector<128x1xf32>
    %slice3A_29 = vector.extract_strided_slice %dot_general3A_14 {offsets = [0, 5], sizes = [128, 1], strides = [1, 1]} : vector<128x10xf32> to vector<128x1xf32>
    %slice3A_30 = vector.extract_strided_slice %dot_general3A_14 {offsets = [0, 6], sizes = [128, 1], strides = [1, 1]} : vector<128x10xf32> to vector<128x1xf32>
    %slice3A_31 = vector.extract_strided_slice %dot_general3A_14 {offsets = [0, 7], sizes = [128, 1], strides = [1, 1]} : vector<128x10xf32> to vector<128x1xf32>
    %slice3A_32 = vector.extract_strided_slice %dot_general3A_14 {offsets = [0, 8], sizes = [128, 1], strides = [1, 1]} : vector<128x10xf32> to vector<128x1xf32>
    %slice3A_33 = vector.extract_strided_slice %dot_general3A_14 {offsets = [0, 9], sizes = [128, 1], strides = [1, 1]} : vector<128x10xf32> to vector<128x1xf32>
    %concatenate3A_34 = tpu.concatenate %slice3A_24, %slice3A_25, %slice3A_26, %slice3A_27, %slice3A_28, %slice3A_29, %slice3A_30, %slice3A_31, %slice3A_32, %slice3A_33 in 0 : vector<128x1xf32>, vector<128x1xf32>, vector<128x1xf32>, vector<128x1xf32>, vector<128x1xf32>, vector<128x1xf32>, vector<128x1xf32>, vector<128x1xf32>, vector<128x1xf32>, vector<128x1xf32> -> vector<1280x1xf32>
    %get3A_35 = arith.constant 0 : index
    %get3A_36 = arith.constant 0 : index
    %get3A_37 = vector.load %arg1[%get3A_35, %get3A_36] : memref<1280x128xf32, #tpu.memory_space<vmem>>, vector<1280x128xf32>
    %get3A_38 = arith.constant 0 : index
    %get3A_39 = arith.constant 0 : index
    %get3A_40 = vector.load %arg2[%get3A_38, %get3A_39] : memref<1280x128xf32, #tpu.memory_space<vmem>>, vector<1280x128xf32>
    %add3A = arith.addf %get3A_37, %get3A_40 : vector<1280x128xf32>
    %get3A_41 = arith.constant 0 : index
    %get3A_42 = arith.constant 0 : index
    %get3A_43 = vector.load %arg6[%get3A_41, %get3A_42] : memref<1x128xf32, #tpu.memory_space<vmem>>, vector<1x128xf32>
    %mul3A = vector.broadcast %concatenate3A : vector<1280x1xf32> to vector<1280x128xf32>
    %mul3A_44 = vector.broadcast %get3A_43 : vector<1x128xf32> to vector<1280x128xf32>
    %mul3A_45 = arith.mulf %mul3A, %mul3A_44 : vector<1280x128xf32>
    %add3A_46 = arith.addf %add3A, %mul3A_45 : vector<1280x128xf32>
    %get3A_47 = arith.constant 0 : index
    %get3A_48 = arith.constant 0 : index
    %get3A_49 = vector.load %arg7[%get3A_47, %get3A_48] : memref<1x128xf32, #tpu.memory_space<vmem>>, vector<1x128xf32>
    %mul3A_50 = vector.broadcast %concatenate3A_34 : vector<1280x1xf32> to vector<1280x128xf32>
    %mul3A_51 = vector.broadcast %get3A_49 : vector<1x128xf32> to vector<1280x128xf32>
    %mul3A_52 = arith.mulf %mul3A_50, %mul3A_51 : vector<1280x128xf32>
    %add3A_53 = arith.addf %add3A_46, %mul3A_52 : vector<1280x128xf32>
    %neg3A = arith.constant 0.000000e+00 : f32
    %neg3A_54 = vector.broadcast %neg3A : f32 to vector<1280x128xf32>
    %neg3A_55 = arith.subf %neg3A_54, %add3A_53 : vector<1280x128xf32>
    %exp3A = math.exp %neg3A_55 : vector<1280x128xf32>
    %add3A_56 = arith.constant 1.000000e+00 : f32
    %add3A_57 = vector.broadcast %add3A_56 : f32 to vector<1280x128xf32>
    %add3A_58 = arith.addf %add3A_57, %exp3A : vector<1280x128xf32>
    %div3A = arith.constant 1.000000e+00 : f32
    %div3A_59 = vector.broadcast %div3A : f32 to vector<1280x128xf32>
    %div3A_60 = arith.divf %div3A_59, %add3A_58 : vector<1280x128xf32>
    %mul3A_61 = arith.mulf %add3A_53, %div3A_60 : vector<1280x128xf32>
    %convert_element_type3A = arith.truncf %mul3A_61 : vector<1280x128xf32> to vector<1280x128xbf16>
    %get3A_62 = arith.constant 0 : index
    %get3A_63 = arith.constant 0 : index
    %get3A_64 = vector.load %arg8[%get3A_62, %get3A_63] : memref<128x128xbf16, #tpu.memory_space<vmem>>, vector<128x128xbf16>
    %dot_general3A_65 = arith.constant dense<0.000000e+00> : vector<1280x128xf32>
    %dot_general3A_66 = tpu.matmul %convert_element_type3A, %get3A_64, %dot_general3A_65 {dimension_numbers = #tpu.dot_dimension_numbers<[1], [0], [0], [1], [0, 0, 1, 1], [], []>, transpose_lhs_hint = false} : vector<1280x128xbf16>, vector<128x128xbf16>, vector<1280x128xf32> -> vector<1280x128xf32>
    %get3A_67 = arith.constant 0 : index
    %get3A_68 = arith.constant 0 : index
    %get3A_69 = vector.load %arg9[%get3A_67, %get3A_68] : memref<1x128xf32, #tpu.memory_space<vmem>>, vector<1x128xf32>
    %add3A_70 = vector.broadcast %get3A_69 : vector<1x128xf32> to vector<1280x128xf32>
    %add3A_71 = arith.addf %dot_general3A_66, %add3A_70 : vector<1280x128xf32>
    %neg3A_72 = arith.constant 0.000000e+00 : f32
    %neg3A_73 = vector.broadcast %neg3A_72 : f32 to vector<1280x128xf32>
    %neg3A_74 = arith.subf %neg3A_73, %add3A_71 : vector<1280x128xf32>
    %exp3A_75 = math.exp %neg3A_74 : vector<1280x128xf32>
    %add3A_76 = arith.constant 1.000000e+00 : f32
    %add3A_77 = vector.broadcast %add3A_76 : f32 to vector<1280x128xf32>
    %add3A_78 = arith.addf %add3A_77, %exp3A_75 : vector<1280x128xf32>
    %div3A_79 = arith.constant 1.000000e+00 : f32
    %div3A_80 = vector.broadcast %div3A_79 : f32 to vector<1280x128xf32>
    %div3A_81 = arith.divf %div3A_80, %add3A_78 : vector<1280x128xf32>
    %mul3A_82 = arith.mulf %add3A_71, %div3A_81 : vector<1280x128xf32>
    %get3A_83 = arith.constant 0 : index
    %get3A_84 = arith.constant 0 : index
    %get3A_85 = vector.load %arg10[%get3A_83, %get3A_84] : memref<128x1xbf16, #tpu.memory_space<vmem>>, vector<128x1xbf16>
    %convert_element_type3A_86 = arith.truncf %mul3A_82 : vector<1280x128xf32> to vector<1280x128xbf16>
    %dot_general3A_87 = arith.constant dense<0.000000e+00> : vector<1x1280xf32>
    %dot_general3A_88 = tpu.matmul %get3A_85, %convert_element_type3A_86, %dot_general3A_87 {dimension_numbers = #tpu.dot_dimension_numbers<[0], [1], [1], [0], [0, 1, 1, 0], [], []>, transpose_lhs_hint = false} : vector<128x1xbf16>, vector<1280x128xbf16>, vector<1x1280xf32> -> vector<1x1280xf32>
    %get3A_89 = arith.constant 0 : index
    %get3A_90 = arith.constant 0 : index
    %get3A_91 = vector.load %arg5[%get3A_89, %get3A_90] : memref<3x1280xf32, #tpu.memory_space<vmem>>, vector<3x1280xf32>
    %tanh3A = math.tanh %dot_general3A_88 : vector<1x1280xf32>
    %mul3A_92 = arith.constant 2.000000e-02 : f32
    %mul3A_93 = vector.broadcast %mul3A_92 : f32 to vector<1x1280xf32>
    %mul3A_94 = arith.mulf %tanh3A, %mul3A_93 : vector<1x1280xf32>
    %mul3A_95 = vector.broadcast %mul3A_94 : vector<1x1280xf32> to vector<3x1280xf32>
    %mul3A_96 = arith.mulf %get3A_91, %mul3A_95 : vector<3x1280xf32>
    %swap3A = arith.constant 0 : index
    %swap3A_97 = arith.constant 0 : index
    %swap3A_98 = vector.load %arg12[%swap3A, %swap3A_97] : memref<3x1280xf32, #tpu.memory_space<vmem>>, vector<3x1280xf32>
    tpu.vector_store %arg12[%swap3A, %swap3A_97], %mul3A_96 {strides = array<i32>} : memref<3x1280xf32, #tpu.memory_space<vmem>>, vector<3x1280xf32>,
    return
  }
  func.func @transform_0(%arg0: i32) -> (i32, i32) {
    %c0_i32 = arith.constant 0 : i32
    %c0_i32_0 = arith.constant 0 : i32
    return %arg0, %c0_i32 : i32, i32
  }
  func.func @transform_1(%arg0: i32) -> (i32, i32) {
    %c0_i32 = arith.constant 0 : i32
    %c0_i32_0 = arith.constant 0 : i32
    return %arg0, %c0_i32 : i32, i32
  }
  func.func @transform_2(%arg0: i32) -> (i32, i32, i32) {
    %c0_i32 = arith.constant 0 : i32
    %c0_i32_0 = arith.constant 0 : i32
    %c0_i32_1 = arith.constant 0 : i32
    return %arg0, %c0_i32, %c0_i32_0 : i32, i32, i32
  }
  func.func @transform_3(%arg0: i32) -> (i32, i32, i32) {
    %c0_i32 = arith.constant 0 : i32
    %c0_i32_0 = arith.constant 0 : i32
    %c0_i32_1 = arith.constant 0 : i32
    return %arg0, %c0_i32, %c0_i32_0 : i32, i32, i32
  }
  func.func @transform_4(%arg0: i32) -> (i32, i32) {
    %c0_i32 = arith.constant 0 : i32
    %c0_i32_0 = arith.constant 0 : i32
    return %c0_i32, %arg0 : i32, i32
  }
  func.func @transform_5(%arg0: i32) -> (i32, i32) {
    %c0_i32 = arith.constant 0 : i32
    %c0_i32_0 = arith.constant 0 : i32
    %c0_i32_1 = arith.constant 0 : i32
    return %c0_i32, %c0_i32_0 : i32, i32
  }
  func.func @transform_6(%arg0: i32) -> (i32, i32) {
    %c0_i32 = arith.constant 0 : i32
    %c0_i32_0 = arith.constant 0 : i32
    %c0_i32_1 = arith.constant 0 : i32
    return %c0_i32, %c0_i32_0 : i32, i32
  }
  func.func @transform_7(%arg0: i32) -> (i32, i32) {
    %c0_i32 = arith.constant 0 : i32
    %c0_i32_0 = arith.constant 0 : i32
    %c0_i32_1 = arith.constant 0 : i32
    return %c0_i32, %c0_i32_0 : i32, i32
  }
  func.func @transform_8(%arg0: i32) -> (i32, i32) {
    %c0_i32 = arith.constant 0 : i32
    %c0_i32_0 = arith.constant 0 : i32
    %c0_i32_1 = arith.constant 0 : i32
    return %c0_i32, %c0_i32_0 : i32, i32
  }
  func.func @transform_9(%arg0: i32) -> (i32, i32) {
    %c0_i32 = arith.constant 0 : i32
    %c0_i32_0 = arith.constant 0 : i32
    %c0_i32_1 = arith.constant 0 : i32
    return %c0_i32, %c0_i32_0 : i32, i32
  }
  func.func @transform_10(%arg0: i32) -> (i32, i32) {
    %c0_i32 = arith.constant 0 : i32
    %c0_i32_0 = arith.constant 0 : i32
    %c0_i32_1 = arith.constant 0 : i32
    return %c0_i32, %c0_i32_0 : i32, i32
  }
  func.func @transform_11(%arg0: i32) -> (i32, i32) {
    %c0_i32 = arith.constant 0 : i32
    %c0_i32_0 = arith.constant 0 : i32
    return %c0_i32, %arg0 : i32, i32
  }
}

module attributes {stable_mosaic.version = 14 : i64} {
  func.func @_reduce_body(%arg0: i32, %arg1: memref<32x3x2048xf32, #tpu.memory_space<vmem>>, %arg2: memref<3x2048xf32, #tpu.memory_space<vmem>>, %arg3: memref<3x2048xf32, #tpu.memory_space<vmem>>) attributes {dimension_semantics = [#tpu.dimension_semantics<arbitrary>], iteration_bounds = array<i64: 5>, scalar_prefetch = 0 : i64, scratch_operands = 0 : i64, tpu.core_type = #tpu.core_type<tc>, window_params = [{transform_indices = @transform_0, window_bounds = array<i64: 32, 3, 2048>}, {transform_indices = @transform_1, window_bounds = array<i64: 3, 2048>}, {transform_indices = @transform_2, window_bounds = array<i64: 3, 2048>}]} {
    %get3A = arith.constant 0 : index
    %get3A_0 = arith.constant 0 : index
    %get3A_1 = vector.load %arg2[%get3A, %get3A_0] : memref<3x2048xf32, #tpu.memory_space<vmem>>, vector<3x2048xf32>
    %get3A_2 = arith.constant 0 : index
    %get3A_3 = arith.constant 0 : index
    %get3A_4 = arith.constant 0 : index
    %get3A_5 = vector.load %arg1[%get3A_2, %get3A_3, %get3A_4] : memref<32x3x2048xf32, #tpu.memory_space<vmem>>, vector<32x3x2048xf32>
    %reduce_sum3A = arith.constant dense<0.000000e+00> : vector<3x2048xf32>
    %reduce_sum3A_6 = vector.multi_reduction <add>, %get3A_5, %reduce_sum3A [0] : vector<32x3x2048xf32> to vector<3x2048xf32>
    %add3A = arith.addf %get3A_1, %reduce_sum3A_6 : vector<3x2048xf32>
    %swap3A = arith.constant 0 : index
    %swap3A_7 = arith.constant 0 : index
    %swap3A_8 = vector.load %arg3[%swap3A, %swap3A_7] : memref<3x2048xf32, #tpu.memory_space<vmem>>, vector<3x2048xf32>
    tpu.vector_store %arg3[%swap3A, %swap3A_7], %add3A {strides = array<i32>} : memref<3x2048xf32, #tpu.memory_space<vmem>>, vector<3x2048xf32>,
    return
  }
  func.func @transform_0(%arg0: i32) -> (i32, i32, i32) {
    %c0_i32 = arith.constant 0 : i32
    %c0_i32_0 = arith.constant 0 : i32
    %c0_i32_1 = arith.constant 0 : i32
    return %c0_i32, %c0_i32_0, %arg0 : i32, i32, i32
  }
  func.func @transform_1(%arg0: i32) -> (i32, i32) {
    %c0_i32 = arith.constant 0 : i32
    %c0_i32_0 = arith.constant 0 : i32
    return %c0_i32, %arg0 : i32, i32
  }
  func.func @transform_2(%arg0: i32) -> (i32, i32) {
    %c0_i32 = arith.constant 0 : i32
    %c0_i32_0 = arith.constant 0 : i32
    return %c0_i32, %arg0 : i32, i32
  }
}

</mosaic_0001>

<sc_bundles>
// kernel: kernel.15.cloned.1.call-start
scs
__scs_entry_jumppad:
0x0: {  	(pc) =	sbr.rel $0x88, $3  }
0x1: {  	(tag) =	ssettag $0x0;
	lr =	simm.s32 $0x1  }
0x2: {  	[smem:$0x3F96] =	sst lr;
	_ =	strace $0xD0000000  }
0x3: {  	_ = 	snop  }
0x4: {  	_ = 	snop  }
0x5: {  	_ = 	snop  }
0x6: {  	_ = 	snop  }
0x7: {  	_ = 	snop  }
__scs_overlays_trampoline_lowered:
0x8: {  	[smem:$0x3FA5] =	sst s0  }
0x9: {  	[smem:$0x3FA6] =	sst s1  }
0xa: {  	[smem:$0x3FA7] =	sst s2  }
0xb: {  	[smem:$0x3FA8] =	sst s3  }
0xc: {  	[smem:$0x3FA9] =	sst s4  }
0xd: {  	[smem:$0x3FAA] =	sst s5  }
0xe: {  	[smem:$0x3FAB] =	sst s6  }
0xf: {  	[smem:$0x3FAC] =	sst s7  }
0x10: {  	[smem:$0x3FAD] =	sst s8  }
0x11: {  	[smem:$0x3FAE] =	sst s9;
	s0 =	simm.s32 @!p0 $0x0  }
0x12: {  	s1 =	sld [smem:$0x3F94];
	s0 =	simm.s32 @p0 $0x1  }
0x13: {  	[smem:$0x3FAF] =	sst s0;
	s0 =	simm.s32 @!p1 $0x0  }
0x14: {  	s2 =	sld [smem:$0x3F93];
	s0 =	simm.s32 @p1 $0x1  }
0x15: {  	[smem:$0x3FB0] =	sst s0;
	s0 =	simm.s32 @!p2 $0x0  }
0x16: {  	s3 =	sld [smem:$0x3FDB];
	s0 =	simm.s32 @p2 $0x1  }
0x17: {  	s4 =	simm.s32 $0x1BF5;
	[smem:$0x3FB2] =	sst s0  }
0x18: {  	s0 =	sld [smem:$0x3F95];
	_ =	swait.ge [sflag:s4], $0x0  }
0x19: {  	s7 =	sld [smem:$0x3F96]  }
0x1a: {  	s8 =	sadd.s32 $0xFFFFE003, lr  }
0x1b: {  	s9 =	sadd.s32 $0xFFFFFEF7, lr;
	s5 =	simm.s32 $0xFFFFFFFF;
	p2 =	slt.u32 s8, $0xFFFFF086  }
0x1c: {  	p1 =	slt.u32 s9, $0xF7A;
	s5 =	simm.s32 @!p2 $0x0  }
0x1d: {  	s5 =	simm.s32 @p1 $0x1;
	p0 =	seq.s32 s7, s2  }
0x1e: {  	s7 =	smul.u32 @!p0 $0xF7A, s2;
	p2 =	seq.s32 @!p0 s5, $0x0  }
0x1f: {  	s9 =	smul.u32 $0xF7A, s1;
	s8 =	simm.s32 @!p0 $0x1BF5;
	p2 =	por !p2, p0  }
0x20: {  	[sflag:s8] =	ssyncset.s32 @!p0 $0xFFFFF086;
	s6 =	sadd.s32 @!p0 s3, s7;
	s7 =	simm.s32 @!p0 $0x108  }
0x21: {  	s3 =	sadd.s32 s3, s9;
	s6 =	sadd.s32 @!p0 $0x88, s6;
	s7 =	simm.s32 @p2 $0x1082  }
0x22: {  	[simem:s7], [sflag:s8] =	dma.local @!p0 [hbm:s6], $0xF7A  }
0x23: {  	s9 =	sor.u32 $0xD0000000, s2;
	s6 =	simm.s32 $0x108;
	_ =	swait.ge @!p0 [sflag:s8], $0x0  }
0x24: {  	s3 =	sadd.s32 $0x88, s3;
	s6 =	simm.s32 @!p1 $0x1082;
	[sflag:s4] =	ssyncset.s32 $0xFFFFF086  }
0x25: {  	[simem:s6], [sflag:s4] =	dma.local [hbm:s3], $0xF7A  }
0x26: {  	[smem:$0x3F96] =	sst s1;
	(tag) =	ssettag s2;
	_ =	strace s9  }
0x27: {  	s1 =	sld [smem:$0x3FA6]  }
0x28: {  	s2 =	sld [smem:$0x3FA7]  }
0x29: {  	s4 =	sld [smem:$0x3FA9]  }
0x2a: {  	p0 =	seq.s32 s5, $0x0;
	s5 =	sld [smem:$0x3FAA]  }
0x2b: {  	s6 =	sld [smem:$0x3FAB]  }
0x2c: {  	s7 =	sld [smem:$0x3FAC]  }
0x2d: {  	s3 =	simm.s32 $0x108;
	s8 =	sld [smem:$0x3FAD]  }
0x2e: {  	s3 =	simm.s32 @!p0 $0x1082;
	s9 =	sld [smem:$0x3FAE]  }
0x2f: {  	lr =	sadd.s32 s0, s3;
	s0 =	sld [smem:$0x3FA5]  }
0x30: {  	s3 =	sld [smem:$0x3FA8]  }
0x31: {  	[smem:$0x3FB1] =	sst s10  }
0x32: {  	s10 =	sld [smem:$0x3FAF];
	_ =	sdelay $0x3  }
0x33: {  	p0 =	seq.s32 s10, $0x1;
	s10 =	sld [smem:$0x3FB1];
	_ =	sdelay $0x3  }
0x34: {  	[smem:$0x3FB1] =	sst s10  }
0x35: {  	s10 =	sld [smem:$0x3FB0];
	_ =	sdelay $0x3  }
0x36: {  	p1 =	seq.s32 s10, $0x1;
	s10 =	sld [smem:$0x3FB1];
	_ =	sdelay $0x3  }
0x37: {  	[smem:$0x3FB1] =	sst s10  }
0x38: {  	s10 =	sld [smem:$0x3FB2]  }
0x39: {  	_ = 	snop;
	(pc) =	sbr.ind lr, $3  }
0x3a: {  	_ = 	snop  }
0x3b: {  	_ = 	snop  }
0x3c: {  	p2 =	seq.s32 s10, $0x1;
	s10 =	sld [smem:$0x3FB1]  }
0x3d: {  	_ =	shalt  }
0x3e: {  	_ =	shalt  }
0x3f: {  	_ =	shalt  }
0x40: {  	_ =	shalt  }
0x41: {  	_ =	shalt  }
0x42: {  	_ =	shalt  }
0x43: {  	_ =	shalt  }
0x44: {  	_ =	shalt  }
0x45: {  	_ =	shalt  }
0x46: {  	_ =	shalt  }
0x47: {  	_ =	shalt  }
0x48: {  	_ =	shalt  }
0x49: {  	_ =	shalt  }
0x4a: {  	_ =	shalt  }
0x4b: {  	_ =	shalt  }
0x4c: {  	_ =	shalt  }
0x4d: {  	_ =	shalt  }
0x4e: {  	_ =	shalt  }
0x4f: {  	_ =	shalt  }
0x50: {  	_ =	shalt  }
0x51: {  	_ =	shalt  }
0x52: {  	_ =	shalt  }
0x53: {  	_ =	shalt  }
0x54: {  	_ =	shalt  }
0x55: {  	_ =	shalt  }
0x56: {  	_ =	shalt  }
0x57: {  	_ =	shalt  }
0x58: {  	_ =	shalt  }
0x59: {  	_ =	shalt  }
0x5a: {  	_ =	shalt  }
0x5b: {  	_ =	shalt  }
0x5c: {  	_ =	shalt  }
0x5d: {  	_ =	shalt  }
0x5e: {  	_ =	shalt  }
0x5f: {  	_ =	shalt  }
0x60: {  	_ =	shalt  }
0x61: {  	_ =	shalt  }
0x62: {  	_ =	shalt  }
0x63: {  	_ =	shalt  }
0x64: {  	_ =	shalt  }
0x65: {  	_ =	shalt  }
0x66: {  	_ =	shalt  }
0x67: {  	_ =	shalt  }
0x68: {  	_ =	shalt  }
0x69: {  	_ =	shalt  }
0x6a: {  	_ =	shalt  }
0x6b: {  	_ =	shalt  }
0x6c: {  	_ =	shalt  }
0x6d: {  	_ =	shalt  }
0x6e: {  	_ =	shalt  }
0x6f: {  	_ =	shalt  }
0x70: {  	_ =	shalt  }
0x71: {  	_ =	shalt  }
0x72: {  	_ =	shalt  }
0x73: {  	_ =	shalt  }
0x74: {  	_ =	shalt  }
0x75: {  	_ =	shalt  }
0x76: {  	_ =	shalt  }
0x77: {  	_ =	shalt  }
0x78: {  	_ =	shalt  }
0x79: {  	_ =	shalt  }
0x7a: {  	_ =	shalt  }
0x7b: {  	_ =	shalt  }
0x7c: {  	_ =	shalt  }
0x7d: {  	_ =	shalt  }
0x7e: {  	_ =	shalt  }
0x7f: {  	_ =	shalt  }
0x80: {  	_ =	shalt  }
0x81: {  	_ =	shalt  }
0x82: {  	_ =	shalt  }
0x83: {  	_ =	shalt  }
0x84: {  	_ =	shalt  }
0x85: {  	_ =	shalt  }
0x86: {  	_ =	shalt  }
0x87: {  	_ =	shalt  }
.Lfunc_end0:
.L_simem_size_0:
called_computation_lowered:
.L_overlay_start_0:
0x88: {  	s2 =	sld [smem:$0x3FD9]  }
0x89: {  	s3 =	sld [smem:$0x3FFE];
	_ =	sdelay $0x1  }
0x8a: {  	s1 =	srdreg.scid  }
0x8b: {  	s0 =	sand.u32 $0x1, s1  }
0x8c: {  	s17 =	sshll.u32 s0, $0xA;
	s2 =	sadd.s32 s3, s2  }
0x8d: {  	s2 =	sadd.s32 s2, s17  }
0x8e: {  	[smem:$0x3FBD] =	sst s2  }
0x8f: {  	_ = 	snop  }
0x90: {  	(tm) =	ssettm $0x1  }
0x91: {  	s18 =	sld [smem:$0x3FFB];
	_ =	sdelay $0x3  }
0x92: {  	_ =	strace s18  }
0x93: {  	s2 =	sld [smem:$0x3FFC];
	_ =	sdelay $0x3  }
0x94: {  	_ =	strace s2  }
0x95: {  	s2 =	sld [smem:$0x3FFD];
	_ =	sdelay $0x3  }
0x96: {  	_ =	strace s2  }
0x97: {  	_ =	strace $0x8FFFFFFF  }
0x98: {  	s19 =	sld [smem:$0x3FDB];
	_ =	sdelay $0x1  }
0x99: {  	s20 =	simm.s32 $_scs_section_size  }
0x9a: {  	s4 =	simm.s32 $_size__tile_overlayer_lowered;
	s5 =	simm.s32 $_tile_overlayer_lowered  }
0x9b: {  	s6 =	simm.s32 $0x1BFF;
	s21 =	sshll.u32 s5, $0x1;
	s3 =	sadd.s32 s20, s19  }
0x9c: {  	s22 =	simm.s32 $0x0;
	s4 =	sshll.u32 s4, $0x1;
	s5 =	sadd.s32 s21, s3  }
0x9d: {  	[timem:s22], [sflag:s6] =	dma.local [hbm:s5], s4  }
0x9e: {  	_ =	swait.ge [sflag:s6], s4  }
0x9f: {  	s4 =	ssub.s32 $0x0, s4;
	[sflag:s6] =	ssyncset.done $0x0  }
0xa0: {  	[sflag:s6] =	ssyncadd.s32 s4;
	_ =	sdelay $0x1  }
0xa1: {  	s23 =	simm.s32 $0x1B8B  }
0xa2: {  	_ =	swait.ge [sflag:s23], $0x1  }
0xa3: {  	[sflag:s23] =	ssyncset.done $0x0  }
0xa4: {  	[sflag:s23] =	ssyncadd.s32 $0xFFFFFFFF  }
0xa5: {  	s4 =	sld [smem:$0x0]  }
0xa6: {  	s5 =	sand.u32 $0xFFFFFFFE, s1  }
0xa7: {  	p0 =	sne.s32 s1, s5  }
0xa8: {  	s5 =	sshll.u32 @p0 s5, $0xE  }
0xa9: {  	s5 =	sadd.s32 @p0 $0x11B8D, s5;
	s6 =	sshll.u32 @p0 s4, $0x11  }
0xaa: {  	s5 =	sor.u32 @p0 s6, s5  }
0xab: {  	[sflag:s5] =	ssyncadd.remote.s32 @p0 $0x1;
	_ =	sdelay $0x1  }
0xac: {  	s5 =	simm.s32 @p0 $0x1B8D  }
0xad: {  	_ =	swait.eq @p0 [sflag:s5], $0x1  }
0xae: {  	[sflag:s5] =	ssyncadd.s32 @p0 $0xFFFFFFFF  }
0xaf: {  	s6 =	sshll.u32 @!p0 s1, $0xE  }
0xb0: {  	s6 =	sor.u32 @!p0 $0x4000, s6;
	s5 =	simm.s32 @!p0 $0x1B8D  }
0xb1: {  	s4 =	sshll.u32 @!p0 s4, $0x11;
	s6 =	sadd.s32 @!p0 $0x11B8D, s6;
	_ =	swait.eq @!p0 [sflag:s5], $0x1  }
0xb2: {  	s4 =	sor.u32 @!p0 s4, s6;
	[sflag:s5] =	ssyncadd.s32 @!p0 $0xFFFFFFFF  }
0xb3: {  	s25 =	simm.s32 $0x1B8E;
	s24 =	sld [smem:$0x3FFE];
	[sflag:s4] =	ssyncadd.remote.s32 @!p0 $0x1  }
0xb4: {  	s26 =	simm.s32 $execute0_lowered;
	[smem:$0x3FD2] =	sst s25  }
0xb5: {  	s5 =	sshll.u32 s26, $0x1;
	_ =	strace $0x8000004F;
	[dreg:$0x1] =	wrdreg $0xFFFFFFFF  }
0xb6: {  	s28 =	simm.s32 $_size_execute0_lowered;
	s3 =	sadd.s32 s3, s5;
	[dreg:$0x0] =	wrdreg $0x0  }
0xb7: {  	s5 =	sshll.u32 s28, $0x1;
	[dreg:$0x2] =	wrdreg s3  }
0xb8: {  	[dreg:$0x3] =	wrdreg s5  }
0xb9: {  	[dreg:$0x4] =	wrdreg $0xC0  }
0xba: {  	_ =	task [dreg:s22], $0x5FFFF  }
0xbb: {  	[dreg:$0x1] =	wrdreg $0xFFFFFFFF  }
0xbc: {  	[dreg:$0x0] =	wrdreg $0x60  }
0xbd: {  	[dreg:$0x2] =	wrdreg s24  }
0xbe: {  	[dreg:$0x3] =	wrdreg $0x9  }
0xbf: {  	_ =	task.clear_ibuf [dreg:s22], $0x4FFFF;
	_ =	strace $0x9000004F  }
0xc0: {  	s29 =	simm.s32 $0x9;
	_ =	strace $0x80000051  }
0xc1: {  	_ =	swait.ge [sflag:s29], $0x1  }
0xc2: {  	[sflag:s29] =	ssyncadd.s32 $0xFFFFFFFF  }
0xc3: {  	_ =	strace $0x90000051  }
0xc4: {  	_ =	sfence  }
0xc5: {  	s30 =	sld [smem:$0x0];
	_ =	sdelay $0x2  }
0xc6: {  	s31 =	sshll.u32 s1, $0xD;
	s1 =	sshrl.u32 s1, $0x2  }
0xc7: {  	s4 =	sand.u32 $0x4000, s31;
	s1 =	sadd.s32 s1, s30  }
0xc8: {  	s0 =	sor.u32 s4, s0;
	s1 =	sshll.u32 s1, $0x11  }
0xc9: {  	s0 =	sor.u32 s1, s0  }
0xca: {  	s0 =	sadd.s32 $0x8F2B, s0  }
0xcb: {  	[sflag:s0] =	ssyncadd.remote.s32 $0x1  }
0xcc: {  	_ =	sfence.sel $0xFFFF  }
0xcd: {  	[dreg:$0x0] =	wrdreg $0xFFFFFFFF;
	(pc) =	sbr.abs _section_cstart, $3  }
0xce: {  	[dreg:$0x1] =	wrdreg $0xFFFFFFFF  }
0xcf: {  	_ =	task.clear_ibuf [dreg:s22], $0x2FFFF;
	_ =	strace $0x9FFFFFFF  }
0xd0: {  	(tm) =	ssettm $0x7FFFFFFF  }
0xd1: {  	_ =	shalt  }
tec
execute0_lowered:
.L_overlay_start_1:
0x0: {  	(tag) =	ssettag $0x1  }
0x1: {  	s0 =	rddreg [dreg:$0x0];
	s1 =	simm.s32 $0x0  }
0x2: {  	s2 =	srdreg.scid;
	s13 =	stileid.u32;
	s28 =	simm.s32 $0xC200  }
0x3: {  	s29 =	simm.s32 $0x2;
	s30 =	simm.s32 $0x6;
	s31 =	simm.s32 $0x3  }
0x4: {  	[smem:$0x7FF] =	sst s1;
	s3 =	sadd.s32 $0x1D400, s0;
	s4 =	sadd.s32 $0x44600, s0  }
0x5: {  	s5 =	sadd.s32 $0x64C800, s0;
	s6 =	sadd.s32 $0x64A800, s0;
	s2 =	sand.u32 $0x1, s2  }
0x6: {  	s7 =	sshll.u32 s13, $0x1;
	s8 =	sadd.s32 $0x64E800, s0;
	s10 =	sadd.s32 $0x749000, s0  }
0x7: {  	s17 =	sadd.s32 $0x748800, s0;
	s19 =	sadd.s32 $0x843000, s0;
	s25 =	sshll.u32 s13, $0x5  }
0x8: {  	_ =	strace $0x80000050;
	s9 =	ssub.s32 $0x2, s2;
	[dreg:$0xa] =	wrdreg s17  }
0x9: {  	s7 =	sor.u32 s2, s7;
	[dreg:$0xb] =	wrdreg s19;
	s11 =	sshrl.u32 s9, $0x1  }
0xa: {  	s12 =	sshll.u32 s7, $0x4;
	s16 =	sshll.u32 s7, $0xB;
	s9 =	ssub.s32 s9, s11  }
0xb: {  	s26 =	sadd.s32 s5, s12;
	s14 =	sor.u32 $0x200, s12;
	s12 =	sadd.s32 s6, s12  }
0xc: {  	s18 =	sor.u32 $0xE0000, s16;
	s16 =	sshll.u32 s13, $0xC;
	[dreg:$0x6] =	wrdreg s26  }
0xd: {  	[dreg:$0x7] =	wrdreg s12;
	s15 =	sadd.s32 s5, s14;
	s11 =	sadd.s32 s6, s14  }
0xe: {  	s20 =	sadd.s32 s8, s18;
	s17 =	sadd.s32 s16, s8;
	[dreg:$0x8] =	wrdreg s15  }
0xf: {  	s23 =	sadd.s32 s16, s10;
	s26 =	sadd.s32 $0x64AC00, s0;
	[dreg:$0x9] =	wrdreg s11  }
0x10: {  	s0 =	sadd.s32 $0x64CC00, s0;
	[dreg:$0xc] =	wrdreg s20;
	s15 =	smin.u32 s7, $0x14  }
0x11: {  	s11 =	sadd.s32 s10, s18;
	s18 =	sshll.u32 s2, $0xB;
	[dreg:$0x4] =	wrdreg s26  }
0x12: {  	s2 =	sshll.u32 s2, $0x4;
	[dreg:$0x5] =	wrdreg s0;
	s20 =	simm.s32 $0x100  }
0x13: {  	s26 =	simm.s32 $0x4200;
	s0 =	simm.s32 $0x5;
	[dreg:$0xd] =	wrdreg s11  }
0x14: {  	s21 =	sshll.u32 s15, $0xB;
	s22 =	sadd.s32 s18, s17;
	s24 =	sadd.s32 s18, s23  }
0x15: {  	s17 =	smax.u32 s9, $0x1;
	s9 =	sor.u32 $0x60, s7;
	s23 =	simm.s32 $0x1  }
0x16: {  	s7 =	simm.s32 $0x0;
	s11 =	sor.u32 $0xF0000, s21;
	[dreg:$0x2] =	wrdreg s22  }
0x17: {  	[dreg:$0x3] =	wrdreg s24;
	s21 =	simm.s32 $0x80;
	s22 =	simm.s32 $0x180  }
0x18: {  	s24 =	simm.s32 $0x200;
	s15 =	sadd.s32 s8, s11;
	s16 =	sadd.s32 s10, s11  }
0x19: {  	s10 =	sor.u32 s2, s25;
	s25 =	simm.s32 $0x8200;
	s2 =	simm.s32 $0x4  }
.LBB2_1:
0x1a: {  	s8 =	rddreg [dreg:$0x6]  }
0x1b: {  	[tilespmem:s1], [sflag:$0x1] =	stream.linear.gather [hbm4b:s8+s1], $0x80, $0x38;
	[tilespmem:$0x10200] =	vst v63  }
0x1c: {  	s14 =	rddreg [dreg:$0x7]  }
0x1d: {  	[tilespmem:s20], [sflag:$0x1] =	stream.linear.gather [hbm4b:s14+s1], $0x80, $0x38;
	[tilespmem:$0x10200] =	vst v63  }
0x1e: {  	s18 =	rddreg [dreg:$0x8]  }
0x1f: {  	[tilespmem:s21], [sflag:$0x2] =	stream.linear.gather [hbm4b:s18+s1], $0x80, $0x38;
	[tilespmem:$0x10200] =	vst v63  }
0x20: {  	s19 =	rddreg [dreg:$0x9]  }
0x21: {  	[tilespmem:s22], [sflag:$0x2] =	stream.linear.gather [hbm4b:s19+s1], $0x80, $0x38;
	[tilespmem:$0x10200] =	vst v63  }
0x22: {  	_ =	swait.ge [sflag:s23], $0x80  }
0x23: {  	[sflag:s23] =	ssyncset.done $0x0  }
0x24: {  	[sflag:s23] =	ssyncadd.s32 $0xFFFFFF80  }
0x25: {  	_ =	swait.ge [sflag:s23], $0x80  }
0x26: {  	[sflag:s23] =	ssyncset.done $0x0  }
0x27: {  	[sflag:s23] =	ssyncadd.s32 $0xFFFFFF80  }
0x28: {  	[tilespmem:s24], [sflag:$0x3] =	stream.indirect.gather [hbm4b:s3+s21], $0x80, s1, s21, $0xb8;
	[tilespmem:$0x10200] =	vst v63  }
0x29: {  	_ = 	snop  }
0x2a: {  	[tilespmem:s25], [sflag:$0x3] =	stream.indirect.gather [hbm4b:s4+s21], $0x80, s20, s21, $0xb8;
	[tilespmem:$0x10200] =	vst v63  }
0x2b: {  	s11 =	rddreg [dreg:$0xa]  }
0x2c: {  	[hbm4b:s11+s1] =	stream.linear.scatter [tilespmem:s26], [sflag:$0x6], $0x4000, $0x38;
	[tilespmem:$0x10200] =	vst v63  }
0x2d: {  	s12 =	rddreg [dreg:$0xb]  }
0x2e: {  	[hbm4b:s12+s1] =	stream.linear.scatter [tilespmem:s28], [sflag:$0x6], $0x4000, $0x38;
	[tilespmem:$0x10200] =	vst v63  }
0x2f: {  	_ =	swait.ge [sflag:s29], $0x80  }
0x30: {  	[sflag:s29] =	ssyncset.done $0x0  }
0x31: {  	[sflag:s29] =	ssyncadd.s32 $0xFFFFFF80  }
0x32: {  	_ =	swait.ge [sflag:s29], $0x80  }
0x33: {  	[sflag:s29] =	ssyncset.done $0x0  }
0x34: {  	[sflag:s29] =	ssyncadd.s32 $0xFFFFFF80  }
0x35: {  	_ =	swait.ge [sflag:s30], $0x4000  }
0x36: {  	[sflag:s30] =	ssyncset.done $0x0  }
0x37: {  	[sflag:s30] =	ssyncadd.s32 $0xFFFFC000  }
0x38: {  	_ =	swait.ge [sflag:s30], $0x4000  }
0x39: {  	[sflag:s30] =	ssyncset.done $0x0  }
0x3a: {  	[sflag:s30] =	ssyncadd.s32 $0xFFFFC000  }
0x3b: {  	[tilespmem:s26], [sflag:$0x4] =	stream.indirect.gather [hbm4b:s3+s21], $0x80, s21, s21, $0xb8;
	[tilespmem:$0x10200] =	vst v63  }
0x3c: {  	_ = 	snop  }
0x3d: {  	[tilespmem:s28], [sflag:$0x4] =	stream.indirect.gather [hbm4b:s4+s21], $0x80, s22, s21, $0xb8;
	[tilespmem:$0x10200] =	vst v63  }
0x3e: {  	_ =	swait.ge [sflag:s31], $0x4000  }
0x3f: {  	[sflag:s31] =	ssyncset.done $0x0  }
0x40: {  	[sflag:s31] =	ssyncadd.s32 $0xFFFFC000  }
0x41: {  	_ =	swait.ge [sflag:s31], $0x4000  }
0x42: {  	s13 =	rddreg [dreg:$0x2];
	[sflag:s31] =	ssyncset.done $0x0  }
0x43: {  	s11 =	rddreg [dreg:$0x3];
	[sflag:s31] =	ssyncadd.s32 $0xFFFFC000;
	s8 =	sadd.s32 $0x0, s13  }
0x44: {  	[hbm4b:s8+s1] =	stream.linear.scatter [tilespmem:s24], [sflag:$0x5], $0x4000, $0x38;
	[tilespmem:$0x10200] =	vst v63  }
0x45: {  	s18 =	rddreg [dreg:$0x5];
	s11 =	sadd.s32 $0x0, s11  }
0x46: {  	[hbm4b:s11+s1] =	stream.linear.scatter [tilespmem:s25], [sflag:$0x5], $0x4000, $0x38;
	[tilespmem:$0x10200] =	vst v63  }
0x47: {  	s19 =	rddreg [dreg:$0x4];
	s18 =	sadd.s32 s10, s18  }
0x48: {  	[tilespmem:s1], [sflag:$0x1] =	stream.linear.gather [hbm4b:s18+s1], $0x80, $0x38;
	[tilespmem:$0x10200] =	vst v63  }
0x49: {  	s14 =	sadd.s32 s10, s19  }
0x4a: {  	[tilespmem:s20], [sflag:$0x1] =	stream.linear.gather [hbm4b:s14+s1], $0x80, $0x38;
	[tilespmem:$0x10200] =	vst v63  }
0x4b: {  	_ =	swait.ge [sflag:s23], $0x80  }
0x4c: {  	[sflag:s23] =	ssyncset.done $0x0  }
0x4d: {  	[sflag:s23] =	ssyncadd.s32 $0xFFFFFF80  }
0x4e: {  	_ =	swait.ge [sflag:s23], $0x80  }
0x4f: {  	[sflag:s23] =	ssyncset.done $0x0  }
0x50: {  	[sflag:s23] =	ssyncadd.s32 $0xFFFFFF80  }
0x51: {  	_ =	swait.ge [sflag:s0], $0x4000  }
0x52: {  	[sflag:s0] =	ssyncset.done $0x0  }
0x53: {  	[sflag:s0] =	ssyncadd.s32 $0xFFFFC000  }
0x54: {  	_ =	swait.ge [sflag:s0], $0x4000  }
0x55: {  	[sflag:s0] =	ssyncset.done $0x0  }
0x56: {  	[sflag:s0] =	ssyncadd.s32 $0xFFFFC000  }
0x57: {  	[tilespmem:s24], [sflag:$0x3] =	stream.indirect.gather [hbm4b:s3+s21], $0x80, s1, s21, $0xb8;
	[tilespmem:$0x10200] =	vst v63  }
0x58: {  	_ = 	snop  }
0x59: {  	[tilespmem:s25], [sflag:$0x3] =	stream.indirect.gather [hbm4b:s4+s21], $0x80, s20, s21, $0xb8;
	[tilespmem:$0x10200] =	vst v63  }
0x5a: {  	_ =	swait.ge [sflag:s2], $0x4000  }
0x5b: {  	[sflag:s2] =	ssyncset.done $0x0  }
0x5c: {  	[sflag:s2] =	ssyncadd.s32 $0xFFFFC000  }
0x5d: {  	_ =	swait.ge [sflag:s2], $0x4000  }
0x5e: {  	p0 =	slt.u32 s9, $0x1F4;
	s8 =	sadd.s32 $0x10000, s8;
	[sflag:s2] =	ssyncset.done $0x0  }
0x5f: {  	s18 =	sadd.s32 $0x10000, s11;
	s11 =	sadd.s32 $0x600, s10;
	[sflag:s2] =	ssyncadd.s32 $0xFFFFC000  }
0x60: {  	[hbm4b:s8+s1] =	stream.linear.scatter [tilespmem:s26], [sflag:$0x6], $0x4000, $0x38;
	[tilespmem:$0x10200] =	vst v63  }
0x61: {  	s11 =	simm.s32 @!p0 $0x0  }
0x62: {  	[hbm4b:s18+s1] =	stream.linear.scatter [tilespmem:s28], [sflag:$0x6], $0x4000, $0x38;
	[tilespmem:$0x10200] =	vst v63  }
0x63: {  	s19 =	sadd.s32 s5, s11;
	s11 =	sadd.s32 s6, s11  }
0x64: {  	[tilespmem:s21], [sflag:$0x2] =	stream.linear.gather [hbm4b:s19+s1], $0x80, $0x38;
	[tilespmem:$0x10200] =	vst v63  }
0x65: {  	s8 =	simm.s32 $0x20000;
	s18 =	smov.u32 s9;
	s19 =	smov.u32 s10  }
.LBB2_2:
0x66: {  	[tilespmem:s22], [sflag:$0x2] =	stream.linear.gather [hbm4b:s11+s1], $0x80, $0x38;
	[tilespmem:$0x10200] =	vst v63  }
0x67: {  	_ =	swait.ge [sflag:s29], $0x80  }
0x68: {  	[sflag:s29] =	ssyncset.done $0x0  }
0x69: {  	[sflag:s29] =	ssyncadd.s32 $0xFFFFFF80  }
0x6a: {  	_ =	swait.ge [sflag:s29], $0x80  }
0x6b: {  	[sflag:s29] =	ssyncset.done $0x0  }
0x6c: {  	[sflag:s29] =	ssyncadd.s32 $0xFFFFFF80  }
0x6d: {  	_ =	swait.ge [sflag:s30], $0x4000  }
0x6e: {  	[sflag:s30] =	ssyncset.done $0x0  }
0x6f: {  	[sflag:s30] =	ssyncadd.s32 $0xFFFFC000  }
0x70: {  	_ =	swait.ge [sflag:s30], $0x4000  }
0x71: {  	[sflag:s30] =	ssyncset.done $0x0  }
0x72: {  	[sflag:s30] =	ssyncadd.s32 $0xFFFFC000  }
0x73: {  	[tilespmem:s26], [sflag:$0x4] =	stream.indirect.gather [hbm4b:s3+s21], $0x80, s21, s21, $0xb8;
	[tilespmem:$0x10200] =	vst v63  }
0x74: {  	_ = 	snop  }
0x75: {  	[tilespmem:s28], [sflag:$0x4] =	stream.indirect.gather [hbm4b:s4+s21], $0x80, s22, s21, $0xb8;
	[tilespmem:$0x10200] =	vst v63  }
0x76: {  	_ =	swait.ge [sflag:s31], $0x4000  }
0x77: {  	[sflag:s31] =	ssyncset.done $0x0  }
0x78: {  	[sflag:s31] =	ssyncadd.s32 $0xFFFFC000  }
0x79: {  	_ =	swait.ge [sflag:s31], $0x4000  }
0x7a: {  	s11 =	smov.u32 s8;
	s12 =	rddreg [dreg:$0x2];
	[sflag:s31] =	ssyncset.done $0x0  }
0x7b: {  	s13 =	rddreg [dreg:$0x3];
	[sflag:s31] =	ssyncadd.s32 $0xFFFFC000;
	s12 =	sadd.s32 s11, s12  }
0x7c: {  	[hbm4b:s12+s1] =	stream.linear.scatter [tilespmem:s24], [sflag:$0x5], $0x4000, $0x38;
	[tilespmem:$0x10200] =	vst v63  }
0x7d: {  	s19 =	sadd.s32 $0x400, s19;
	s14 =	rddreg [dreg:$0x5];
	s11 =	sadd.s32 s11, s13  }
0x7e: {  	[hbm4b:s11+s1] =	stream.linear.scatter [tilespmem:s25], [sflag:$0x5], $0x4000, $0x38;
	[tilespmem:$0x10200] =	vst v63  }
0x7f: {  	s13 =	rddreg [dreg:$0x4];
	s14 =	sadd.s32 s19, s14  }
0x80: {  	[tilespmem:s1], [sflag:$0x1] =	stream.linear.gather [hbm4b:s14+s1], $0x80, $0x38;
	[tilespmem:$0x10200] =	vst v63  }
0x81: {  	s13 =	sadd.s32 s19, s13  }
0x82: {  	[tilespmem:s20], [sflag:$0x1] =	stream.linear.gather [hbm4b:s13+s1], $0x80, $0x38;
	[tilespmem:$0x10200] =	vst v63  }
0x83: {  	_ =	swait.ge [sflag:s23], $0x80  }
0x84: {  	[sflag:s23] =	ssyncset.done $0x0  }
0x85: {  	[sflag:s23] =	ssyncadd.s32 $0xFFFFFF80  }
0x86: {  	_ =	swait.ge [sflag:s23], $0x80  }
0x87: {  	[sflag:s23] =	ssyncset.done $0x0  }
0x88: {  	[sflag:s23] =	ssyncadd.s32 $0xFFFFFF80  }
0x89: {  	_ =	swait.ge [sflag:s0], $0x4000  }
0x8a: {  	[sflag:s0] =	ssyncset.done $0x0  }
0x8b: {  	[sflag:s0] =	ssyncadd.s32 $0xFFFFC000  }
0x8c: {  	_ =	swait.ge [sflag:s0], $0x4000  }
0x8d: {  	[sflag:s0] =	ssyncset.done $0x0  }
0x8e: {  	[sflag:s0] =	ssyncadd.s32 $0xFFFFC000  }
0x8f: {  	[tilespmem:s24], [sflag:$0x3] =	stream.indirect.gather [hbm4b:s3+s21], $0x80, s1, s21, $0xb8;
	[tilespmem:$0x10200] =	vst v63  }
0x90: {  	_ = 	snop  }
0x91: {  	[tilespmem:s25], [sflag:$0x3] =	stream.indirect.gather [hbm4b:s4+s21], $0x80, s20, s21, $0xb8;
	[tilespmem:$0x10200] =	vst v63  }
0x92: {  	_ =	swait.ge [sflag:s2], $0x4000  }
0x93: {  	[sflag:s2] =	ssyncset.done $0x0  }
0x94: {  	[sflag:s2] =	ssyncadd.s32 $0xFFFFC000  }
0x95: {  	_ =	swait.ge [sflag:s2], $0x4000  }
0x96: {  	p0 =	sne.s32 s8, $0xC0000;
	[sflag:s2] =	ssyncset.done $0x0  }
0x97: {  	s18 =	sadd.s32 $0x40, s18;
	s12 =	sadd.s32 $0x10000, s12;
	[sflag:s2] =	ssyncadd.s32 $0xFFFFC000  }
0x98: {  	[hbm4b:s12+s1] =	stream.linear.scatter [tilespmem:s26], [sflag:$0x6], $0x4000, $0x38;
	[tilespmem:$0x10200] =	vst v63  }
.Ltmp0:
0x99: {  	p1 =	slt.u32 s18, $0x1F4;
	s12 =	sadd.s32 $0x600, s19;
	(pc) =	sbr.rel @p0 .LBB2_2-.Ltmp0, $4  }
0x9a: {  	s11 =	sadd.s32 $0x10000, s11;
	s12 =	simm.s32 @!p1 $0x0  }
0x9b: {  	[hbm4b:s11+s1] =	stream.linear.scatter [tilespmem:s28], [sflag:$0x6], $0x4000, $0x38;
	[tilespmem:$0x10200] =	vst v63  }
0x9c: {  	s8 =	sadd.s32 $0x20000, s8;
	s14 =	sadd.s32 s5, s12;
	s11 =	sadd.s32 s6, s12  }
0x9d: {  	[tilespmem:s21], [sflag:$0x2] =	stream.linear.gather [hbm4b:s14+s1], $0x80, $0x38;
	[tilespmem:$0x10200] =	vst v63  }
0x9e: {  	[tilespmem:s22], [sflag:$0x2] =	stream.linear.gather [hbm4b:s11+s1], $0x80, $0x38;
	[tilespmem:$0x10200] =	vst v63  }
0x9f: {  	_ =	swait.ge [sflag:s29], $0x80  }
0xa0: {  	[sflag:s29] =	ssyncset.done $0x0  }
0xa1: {  	[sflag:s29] =	ssyncadd.s32 $0xFFFFFF80  }
0xa2: {  	_ =	swait.ge [sflag:s29], $0x80  }
0xa3: {  	[sflag:s29] =	ssyncset.done $0x0  }
0xa4: {  	[sflag:s29] =	ssyncadd.s32 $0xFFFFFF80  }
0xa5: {  	_ =	swait.ge [sflag:s30], $0x4000  }
0xa6: {  	[sflag:s30] =	ssyncset.done $0x0  }
0xa7: {  	[sflag:s30] =	ssyncadd.s32 $0xFFFFC000  }
0xa8: {  	_ =	swait.ge [sflag:s30], $0x4000  }
0xa9: {  	[sflag:s30] =	ssyncset.done $0x0  }
0xaa: {  	[sflag:s30] =	ssyncadd.s32 $0xFFFFC000  }
0xab: {  	[tilespmem:s26], [sflag:$0x4] =	stream.indirect.gather [hbm4b:s3+s21], $0x80, s21, s21, $0xb8;
	[tilespmem:$0x10200] =	vst v63  }
0xac: {  	_ = 	snop  }
0xad: {  	[tilespmem:s28], [sflag:$0x4] =	stream.indirect.gather [hbm4b:s4+s21], $0x80, s22, s21, $0xb8;
	[tilespmem:$0x10200] =	vst v63  }
0xae: {  	_ =	swait.ge [sflag:s31], $0x4000  }
0xaf: {  	[sflag:s31] =	ssyncset.done $0x0  }
0xb0: {  	[sflag:s31] =	ssyncadd.s32 $0xFFFFC000  }
0xb1: {  	_ =	swait.ge [sflag:s31], $0x4000  }
0xb2: {  	[sflag:s31] =	ssyncset.done $0x0  }
0xb3: {  	s8 =	rddreg [dreg:$0xc];
	[sflag:s31] =	ssyncadd.s32 $0xFFFFC000  }
0xb4: {  	[hbm4b:s8+s1] =	stream.linear.scatter [tilespmem:s24], [sflag:$0x5], $0x4000, $0x38;
	[tilespmem:$0x10200] =	vst v63  }
0xb5: {  	s19 =	rddreg [dreg:$0xd]  }
0xb6: {  	[hbm4b:s19+s1] =	stream.linear.scatter [tilespmem:s25], [sflag:$0x5], $0x4000, $0x38;
	[tilespmem:$0x10200] =	vst v63  }
0xb7: {  	_ =	swait.ge [sflag:s2], $0x4000  }
0xb8: {  	[sflag:s2] =	ssyncset.done $0x0  }
0xb9: {  	[sflag:s2] =	ssyncadd.s32 $0xFFFFC000  }
0xba: {  	_ =	swait.ge [sflag:s2], $0x4000  }
0xbb: {  	[sflag:s2] =	ssyncset.done $0x0  }
0xbc: {  	[sflag:s2] =	ssyncadd.s32 $0xFFFFC000  }
0xbd: {  	_ =	swait.ge [sflag:s0], $0x4000  }
0xbe: {  	[sflag:s0] =	ssyncset.done $0x0  }
0xbf: {  	[sflag:s0] =	ssyncadd.s32 $0xFFFFC000  }
0xc0: {  	_ =	swait.ge [sflag:s0], $0x4000  }
0xc1: {  	[sflag:s0] =	ssyncset.done $0x0  }
0xc2: {  	[sflag:s0] =	ssyncadd.s32 $0xFFFFC000  }
0xc3: {  	[hbm4b:s15+s1] =	stream.linear.scatter [tilespmem:s26], [sflag:$0x6], $0x4000, $0x38;
	[tilespmem:$0x10200] =	vst v63  }
0xc4: {  	s7 =	sadd.s32 $0x1, s7  }
0xc5: {  	[hbm4b:s16+s1] =	stream.linear.scatter [tilespmem:s28], [sflag:$0x6], $0x4000, $0x38;
	[tilespmem:$0x10200] =	vst v63  }
0xc6: {  	p0 =	sne.s32 s7, s17;
	_ =	swait.ge [sflag:s30], $0x4000  }
.Ltmp1:
0xc7: {  	[sflag:s30] =	ssyncset.done $0x0;
	(pc) =	sbr.rel @p0 .LBB2_1-.Ltmp1, $4  }
0xc8: {  	[sflag:s30] =	ssyncadd.s32 $0xFFFFC000  }
0xc9: {  	_ =	swait.ge [sflag:s30], $0x4000  }
0xca: {  	[sflag:s30] =	ssyncset.done $0x0  }
0xcb: {  	[sflag:s30] =	ssyncadd.s32 $0xFFFFC000  }
0xcc: {  	_ =	sfence.sel $0x180000  }
0xcd: {  	[bflag:$0x0] =	sbarrier.arrive $0xFFFF  }
0xce: {  	_ =	strace $0x90000050  }
0xcf: {  	s0 =	stileid.u32;
	[bflag:$0x2] =	sbarrier.arrive $0xFFFF  }
0xd0: {  	p0 =	sne.s32 s0, $0x0;
	s0 =	rddreg [dreg:$0x1]  }
0xd1: {  	s0 =	sadd.s32 @!p0 $0x100000, s0  }
0xd2: {  	[sflag:s0] =	ssyncadd.tile.s32 @!p0 $0x1;
	_ =	shalt  }
.Lfunc_end2:
_tile_overlayer_lowered:
.L_overlay_start_2:
0xd3: {  	(tag) =	ssettag $0x2  }
0xd4: {  	s0 =	rddreg [dreg:$0x0];
	s2 =	stileid.u32  }
0xd5: {  	s1 =	rddreg [dreg:$0x1];
	p0 =	sne.s32 s2, $0x0  }
0xd6: {  	s3 =	rddreg [dreg:$0x2];
	[bflag:$0x3] =	sbarrier.arrive $0xFFFF;
	s2 =	simm.s32 @!p0 $0x1C07  }
0xd7: {  	[timem:s3], [sflag:s2] =	dma.local @!p0 [hbm:s0], s1  }
0xd8: {  	s0 =	simm.s32 @!p0 $0x7  }
0xd9: {  	_ =	swait.ge @!p0 [sflag:s0], s1  }
0xda: {  	s1 =	ssub.s32 @!p0 $0x0, s1;
	[sflag:s0] =	ssyncset.done @!p0 $0x0  }
0xdb: {  	[sflag:s0] =	ssyncadd.s32 @!p0 s1  }
0xdc: {  	[bflag:$0x3] =	sbarrier.arrive $0xFFFF  }
0xdd: {  	_ =	shalt  }

// kernel: kernel.18.cloned.1.call-start
scs
__scs_entry_jumppad:
0x0: {  	(pc) =	sbr.rel $0x88, $3  }
0x1: {  	(tag) =	ssettag $0x0;
	lr =	simm.s32 $0x1  }
0x2: {  	[smem:$0x3F96] =	sst lr;
	_ =	strace $0xD0000000  }
0x3: {  	_ = 	snop  }
0x4: {  	_ = 	snop  }
0x5: {  	_ = 	snop  }
0x6: {  	_ = 	snop  }
0x7: {  	_ = 	snop  }
__scs_overlays_trampoline_lowered:
0x8: {  	[smem:$0x3FA5] =	sst s0  }
0x9: {  	[smem:$0x3FA6] =	sst s1  }
0xa: {  	[smem:$0x3FA7] =	sst s2  }
0xb: {  	[smem:$0x3FA8] =	sst s3  }
0xc: {  	[smem:$0x3FA9] =	sst s4  }
0xd: {  	[smem:$0x3FAA] =	sst s5  }
0xe: {  	[smem:$0x3FAB] =	sst s6  }
0xf: {  	[smem:$0x3FAC] =	sst s7  }
0x10: {  	[smem:$0x3FAD] =	sst s8  }
0x11: {  	[smem:$0x3FAE] =	sst s9;
	s0 =	simm.s32 @!p0 $0x0  }
0x12: {  	s1 =	sld [smem:$0x3F94];
	s0 =	simm.s32 @p0 $0x1  }
0x13: {  	[smem:$0x3FAF] =	sst s0;
	s0 =	simm.s32 @!p1 $0x0  }
0x14: {  	s2 =	sld [smem:$0x3F93];
	s0 =	simm.s32 @p1 $0x1  }
0x15: {  	[smem:$0x3FB0] =	sst s0;
	s0 =	simm.s32 @!p2 $0x0  }
0x16: {  	s3 =	sld [smem:$0x3FDB];
	s0 =	simm.s32 @p2 $0x1  }
0x17: {  	s4 =	simm.s32 $0x1BF5;
	[smem:$0x3FB2] =	sst s0  }
0x18: {  	s0 =	sld [smem:$0x3F95];
	_ =	swait.ge [sflag:s4], $0x0  }
0x19: {  	s7 =	sld [smem:$0x3F96]  }
0x1a: {  	s8 =	sadd.s32 $0xFFFFE003, lr  }
0x1b: {  	s9 =	sadd.s32 $0xFFFFFEF7, lr;
	s5 =	simm.s32 $0xFFFFFFFF;
	p2 =	slt.u32 s8, $0xFFFFF086  }
0x1c: {  	p1 =	slt.u32 s9, $0xF7A;
	s5 =	simm.s32 @!p2 $0x0  }
0x1d: {  	s5 =	simm.s32 @p1 $0x1;
	p0 =	seq.s32 s7, s2  }
0x1e: {  	s7 =	smul.u32 @!p0 $0xF7A, s2;
	p2 =	seq.s32 @!p0 s5, $0x0  }
0x1f: {  	s9 =	smul.u32 $0xF7A, s1;
	s8 =	simm.s32 @!p0 $0x1BF5;
	p2 =	por !p2, p0  }
0x20: {  	[sflag:s8] =	ssyncset.s32 @!p0 $0xFFFFF086;
	s6 =	sadd.s32 @!p0 s3, s7;
	s7 =	simm.s32 @!p0 $0x108  }
0x21: {  	s3 =	sadd.s32 s3, s9;
	s6 =	sadd.s32 @!p0 $0x88, s6;
	s7 =	simm.s32 @p2 $0x1082  }
0x22: {  	[simem:s7], [sflag:s8] =	dma.local @!p0 [hbm:s6], $0xF7A  }
0x23: {  	s9 =	sor.u32 $0xD0000000, s2;
	s6 =	simm.s32 $0x108;
	_ =	swait.ge @!p0 [sflag:s8], $0x0  }
0x24: {  	s3 =	sadd.s32 $0x88, s3;
	s6 =	simm.s32 @!p1 $0x1082;
	[sflag:s4] =	ssyncset.s32 $0xFFFFF086  }
0x25: {  	[simem:s6], [sflag:s4] =	dma.local [hbm:s3], $0xF7A  }
0x26: {  	[smem:$0x3F96] =	sst s1;
	(tag) =	ssettag s2;
	_ =	strace s9  }
0x27: {  	s1 =	sld [smem:$0x3FA6]  }
0x28: {  	s2 =	sld [smem:$0x3FA7]  }
0x29: {  	s4 =	sld [smem:$0x3FA9]  }
0x2a: {  	p0 =	seq.s32 s5, $0x0;
	s5 =	sld [smem:$0x3FAA]  }
0x2b: {  	s6 =	sld [smem:$0x3FAB]  }
0x2c: {  	s7 =	sld [smem:$0x3FAC]  }
0x2d: {  	s3 =	simm.s32 $0x108;
	s8 =	sld [smem:$0x3FAD]  }
0x2e: {  	s3 =	simm.s32 @!p0 $0x1082;
	s9 =	sld [smem:$0x3FAE]  }
0x2f: {  	lr =	sadd.s32 s0, s3;
	s0 =	sld [smem:$0x3FA5]  }
0x30: {  	s3 =	sld [smem:$0x3FA8]  }
0x31: {  	[smem:$0x3FB1] =	sst s10  }
0x32: {  	s10 =	sld [smem:$0x3FAF];
	_ =	sdelay $0x3  }
0x33: {  	p0 =	seq.s32 s10, $0x1;
	s10 =	sld [smem:$0x3FB1];
	_ =	sdelay $0x3  }
0x34: {  	[smem:$0x3FB1] =	sst s10  }
0x35: {  	s10 =	sld [smem:$0x3FB0];
	_ =	sdelay $0x3  }
0x36: {  	p1 =	seq.s32 s10, $0x1;
	s10 =	sld [smem:$0x3FB1];
	_ =	sdelay $0x3  }
0x37: {  	[smem:$0x3FB1] =	sst s10  }
0x38: {  	s10 =	sld [smem:$0x3FB2]  }
0x39: {  	_ = 	snop;
	(pc) =	sbr.ind lr, $3  }
0x3a: {  	_ = 	snop  }
0x3b: {  	_ = 	snop  }
0x3c: {  	p2 =	seq.s32 s10, $0x1;
	s10 =	sld [smem:$0x3FB1]  }
0x3d: {  	_ =	shalt  }
0x3e: {  	_ =	shalt  }
0x3f: {  	_ =	shalt  }
0x40: {  	_ =	shalt  }
0x41: {  	_ =	shalt  }
0x42: {  	_ =	shalt  }
0x43: {  	_ =	shalt  }
0x44: {  	_ =	shalt  }
0x45: {  	_ =	shalt  }
0x46: {  	_ =	shalt  }
0x47: {  	_ =	shalt  }
0x48: {  	_ =	shalt  }
0x49: {  	_ =	shalt  }
0x4a: {  	_ =	shalt  }
0x4b: {  	_ =	shalt  }
0x4c: {  	_ =	shalt  }
0x4d: {  	_ =	shalt  }
0x4e: {  	_ =	shalt  }
0x4f: {  	_ =	shalt  }
0x50: {  	_ =	shalt  }
0x51: {  	_ =	shalt  }
0x52: {  	_ =	shalt  }
0x53: {  	_ =	shalt  }
0x54: {  	_ =	shalt  }
0x55: {  	_ =	shalt  }
0x56: {  	_ =	shalt  }
0x57: {  	_ =	shalt  }
0x58: {  	_ =	shalt  }
0x59: {  	_ =	shalt  }
0x5a: {  	_ =	shalt  }
0x5b: {  	_ =	shalt  }
0x5c: {  	_ =	shalt  }
0x5d: {  	_ =	shalt  }
0x5e: {  	_ =	shalt  }
0x5f: {  	_ =	shalt  }
0x60: {  	_ =	shalt  }
0x61: {  	_ =	shalt  }
0x62: {  	_ =	shalt  }
0x63: {  	_ =	shalt  }
0x64: {  	_ =	shalt  }
0x65: {  	_ =	shalt  }
0x66: {  	_ =	shalt  }
0x67: {  	_ =	shalt  }
0x68: {  	_ =	shalt  }
0x69: {  	_ =	shalt  }
0x6a: {  	_ =	shalt  }
0x6b: {  	_ =	shalt  }
0x6c: {  	_ =	shalt  }
0x6d: {  	_ =	shalt  }
0x6e: {  	_ =	shalt  }
0x6f: {  	_ =	shalt  }
0x70: {  	_ =	shalt  }
0x71: {  	_ =	shalt  }
0x72: {  	_ =	shalt  }
0x73: {  	_ =	shalt  }
0x74: {  	_ =	shalt  }
0x75: {  	_ =	shalt  }
0x76: {  	_ =	shalt  }
0x77: {  	_ =	shalt  }
0x78: {  	_ =	shalt  }
0x79: {  	_ =	shalt  }
0x7a: {  	_ =	shalt  }
0x7b: {  	_ =	shalt  }
0x7c: {  	_ =	shalt  }
0x7d: {  	_ =	shalt  }
0x7e: {  	_ =	shalt  }
0x7f: {  	_ =	shalt  }
0x80: {  	_ =	shalt  }
0x81: {  	_ =	shalt  }
0x82: {  	_ =	shalt  }
0x83: {  	_ =	shalt  }
0x84: {  	_ =	shalt  }
0x85: {  	_ =	shalt  }
0x86: {  	_ =	shalt  }
0x87: {  	_ =	shalt  }
.Lfunc_end0:
.L_simem_size_0:
called_computation.1_lowered:
.L_overlay_start_0:
0x88: {  	s2 =	sld [smem:$0x3FD9]  }
0x89: {  	s3 =	sld [smem:$0x3FFE];
	_ =	sdelay $0x1  }
0x8a: {  	s1 =	srdreg.scid  }
0x8b: {  	s0 =	sand.u32 $0x1, s1  }
0x8c: {  	s17 =	sshll.u32 s0, $0xA;
	s2 =	sadd.s32 s3, s2  }
0x8d: {  	s2 =	sadd.s32 s2, s17  }
0x8e: {  	[smem:$0x3FBD] =	sst s2  }
0x8f: {  	_ = 	snop  }
0x90: {  	(tm) =	ssettm $0x1  }
0x91: {  	s18 =	sld [smem:$0x3FFB];
	_ =	sdelay $0x3  }
0x92: {  	_ =	strace s18  }
0x93: {  	s2 =	sld [smem:$0x3FFC];
	_ =	sdelay $0x3  }
0x94: {  	_ =	strace s2  }
0x95: {  	s2 =	sld [smem:$0x3FFD];
	_ =	sdelay $0x3  }
0x96: {  	_ =	strace s2  }
0x97: {  	_ =	strace $0x8FFFFFFF  }
0x98: {  	s19 =	sld [smem:$0x3FDB];
	_ =	sdelay $0x1  }
0x99: {  	s20 =	simm.s32 $_scs_section_size  }
0x9a: {  	s4 =	simm.s32 $_size__tile_overlayer_lowered;
	s5 =	simm.s32 $_tile_overlayer_lowered  }
0x9b: {  	s6 =	simm.s32 $0x1BFF;
	s21 =	sshll.u32 s5, $0x1;
	s3 =	sadd.s32 s20, s19  }
0x9c: {  	s22 =	simm.s32 $0x0;
	s4 =	sshll.u32 s4, $0x1;
	s5 =	sadd.s32 s21, s3  }
0x9d: {  	[timem:s22], [sflag:s6] =	dma.local [hbm:s5], s4  }
0x9e: {  	_ =	swait.ge [sflag:s6], s4  }
0x9f: {  	s4 =	ssub.s32 $0x0, s4;
	[sflag:s6] =	ssyncset.done $0x0  }
0xa0: {  	[sflag:s6] =	ssyncadd.s32 s4;
	_ =	sdelay $0x1  }
0xa1: {  	s23 =	simm.s32 $0x1B8B  }
0xa2: {  	_ =	swait.ge [sflag:s23], $0x1  }
0xa3: {  	[sflag:s23] =	ssyncset.done $0x0  }
0xa4: {  	[sflag:s23] =	ssyncadd.s32 $0xFFFFFFFF  }
0xa5: {  	s4 =	sld [smem:$0x0]  }
0xa6: {  	s5 =	sand.u32 $0xFFFFFFFE, s1  }
0xa7: {  	p0 =	sne.s32 s1, s5  }
0xa8: {  	s5 =	sshll.u32 @p0 s5, $0xE  }
0xa9: {  	s5 =	sadd.s32 @p0 $0x11B8D, s5;
	s6 =	sshll.u32 @p0 s4, $0x11  }
0xaa: {  	s5 =	sor.u32 @p0 s6, s5  }
0xab: {  	[sflag:s5] =	ssyncadd.remote.s32 @p0 $0x1;
	_ =	sdelay $0x1  }
0xac: {  	s5 =	simm.s32 @p0 $0x1B8D  }
0xad: {  	_ =	swait.eq @p0 [sflag:s5], $0x1  }
0xae: {  	[sflag:s5] =	ssyncadd.s32 @p0 $0xFFFFFFFF  }
0xaf: {  	s6 =	sshll.u32 @!p0 s1, $0xE  }
0xb0: {  	s6 =	sor.u32 @!p0 $0x4000, s6;
	s5 =	simm.s32 @!p0 $0x1B8D  }
0xb1: {  	s4 =	sshll.u32 @!p0 s4, $0x11;
	s6 =	sadd.s32 @!p0 $0x11B8D, s6;
	_ =	swait.eq @!p0 [sflag:s5], $0x1  }
0xb2: {  	s4 =	sor.u32 @!p0 s4, s6;
	[sflag:s5] =	ssyncadd.s32 @!p0 $0xFFFFFFFF  }
0xb3: {  	s25 =	simm.s32 $0x1B8E;
	s24 =	sld [smem:$0x3FFE];
	[sflag:s4] =	ssyncadd.remote.s32 @!p0 $0x1  }
0xb4: {  	s26 =	simm.s32 $execute0_lowered;
	[smem:$0x3FD2] =	sst s25  }
0xb5: {  	s5 =	sshll.u32 s26, $0x1;
	_ =	strace $0x8000004C;
	[dreg:$0x1] =	wrdreg $0xFFFFFFFF  }
0xb6: {  	s28 =	simm.s32 $_size_execute0_lowered;
	s3 =	sadd.s32 s3, s5;
	[dreg:$0x0] =	wrdreg $0x0  }
0xb7: {  	s5 =	sshll.u32 s28, $0x1;
	[dreg:$0x2] =	wrdreg s3  }
0xb8: {  	[dreg:$0x3] =	wrdreg s5  }
0xb9: {  	[dreg:$0x4] =	wrdreg $0xC0  }
0xba: {  	_ =	task [dreg:s22], $0x5FFFF  }
0xbb: {  	[dreg:$0x1] =	wrdreg $0xFFFFFFFF  }
0xbc: {  	[dreg:$0x0] =	wrdreg $0x60  }
0xbd: {  	[dreg:$0x2] =	wrdreg s24  }
0xbe: {  	[dreg:$0x3] =	wrdreg $0xA  }
0xbf: {  	_ =	task.clear_ibuf [dreg:s22], $0x4FFFF;
	_ =	strace $0x9000004C  }
0xc0: {  	s29 =	simm.s32 $0xA;
	_ =	strace $0x8000004E  }
0xc1: {  	_ =	swait.ge [sflag:s29], $0x1  }
0xc2: {  	[sflag:s29] =	ssyncadd.s32 $0xFFFFFFFF  }
0xc3: {  	_ =	strace $0x9000004E  }
0xc4: {  	_ =	sfence  }
0xc5: {  	s30 =	sld [smem:$0x0];
	_ =	sdelay $0x2  }
0xc6: {  	s31 =	sshll.u32 s1, $0xD;
	s1 =	sshrl.u32 s1, $0x2  }
0xc7: {  	s4 =	sand.u32 $0x4000, s31;
	s1 =	sadd.s32 s1, s30  }
0xc8: {  	s0 =	sor.u32 s4, s0;
	s1 =	sshll.u32 s1, $0x11  }
0xc9: {  	s0 =	sor.u32 s1, s0  }
0xca: {  	s0 =	sadd.s32 $0x8F2B, s0  }
0xcb: {  	[sflag:s0] =	ssyncadd.remote.s32 $0x1  }
0xcc: {  	_ =	sfence.sel $0xFFFF  }
0xcd: {  	[dreg:$0x0] =	wrdreg $0xFFFFFFFF;
	(pc) =	sbr.abs _section_cstart, $3  }
0xce: {  	[dreg:$0x1] =	wrdreg $0xFFFFFFFF  }
0xcf: {  	_ =	task.clear_ibuf [dreg:s22], $0x2FFFF;
	_ =	strace $0x9FFFFFFF  }
0xd0: {  	(tm) =	ssettm $0x7FFFFFFF  }
0xd1: {  	_ =	shalt  }
tec
execute0_lowered:
.L_overlay_start_1:
0x0: {  	(tag) =	ssettag $0x1  }
0x1: {  	s0 =	rddreg [dreg:$0x0];
	s1 =	simm.s32 $0x0  }
0x2: {  	s2 =	srdreg.scid;
	s13 =	stileid.u32;
	s28 =	simm.s32 $0xC200  }
0x3: {  	s29 =	simm.s32 $0x2;
	s30 =	simm.s32 $0x6;
	s31 =	simm.s32 $0x3  }
0x4: {  	[smem:$0x7FF] =	sst s1;
	s3 =	sadd.s32 $0x1D400, s0;
	s4 =	sadd.s32 $0x44600, s0  }
0x5: {  	s5 =	sadd.s32 $0x17400, s0;
	s6 =	sadd.s32 $0x15400, s0;
	s2 =	sand.u32 $0x1, s2  }
0x6: {  	s7 =	sshll.u32 s13, $0x1;
	s8 =	sadd.s32 $0x455800, s0;
	s10 =	sadd.s32 $0x550000, s0  }
0x7: {  	s17 =	sadd.s32 $0x54F800, s0;
	s19 =	sadd.s32 $0x64A000, s0;
	s25 =	sshll.u32 s13, $0x5  }
0x8: {  	_ =	strace $0x8000004D;
	s9 =	ssub.s32 $0x2, s2;
	[dreg:$0xa] =	wrdreg s17  }
0x9: {  	s7 =	sor.u32 s2, s7;
	[dreg:$0xb] =	wrdreg s19;
	s11 =	sshrl.u32 s9, $0x1  }
0xa: {  	s12 =	sshll.u32 s7, $0x4;
	s16 =	sshll.u32 s7, $0xB;
	s9 =	ssub.s32 s9, s11  }
0xb: {  	s26 =	sadd.s32 s5, s12;
	s14 =	sor.u32 $0x200, s12;
	s12 =	sadd.s32 s6, s12  }
0xc: {  	s18 =	sor.u32 $0xE0000, s16;
	s16 =	sshll.u32 s13, $0xC;
	[dreg:$0x6] =	wrdreg s26  }
0xd: {  	[dreg:$0x7] =	wrdreg s12;
	s15 =	sadd.s32 s5, s14;
	s11 =	sadd.s32 s6, s14  }
0xe: {  	s20 =	sadd.s32 s8, s18;
	s17 =	sadd.s32 s16, s8;
	[dreg:$0x8] =	wrdreg s15  }
0xf: {  	s23 =	sadd.s32 s16, s10;
	s26 =	sadd.s32 $0x15800, s0;
	[dreg:$0x9] =	wrdreg s11  }
0x10: {  	s0 =	sadd.s32 $0x17800, s0;
	[dreg:$0xc] =	wrdreg s20;
	s15 =	smin.u32 s7, $0x14  }
0x11: {  	s11 =	sadd.s32 s10, s18;
	s18 =	sshll.u32 s2, $0xB;
	[dreg:$0x4] =	wrdreg s26  }
0x12: {  	s2 =	sshll.u32 s2, $0x4;
	[dreg:$0x5] =	wrdreg s0;
	s20 =	simm.s32 $0x100  }
0x13: {  	s26 =	simm.s32 $0x4200;
	s0 =	simm.s32 $0x5;
	[dreg:$0xd] =	wrdreg s11  }
0x14: {  	s21 =	sshll.u32 s15, $0xB;
	s22 =	sadd.s32 s18, s17;
	s24 =	sadd.s32 s18, s23  }
0x15: {  	s17 =	smax.u32 s9, $0x1;
	s9 =	sor.u32 $0x60, s7;
	s23 =	simm.s32 $0x1  }
0x16: {  	s7 =	simm.s32 $0x0;
	s11 =	sor.u32 $0xF0000, s21;
	[dreg:$0x2] =	wrdreg s22  }
0x17: {  	[dreg:$0x3] =	wrdreg s24;
	s21 =	simm.s32 $0x80;
	s22 =	simm.s32 $0x180  }
0x18: {  	s24 =	simm.s32 $0x200;
	s15 =	sadd.s32 s8, s11;
	s16 =	sadd.s32 s10, s11  }
0x19: {  	s10 =	sor.u32 s2, s25;
	s25 =	simm.s32 $0x8200;
	s2 =	simm.s32 $0x4  }
.LBB2_1:
0x1a: {  	s8 =	rddreg [dreg:$0x6]  }
0x1b: {  	[tilespmem:s1], [sflag:$0x1] =	stream.linear.gather [hbm4b:s8+s1], $0x80, $0x38;
	[tilespmem:$0x10200] =	vst v63  }
0x1c: {  	s14 =	rddreg [dreg:$0x7]  }
0x1d: {  	[tilespmem:s20], [sflag:$0x1] =	stream.linear.gather [hbm4b:s14+s1], $0x80, $0x38;
	[tilespmem:$0x10200] =	vst v63  }
0x1e: {  	s18 =	rddreg [dreg:$0x8]  }
0x1f: {  	[tilespmem:s21], [sflag:$0x2] =	stream.linear.gather [hbm4b:s18+s1], $0x80, $0x38;
	[tilespmem:$0x10200] =	vst v63  }
0x20: {  	s19 =	rddreg [dreg:$0x9]  }
0x21: {  	[tilespmem:s22], [sflag:$0x2] =	stream.linear.gather [hbm4b:s19+s1], $0x80, $0x38;
	[tilespmem:$0x10200] =	vst v63  }
0x22: {  	_ =	swait.ge [sflag:s23], $0x80  }
0x23: {  	[sflag:s23] =	ssyncset.done $0x0  }
0x24: {  	[sflag:s23] =	ssyncadd.s32 $0xFFFFFF80  }
0x25: {  	_ =	swait.ge [sflag:s23], $0x80  }
0x26: {  	[sflag:s23] =	ssyncset.done $0x0  }
0x27: {  	[sflag:s23] =	ssyncadd.s32 $0xFFFFFF80  }
0x28: {  	[tilespmem:s24], [sflag:$0x3] =	stream.indirect.gather [hbm4b:s3+s21], $0x80, s1, s21, $0xb8;
	[tilespmem:$0x10200] =	vst v63  }
0x29: {  	_ = 	snop  }
0x2a: {  	[tilespmem:s25], [sflag:$0x3] =	stream.indirect.gather [hbm4b:s4+s21], $0x80, s20, s21, $0xb8;
	[tilespmem:$0x10200] =	vst v63  }
0x2b: {  	s11 =	rddreg [dreg:$0xa]  }
0x2c: {  	[hbm4b:s11+s1] =	stream.linear.scatter [tilespmem:s26], [sflag:$0x6], $0x4000, $0x38;
	[tilespmem:$0x10200] =	vst v63  }
0x2d: {  	s12 =	rddreg [dreg:$0xb]  }
0x2e: {  	[hbm4b:s12+s1] =	stream.linear.scatter [tilespmem:s28], [sflag:$0x6], $0x4000, $0x38;
	[tilespmem:$0x10200] =	vst v63  }
0x2f: {  	_ =	swait.ge [sflag:s29], $0x80  }
0x30: {  	[sflag:s29] =	ssyncset.done $0x0  }
0x31: {  	[sflag:s29] =	ssyncadd.s32 $0xFFFFFF80  }
0x32: {  	_ =	swait.ge [sflag:s29], $0x80  }
0x33: {  	[sflag:s29] =	ssyncset.done $0x0  }
0x34: {  	[sflag:s29] =	ssyncadd.s32 $0xFFFFFF80  }
0x35: {  	_ =	swait.ge [sflag:s30], $0x4000  }
0x36: {  	[sflag:s30] =	ssyncset.done $0x0  }
0x37: {  	[sflag:s30] =	ssyncadd.s32 $0xFFFFC000  }
0x38: {  	_ =	swait.ge [sflag:s30], $0x4000  }
0x39: {  	[sflag:s30] =	ssyncset.done $0x0  }
0x3a: {  	[sflag:s30] =	ssyncadd.s32 $0xFFFFC000  }
0x3b: {  	[tilespmem:s26], [sflag:$0x4] =	stream.indirect.gather [hbm4b:s3+s21], $0x80, s21, s21, $0xb8;
	[tilespmem:$0x10200] =	vst v63  }
0x3c: {  	_ = 	snop  }
0x3d: {  	[tilespmem:s28], [sflag:$0x4] =	stream.indirect.gather [hbm4b:s4+s21], $0x80, s22, s21, $0xb8;
	[tilespmem:$0x10200] =	vst v63  }
0x3e: {  	_ =	swait.ge [sflag:s31], $0x4000  }
0x3f: {  	[sflag:s31] =	ssyncset.done $0x0  }
0x40: {  	[sflag:s31] =	ssyncadd.s32 $0xFFFFC000  }
0x41: {  	_ =	swait.ge [sflag:s31], $0x4000  }
0x42: {  	s13 =	rddreg [dreg:$0x2];
	[sflag:s31] =	ssyncset.done $0x0  }
0x43: {  	s11 =	rddreg [dreg:$0x3];
	[sflag:s31] =	ssyncadd.s32 $0xFFFFC000;
	s8 =	sadd.s32 $0x0, s13  }
0x44: {  	[hbm4b:s8+s1] =	stream.linear.scatter [tilespmem:s24], [sflag:$0x5], $0x4000, $0x38;
	[tilespmem:$0x10200] =	vst v63  }
0x45: {  	s18 =	rddreg [dreg:$0x5];
	s11 =	sadd.s32 $0x0, s11  }
0x46: {  	[hbm4b:s11+s1] =	stream.linear.scatter [tilespmem:s25], [sflag:$0x5], $0x4000, $0x38;
	[tilespmem:$0x10200] =	vst v63  }
0x47: {  	s19 =	rddreg [dreg:$0x4];
	s18 =	sadd.s32 s10, s18  }
0x48: {  	[tilespmem:s1], [sflag:$0x1] =	stream.linear.gather [hbm4b:s18+s1], $0x80, $0x38;
	[tilespmem:$0x10200] =	vst v63  }
0x49: {  	s14 =	sadd.s32 s10, s19  }
0x4a: {  	[tilespmem:s20], [sflag:$0x1] =	stream.linear.gather [hbm4b:s14+s1], $0x80, $0x38;
	[tilespmem:$0x10200] =	vst v63  }
0x4b: {  	_ =	swait.ge [sflag:s23], $0x80  }
0x4c: {  	[sflag:s23] =	ssyncset.done $0x0  }
0x4d: {  	[sflag:s23] =	ssyncadd.s32 $0xFFFFFF80  }
0x4e: {  	_ =	swait.ge [sflag:s23], $0x80  }
0x4f: {  	[sflag:s23] =	ssyncset.done $0x0  }
0x50: {  	[sflag:s23] =	ssyncadd.s32 $0xFFFFFF80  }
0x51: {  	_ =	swait.ge [sflag:s0], $0x4000  }
0x52: {  	[sflag:s0] =	ssyncset.done $0x0  }
0x53: {  	[sflag:s0] =	ssyncadd.s32 $0xFFFFC000  }
0x54: {  	_ =	swait.ge [sflag:s0], $0x4000  }
0x55: {  	[sflag:s0] =	ssyncset.done $0x0  }
0x56: {  	[sflag:s0] =	ssyncadd.s32 $0xFFFFC000  }
0x57: {  	[tilespmem:s24], [sflag:$0x3] =	stream.indirect.gather [hbm4b:s3+s21], $0x80, s1, s21, $0xb8;
	[tilespmem:$0x10200] =	vst v63  }
0x58: {  	_ = 	snop  }
0x59: {  	[tilespmem:s25], [sflag:$0x3] =	stream.indirect.gather [hbm4b:s4+s21], $0x80, s20, s21, $0xb8;
	[tilespmem:$0x10200] =	vst v63  }
0x5a: {  	_ =	swait.ge [sflag:s2], $0x4000  }
0x5b: {  	[sflag:s2] =	ssyncset.done $0x0  }
0x5c: {  	[sflag:s2] =	ssyncadd.s32 $0xFFFFC000  }
0x5d: {  	_ =	swait.ge [sflag:s2], $0x4000  }
0x5e: {  	p0 =	slt.u32 s9, $0x1F4;
	s8 =	sadd.s32 $0x10000, s8;
	[sflag:s2] =	ssyncset.done $0x0  }
0x5f: {  	s18 =	sadd.s32 $0x10000, s11;
	s11 =	sadd.s32 $0x600, s10;
	[sflag:s2] =	ssyncadd.s32 $0xFFFFC000  }
0x60: {  	[hbm4b:s8+s1] =	stream.linear.scatter [tilespmem:s26], [sflag:$0x6], $0x4000, $0x38;
	[tilespmem:$0x10200] =	vst v63  }
0x61: {  	s11 =	simm.s32 @!p0 $0x0  }
0x62: {  	[hbm4b:s18+s1] =	stream.linear.scatter [tilespmem:s28], [sflag:$0x6], $0x4000, $0x38;
	[tilespmem:$0x10200] =	vst v63  }
0x63: {  	s19 =	sadd.s32 s5, s11;
	s11 =	sadd.s32 s6, s11  }
0x64: {  	[tilespmem:s21], [sflag:$0x2] =	stream.linear.gather [hbm4b:s19+s1], $0x80, $0x38;
	[tilespmem:$0x10200] =	vst v63  }
0x65: {  	s8 =	simm.s32 $0x20000;
	s18 =	smov.u32 s9;
	s19 =	smov.u32 s10  }
.LBB2_2:
0x66: {  	[tilespmem:s22], [sflag:$0x2] =	stream.linear.gather [hbm4b:s11+s1], $0x80, $0x38;
	[tilespmem:$0x10200] =	vst v63  }
0x67: {  	_ =	swait.ge [sflag:s29], $0x80  }
0x68: {  	[sflag:s29] =	ssyncset.done $0x0  }
0x69: {  	[sflag:s29] =	ssyncadd.s32 $0xFFFFFF80  }
0x6a: {  	_ =	swait.ge [sflag:s29], $0x80  }
0x6b: {  	[sflag:s29] =	ssyncset.done $0x0  }
0x6c: {  	[sflag:s29] =	ssyncadd.s32 $0xFFFFFF80  }
0x6d: {  	_ =	swait.ge [sflag:s30], $0x4000  }
0x6e: {  	[sflag:s30] =	ssyncset.done $0x0  }
0x6f: {  	[sflag:s30] =	ssyncadd.s32 $0xFFFFC000  }
0x70: {  	_ =	swait.ge [sflag:s30], $0x4000  }
0x71: {  	[sflag:s30] =	ssyncset.done $0x0  }
0x72: {  	[sflag:s30] =	ssyncadd.s32 $0xFFFFC000  }
0x73: {  	[tilespmem:s26], [sflag:$0x4] =	stream.indirect.gather [hbm4b:s3+s21], $0x80, s21, s21, $0xb8;
	[tilespmem:$0x10200] =	vst v63  }
0x74: {  	_ = 	snop  }
0x75: {  	[tilespmem:s28], [sflag:$0x4] =	stream.indirect.gather [hbm4b:s4+s21], $0x80, s22, s21, $0xb8;
	[tilespmem:$0x10200] =	vst v63  }
0x76: {  	_ =	swait.ge [sflag:s31], $0x4000  }
0x77: {  	[sflag:s31] =	ssyncset.done $0x0  }
0x78: {  	[sflag:s31] =	ssyncadd.s32 $0xFFFFC000  }
0x79: {  	_ =	swait.ge [sflag:s31], $0x4000  }
0x7a: {  	s11 =	smov.u32 s8;
	s12 =	rddreg [dreg:$0x2];
	[sflag:s31] =	ssyncset.done $0x0  }
0x7b: {  	s13 =	rddreg [dreg:$0x3];
	[sflag:s31] =	ssyncadd.s32 $0xFFFFC000;
	s12 =	sadd.s32 s11, s12  }
0x7c: {  	[hbm4b:s12+s1] =	stream.linear.scatter [tilespmem:s24], [sflag:$0x5], $0x4000, $0x38;
	[tilespmem:$0x10200] =	vst v63  }
0x7d: {  	s19 =	sadd.s32 $0x400, s19;
	s14 =	rddreg [dreg:$0x5];
	s11 =	sadd.s32 s11, s13  }
0x7e: {  	[hbm4b:s11+s1] =	stream.linear.scatter [tilespmem:s25], [sflag:$0x5], $0x4000, $0x38;
	[tilespmem:$0x10200] =	vst v63  }
0x7f: {  	s13 =	rddreg [dreg:$0x4];
	s14 =	sadd.s32 s19, s14  }
0x80: {  	[tilespmem:s1], [sflag:$0x1] =	stream.linear.gather [hbm4b:s14+s1], $0x80, $0x38;
	[tilespmem:$0x10200] =	vst v63  }
0x81: {  	s13 =	sadd.s32 s19, s13  }
0x82: {  	[tilespmem:s20], [sflag:$0x1] =	stream.linear.gather [hbm4b:s13+s1], $0x80, $0x38;
	[tilespmem:$0x10200] =	vst v63  }
0x83: {  	_ =	swait.ge [sflag:s23], $0x80  }
0x84: {  	[sflag:s23] =	ssyncset.done $0x0  }
0x85: {  	[sflag:s23] =	ssyncadd.s32 $0xFFFFFF80  }
0x86: {  	_ =	swait.ge [sflag:s23], $0x80  }
0x87: {  	[sflag:s23] =	ssyncset.done $0x0  }
0x88: {  	[sflag:s23] =	ssyncadd.s32 $0xFFFFFF80  }
0x89: {  	_ =	swait.ge [sflag:s0], $0x4000  }
0x8a: {  	[sflag:s0] =	ssyncset.done $0x0  }
0x8b: {  	[sflag:s0] =	ssyncadd.s32 $0xFFFFC000  }
0x8c: {  	_ =	swait.ge [sflag:s0], $0x4000  }
0x8d: {  	[sflag:s0] =	ssyncset.done $0x0  }
0x8e: {  	[sflag:s0] =	ssyncadd.s32 $0xFFFFC000  }
0x8f: {  	[tilespmem:s24], [sflag:$0x3] =	stream.indirect.gather [hbm4b:s3+s21], $0x80, s1, s21, $0xb8;
	[tilespmem:$0x10200] =	vst v63  }
0x90: {  	_ = 	snop  }
0x91: {  	[tilespmem:s25], [sflag:$0x3] =	stream.indirect.gather [hbm4b:s4+s21], $0x80, s20, s21, $0xb8;
	[tilespmem:$0x10200] =	vst v63  }
0x92: {  	_ =	swait.ge [sflag:s2], $0x4000  }
0x93: {  	[sflag:s2] =	ssyncset.done $0x0  }
0x94: {  	[sflag:s2] =	ssyncadd.s32 $0xFFFFC000  }
0x95: {  	_ =	swait.ge [sflag:s2], $0x4000  }
0x96: {  	p0 =	sne.s32 s8, $0xC0000;
	[sflag:s2] =	ssyncset.done $0x0  }
0x97: {  	s18 =	sadd.s32 $0x40, s18;
	s12 =	sadd.s32 $0x10000, s12;
	[sflag:s2] =	ssyncadd.s32 $0xFFFFC000  }
0x98: {  	[hbm4b:s12+s1] =	stream.linear.scatter [tilespmem:s26], [sflag:$0x6], $0x4000, $0x38;
	[tilespmem:$0x10200] =	vst v63  }
.Ltmp0:
0x99: {  	p1 =	slt.u32 s18, $0x1F4;
	s12 =	sadd.s32 $0x600, s19;
	(pc) =	sbr.rel @p0 .LBB2_2-.Ltmp0, $4  }
0x9a: {  	s11 =	sadd.s32 $0x10000, s11;
	s12 =	simm.s32 @!p1 $0x0  }
0x9b: {  	[hbm4b:s11+s1] =	stream.linear.scatter [tilespmem:s28], [sflag:$0x6], $0x4000, $0x38;
	[tilespmem:$0x10200] =	vst v63  }
0x9c: {  	s8 =	sadd.s32 $0x20000, s8;
	s14 =	sadd.s32 s5, s12;
	s11 =	sadd.s32 s6, s12  }
0x9d: {  	[tilespmem:s21], [sflag:$0x2] =	stream.linear.gather [hbm4b:s14+s1], $0x80, $0x38;
	[tilespmem:$0x10200] =	vst v63  }
0x9e: {  	[tilespmem:s22], [sflag:$0x2] =	stream.linear.gather [hbm4b:s11+s1], $0x80, $0x38;
	[tilespmem:$0x10200] =	vst v63  }
0x9f: {  	_ =	swait.ge [sflag:s29], $0x80  }
0xa0: {  	[sflag:s29] =	ssyncset.done $0x0  }
0xa1: {  	[sflag:s29] =	ssyncadd.s32 $0xFFFFFF80  }
0xa2: {  	_ =	swait.ge [sflag:s29], $0x80  }
0xa3: {  	[sflag:s29] =	ssyncset.done $0x0  }
0xa4: {  	[sflag:s29] =	ssyncadd.s32 $0xFFFFFF80  }
0xa5: {  	_ =	swait.ge [sflag:s30], $0x4000  }
0xa6: {  	[sflag:s30] =	ssyncset.done $0x0  }
0xa7: {  	[sflag:s30] =	ssyncadd.s32 $0xFFFFC000  }
0xa8: {  	_ =	swait.ge [sflag:s30], $0x4000  }
0xa9: {  	[sflag:s30] =	ssyncset.done $0x0  }
0xaa: {  	[sflag:s30] =	ssyncadd.s32 $0xFFFFC000  }
0xab: {  	[tilespmem:s26], [sflag:$0x4] =	stream.indirect.gather [hbm4b:s3+s21], $0x80, s21, s21, $0xb8;
	[tilespmem:$0x10200] =	vst v63  }
0xac: {  	_ = 	snop  }
0xad: {  	[tilespmem:s28], [sflag:$0x4] =	stream.indirect.gather [hbm4b:s4+s21], $0x80, s22, s21, $0xb8;
	[tilespmem:$0x10200] =	vst v63  }
0xae: {  	_ =	swait.ge [sflag:s31], $0x4000  }
0xaf: {  	[sflag:s31] =	ssyncset.done $0x0  }
0xb0: {  	[sflag:s31] =	ssyncadd.s32 $0xFFFFC000  }
0xb1: {  	_ =	swait.ge [sflag:s31], $0x4000  }
0xb2: {  	[sflag:s31] =	ssyncset.done $0x0  }
0xb3: {  	s8 =	rddreg [dreg:$0xc];
	[sflag:s31] =	ssyncadd.s32 $0xFFFFC000  }
0xb4: {  	[hbm4b:s8+s1] =	stream.linear.scatter [tilespmem:s24], [sflag:$0x5], $0x4000, $0x38;
	[tilespmem:$0x10200] =	vst v63  }
0xb5: {  	s19 =	rddreg [dreg:$0xd]  }
0xb6: {  	[hbm4b:s19+s1] =	stream.linear.scatter [tilespmem:s25], [sflag:$0x5], $0x4000, $0x38;
	[tilespmem:$0x10200] =	vst v63  }
0xb7: {  	_ =	swait.ge [sflag:s2], $0x4000  }
0xb8: {  	[sflag:s2] =	ssyncset.done $0x0  }
0xb9: {  	[sflag:s2] =	ssyncadd.s32 $0xFFFFC000  }
0xba: {  	_ =	swait.ge [sflag:s2], $0x4000  }
0xbb: {  	[sflag:s2] =	ssyncset.done $0x0  }
0xbc: {  	[sflag:s2] =	ssyncadd.s32 $0xFFFFC000  }
0xbd: {  	_ =	swait.ge [sflag:s0], $0x4000  }
0xbe: {  	[sflag:s0] =	ssyncset.done $0x0  }
0xbf: {  	[sflag:s0] =	ssyncadd.s32 $0xFFFFC000  }
0xc0: {  	_ =	swait.ge [sflag:s0], $0x4000  }
0xc1: {  	[sflag:s0] =	ssyncset.done $0x0  }
0xc2: {  	[sflag:s0] =	ssyncadd.s32 $0xFFFFC000  }
0xc3: {  	[hbm4b:s15+s1] =	stream.linear.scatter [tilespmem:s26], [sflag:$0x6], $0x4000, $0x38;
	[tilespmem:$0x10200] =	vst v63  }
0xc4: {  	s7 =	sadd.s32 $0x1, s7  }
0xc5: {  	[hbm4b:s16+s1] =	stream.linear.scatter [tilespmem:s28], [sflag:$0x6], $0x4000, $0x38;
	[tilespmem:$0x10200] =	vst v63  }
0xc6: {  	p0 =	sne.s32 s7, s17;
	_ =	swait.ge [sflag:s30], $0x4000  }
.Ltmp1:
0xc7: {  	[sflag:s30] =	ssyncset.done $0x0;
	(pc) =	sbr.rel @p0 .LBB2_1-.Ltmp1, $4  }
0xc8: {  	[sflag:s30] =	ssyncadd.s32 $0xFFFFC000  }
0xc9: {  	_ =	swait.ge [sflag:s30], $0x4000  }
0xca: {  	[sflag:s30] =	ssyncset.done $0x0  }
0xcb: {  	[sflag:s30] =	ssyncadd.s32 $0xFFFFC000  }
0xcc: {  	_ =	sfence.sel $0x180000  }
0xcd: {  	[bflag:$0x0] =	sbarrier.arrive $0xFFFF  }
0xce: {  	_ =	strace $0x9000004D  }
0xcf: {  	s0 =	stileid.u32;
	[bflag:$0x2] =	sbarrier.arrive $0xFFFF  }
0xd0: {  	p0 =	sne.s32 s0, $0x0;
	s0 =	rddreg [dreg:$0x1]  }
0xd1: {  	s0 =	sadd.s32 @!p0 $0x100000, s0  }
0xd2: {  	[sflag:s0] =	ssyncadd.tile.s32 @!p0 $0x1;
	_ =	shalt  }
.Lfunc_end2:
_tile_overlayer_lowered:
.L_overlay_start_2:
0xd3: {  	(tag) =	ssettag $0x2  }
0xd4: {  	s0 =	rddreg [dreg:$0x0];
	s2 =	stileid.u32  }
0xd5: {  	s1 =	rddreg [dreg:$0x1];
	p0 =	sne.s32 s2, $0x0  }
0xd6: {  	s3 =	rddreg [dreg:$0x2];
	[bflag:$0x3] =	sbarrier.arrive $0xFFFF;
	s2 =	simm.s32 @!p0 $0x1C07  }
0xd7: {  	[timem:s3], [sflag:s2] =	dma.local @!p0 [hbm:s0], s1  }
0xd8: {  	s0 =	simm.s32 @!p0 $0x7  }
0xd9: {  	_ =	swait.ge @!p0 [sflag:s0], s1  }
0xda: {  	s1 =	ssub.s32 @!p0 $0x0, s1;
	[sflag:s0] =	ssyncset.done @!p0 $0x0  }
0xdb: {  	[sflag:s0] =	ssyncadd.s32 @!p0 s1  }
0xdc: {  	[bflag:$0x3] =	sbarrier.arrive $0xFFFF  }
0xdd: {  	_ =	shalt  }

// kernel: kernel.21.cloned.1.call-start
scs
__scs_entry_jumppad:
0x0: {  	(pc) =	sbr.rel $0x88, $3  }
0x1: {  	(tag) =	ssettag $0x0;
	lr =	simm.s32 $0x1  }
0x2: {  	[smem:$0x3F96] =	sst lr;
	_ =	strace $0xD0000000  }
0x3: {  	_ = 	snop  }
0x4: {  	_ = 	snop  }
0x5: {  	_ = 	snop  }
0x6: {  	_ = 	snop  }
0x7: {  	_ = 	snop  }
__scs_overlays_trampoline_lowered:
0x8: {  	[smem:$0x3FA5] =	sst s0  }
0x9: {  	[smem:$0x3FA6] =	sst s1  }
0xa: {  	[smem:$0x3FA7] =	sst s2  }
0xb: {  	[smem:$0x3FA8] =	sst s3  }
0xc: {  	[smem:$0x3FA9] =	sst s4  }
0xd: {  	[smem:$0x3FAA] =	sst s5  }
0xe: {  	[smem:$0x3FAB] =	sst s6  }
0xf: {  	[smem:$0x3FAC] =	sst s7  }
0x10: {  	[smem:$0x3FAD] =	sst s8  }
0x11: {  	[smem:$0x3FAE] =	sst s9;
	s0 =	simm.s32 @!p0 $0x0  }
0x12: {  	s1 =	sld [smem:$0x3F94];
	s0 =	simm.s32 @p0 $0x1  }
0x13: {  	[smem:$0x3FAF] =	sst s0;
	s0 =	simm.s32 @!p1 $0x0  }
0x14: {  	s2 =	sld [smem:$0x3F93];
	s0 =	simm.s32 @p1 $0x1  }
0x15: {  	[smem:$0x3FB0] =	sst s0;
	s0 =	simm.s32 @!p2 $0x0  }
0x16: {  	s3 =	sld [smem:$0x3FDB];
	s0 =	simm.s32 @p2 $0x1  }
0x17: {  	s4 =	simm.s32 $0x1BF5;
	[smem:$0x3FB2] =	sst s0  }
0x18: {  	s0 =	sld [smem:$0x3F95];
	_ =	swait.ge [sflag:s4], $0x0  }
0x19: {  	s7 =	sld [smem:$0x3F96]  }
0x1a: {  	s8 =	sadd.s32 $0xFFFFE003, lr  }
0x1b: {  	s9 =	sadd.s32 $0xFFFFFEF7, lr;
	s5 =	simm.s32 $0xFFFFFFFF;
	p2 =	slt.u32 s8, $0xFFFFF086  }
0x1c: {  	p1 =	slt.u32 s9, $0xF7A;
	s5 =	simm.s32 @!p2 $0x0  }
0x1d: {  	s5 =	simm.s32 @p1 $0x1;
	p0 =	seq.s32 s7, s2  }
0x1e: {  	s7 =	smul.u32 @!p0 $0xF7A, s2;
	p2 =	seq.s32 @!p0 s5, $0x0  }
0x1f: {  	s9 =	smul.u32 $0xF7A, s1;
	s8 =	simm.s32 @!p0 $0x1BF5;
	p2 =	por !p2, p0  }
0x20: {  	[sflag:s8] =	ssyncset.s32 @!p0 $0xFFFFF086;
	s6 =	sadd.s32 @!p0 s3, s7;
	s7 =	simm.s32 @!p0 $0x108  }
0x21: {  	s3 =	sadd.s32 s3, s9;
	s6 =	sadd.s32 @!p0 $0x88, s6;
	s7 =	simm.s32 @p2 $0x1082  }
0x22: {  	[simem:s7], [sflag:s8] =	dma.local @!p0 [hbm:s6], $0xF7A  }
0x23: {  	s9 =	sor.u32 $0xD0000000, s2;
	s6 =	simm.s32 $0x108;
	_ =	swait.ge @!p0 [sflag:s8], $0x0  }
0x24: {  	s3 =	sadd.s32 $0x88, s3;
	s6 =	simm.s32 @!p1 $0x1082;
	[sflag:s4] =	ssyncset.s32 $0xFFFFF086  }
0x25: {  	[simem:s6], [sflag:s4] =	dma.local [hbm:s3], $0xF7A  }
0x26: {  	[smem:$0x3F96] =	sst s1;
	(tag) =	ssettag s2;
	_ =	strace s9  }
0x27: {  	s1 =	sld [smem:$0x3FA6]  }
0x28: {  	s2 =	sld [smem:$0x3FA7]  }
0x29: {  	s4 =	sld [smem:$0x3FA9]  }
0x2a: {  	p0 =	seq.s32 s5, $0x0;
	s5 =	sld [smem:$0x3FAA]  }
0x2b: {  	s6 =	sld [smem:$0x3FAB]  }
0x2c: {  	s7 =	sld [smem:$0x3FAC]  }
0x2d: {  	s3 =	simm.s32 $0x108;
	s8 =	sld [smem:$0x3FAD]  }
0x2e: {  	s3 =	simm.s32 @!p0 $0x1082;
	s9 =	sld [smem:$0x3FAE]  }
0x2f: {  	lr =	sadd.s32 s0, s3;
	s0 =	sld [smem:$0x3FA5]  }
0x30: {  	s3 =	sld [smem:$0x3FA8]  }
0x31: {  	[smem:$0x3FB1] =	sst s10  }
0x32: {  	s10 =	sld [smem:$0x3FAF];
	_ =	sdelay $0x3  }
0x33: {  	p0 =	seq.s32 s10, $0x1;
	s10 =	sld [smem:$0x3FB1];
	_ =	sdelay $0x3  }
0x34: {  	[smem:$0x3FB1] =	sst s10  }
0x35: {  	s10 =	sld [smem:$0x3FB0];
	_ =	sdelay $0x3  }
0x36: {  	p1 =	seq.s32 s10, $0x1;
	s10 =	sld [smem:$0x3FB1];
	_ =	sdelay $0x3  }
0x37: {  	[smem:$0x3FB1] =	sst s10  }
0x38: {  	s10 =	sld [smem:$0x3FB2]  }
0x39: {  	_ = 	snop;
	(pc) =	sbr.ind lr, $3  }
0x3a: {  	_ = 	snop  }
0x3b: {  	_ = 	snop  }
0x3c: {  	p2 =	seq.s32 s10, $0x1;
	s10 =	sld [smem:$0x3FB1]  }
0x3d: {  	_ =	shalt  }
0x3e: {  	_ =	shalt  }
0x3f: {  	_ =	shalt  }
0x40: {  	_ =	shalt  }
0x41: {  	_ =	shalt  }
0x42: {  	_ =	shalt  }
0x43: {  	_ =	shalt  }
0x44: {  	_ =	shalt  }
0x45: {  	_ =	shalt  }
0x46: {  	_ =	shalt  }
0x47: {  	_ =	shalt  }
0x48: {  	_ =	shalt  }
0x49: {  	_ =	shalt  }
0x4a: {  	_ =	shalt  }
0x4b: {  	_ =	shalt  }
0x4c: {  	_ =	shalt  }
0x4d: {  	_ =	shalt  }
0x4e: {  	_ =	shalt  }
0x4f: {  	_ =	shalt  }
0x50: {  	_ =	shalt  }
0x51: {  	_ =	shalt  }
0x52: {  	_ =	shalt  }
0x53: {  	_ =	shalt  }
0x54: {  	_ =	shalt  }
0x55: {  	_ =	shalt  }
0x56: {  	_ =	shalt  }
0x57: {  	_ =	shalt  }
0x58: {  	_ =	shalt  }
0x59: {  	_ =	shalt  }
0x5a: {  	_ =	shalt  }
0x5b: {  	_ =	shalt  }
0x5c: {  	_ =	shalt  }
0x5d: {  	_ =	shalt  }
0x5e: {  	_ =	shalt  }
0x5f: {  	_ =	shalt  }
0x60: {  	_ =	shalt  }
0x61: {  	_ =	shalt  }
0x62: {  	_ =	shalt  }
0x63: {  	_ =	shalt  }
0x64: {  	_ =	shalt  }
0x65: {  	_ =	shalt  }
0x66: {  	_ =	shalt  }
0x67: {  	_ =	shalt  }
0x68: {  	_ =	shalt  }
0x69: {  	_ =	shalt  }
0x6a: {  	_ =	shalt  }
0x6b: {  	_ =	shalt  }
0x6c: {  	_ =	shalt  }
0x6d: {  	_ =	shalt  }
0x6e: {  	_ =	shalt  }
0x6f: {  	_ =	shalt  }
0x70: {  	_ =	shalt  }
0x71: {  	_ =	shalt  }
0x72: {  	_ =	shalt  }
0x73: {  	_ =	shalt  }
0x74: {  	_ =	shalt  }
0x75: {  	_ =	shalt  }
0x76: {  	_ =	shalt  }
0x77: {  	_ =	shalt  }
0x78: {  	_ =	shalt  }
0x79: {  	_ =	shalt  }
0x7a: {  	_ =	shalt  }
0x7b: {  	_ =	shalt  }
0x7c: {  	_ =	shalt  }
0x7d: {  	_ =	shalt  }
0x7e: {  	_ =	shalt  }
0x7f: {  	_ =	shalt  }
0x80: {  	_ =	shalt  }
0x81: {  	_ =	shalt  }
0x82: {  	_ =	shalt  }
0x83: {  	_ =	shalt  }
0x84: {  	_ =	shalt  }
0x85: {  	_ =	shalt  }
0x86: {  	_ =	shalt  }
0x87: {  	_ =	shalt  }
.Lfunc_end0:
.L_simem_size_0:
called_computation.2_lowered:
.L_overlay_start_0:
0x88: {  	s2 =	sld [smem:$0x3FD9]  }
0x89: {  	s3 =	sld [smem:$0x3FFE];
	_ =	sdelay $0x1  }
0x8a: {  	s1 =	srdreg.scid  }
0x8b: {  	s0 =	sand.u32 $0x1, s1  }
0x8c: {  	s17 =	sshll.u32 s0, $0xA;
	s2 =	sadd.s32 s3, s2  }
0x8d: {  	s2 =	sadd.s32 s2, s17  }
0x8e: {  	[smem:$0x3FBD] =	sst s2  }
0x8f: {  	_ = 	snop  }
0x90: {  	(tm) =	ssettm $0x1  }
0x91: {  	s18 =	sld [smem:$0x3FFB];
	_ =	sdelay $0x3  }
0x92: {  	_ =	strace s18  }
0x93: {  	s2 =	sld [smem:$0x3FFC];
	_ =	sdelay $0x3  }
0x94: {  	_ =	strace s2  }
0x95: {  	s2 =	sld [smem:$0x3FFD];
	_ =	sdelay $0x3  }
0x96: {  	_ =	strace s2  }
0x97: {  	_ =	strace $0x8FFFFFFF  }
0x98: {  	s19 =	sld [smem:$0x3FDB];
	_ =	sdelay $0x1  }
0x99: {  	s20 =	simm.s32 $_scs_section_size  }
0x9a: {  	s4 =	simm.s32 $_size__tile_overlayer_lowered;
	s5 =	simm.s32 $_tile_overlayer_lowered  }
0x9b: {  	s6 =	simm.s32 $0x1BFF;
	s21 =	sshll.u32 s5, $0x1;
	s3 =	sadd.s32 s20, s19  }
0x9c: {  	s22 =	simm.s32 $0x0;
	s4 =	sshll.u32 s4, $0x1;
	s5 =	sadd.s32 s21, s3  }
0x9d: {  	[timem:s22], [sflag:s6] =	dma.local [hbm:s5], s4  }
0x9e: {  	_ =	swait.ge [sflag:s6], s4  }
0x9f: {  	s4 =	ssub.s32 $0x0, s4;
	[sflag:s6] =	ssyncset.done $0x0  }
0xa0: {  	[sflag:s6] =	ssyncadd.s32 s4;
	_ =	sdelay $0x1  }
0xa1: {  	s23 =	simm.s32 $0x1B8B  }
0xa2: {  	_ =	swait.ge [sflag:s23], $0x1  }
0xa3: {  	[sflag:s23] =	ssyncset.done $0x0  }
0xa4: {  	[sflag:s23] =	ssyncadd.s32 $0xFFFFFFFF  }
0xa5: {  	s4 =	sld [smem:$0x0]  }
0xa6: {  	s5 =	sand.u32 $0xFFFFFFFE, s1  }
0xa7: {  	p0 =	sne.s32 s1, s5  }
0xa8: {  	s5 =	sshll.u32 @p0 s5, $0xE  }
0xa9: {  	s5 =	sadd.s32 @p0 $0x11B8D, s5;
	s6 =	sshll.u32 @p0 s4, $0x11  }
0xaa: {  	s5 =	sor.u32 @p0 s6, s5  }
0xab: {  	[sflag:s5] =	ssyncadd.remote.s32 @p0 $0x1;
	_ =	sdelay $0x1  }
0xac: {  	s5 =	simm.s32 @p0 $0x1B8D  }
0xad: {  	_ =	swait.eq @p0 [sflag:s5], $0x1  }
0xae: {  	[sflag:s5] =	ssyncadd.s32 @p0 $0xFFFFFFFF  }
0xaf: {  	s6 =	sshll.u32 @!p0 s1, $0xE  }
0xb0: {  	s6 =	sor.u32 @!p0 $0x4000, s6;
	s5 =	simm.s32 @!p0 $0x1B8D  }
0xb1: {  	s4 =	sshll.u32 @!p0 s4, $0x11;
	s6 =	sadd.s32 @!p0 $0x11B8D, s6;
	_ =	swait.eq @!p0 [sflag:s5], $0x1  }
0xb2: {  	s4 =	sor.u32 @!p0 s4, s6;
	[sflag:s5] =	ssyncadd.s32 @!p0 $0xFFFFFFFF  }
0xb3: {  	s25 =	simm.s32 $0x1B8E;
	s24 =	sld [smem:$0x3FFE];
	[sflag:s4] =	ssyncadd.remote.s32 @!p0 $0x1  }
0xb4: {  	s26 =	simm.s32 $execute0_lowered;
	[smem:$0x3FD2] =	sst s25  }
0xb5: {  	s5 =	sshll.u32 s26, $0x1;
	_ =	strace $0x80000049;
	[dreg:$0x1] =	wrdreg $0xFFFFFFFF  }
0xb6: {  	s28 =	simm.s32 $_size_execute0_lowered;
	s3 =	sadd.s32 s3, s5;
	[dreg:$0x0] =	wrdreg $0x0  }
0xb7: {  	s5 =	sshll.u32 s28, $0x1;
	[dreg:$0x2] =	wrdreg s3  }
0xb8: {  	[dreg:$0x3] =	wrdreg s5  }
0xb9: {  	[dreg:$0x4] =	wrdreg $0xC0  }
0xba: {  	_ =	task [dreg:s22], $0x5FFFF  }
0xbb: {  	[dreg:$0x1] =	wrdreg $0xFFFFFFFF  }
0xbc: {  	[dreg:$0x0] =	wrdreg $0x60  }
0xbd: {  	[dreg:$0x2] =	wrdreg s24  }
0xbe: {  	[dreg:$0x3] =	wrdreg $0xB  }
0xbf: {  	_ =	task.clear_ibuf [dreg:s22], $0x4FFFF;
	_ =	strace $0x90000049  }
0xc0: {  	s29 =	simm.s32 $0xB;
	_ =	strace $0x8000004B  }
0xc1: {  	_ =	swait.ge [sflag:s29], $0x1  }
0xc2: {  	[sflag:s29] =	ssyncadd.s32 $0xFFFFFFFF  }
0xc3: {  	_ =	strace $0x9000004B  }
0xc4: {  	_ =	sfence  }
0xc5: {  	s30 =	sld [smem:$0x0];
	_ =	sdelay $0x2  }
0xc6: {  	s31 =	sshll.u32 s1, $0xD;
	s1 =	sshrl.u32 s1, $0x2  }
0xc7: {  	s4 =	sand.u32 $0x4000, s31;
	s1 =	sadd.s32 s1, s30  }
0xc8: {  	s0 =	sor.u32 s4, s0;
	s1 =	sshll.u32 s1, $0x11  }
0xc9: {  	s0 =	sor.u32 s1, s0  }
0xca: {  	s0 =	sadd.s32 $0x8F2B, s0  }
0xcb: {  	[sflag:s0] =	ssyncadd.remote.s32 $0x1  }
0xcc: {  	_ =	sfence.sel $0xFFFF  }
0xcd: {  	[dreg:$0x0] =	wrdreg $0xFFFFFFFF;
	(pc) =	sbr.abs _section_cstart, $3  }
0xce: {  	[dreg:$0x1] =	wrdreg $0xFFFFFFFF  }
0xcf: {  	_ =	task.clear_ibuf [dreg:s22], $0x2FFFF;
	_ =	strace $0x9FFFFFFF  }
0xd0: {  	(tm) =	ssettm $0x7FFFFFFF  }
0xd1: {  	_ =	shalt  }
tec
execute0_lowered:
.L_overlay_start_1:
0x0: {  	(tag) =	ssettag $0x1  }
0x1: {  	s0 =	rddreg [dreg:$0x0];
	s1 =	simm.s32 $0x0  }
0x2: {  	s2 =	srdreg.scid;
	s13 =	stileid.u32;
	s28 =	simm.s32 $0xC200  }
0x3: {  	s29 =	simm.s32 $0x2;
	s30 =	simm.s32 $0x6;
	s31 =	simm.s32 $0x3  }
0x4: {  	[smem:$0x7FF] =	sst s1;
	s3 =	sadd.s32 $0x1D400, s0;
	s4 =	sadd.s32 $0x44600, s0  }
0x5: {  	s5 =	sadd.s32 $0x13400, s0;
	s6 =	sadd.s32 $0x11400, s0;
	s2 =	sand.u32 $0x1, s2  }
0x6: {  	s7 =	sshll.u32 s13, $0x1;
	s8 =	sadd.s32 $0x260800, s0;
	s10 =	sadd.s32 $0x35B000, s0  }
0x7: {  	s17 =	sadd.s32 $0x35A800, s0;
	s19 =	sadd.s32 $0x455000, s0;
	s25 =	sshll.u32 s13, $0x5  }
0x8: {  	_ =	strace $0x8000004A;
	s9 =	ssub.s32 $0x2, s2;
	[dreg:$0xa] =	wrdreg s17  }
0x9: {  	s7 =	sor.u32 s2, s7;
	[dreg:$0xb] =	wrdreg s19;
	s11 =	sshrl.u32 s9, $0x1  }
0xa: {  	s12 =	sshll.u32 s7, $0x4;
	s16 =	sshll.u32 s7, $0xB;
	s9 =	ssub.s32 s9, s11  }
0xb: {  	s26 =	sadd.s32 s5, s12;
	s14 =	sor.u32 $0x200, s12;
	s12 =	sadd.s32 s6, s12  }
0xc: {  	s18 =	sor.u32 $0xE0000, s16;
	s16 =	sshll.u32 s13, $0xC;
	[dreg:$0x6] =	wrdreg s26  }
0xd: {  	[dreg:$0x7] =	wrdreg s12;
	s15 =	sadd.s32 s5, s14;
	s11 =	sadd.s32 s6, s14  }
0xe: {  	s20 =	sadd.s32 s8, s18;
	s17 =	sadd.s32 s16, s8;
	[dreg:$0x8] =	wrdreg s15  }
0xf: {  	s23 =	sadd.s32 s16, s10;
	s26 =	sadd.s32 $0x11800, s0;
	[dreg:$0x9] =	wrdreg s11  }
0x10: {  	s0 =	sadd.s32 $0x13800, s0;
	[dreg:$0xc] =	wrdreg s20;
	s15 =	smin.u32 s7, $0x14  }
0x11: {  	s11 =	sadd.s32 s10, s18;
	s18 =	sshll.u32 s2, $0xB;
	[dreg:$0x4] =	wrdreg s26  }
0x12: {  	s2 =	sshll.u32 s2, $0x4;
	[dreg:$0x5] =	wrdreg s0;
	s20 =	simm.s32 $0x100  }
0x13: {  	s26 =	simm.s32 $0x4200;
	s0 =	simm.s32 $0x5;
	[dreg:$0xd] =	wrdreg s11  }
0x14: {  	s21 =	sshll.u32 s15, $0xB;
	s22 =	sadd.s32 s18, s17;
	s24 =	sadd.s32 s18, s23  }
0x15: {  	s17 =	smax.u32 s9, $0x1;
	s9 =	sor.u32 $0x60, s7;
	s23 =	simm.s32 $0x1  }
0x16: {  	s7 =	simm.s32 $0x0;
	s11 =	sor.u32 $0xF0000, s21;
	[dreg:$0x2] =	wrdreg s22  }
0x17: {  	[dreg:$0x3] =	wrdreg s24;
	s21 =	simm.s32 $0x80;
	s22 =	simm.s32 $0x180  }
0x18: {  	s24 =	simm.s32 $0x200;
	s15 =	sadd.s32 s8, s11;
	s16 =	sadd.s32 s10, s11  }
0x19: {  	s10 =	sor.u32 s2, s25;
	s25 =	simm.s32 $0x8200;
	s2 =	simm.s32 $0x4  }
.LBB2_1:
0x1a: {  	s8 =	rddreg [dreg:$0x6]  }
0x1b: {  	[tilespmem:s1], [sflag:$0x1] =	stream.linear.gather [hbm4b:s8+s1], $0x80, $0x38;
	[tilespmem:$0x10200] =	vst v63  }
0x1c: {  	s14 =	rddreg [dreg:$0x7]  }
0x1d: {  	[tilespmem:s20], [sflag:$0x1] =	stream.linear.gather [hbm4b:s14+s1], $0x80, $0x38;
	[tilespmem:$0x10200] =	vst v63  }
0x1e: {  	s18 =	rddreg [dreg:$0x8]  }
0x1f: {  	[tilespmem:s21], [sflag:$0x2] =	stream.linear.gather [hbm4b:s18+s1], $0x80, $0x38;
	[tilespmem:$0x10200] =	vst v63  }
0x20: {  	s19 =	rddreg [dreg:$0x9]  }
0x21: {  	[tilespmem:s22], [sflag:$0x2] =	stream.linear.gather [hbm4b:s19+s1], $0x80, $0x38;
	[tilespmem:$0x10200] =	vst v63  }
0x22: {  	_ =	swait.ge [sflag:s23], $0x80  }
0x23: {  	[sflag:s23] =	ssyncset.done $0x0  }
0x24: {  	[sflag:s23] =	ssyncadd.s32 $0xFFFFFF80  }
0x25: {  	_ =	swait.ge [sflag:s23], $0x80  }
0x26: {  	[sflag:s23] =	ssyncset.done $0x0  }
0x27: {  	[sflag:s23] =	ssyncadd.s32 $0xFFFFFF80  }
0x28: {  	[tilespmem:s24], [sflag:$0x3] =	stream.indirect.gather [hbm4b:s3+s21], $0x80, s1, s21, $0xb8;
	[tilespmem:$0x10200] =	vst v63  }
0x29: {  	_ = 	snop  }
0x2a: {  	[tilespmem:s25], [sflag:$0x3] =	stream.indirect.gather [hbm4b:s4+s21], $0x80, s20, s21, $0xb8;
	[tilespmem:$0x10200] =	vst v63  }
0x2b: {  	s11 =	rddreg [dreg:$0xa]  }
0x2c: {  	[hbm4b:s11+s1] =	stream.linear.scatter [tilespmem:s26], [sflag:$0x6], $0x4000, $0x38;
	[tilespmem:$0x10200] =	vst v63  }
0x2d: {  	s12 =	rddreg [dreg:$0xb]  }
0x2e: {  	[hbm4b:s12+s1] =	stream.linear.scatter [tilespmem:s28], [sflag:$0x6], $0x4000, $0x38;
	[tilespmem:$0x10200] =	vst v63  }
0x2f: {  	_ =	swait.ge [sflag:s29], $0x80  }
0x30: {  	[sflag:s29] =	ssyncset.done $0x0  }
0x31: {  	[sflag:s29] =	ssyncadd.s32 $0xFFFFFF80  }
0x32: {  	_ =	swait.ge [sflag:s29], $0x80  }
0x33: {  	[sflag:s29] =	ssyncset.done $0x0  }
0x34: {  	[sflag:s29] =	ssyncadd.s32 $0xFFFFFF80  }
0x35: {  	_ =	swait.ge [sflag:s30], $0x4000  }
0x36: {  	[sflag:s30] =	ssyncset.done $0x0  }
0x37: {  	[sflag:s30] =	ssyncadd.s32 $0xFFFFC000  }
0x38: {  	_ =	swait.ge [sflag:s30], $0x4000  }
0x39: {  	[sflag:s30] =	ssyncset.done $0x0  }
0x3a: {  	[sflag:s30] =	ssyncadd.s32 $0xFFFFC000  }
0x3b: {  	[tilespmem:s26], [sflag:$0x4] =	stream.indirect.gather [hbm4b:s3+s21], $0x80, s21, s21, $0xb8;
	[tilespmem:$0x10200] =	vst v63  }
0x3c: {  	_ = 	snop  }
0x3d: {  	[tilespmem:s28], [sflag:$0x4] =	stream.indirect.gather [hbm4b:s4+s21], $0x80, s22, s21, $0xb8;
	[tilespmem:$0x10200] =	vst v63  }
0x3e: {  	_ =	swait.ge [sflag:s31], $0x4000  }
0x3f: {  	[sflag:s31] =	ssyncset.done $0x0  }
0x40: {  	[sflag:s31] =	ssyncadd.s32 $0xFFFFC000  }
0x41: {  	_ =	swait.ge [sflag:s31], $0x4000  }
0x42: {  	s13 =	rddreg [dreg:$0x2];
	[sflag:s31] =	ssyncset.done $0x0  }
0x43: {  	s11 =	rddreg [dreg:$0x3];
	[sflag:s31] =	ssyncadd.s32 $0xFFFFC000;
	s8 =	sadd.s32 $0x0, s13  }
0x44: {  	[hbm4b:s8+s1] =	stream.linear.scatter [tilespmem:s24], [sflag:$0x5], $0x4000, $0x38;
	[tilespmem:$0x10200] =	vst v63  }
0x45: {  	s18 =	rddreg [dreg:$0x5];
	s11 =	sadd.s32 $0x0, s11  }
0x46: {  	[hbm4b:s11+s1] =	stream.linear.scatter [tilespmem:s25], [sflag:$0x5], $0x4000, $0x38;
	[tilespmem:$0x10200] =	vst v63  }
0x47: {  	s19 =	rddreg [dreg:$0x4];
	s18 =	sadd.s32 s10, s18  }
0x48: {  	[tilespmem:s1], [sflag:$0x1] =	stream.linear.gather [hbm4b:s18+s1], $0x80, $0x38;
	[tilespmem:$0x10200] =	vst v63  }
0x49: {  	s14 =	sadd.s32 s10, s19  }
0x4a: {  	[tilespmem:s20], [sflag:$0x1] =	stream.linear.gather [hbm4b:s14+s1], $0x80, $0x38;
	[tilespmem:$0x10200] =	vst v63  }
0x4b: {  	_ =	swait.ge [sflag:s23], $0x80  }
0x4c: {  	[sflag:s23] =	ssyncset.done $0x0  }
0x4d: {  	[sflag:s23] =	ssyncadd.s32 $0xFFFFFF80  }
0x4e: {  	_ =	swait.ge [sflag:s23], $0x80  }
0x4f: {  	[sflag:s23] =	ssyncset.done $0x0  }
0x50: {  	[sflag:s23] =	ssyncadd.s32 $0xFFFFFF80  }
0x51: {  	_ =	swait.ge [sflag:s0], $0x4000  }
0x52: {  	[sflag:s0] =	ssyncset.done $0x0  }
0x53: {  	[sflag:s0] =	ssyncadd.s32 $0xFFFFC000  }
0x54: {  	_ =	swait.ge [sflag:s0], $0x4000  }
0x55: {  	[sflag:s0] =	ssyncset.done $0x0  }
0x56: {  	[sflag:s0] =	ssyncadd.s32 $0xFFFFC000  }
0x57: {  	[tilespmem:s24], [sflag:$0x3] =	stream.indirect.gather [hbm4b:s3+s21], $0x80, s1, s21, $0xb8;
	[tilespmem:$0x10200] =	vst v63  }
0x58: {  	_ = 	snop  }
0x59: {  	[tilespmem:s25], [sflag:$0x3] =	stream.indirect.gather [hbm4b:s4+s21], $0x80, s20, s21, $0xb8;
	[tilespmem:$0x10200] =	vst v63  }
0x5a: {  	_ =	swait.ge [sflag:s2], $0x4000  }
0x5b: {  	[sflag:s2] =	ssyncset.done $0x0  }
0x5c: {  	[sflag:s2] =	ssyncadd.s32 $0xFFFFC000  }
0x5d: {  	_ =	swait.ge [sflag:s2], $0x4000  }
0x5e: {  	p0 =	slt.u32 s9, $0x1F4;
	s8 =	sadd.s32 $0x10000, s8;
	[sflag:s2] =	ssyncset.done $0x0  }
0x5f: {  	s18 =	sadd.s32 $0x10000, s11;
	s11 =	sadd.s32 $0x600, s10;
	[sflag:s2] =	ssyncadd.s32 $0xFFFFC000  }
0x60: {  	[hbm4b:s8+s1] =	stream.linear.scatter [tilespmem:s26], [sflag:$0x6], $0x4000, $0x38;
	[tilespmem:$0x10200] =	vst v63  }
0x61: {  	s11 =	simm.s32 @!p0 $0x0  }
0x62: {  	[hbm4b:s18+s1] =	stream.linear.scatter [tilespmem:s28], [sflag:$0x6], $0x4000, $0x38;
	[tilespmem:$0x10200] =	vst v63  }
0x63: {  	s19 =	sadd.s32 s5, s11;
	s11 =	sadd.s32 s6, s11  }
0x64: {  	[tilespmem:s21], [sflag:$0x2] =	stream.linear.gather [hbm4b:s19+s1], $0x80, $0x38;
	[tilespmem:$0x10200] =	vst v63  }
0x65: {  	s8 =	simm.s32 $0x20000;
	s18 =	smov.u32 s9;
	s19 =	smov.u32 s10  }
.LBB2_2:
0x66: {  	[tilespmem:s22], [sflag:$0x2] =	stream.linear.gather [hbm4b:s11+s1], $0x80, $0x38;
	[tilespmem:$0x10200] =	vst v63  }
0x67: {  	_ =	swait.ge [sflag:s29], $0x80  }
0x68: {  	[sflag:s29] =	ssyncset.done $0x0  }
0x69: {  	[sflag:s29] =	ssyncadd.s32 $0xFFFFFF80  }
0x6a: {  	_ =	swait.ge [sflag:s29], $0x80  }
0x6b: {  	[sflag:s29] =	ssyncset.done $0x0  }
0x6c: {  	[sflag:s29] =	ssyncadd.s32 $0xFFFFFF80  }
0x6d: {  	_ =	swait.ge [sflag:s30], $0x4000  }
0x6e: {  	[sflag:s30] =	ssyncset.done $0x0  }
0x6f: {  	[sflag:s30] =	ssyncadd.s32 $0xFFFFC000  }
0x70: {  	_ =	swait.ge [sflag:s30], $0x4000  }
0x71: {  	[sflag:s30] =	ssyncset.done $0x0  }
0x72: {  	[sflag:s30] =	ssyncadd.s32 $0xFFFFC000  }
0x73: {  	[tilespmem:s26], [sflag:$0x4] =	stream.indirect.gather [hbm4b:s3+s21], $0x80, s21, s21, $0xb8;
	[tilespmem:$0x10200] =	vst v63  }
0x74: {  	_ = 	snop  }
0x75: {  	[tilespmem:s28], [sflag:$0x4] =	stream.indirect.gather [hbm4b:s4+s21], $0x80, s22, s21, $0xb8;
	[tilespmem:$0x10200] =	vst v63  }
0x76: {  	_ =	swait.ge [sflag:s31], $0x4000  }
0x77: {  	[sflag:s31] =	ssyncset.done $0x0  }
0x78: {  	[sflag:s31] =	ssyncadd.s32 $0xFFFFC000  }
0x79: {  	_ =	swait.ge [sflag:s31], $0x4000  }
0x7a: {  	s11 =	smov.u32 s8;
	s12 =	rddreg [dreg:$0x2];
	[sflag:s31] =	ssyncset.done $0x0  }
0x7b: {  	s13 =	rddreg [dreg:$0x3];
	[sflag:s31] =	ssyncadd.s32 $0xFFFFC000;
	s12 =	sadd.s32 s11, s12  }
0x7c: {  	[hbm4b:s12+s1] =	stream.linear.scatter [tilespmem:s24], [sflag:$0x5], $0x4000, $0x38;
	[tilespmem:$0x10200] =	vst v63  }
0x7d: {  	s19 =	sadd.s32 $0x400, s19;
	s14 =	rddreg [dreg:$0x5];
	s11 =	sadd.s32 s11, s13  }
0x7e: {  	[hbm4b:s11+s1] =	stream.linear.scatter [tilespmem:s25], [sflag:$0x5], $0x4000, $0x38;
	[tilespmem:$0x10200] =	vst v63  }
0x7f: {  	s13 =	rddreg [dreg:$0x4];
	s14 =	sadd.s32 s19, s14  }
0x80: {  	[tilespmem:s1], [sflag:$0x1] =	stream.linear.gather [hbm4b:s14+s1], $0x80, $0x38;
	[tilespmem:$0x10200] =	vst v63  }
0x81: {  	s13 =	sadd.s32 s19, s13  }
0x82: {  	[tilespmem:s20], [sflag:$0x1] =	stream.linear.gather [hbm4b:s13+s1], $0x80, $0x38;
	[tilespmem:$0x10200] =	vst v63  }
0x83: {  	_ =	swait.ge [sflag:s23], $0x80  }
0x84: {  	[sflag:s23] =	ssyncset.done $0x0  }
0x85: {  	[sflag:s23] =	ssyncadd.s32 $0xFFFFFF80  }
0x86: {  	_ =	swait.ge [sflag:s23], $0x80  }
0x87: {  	[sflag:s23] =	ssyncset.done $0x0  }
0x88: {  	[sflag:s23] =	ssyncadd.s32 $0xFFFFFF80  }
0x89: {  	_ =	swait.ge [sflag:s0], $0x4000  }
0x8a: {  	[sflag:s0] =	ssyncset.done $0x0  }
0x8b: {  	[sflag:s0] =	ssyncadd.s32 $0xFFFFC000  }
0x8c: {  	_ =	swait.ge [sflag:s0], $0x4000  }
0x8d: {  	[sflag:s0] =	ssyncset.done $0x0  }
0x8e: {  	[sflag:s0] =	ssyncadd.s32 $0xFFFFC000  }
0x8f: {  	[tilespmem:s24], [sflag:$0x3] =	stream.indirect.gather [hbm4b:s3+s21], $0x80, s1, s21, $0xb8;
	[tilespmem:$0x10200] =	vst v63  }
0x90: {  	_ = 	snop  }
0x91: {  	[tilespmem:s25], [sflag:$0x3] =	stream.indirect.gather [hbm4b:s4+s21], $0x80, s20, s21, $0xb8;
	[tilespmem:$0x10200] =	vst v63  }
0x92: {  	_ =	swait.ge [sflag:s2], $0x4000  }
0x93: {  	[sflag:s2] =	ssyncset.done $0x0  }
0x94: {  	[sflag:s2] =	ssyncadd.s32 $0xFFFFC000  }
0x95: {  	_ =	swait.ge [sflag:s2], $0x4000  }
0x96: {  	p0 =	sne.s32 s8, $0xC0000;
	[sflag:s2] =	ssyncset.done $0x0  }
0x97: {  	s18 =	sadd.s32 $0x40, s18;
	s12 =	sadd.s32 $0x10000, s12;
	[sflag:s2] =	ssyncadd.s32 $0xFFFFC000  }
0x98: {  	[hbm4b:s12+s1] =	stream.linear.scatter [tilespmem:s26], [sflag:$0x6], $0x4000, $0x38;
	[tilespmem:$0x10200] =	vst v63  }
.Ltmp0:
0x99: {  	p1 =	slt.u32 s18, $0x1F4;
	s12 =	sadd.s32 $0x600, s19;
	(pc) =	sbr.rel @p0 .LBB2_2-.Ltmp0, $4  }
0x9a: {  	s11 =	sadd.s32 $0x10000, s11;
	s12 =	simm.s32 @!p1 $0x0  }
0x9b: {  	[hbm4b:s11+s1] =	stream.linear.scatter [tilespmem:s28], [sflag:$0x6], $0x4000, $0x38;
	[tilespmem:$0x10200] =	vst v63  }
0x9c: {  	s8 =	sadd.s32 $0x20000, s8;
	s14 =	sadd.s32 s5, s12;
	s11 =	sadd.s32 s6, s12  }
0x9d: {  	[tilespmem:s21], [sflag:$0x2] =	stream.linear.gather [hbm4b:s14+s1], $0x80, $0x38;
	[tilespmem:$0x10200] =	vst v63  }
0x9e: {  	[tilespmem:s22], [sflag:$0x2] =	stream.linear.gather [hbm4b:s11+s1], $0x80, $0x38;
	[tilespmem:$0x10200] =	vst v63  }
0x9f: {  	_ =	swait.ge [sflag:s29], $0x80  }
0xa0: {  	[sflag:s29] =	ssyncset.done $0x0  }
0xa1: {  	[sflag:s29] =	ssyncadd.s32 $0xFFFFFF80  }
0xa2: {  	_ =	swait.ge [sflag:s29], $0x80  }
0xa3: {  	[sflag:s29] =	ssyncset.done $0x0  }
0xa4: {  	[sflag:s29] =	ssyncadd.s32 $0xFFFFFF80  }
0xa5: {  	_ =	swait.ge [sflag:s30], $0x4000  }
0xa6: {  	[sflag:s30] =	ssyncset.done $0x0  }
0xa7: {  	[sflag:s30] =	ssyncadd.s32 $0xFFFFC000  }
0xa8: {  	_ =	swait.ge [sflag:s30], $0x4000  }
0xa9: {  	[sflag:s30] =	ssyncset.done $0x0  }
0xaa: {  	[sflag:s30] =	ssyncadd.s32 $0xFFFFC000  }
0xab: {  	[tilespmem:s26], [sflag:$0x4] =	stream.indirect.gather [hbm4b:s3+s21], $0x80, s21, s21, $0xb8;
	[tilespmem:$0x10200] =	vst v63  }
0xac: {  	_ = 	snop  }
0xad: {  	[tilespmem:s28], [sflag:$0x4] =	stream.indirect.gather [hbm4b:s4+s21], $0x80, s22, s21, $0xb8;
	[tilespmem:$0x10200] =	vst v63  }
0xae: {  	_ =	swait.ge [sflag:s31], $0x4000  }
0xaf: {  	[sflag:s31] =	ssyncset.done $0x0  }
0xb0: {  	[sflag:s31] =	ssyncadd.s32 $0xFFFFC000  }
0xb1: {  	_ =	swait.ge [sflag:s31], $0x4000  }
0xb2: {  	[sflag:s31] =	ssyncset.done $0x0  }
0xb3: {  	s8 =	rddreg [dreg:$0xc];
	[sflag:s31] =	ssyncadd.s32 $0xFFFFC000  }
0xb4: {  	[hbm4b:s8+s1] =	stream.linear.scatter [tilespmem:s24], [sflag:$0x5], $0x4000, $0x38;
	[tilespmem:$0x10200] =	vst v63  }
0xb5: {  	s19 =	rddreg [dreg:$0xd]  }
0xb6: {  	[hbm4b:s19+s1] =	stream.linear.scatter [tilespmem:s25], [sflag:$0x5], $0x4000, $0x38;
	[tilespmem:$0x10200] =	vst v63  }
0xb7: {  	_ =	swait.ge [sflag:s2], $0x4000  }
0xb8: {  	[sflag:s2] =	ssyncset.done $0x0  }
0xb9: {  	[sflag:s2] =	ssyncadd.s32 $0xFFFFC000  }
0xba: {  	_ =	swait.ge [sflag:s2], $0x4000  }
0xbb: {  	[sflag:s2] =	ssyncset.done $0x0  }
0xbc: {  	[sflag:s2] =	ssyncadd.s32 $0xFFFFC000  }
0xbd: {  	_ =	swait.ge [sflag:s0], $0x4000  }
0xbe: {  	[sflag:s0] =	ssyncset.done $0x0  }
0xbf: {  	[sflag:s0] =	ssyncadd.s32 $0xFFFFC000  }
0xc0: {  	_ =	swait.ge [sflag:s0], $0x4000  }
0xc1: {  	[sflag:s0] =	ssyncset.done $0x0  }
0xc2: {  	[sflag:s0] =	ssyncadd.s32 $0xFFFFC000  }
0xc3: {  	[hbm4b:s15+s1] =	stream.linear.scatter [tilespmem:s26], [sflag:$0x6], $0x4000, $0x38;
	[tilespmem:$0x10200] =	vst v63  }
0xc4: {  	s7 =	sadd.s32 $0x1, s7  }
0xc5: {  	[hbm4b:s16+s1] =	stream.linear.scatter [tilespmem:s28], [sflag:$0x6], $0x4000, $0x38;
	[tilespmem:$0x10200] =	vst v63  }
0xc6: {  	p0 =	sne.s32 s7, s17;
	_ =	swait.ge [sflag:s30], $0x4000  }
.Ltmp1:
0xc7: {  	[sflag:s30] =	ssyncset.done $0x0;
	(pc) =	sbr.rel @p0 .LBB2_1-.Ltmp1, $4  }
0xc8: {  	[sflag:s30] =	ssyncadd.s32 $0xFFFFC000  }
0xc9: {  	_ =	swait.ge [sflag:s30], $0x4000  }
0xca: {  	[sflag:s30] =	ssyncset.done $0x0  }
0xcb: {  	[sflag:s30] =	ssyncadd.s32 $0xFFFFC000  }
0xcc: {  	_ =	sfence.sel $0x180000  }
0xcd: {  	[bflag:$0x0] =	sbarrier.arrive $0xFFFF  }
0xce: {  	_ =	strace $0x9000004A  }
0xcf: {  	s0 =	stileid.u32;
	[bflag:$0x2] =	sbarrier.arrive $0xFFFF  }
0xd0: {  	p0 =	sne.s32 s0, $0x0;
	s0 =	rddreg [dreg:$0x1]  }
0xd1: {  	s0 =	sadd.s32 @!p0 $0x100000, s0  }
0xd2: {  	[sflag:s0] =	ssyncadd.tile.s32 @!p0 $0x1;
	_ =	shalt  }
.Lfunc_end2:
_tile_overlayer_lowered:
.L_overlay_start_2:
0xd3: {  	(tag) =	ssettag $0x2  }
0xd4: {  	s0 =	rddreg [dreg:$0x0];
	s2 =	stileid.u32  }
0xd5: {  	s1 =	rddreg [dreg:$0x1];
	p0 =	sne.s32 s2, $0x0  }
0xd6: {  	s3 =	rddreg [dreg:$0x2];
	[bflag:$0x3] =	sbarrier.arrive $0xFFFF;
	s2 =	simm.s32 @!p0 $0x1C07  }
0xd7: {  	[timem:s3], [sflag:s2] =	dma.local @!p0 [hbm:s0], s1  }
0xd8: {  	s0 =	simm.s32 @!p0 $0x7  }
0xd9: {  	_ =	swait.ge @!p0 [sflag:s0], s1  }
0xda: {  	s1 =	ssub.s32 @!p0 $0x0, s1;
	[sflag:s0] =	ssyncset.done @!p0 $0x0  }
0xdb: {  	[sflag:s0] =	ssyncadd.s32 @!p0 s1  }
0xdc: {  	[bflag:$0x3] =	sbarrier.arrive $0xFFFF  }
0xdd: {  	_ =	shalt  }

// kernel: kernel.24.cloned.1.call-start
scs
__scs_entry_jumppad:
0x0: {  	(pc) =	sbr.rel $0x88, $3  }
0x1: {  	(tag) =	ssettag $0x0;
	lr =	simm.s32 $0x1  }
0x2: {  	[smem:$0x3F96] =	sst lr;
	_ =	strace $0xD0000000  }
0x3: {  	_ = 	snop  }
0x4: {  	_ = 	snop  }
0x5: {  	_ = 	snop  }
0x6: {  	_ = 	snop  }
0x7: {  	_ = 	snop  }
__scs_overlays_trampoline_lowered:
0x8: {  	[smem:$0x3FA5] =	sst s0  }
0x9: {  	[smem:$0x3FA6] =	sst s1  }
0xa: {  	[smem:$0x3FA7] =	sst s2  }
0xb: {  	[smem:$0x3FA8] =	sst s3  }
0xc: {  	[smem:$0x3FA9] =	sst s4  }
0xd: {  	[smem:$0x3FAA] =	sst s5  }
0xe: {  	[smem:$0x3FAB] =	sst s6  }
0xf: {  	[smem:$0x3FAC] =	sst s7  }
0x10: {  	[smem:$0x3FAD] =	sst s8  }
0x11: {  	[smem:$0x3FAE] =	sst s9;
	s0 =	simm.s32 @!p0 $0x0  }
0x12: {  	s1 =	sld [smem:$0x3F94];
	s0 =	simm.s32 @p0 $0x1  }
0x13: {  	[smem:$0x3FAF] =	sst s0;
	s0 =	simm.s32 @!p1 $0x0  }
0x14: {  	s2 =	sld [smem:$0x3F93];
	s0 =	simm.s32 @p1 $0x1  }
0x15: {  	[smem:$0x3FB0] =	sst s0;
	s0 =	simm.s32 @!p2 $0x0  }
0x16: {  	s3 =	sld [smem:$0x3FDB];
	s0 =	simm.s32 @p2 $0x1  }
0x17: {  	s4 =	simm.s32 $0x1BF5;
	[smem:$0x3FB2] =	sst s0  }
0x18: {  	s0 =	sld [smem:$0x3F95];
	_ =	swait.ge [sflag:s4], $0x0  }
0x19: {  	s7 =	sld [smem:$0x3F96]  }
0x1a: {  	s8 =	sadd.s32 $0xFFFFE003, lr  }
0x1b: {  	s9 =	sadd.s32 $0xFFFFFEF7, lr;
	s5 =	simm.s32 $0xFFFFFFFF;
	p2 =	slt.u32 s8, $0xFFFFF086  }
0x1c: {  	p1 =	slt.u32 s9, $0xF7A;
	s5 =	simm.s32 @!p2 $0x0  }
0x1d: {  	s5 =	simm.s32 @p1 $0x1;
	p0 =	seq.s32 s7, s2  }
0x1e: {  	s7 =	smul.u32 @!p0 $0xF7A, s2;
	p2 =	seq.s32 @!p0 s5, $0x0  }
0x1f: {  	s9 =	smul.u32 $0xF7A, s1;
	s8 =	simm.s32 @!p0 $0x1BF5;
	p2 =	por !p2, p0  }
0x20: {  	[sflag:s8] =	ssyncset.s32 @!p0 $0xFFFFF086;
	s6 =	sadd.s32 @!p0 s3, s7;
	s7 =	simm.s32 @!p0 $0x108  }
0x21: {  	s3 =	sadd.s32 s3, s9;
	s6 =	sadd.s32 @!p0 $0x88, s6;
	s7 =	simm.s32 @p2 $0x1082  }
0x22: {  	[simem:s7], [sflag:s8] =	dma.local @!p0 [hbm:s6], $0xF7A  }
0x23: {  	s9 =	sor.u32 $0xD0000000, s2;
	s6 =	simm.s32 $0x108;
	_ =	swait.ge @!p0 [sflag:s8], $0x0  }
0x24: {  	s3 =	sadd.s32 $0x88, s3;
	s6 =	simm.s32 @!p1 $0x1082;
	[sflag:s4] =	ssyncset.s32 $0xFFFFF086  }
0x25: {  	[simem:s6], [sflag:s4] =	dma.local [hbm:s3], $0xF7A  }
0x26: {  	[smem:$0x3F96] =	sst s1;
	(tag) =	ssettag s2;
	_ =	strace s9  }
0x27: {  	s1 =	sld [smem:$0x3FA6]  }
0x28: {  	s2 =	sld [smem:$0x3FA7]  }
0x29: {  	s4 =	sld [smem:$0x3FA9]  }
0x2a: {  	p0 =	seq.s32 s5, $0x0;
	s5 =	sld [smem:$0x3FAA]  }
0x2b: {  	s6 =	sld [smem:$0x3FAB]  }
0x2c: {  	s7 =	sld [smem:$0x3FAC]  }
0x2d: {  	s3 =	simm.s32 $0x108;
	s8 =	sld [smem:$0x3FAD]  }
0x2e: {  	s3 =	simm.s32 @!p0 $0x1082;
	s9 =	sld [smem:$0x3FAE]  }
0x2f: {  	lr =	sadd.s32 s0, s3;
	s0 =	sld [smem:$0x3FA5]  }
0x30: {  	s3 =	sld [smem:$0x3FA8]  }
0x31: {  	[smem:$0x3FB1] =	sst s10  }
0x32: {  	s10 =	sld [smem:$0x3FAF];
	_ =	sdelay $0x3  }
0x33: {  	p0 =	seq.s32 s10, $0x1;
	s10 =	sld [smem:$0x3FB1];
	_ =	sdelay $0x3  }
0x34: {  	[smem:$0x3FB1] =	sst s10  }
0x35: {  	s10 =	sld [smem:$0x3FB0];
	_ =	sdelay $0x3  }
0x36: {  	p1 =	seq.s32 s10, $0x1;
	s10 =	sld [smem:$0x3FB1];
	_ =	sdelay $0x3  }
0x37: {  	[smem:$0x3FB1] =	sst s10  }
0x38: {  	s10 =	sld [smem:$0x3FB2]  }
0x39: {  	_ = 	snop;
	(pc) =	sbr.ind lr, $3  }
0x3a: {  	_ = 	snop  }
0x3b: {  	_ = 	snop  }
0x3c: {  	p2 =	seq.s32 s10, $0x1;
	s10 =	sld [smem:$0x3FB1]  }
0x3d: {  	_ =	shalt  }
0x3e: {  	_ =	shalt  }
0x3f: {  	_ =	shalt  }
0x40: {  	_ =	shalt  }
0x41: {  	_ =	shalt  }
0x42: {  	_ =	shalt  }
0x43: {  	_ =	shalt  }
0x44: {  	_ =	shalt  }
0x45: {  	_ =	shalt  }
0x46: {  	_ =	shalt  }
0x47: {  	_ =	shalt  }
0x48: {  	_ =	shalt  }
0x49: {  	_ =	shalt  }
0x4a: {  	_ =	shalt  }
0x4b: {  	_ =	shalt  }
0x4c: {  	_ =	shalt  }
0x4d: {  	_ =	shalt  }
0x4e: {  	_ =	shalt  }
0x4f: {  	_ =	shalt  }
0x50: {  	_ =	shalt  }
0x51: {  	_ =	shalt  }
0x52: {  	_ =	shalt  }
0x53: {  	_ =	shalt  }
0x54: {  	_ =	shalt  }
0x55: {  	_ =	shalt  }
0x56: {  	_ =	shalt  }
0x57: {  	_ =	shalt  }
0x58: {  	_ =	shalt  }
0x59: {  	_ =	shalt  }
0x5a: {  	_ =	shalt  }
0x5b: {  	_ =	shalt  }
0x5c: {  	_ =	shalt  }
0x5d: {  	_ =	shalt  }
0x5e: {  	_ =	shalt  }
0x5f: {  	_ =	shalt  }
0x60: {  	_ =	shalt  }
0x61: {  	_ =	shalt  }
0x62: {  	_ =	shalt  }
0x63: {  	_ =	shalt  }
0x64: {  	_ =	shalt  }
0x65: {  	_ =	shalt  }
0x66: {  	_ =	shalt  }
0x67: {  	_ =	shalt  }
0x68: {  	_ =	shalt  }
0x69: {  	_ =	shalt  }
0x6a: {  	_ =	shalt  }
0x6b: {  	_ =	shalt  }
0x6c: {  	_ =	shalt  }
0x6d: {  	_ =	shalt  }
0x6e: {  	_ =	shalt  }
0x6f: {  	_ =	shalt  }
0x70: {  	_ =	shalt  }
0x71: {  	_ =	shalt  }
0x72: {  	_ =	shalt  }
0x73: {  	_ =	shalt  }
0x74: {  	_ =	shalt  }
0x75: {  	_ =	shalt  }
0x76: {  	_ =	shalt  }
0x77: {  	_ =	shalt  }
0x78: {  	_ =	shalt  }
0x79: {  	_ =	shalt  }
0x7a: {  	_ =	shalt  }
0x7b: {  	_ =	shalt  }
0x7c: {  	_ =	shalt  }
0x7d: {  	_ =	shalt  }
0x7e: {  	_ =	shalt  }
0x7f: {  	_ =	shalt  }
0x80: {  	_ =	shalt  }
0x81: {  	_ =	shalt  }
0x82: {  	_ =	shalt  }
0x83: {  	_ =	shalt  }
0x84: {  	_ =	shalt  }
0x85: {  	_ =	shalt  }
0x86: {  	_ =	shalt  }
0x87: {  	_ =	shalt  }
.Lfunc_end0:
.L_simem_size_0:
called_computation.3_lowered:
.L_overlay_start_0:
0x88: {  	s2 =	sld [smem:$0x3FD9]  }
0x89: {  	s3 =	sld [smem:$0x3FFE];
	_ =	sdelay $0x1  }
0x8a: {  	s1 =	srdreg.scid  }
0x8b: {  	s0 =	sand.u32 $0x1, s1  }
0x8c: {  	s16 =	sshll.u32 s0, $0xA;
	s2 =	sadd.s32 s3, s2  }
0x8d: {  	s2 =	sadd.s32 s2, s16  }
0x8e: {  	[smem:$0x3FBD] =	sst s2  }
0x8f: {  	_ = 	snop  }
0x90: {  	(tm) =	ssettm $0x1  }
0x91: {  	s17 =	sld [smem:$0x3FFB];
	_ =	sdelay $0x3  }
0x92: {  	_ =	strace s17  }
0x93: {  	s2 =	sld [smem:$0x3FFC];
	_ =	sdelay $0x3  }
0x94: {  	_ =	strace s2  }
0x95: {  	s2 =	sld [smem:$0x3FFD];
	_ =	sdelay $0x3  }
0x96: {  	_ =	strace s2  }
0x97: {  	_ =	strace $0x8FFFFFFF  }
0x98: {  	s18 =	sld [smem:$0x3FDB];
	_ =	sdelay $0x1  }
0x99: {  	s19 =	simm.s32 $_scs_section_size  }
0x9a: {  	s4 =	simm.s32 $_size__tile_overlayer_lowered;
	s5 =	simm.s32 $_tile_overlayer_lowered  }
0x9b: {  	s22 =	simm.s32 $0x1BFF;
	s21 =	sshll.u32 s5, $0x1;
	s2 =	sadd.s32 s19, s18  }
0x9c: {  	s6 =	simm.s32 $0x0;
	s20 =	sshll.u32 s4, $0x1;
	s4 =	sadd.s32 s21, s2  }
0x9d: {  	[timem:s6], [sflag:s22] =	dma.local [hbm:s4], s20  }
0x9e: {  	_ =	swait.ge [sflag:s22], s20  }
0x9f: {  	s3 =	ssub.s32 $0x0, s20;
	[sflag:s22] =	ssyncset.done $0x0  }
0xa0: {  	[sflag:s22] =	ssyncadd.s32 s3;
	_ =	sdelay $0x1  }
0xa1: {  	s23 =	simm.s32 $0x1B8B  }
0xa2: {  	_ =	swait.ge [sflag:s23], $0x1  }
0xa3: {  	[sflag:s23] =	ssyncset.done $0x0  }
0xa4: {  	s25 =	simm.s32 $0x1B8E;
	s24 =	sld [smem:$0x3FFE];
	[sflag:s23] =	ssyncadd.s32 $0xFFFFFFFF  }
0xa5: {  	s26 =	simm.s32 $execute0_lowered;
	[smem:$0x3FD2] =	sst s25  }
0xa6: {  	s4 =	sshll.u32 s26, $0x1;
	_ =	strace $0x80000046;
	[dreg:$0x1] =	wrdreg $0xFFFFFFFF  }
0xa7: {  	s28 =	simm.s32 $_size_execute0_lowered;
	s2 =	sadd.s32 s2, s4;
	[dreg:$0x0] =	wrdreg $0x0  }
0xa8: {  	s4 =	sshll.u32 s28, $0x1;
	[dreg:$0x2] =	wrdreg s2  }
0xa9: {  	[dreg:$0x3] =	wrdreg s4  }
0xaa: {  	[dreg:$0x4] =	wrdreg $0xC0  }
0xab: {  	_ =	task [dreg:s6], $0x5FFFF  }
0xac: {  	[dreg:$0x1] =	wrdreg $0xFFFFFFFF  }
0xad: {  	[dreg:$0x0] =	wrdreg $0x60  }
0xae: {  	[dreg:$0x2] =	wrdreg s24  }
0xaf: {  	[dreg:$0x3] =	wrdreg $0xC  }
0xb0: {  	_ =	task.clear_ibuf [dreg:s6], $0x4FFFF;
	_ =	strace $0x90000046  }
0xb1: {  	s29 =	simm.s32 $0xC;
	_ =	strace $0x80000048  }
0xb2: {  	_ =	swait.ge [sflag:s29], $0x1  }
0xb3: {  	[sflag:s29] =	ssyncadd.s32 $0xFFFFFFFF  }
0xb4: {  	_ =	strace $0x90000048  }
0xb5: {  	_ =	sfence  }
0xb6: {  	s30 =	sld [smem:$0x0];
	_ =	sdelay $0x2  }
0xb7: {  	s31 =	sshll.u32 s1, $0xD;
	s1 =	sshrl.u32 s1, $0x2  }
0xb8: {  	s3 =	sand.u32 $0x4000, s31;
	s1 =	sadd.s32 s1, s30  }
0xb9: {  	s0 =	sor.u32 s3, s0;
	s1 =	sshll.u32 s1, $0x11  }
0xba: {  	s0 =	sor.u32 s1, s0  }
0xbb: {  	s0 =	sadd.s32 $0x8F2B, s0  }
0xbc: {  	[sflag:s0] =	ssyncadd.remote.s32 $0x1  }
0xbd: {  	_ =	sfence.sel $0xFFFF  }
0xbe: {  	[dreg:$0x0] =	wrdreg $0xFFFFFFFF;
	(pc) =	sbr.abs _section_cstart, $3  }
0xbf: {  	[dreg:$0x1] =	wrdreg $0xFFFFFFFF  }
0xc0: {  	_ =	task.clear_ibuf [dreg:s6], $0x2FFFF;
	_ =	strace $0x9FFFFFFF  }
0xc1: {  	(tm) =	ssettm $0x7FFFFFFF  }
tec
execute0_lowered:
.L_overlay_start_1:
0x0: {  	(tag) =	ssettag $0x1  }
0x1: {  	s0 =	rddreg [dreg:$0x0];
	s1 =	simm.s32 $0x0  }
0x2: {  	s2 =	srdreg.scid;
	s13 =	stileid.u32;
	s28 =	simm.s32 $0xC200  }
0x3: {  	s29 =	simm.s32 $0x2;
	s30 =	simm.s32 $0x6;
	s31 =	simm.s32 $0x3  }
0x4: {  	[smem:$0x7FF] =	sst s1;
	s3 =	sadd.s32 $0x1D400, s0;
	s4 =	sadd.s32 $0x44600, s0  }
0x5: {  	s5 =	sadd.s32 $0xF400, s0;
	s6 =	sadd.s32 $0xD400, s0;
	s2 =	sand.u32 $0x1, s2  }
0x6: {  	s7 =	sshll.u32 s13, $0x1;
	s8 =	sadd.s32 $0x6B800, s0;
	s10 =	sadd.s32 $0x166000, s0  }
0x7: {  	s17 =	sadd.s32 $0x165800, s0;
	s19 =	sadd.s32 $0x260000, s0;
	s25 =	sshll.u32 s13, $0x5  }
0x8: {  	_ =	strace $0x80000047;
	s9 =	ssub.s32 $0x2, s2;
	[dreg:$0xa] =	wrdreg s17  }
0x9: {  	s7 =	sor.u32 s2, s7;
	[dreg:$0xb] =	wrdreg s19;
	s11 =	sshrl.u32 s9, $0x1  }
0xa: {  	s12 =	sshll.u32 s7, $0x4;
	s16 =	sshll.u32 s7, $0xB;
	s9 =	ssub.s32 s9, s11  }
0xb: {  	s26 =	sadd.s32 s5, s12;
	s14 =	sor.u32 $0x200, s12;
	s12 =	sadd.s32 s6, s12  }
0xc: {  	s18 =	sor.u32 $0xE0000, s16;
	s16 =	sshll.u32 s13, $0xC;
	[dreg:$0x6] =	wrdreg s26  }
0xd: {  	[dreg:$0x7] =	wrdreg s12;
	s15 =	sadd.s32 s5, s14;
	s11 =	sadd.s32 s6, s14  }
0xe: {  	s20 =	sadd.s32 s8, s18;
	s17 =	sadd.s32 s16, s8;
	[dreg:$0x8] =	wrdreg s15  }
0xf: {  	s23 =	sadd.s32 s16, s10;
	s26 =	sadd.s32 $0xD800, s0;
	[dreg:$0x9] =	wrdreg s11  }
0x10: {  	s0 =	sadd.s32 $0xF800, s0;
	[dreg:$0xc] =	wrdreg s20;
	s15 =	smin.u32 s7, $0x14  }
0x11: {  	s11 =	sadd.s32 s10, s18;
	s18 =	sshll.u32 s2, $0xB;
	[dreg:$0x4] =	wrdreg s26  }
0x12: {  	s2 =	sshll.u32 s2, $0x4;
	[dreg:$0x5] =	wrdreg s0;
	s20 =	simm.s32 $0x100  }
0x13: {  	s26 =	simm.s32 $0x4200;
	s0 =	simm.s32 $0x5;
	[dreg:$0xd] =	wrdreg s11  }
0x14: {  	s21 =	sshll.u32 s15, $0xB;
	s22 =	sadd.s32 s18, s17;
	s24 =	sadd.s32 s18, s23  }
0x15: {  	s17 =	smax.u32 s9, $0x1;
	s9 =	sor.u32 $0x60, s7;
	s23 =	simm.s32 $0x1  }
0x16: {  	s7 =	simm.s32 $0x0;
	s11 =	sor.u32 $0xF0000, s21;
	[dreg:$0x2] =	wrdreg s22  }
0x17: {  	[dreg:$0x3] =	wrdreg s24;
	s21 =	simm.s32 $0x80;
	s22 =	simm.s32 $0x180  }
0x18: {  	s24 =	simm.s32 $0x200;
	s15 =	sadd.s32 s8, s11;
	s16 =	sadd.s32 s10, s11  }
0x19: {  	s10 =	sor.u32 s2, s25;
	s25 =	simm.s32 $0x8200;
	s2 =	simm.s32 $0x4  }
.LBB2_1:
0x1a: {  	s8 =	rddreg [dreg:$0x6]  }
0x1b: {  	[tilespmem:s1], [sflag:$0x1] =	stream.linear.gather [hbm4b:s8+s1], $0x80, $0x38;
	[tilespmem:$0x10200] =	vst v63  }
0x1c: {  	s14 =	rddreg [dreg:$0x7]  }
0x1d: {  	[tilespmem:s20], [sflag:$0x1] =	stream.linear.gather [hbm4b:s14+s1], $0x80, $0x38;
	[tilespmem:$0x10200] =	vst v63  }
0x1e: {  	s18 =	rddreg [dreg:$0x8]  }
0x1f: {  	[tilespmem:s21], [sflag:$0x2] =	stream.linear.gather [hbm4b:s18+s1], $0x80, $0x38;
	[tilespmem:$0x10200] =	vst v63  }
0x20: {  	s19 =	rddreg [dreg:$0x9]  }
0x21: {  	[tilespmem:s22], [sflag:$0x2] =	stream.linear.gather [hbm4b:s19+s1], $0x80, $0x38;
	[tilespmem:$0x10200] =	vst v63  }
0x22: {  	_ =	swait.ge [sflag:s23], $0x80  }
0x23: {  	[sflag:s23] =	ssyncset.done $0x0  }
0x24: {  	[sflag:s23] =	ssyncadd.s32 $0xFFFFFF80  }
0x25: {  	_ =	swait.ge [sflag:s23], $0x80  }
0x26: {  	[sflag:s23] =	ssyncset.done $0x0  }
0x27: {  	[sflag:s23] =	ssyncadd.s32 $0xFFFFFF80  }
0x28: {  	[tilespmem:s24], [sflag:$0x3] =	stream.indirect.gather [hbm4b:s3+s21], $0x80, s1, s21, $0xb8;
	[tilespmem:$0x10200] =	vst v63  }
0x29: {  	_ = 	snop  }
0x2a: {  	[tilespmem:s25], [sflag:$0x3] =	stream.indirect.gather [hbm4b:s4+s21], $0x80, s20, s21, $0xb8;
	[tilespmem:$0x10200] =	vst v63  }
0x2b: {  	s11 =	rddreg [dreg:$0xa]  }
0x2c: {  	[hbm4b:s11+s1] =	stream.linear.scatter [tilespmem:s26], [sflag:$0x6], $0x4000, $0x38;
	[tilespmem:$0x10200] =	vst v63  }
0x2d: {  	s12 =	rddreg [dreg:$0xb]  }
0x2e: {  	[hbm4b:s12+s1] =	stream.linear.scatter [tilespmem:s28], [sflag:$0x6], $0x4000, $0x38;
	[tilespmem:$0x10200] =	vst v63  }
0x2f: {  	_ =	swait.ge [sflag:s29], $0x80  }
0x30: {  	[sflag:s29] =	ssyncset.done $0x0  }
0x31: {  	[sflag:s29] =	ssyncadd.s32 $0xFFFFFF80  }
0x32: {  	_ =	swait.ge [sflag:s29], $0x80  }
0x33: {  	[sflag:s29] =	ssyncset.done $0x0  }
0x34: {  	[sflag:s29] =	ssyncadd.s32 $0xFFFFFF80  }
0x35: {  	_ =	swait.ge [sflag:s30], $0x4000  }
0x36: {  	[sflag:s30] =	ssyncset.done $0x0  }
0x37: {  	[sflag:s30] =	ssyncadd.s32 $0xFFFFC000  }
0x38: {  	_ =	swait.ge [sflag:s30], $0x4000  }
0x39: {  	[sflag:s30] =	ssyncset.done $0x0  }
0x3a: {  	[sflag:s30] =	ssyncadd.s32 $0xFFFFC000  }
0x3b: {  	[tilespmem:s26], [sflag:$0x4] =	stream.indirect.gather [hbm4b:s3+s21], $0x80, s21, s21, $0xb8;
	[tilespmem:$0x10200] =	vst v63  }
0x3c: {  	_ = 	snop  }
0x3d: {  	[tilespmem:s28], [sflag:$0x4] =	stream.indirect.gather [hbm4b:s4+s21], $0x80, s22, s21, $0xb8;
	[tilespmem:$0x10200] =	vst v63  }
0x3e: {  	_ =	swait.ge [sflag:s31], $0x4000  }
0x3f: {  	[sflag:s31] =	ssyncset.done $0x0  }
0x40: {  	[sflag:s31] =	ssyncadd.s32 $0xFFFFC000  }
0x41: {  	_ =	swait.ge [sflag:s31], $0x4000  }
0x42: {  	s13 =	rddreg [dreg:$0x2];
	[sflag:s31] =	ssyncset.done $0x0  }
0x43: {  	s11 =	rddreg [dreg:$0x3];
	[sflag:s31] =	ssyncadd.s32 $0xFFFFC000;
	s8 =	sadd.s32 $0x0, s13  }
0x44: {  	[hbm4b:s8+s1] =	stream.linear.scatter [tilespmem:s24], [sflag:$0x5], $0x4000, $0x38;
	[tilespmem:$0x10200] =	vst v63  }
0x45: {  	s18 =	rddreg [dreg:$0x5];
	s11 =	sadd.s32 $0x0, s11  }
0x46: {  	[hbm4b:s11+s1] =	stream.linear.scatter [tilespmem:s25], [sflag:$0x5], $0x4000, $0x38;
	[tilespmem:$0x10200] =	vst v63  }
0x47: {  	s19 =	rddreg [dreg:$0x4];
	s18 =	sadd.s32 s10, s18  }
0x48: {  	[tilespmem:s1], [sflag:$0x1] =	stream.linear.gather [hbm4b:s18+s1], $0x80, $0x38;
	[tilespmem:$0x10200] =	vst v63  }
0x49: {  	s14 =	sadd.s32 s10, s19  }
0x4a: {  	[tilespmem:s20], [sflag:$0x1] =	stream.linear.gather [hbm4b:s14+s1], $0x80, $0x38;
	[tilespmem:$0x10200] =	vst v63  }
0x4b: {  	_ =	swait.ge [sflag:s23], $0x80  }
0x4c: {  	[sflag:s23] =	ssyncset.done $0x0  }
0x4d: {  	[sflag:s23] =	ssyncadd.s32 $0xFFFFFF80  }
0x4e: {  	_ =	swait.ge [sflag:s23], $0x80  }
0x4f: {  	[sflag:s23] =	ssyncset.done $0x0  }
0x50: {  	[sflag:s23] =	ssyncadd.s32 $0xFFFFFF80  }
0x51: {  	_ =	swait.ge [sflag:s0], $0x4000  }
0x52: {  	[sflag:s0] =	ssyncset.done $0x0  }
0x53: {  	[sflag:s0] =	ssyncadd.s32 $0xFFFFC000  }
0x54: {  	_ =	swait.ge [sflag:s0], $0x4000  }
0x55: {  	[sflag:s0] =	ssyncset.done $0x0  }
0x56: {  	[sflag:s0] =	ssyncadd.s32 $0xFFFFC000  }
0x57: {  	[tilespmem:s24], [sflag:$0x3] =	stream.indirect.gather [hbm4b:s3+s21], $0x80, s1, s21, $0xb8;
	[tilespmem:$0x10200] =	vst v63  }
0x58: {  	_ = 	snop  }
0x59: {  	[tilespmem:s25], [sflag:$0x3] =	stream.indirect.gather [hbm4b:s4+s21], $0x80, s20, s21, $0xb8;
	[tilespmem:$0x10200] =	vst v63  }
0x5a: {  	_ =	swait.ge [sflag:s2], $0x4000  }
0x5b: {  	[sflag:s2] =	ssyncset.done $0x0  }
0x5c: {  	[sflag:s2] =	ssyncadd.s32 $0xFFFFC000  }
0x5d: {  	_ =	swait.ge [sflag:s2], $0x4000  }
0x5e: {  	p0 =	slt.u32 s9, $0x1F4;
	s8 =	sadd.s32 $0x10000, s8;
	[sflag:s2] =	ssyncset.done $0x0  }
0x5f: {  	s18 =	sadd.s32 $0x10000, s11;
	s11 =	sadd.s32 $0x600, s10;
	[sflag:s2] =	ssyncadd.s32 $0xFFFFC000  }
0x60: {  	[hbm4b:s8+s1] =	stream.linear.scatter [tilespmem:s26], [sflag:$0x6], $0x4000, $0x38;
	[tilespmem:$0x10200] =	vst v63  }
0x61: {  	s11 =	simm.s32 @!p0 $0x0  }
0x62: {  	[hbm4b:s18+s1] =	stream.linear.scatter [tilespmem:s28], [sflag:$0x6], $0x4000, $0x38;
	[tilespmem:$0x10200] =	vst v63  }
0x63: {  	s19 =	sadd.s32 s5, s11;
	s11 =	sadd.s32 s6, s11  }
0x64: {  	[tilespmem:s21], [sflag:$0x2] =	stream.linear.gather [hbm4b:s19+s1], $0x80, $0x38;
	[tilespmem:$0x10200] =	vst v63  }
0x65: {  	s8 =	simm.s32 $0x20000;
	s18 =	smov.u32 s9;
	s19 =	smov.u32 s10  }
.LBB2_2:
0x66: {  	[tilespmem:s22], [sflag:$0x2] =	stream.linear.gather [hbm4b:s11+s1], $0x80, $0x38;
	[tilespmem:$0x10200] =	vst v63  }
0x67: {  	_ =	swait.ge [sflag:s29], $0x80  }
0x68: {  	[sflag:s29] =	ssyncset.done $0x0  }
0x69: {  	[sflag:s29] =	ssyncadd.s32 $0xFFFFFF80  }
0x6a: {  	_ =	swait.ge [sflag:s29], $0x80  }
0x6b: {  	[sflag:s29] =	ssyncset.done $0x0  }
0x6c: {  	[sflag:s29] =	ssyncadd.s32 $0xFFFFFF80  }
0x6d: {  	_ =	swait.ge [sflag:s30], $0x4000  }
0x6e: {  	[sflag:s30] =	ssyncset.done $0x0  }
0x6f: {  	[sflag:s30] =	ssyncadd.s32 $0xFFFFC000  }
0x70: {  	_ =	swait.ge [sflag:s30], $0x4000  }
0x71: {  	[sflag:s30] =	ssyncset.done $0x0  }
0x72: {  	[sflag:s30] =	ssyncadd.s32 $0xFFFFC000  }
0x73: {  	[tilespmem:s26], [sflag:$0x4] =	stream.indirect.gather [hbm4b:s3+s21], $0x80, s21, s21, $0xb8;
	[tilespmem:$0x10200] =	vst v63  }
0x74: {  	_ = 	snop  }
0x75: {  	[tilespmem:s28], [sflag:$0x4] =	stream.indirect.gather [hbm4b:s4+s21], $0x80, s22, s21, $0xb8;
	[tilespmem:$0x10200] =	vst v63  }
0x76: {  	_ =	swait.ge [sflag:s31], $0x4000  }
0x77: {  	[sflag:s31] =	ssyncset.done $0x0  }
0x78: {  	[sflag:s31] =	ssyncadd.s32 $0xFFFFC000  }
0x79: {  	_ =	swait.ge [sflag:s31], $0x4000  }
0x7a: {  	s11 =	smov.u32 s8;
	s12 =	rddreg [dreg:$0x2];
	[sflag:s31] =	ssyncset.done $0x0  }
0x7b: {  	s13 =	rddreg [dreg:$0x3];
	[sflag:s31] =	ssyncadd.s32 $0xFFFFC000;
	s12 =	sadd.s32 s11, s12  }
0x7c: {  	[hbm4b:s12+s1] =	stream.linear.scatter [tilespmem:s24], [sflag:$0x5], $0x4000, $0x38;
	[tilespmem:$0x10200] =	vst v63  }
0x7d: {  	s19 =	sadd.s32 $0x400, s19;
	s14 =	rddreg [dreg:$0x5];
	s11 =	sadd.s32 s11, s13  }
0x7e: {  	[hbm4b:s11+s1] =	stream.linear.scatter [tilespmem:s25], [sflag:$0x5], $0x4000, $0x38;
	[tilespmem:$0x10200] =	vst v63  }
0x7f: {  	s13 =	rddreg [dreg:$0x4];
	s14 =	sadd.s32 s19, s14  }
0x80: {  	[tilespmem:s1], [sflag:$0x1] =	stream.linear.gather [hbm4b:s14+s1], $0x80, $0x38;
	[tilespmem:$0x10200] =	vst v63  }
0x81: {  	s13 =	sadd.s32 s19, s13  }
0x82: {  	[tilespmem:s20], [sflag:$0x1] =	stream.linear.gather [hbm4b:s13+s1], $0x80, $0x38;
	[tilespmem:$0x10200] =	vst v63  }
0x83: {  	_ =	swait.ge [sflag:s23], $0x80  }
0x84: {  	[sflag:s23] =	ssyncset.done $0x0  }
0x85: {  	[sflag:s23] =	ssyncadd.s32 $0xFFFFFF80  }
0x86: {  	_ =	swait.ge [sflag:s23], $0x80  }
0x87: {  	[sflag:s23] =	ssyncset.done $0x0  }
0x88: {  	[sflag:s23] =	ssyncadd.s32 $0xFFFFFF80  }
0x89: {  	_ =	swait.ge [sflag:s0], $0x4000  }
0x8a: {  	[sflag:s0] =	ssyncset.done $0x0  }
0x8b: {  	[sflag:s0] =	ssyncadd.s32 $0xFFFFC000  }
0x8c: {  	_ =	swait.ge [sflag:s0], $0x4000  }
0x8d: {  	[sflag:s0] =	ssyncset.done $0x0  }
0x8e: {  	[sflag:s0] =	ssyncadd.s32 $0xFFFFC000  }
0x8f: {  	[tilespmem:s24], [sflag:$0x3] =	stream.indirect.gather [hbm4b:s3+s21], $0x80, s1, s21, $0xb8;
	[tilespmem:$0x10200] =	vst v63  }
0x90: {  	_ = 	snop  }
0x91: {  	[tilespmem:s25], [sflag:$0x3] =	stream.indirect.gather [hbm4b:s4+s21], $0x80, s20, s21, $0xb8;
	[tilespmem:$0x10200] =	vst v63  }
0x92: {  	_ =	swait.ge [sflag:s2], $0x4000  }
0x93: {  	[sflag:s2] =	ssyncset.done $0x0  }
0x94: {  	[sflag:s2] =	ssyncadd.s32 $0xFFFFC000  }
0x95: {  	_ =	swait.ge [sflag:s2], $0x4000  }
0x96: {  	p0 =	sne.s32 s8, $0xC0000;
	[sflag:s2] =	ssyncset.done $0x0  }
0x97: {  	s18 =	sadd.s32 $0x40, s18;
	s12 =	sadd.s32 $0x10000, s12;
	[sflag:s2] =	ssyncadd.s32 $0xFFFFC000  }
0x98: {  	[hbm4b:s12+s1] =	stream.linear.scatter [tilespmem:s26], [sflag:$0x6], $0x4000, $0x38;
	[tilespmem:$0x10200] =	vst v63  }
.Ltmp0:
0x99: {  	p1 =	slt.u32 s18, $0x1F4;
	s12 =	sadd.s32 $0x600, s19;
	(pc) =	sbr.rel @p0 .LBB2_2-.Ltmp0, $4  }
0x9a: {  	s11 =	sadd.s32 $0x10000, s11;
	s12 =	simm.s32 @!p1 $0x0  }
0x9b: {  	[hbm4b:s11+s1] =	stream.linear.scatter [tilespmem:s28], [sflag:$0x6], $0x4000, $0x38;
	[tilespmem:$0x10200] =	vst v63  }
0x9c: {  	s8 =	sadd.s32 $0x20000, s8;
	s14 =	sadd.s32 s5, s12;
	s11 =	sadd.s32 s6, s12  }
0x9d: {  	[tilespmem:s21], [sflag:$0x2] =	stream.linear.gather [hbm4b:s14+s1], $0x80, $0x38;
	[tilespmem:$0x10200] =	vst v63  }
0x9e: {  	[tilespmem:s22], [sflag:$0x2] =	stream.linear.gather [hbm4b:s11+s1], $0x80, $0x38;
	[tilespmem:$0x10200] =	vst v63  }
0x9f: {  	_ =	swait.ge [sflag:s29], $0x80  }
0xa0: {  	[sflag:s29] =	ssyncset.done $0x0  }
0xa1: {  	[sflag:s29] =	ssyncadd.s32 $0xFFFFFF80  }
0xa2: {  	_ =	swait.ge [sflag:s29], $0x80  }
0xa3: {  	[sflag:s29] =	ssyncset.done $0x0  }
0xa4: {  	[sflag:s29] =	ssyncadd.s32 $0xFFFFFF80  }
0xa5: {  	_ =	swait.ge [sflag:s30], $0x4000  }
0xa6: {  	[sflag:s30] =	ssyncset.done $0x0  }
0xa7: {  	[sflag:s30] =	ssyncadd.s32 $0xFFFFC000  }
0xa8: {  	_ =	swait.ge [sflag:s30], $0x4000  }
0xa9: {  	[sflag:s30] =	ssyncset.done $0x0  }
0xaa: {  	[sflag:s30] =	ssyncadd.s32 $0xFFFFC000  }
0xab: {  	[tilespmem:s26], [sflag:$0x4] =	stream.indirect.gather [hbm4b:s3+s21], $0x80, s21, s21, $0xb8;
	[tilespmem:$0x10200] =	vst v63  }
0xac: {  	_ = 	snop  }
0xad: {  	[tilespmem:s28], [sflag:$0x4] =	stream.indirect.gather [hbm4b:s4+s21], $0x80, s22, s21, $0xb8;
	[tilespmem:$0x10200] =	vst v63  }
0xae: {  	_ =	swait.ge [sflag:s31], $0x4000  }
0xaf: {  	[sflag:s31] =	ssyncset.done $0x0  }
0xb0: {  	[sflag:s31] =	ssyncadd.s32 $0xFFFFC000  }
0xb1: {  	_ =	swait.ge [sflag:s31], $0x4000  }
0xb2: {  	[sflag:s31] =	ssyncset.done $0x0  }
0xb3: {  	s8 =	rddreg [dreg:$0xc];
	[sflag:s31] =	ssyncadd.s32 $0xFFFFC000  }
0xb4: {  	[hbm4b:s8+s1] =	stream.linear.scatter [tilespmem:s24], [sflag:$0x5], $0x4000, $0x38;
	[tilespmem:$0x10200] =	vst v63  }
0xb5: {  	s19 =	rddreg [dreg:$0xd]  }
0xb6: {  	[hbm4b:s19+s1] =	stream.linear.scatter [tilespmem:s25], [sflag:$0x5], $0x4000, $0x38;
	[tilespmem:$0x10200] =	vst v63  }
0xb7: {  	_ =	swait.ge [sflag:s2], $0x4000  }
0xb8: {  	[sflag:s2] =	ssyncset.done $0x0  }
0xb9: {  	[sflag:s2] =	ssyncadd.s32 $0xFFFFC000  }
0xba: {  	_ =	swait.ge [sflag:s2], $0x4000  }
0xbb: {  	[sflag:s2] =	ssyncset.done $0x0  }
0xbc: {  	[sflag:s2] =	ssyncadd.s32 $0xFFFFC000  }
0xbd: {  	_ =	swait.ge [sflag:s0], $0x4000  }
0xbe: {  	[sflag:s0] =	ssyncset.done $0x0  }
0xbf: {  	[sflag:s0] =	ssyncadd.s32 $0xFFFFC000  }
0xc0: {  	_ =	swait.ge [sflag:s0], $0x4000  }
0xc1: {  	[sflag:s0] =	ssyncset.done $0x0  }
0xc2: {  	[sflag:s0] =	ssyncadd.s32 $0xFFFFC000  }
0xc3: {  	[hbm4b:s15+s1] =	stream.linear.scatter [tilespmem:s26], [sflag:$0x6], $0x4000, $0x38;
	[tilespmem:$0x10200] =	vst v63  }
0xc4: {  	s7 =	sadd.s32 $0x1, s7  }
0xc5: {  	[hbm4b:s16+s1] =	stream.linear.scatter [tilespmem:s28], [sflag:$0x6], $0x4000, $0x38;
	[tilespmem:$0x10200] =	vst v63  }
0xc6: {  	p0 =	sne.s32 s7, s17;
	_ =	swait.ge [sflag:s30], $0x4000  }
.Ltmp1:
0xc7: {  	[sflag:s30] =	ssyncset.done $0x0;
	(pc) =	sbr.rel @p0 .LBB2_1-.Ltmp1, $4  }
0xc8: {  	[sflag:s30] =	ssyncadd.s32 $0xFFFFC000  }
0xc9: {  	_ =	swait.ge [sflag:s30], $0x4000  }
0xca: {  	[sflag:s30] =	ssyncset.done $0x0  }
0xcb: {  	[sflag:s30] =	ssyncadd.s32 $0xFFFFC000  }
0xcc: {  	_ =	sfence.sel $0x180000  }
0xcd: {  	[bflag:$0x0] =	sbarrier.arrive $0xFFFF  }
0xce: {  	_ =	strace $0x90000047  }
0xcf: {  	s0 =	stileid.u32;
	[bflag:$0x2] =	sbarrier.arrive $0xFFFF  }
0xd0: {  	p0 =	sne.s32 s0, $0x0;
	s0 =	rddreg [dreg:$0x1]  }
0xd1: {  	s0 =	sadd.s32 @!p0 $0x100000, s0  }
0xd2: {  	[sflag:s0] =	ssyncadd.tile.s32 @!p0 $0x1;
	_ =	shalt  }
.Lfunc_end2:
_tile_overlayer_lowered:
.L_overlay_start_2:
0xd3: {  	(tag) =	ssettag $0x2  }
0xd4: {  	s0 =	rddreg [dreg:$0x0];
	s2 =	stileid.u32  }
0xd5: {  	s1 =	rddreg [dreg:$0x1];
	p0 =	sne.s32 s2, $0x0  }
0xd6: {  	s3 =	rddreg [dreg:$0x2];
	[bflag:$0x3] =	sbarrier.arrive $0xFFFF;
	s2 =	simm.s32 @!p0 $0x1C07  }
0xd7: {  	[timem:s3], [sflag:s2] =	dma.local @!p0 [hbm:s0], s1  }
0xd8: {  	s0 =	simm.s32 @!p0 $0x7  }
0xd9: {  	_ =	swait.ge @!p0 [sflag:s0], s1  }
0xda: {  	s1 =	ssub.s32 @!p0 $0x0, s1;
	[sflag:s0] =	ssyncset.done @!p0 $0x0  }
0xdb: {  	[sflag:s0] =	ssyncadd.s32 @!p0 s1  }
0xdc: {  	[bflag:$0x3] =	sbarrier.arrive $0xFFFF  }
0xdd: {  	_ =	shalt  }

// kernel: kernel.27.cloned.1.call-start
scs
__scs_entry_jumppad:
0x0: {  	(pc) =	sbr.rel $0x88, $3  }
0x1: {  	(tag) =	ssettag $0x0;
	lr =	simm.s32 $0x1  }
0x2: {  	[smem:$0x3F96] =	sst lr;
	_ =	strace $0xD0000000  }
0x3: {  	_ = 	snop  }
0x4: {  	_ = 	snop  }
0x5: {  	_ = 	snop  }
0x6: {  	_ = 	snop  }
0x7: {  	_ = 	snop  }
__scs_overlays_trampoline_lowered:
0x8: {  	[smem:$0x3FA5] =	sst s0  }
0x9: {  	[smem:$0x3FA6] =	sst s1  }
0xa: {  	[smem:$0x3FA7] =	sst s2  }
0xb: {  	[smem:$0x3FA8] =	sst s3  }
0xc: {  	[smem:$0x3FA9] =	sst s4  }
0xd: {  	[smem:$0x3FAA] =	sst s5  }
0xe: {  	[smem:$0x3FAB] =	sst s6  }
0xf: {  	[smem:$0x3FAC] =	sst s7  }
0x10: {  	[smem:$0x3FAD] =	sst s8  }
0x11: {  	[smem:$0x3FAE] =	sst s9;
	s0 =	simm.s32 @!p0 $0x0  }
0x12: {  	s1 =	sld [smem:$0x3F94];
	s0 =	simm.s32 @p0 $0x1  }
0x13: {  	[smem:$0x3FAF] =	sst s0;
	s0 =	simm.s32 @!p1 $0x0  }
0x14: {  	s2 =	sld [smem:$0x3F93];
	s0 =	simm.s32 @p1 $0x1  }
0x15: {  	[smem:$0x3FB0] =	sst s0;
	s0 =	simm.s32 @!p2 $0x0  }
0x16: {  	s3 =	sld [smem:$0x3FDB];
	s0 =	simm.s32 @p2 $0x1  }
0x17: {  	s4 =	simm.s32 $0x1BF5;
	[smem:$0x3FB2] =	sst s0  }
0x18: {  	s0 =	sld [smem:$0x3F95];
	_ =	swait.ge [sflag:s4], $0x0  }
0x19: {  	s7 =	sld [smem:$0x3F96]  }
0x1a: {  	s8 =	sadd.s32 $0xFFFFE003, lr  }
0x1b: {  	s9 =	sadd.s32 $0xFFFFFEF7, lr;
	s5 =	simm.s32 $0xFFFFFFFF;
	p2 =	slt.u32 s8, $0xFFFFF086  }
0x1c: {  	p1 =	slt.u32 s9, $0xF7A;
	s5 =	simm.s32 @!p2 $0x0  }
0x1d: {  	s5 =	simm.s32 @p1 $0x1;
	p0 =	seq.s32 s7, s2  }
0x1e: {  	s7 =	smul.u32 @!p0 $0xF7A, s2;
	p2 =	seq.s32 @!p0 s5, $0x0  }
0x1f: {  	s9 =	smul.u32 $0xF7A, s1;
	s8 =	simm.s32 @!p0 $0x1BF5;
	p2 =	por !p2, p0  }
0x20: {  	[sflag:s8] =	ssyncset.s32 @!p0 $0xFFFFF086;
	s6 =	sadd.s32 @!p0 s3, s7;
	s7 =	simm.s32 @!p0 $0x108  }
0x21: {  	s3 =	sadd.s32 s3, s9;
	s6 =	sadd.s32 @!p0 $0x88, s6;
	s7 =	simm.s32 @p2 $0x1082  }
0x22: {  	[simem:s7], [sflag:s8] =	dma.local @!p0 [hbm:s6], $0xF7A  }
0x23: {  	s9 =	sor.u32 $0xD0000000, s2;
	s6 =	simm.s32 $0x108;
	_ =	swait.ge @!p0 [sflag:s8], $0x0  }
0x24: {  	s3 =	sadd.s32 $0x88, s3;
	s6 =	simm.s32 @!p1 $0x1082;
	[sflag:s4] =	ssyncset.s32 $0xFFFFF086  }
0x25: {  	[simem:s6], [sflag:s4] =	dma.local [hbm:s3], $0xF7A  }
0x26: {  	[smem:$0x3F96] =	sst s1;
	(tag) =	ssettag s2;
	_ =	strace s9  }
0x27: {  	s1 =	sld [smem:$0x3FA6]  }
0x28: {  	s2 =	sld [smem:$0x3FA7]  }
0x29: {  	s4 =	sld [smem:$0x3FA9]  }
0x2a: {  	p0 =	seq.s32 s5, $0x0;
	s5 =	sld [smem:$0x3FAA]  }
0x2b: {  	s6 =	sld [smem:$0x3FAB]  }
0x2c: {  	s7 =	sld [smem:$0x3FAC]  }
0x2d: {  	s3 =	simm.s32 $0x108;
	s8 =	sld [smem:$0x3FAD]  }
0x2e: {  	s3 =	simm.s32 @!p0 $0x1082;
	s9 =	sld [smem:$0x3FAE]  }
0x2f: {  	lr =	sadd.s32 s0, s3;
	s0 =	sld [smem:$0x3FA5]  }
0x30: {  	s3 =	sld [smem:$0x3FA8]  }
0x31: {  	[smem:$0x3FB1] =	sst s10  }
0x32: {  	s10 =	sld [smem:$0x3FAF];
	_ =	sdelay $0x3  }
0x33: {  	p0 =	seq.s32 s10, $0x1;
	s10 =	sld [smem:$0x3FB1];
	_ =	sdelay $0x3  }
0x34: {  	[smem:$0x3FB1] =	sst s10  }
0x35: {  	s10 =	sld [smem:$0x3FB0];
	_ =	sdelay $0x3  }
0x36: {  	p1 =	seq.s32 s10, $0x1;
	s10 =	sld [smem:$0x3FB1];
	_ =	sdelay $0x3  }
0x37: {  	[smem:$0x3FB1] =	sst s10  }
0x38: {  	s10 =	sld [smem:$0x3FB2]  }
0x39: {  	_ = 	snop;
	(pc) =	sbr.ind lr, $3  }
0x3a: {  	_ = 	snop  }
0x3b: {  	_ = 	snop  }
0x3c: {  	p2 =	seq.s32 s10, $0x1;
	s10 =	sld [smem:$0x3FB1]  }
0x3d: {  	_ =	shalt  }
0x3e: {  	_ =	shalt  }
0x3f: {  	_ =	shalt  }
0x40: {  	_ =	shalt  }
0x41: {  	_ =	shalt  }
0x42: {  	_ =	shalt  }
0x43: {  	_ =	shalt  }
0x44: {  	_ =	shalt  }
0x45: {  	_ =	shalt  }
0x46: {  	_ =	shalt  }
0x47: {  	_ =	shalt  }
0x48: {  	_ =	shalt  }
0x49: {  	_ =	shalt  }
0x4a: {  	_ =	shalt  }
0x4b: {  	_ =	shalt  }
0x4c: {  	_ =	shalt  }
0x4d: {  	_ =	shalt  }
0x4e: {  	_ =	shalt  }
0x4f: {  	_ =	shalt  }
0x50: {  	_ =	shalt  }
0x51: {  	_ =	shalt  }
0x52: {  	_ =	shalt  }
0x53: {  	_ =	shalt  }
0x54: {  	_ =	shalt  }
0x55: {  	_ =	shalt  }
0x56: {  	_ =	shalt  }
0x57: {  	_ =	shalt  }
0x58: {  	_ =	shalt  }
0x59: {  	_ =	shalt  }
0x5a: {  	_ =	shalt  }
0x5b: {  	_ =	shalt  }
0x5c: {  	_ =	shalt  }
0x5d: {  	_ =	shalt  }
0x5e: {  	_ =	shalt  }
0x5f: {  	_ =	shalt  }
0x60: {  	_ =	shalt  }
0x61: {  	_ =	shalt  }
0x62: {  	_ =	shalt  }
0x63: {  	_ =	shalt  }
0x64: {  	_ =	shalt  }
0x65: {  	_ =	shalt  }
0x66: {  	_ =	shalt  }
0x67: {  	_ =	shalt  }
0x68: {  	_ =	shalt  }
0x69: {  	_ =	shalt  }
0x6a: {  	_ =	shalt  }
0x6b: {  	_ =	shalt  }
0x6c: {  	_ =	shalt  }
0x6d: {  	_ =	shalt  }
0x6e: {  	_ =	shalt  }
0x6f: {  	_ =	shalt  }
0x70: {  	_ =	shalt  }
0x71: {  	_ =	shalt  }
0x72: {  	_ =	shalt  }
0x73: {  	_ =	shalt  }
0x74: {  	_ =	shalt  }
0x75: {  	_ =	shalt  }
0x76: {  	_ =	shalt  }
0x77: {  	_ =	shalt  }
0x78: {  	_ =	shalt  }
0x79: {  	_ =	shalt  }
0x7a: {  	_ =	shalt  }
0x7b: {  	_ =	shalt  }
0x7c: {  	_ =	shalt  }
0x7d: {  	_ =	shalt  }
0x7e: {  	_ =	shalt  }
0x7f: {  	_ =	shalt  }
0x80: {  	_ =	shalt  }
0x81: {  	_ =	shalt  }
0x82: {  	_ =	shalt  }
0x83: {  	_ =	shalt  }
0x84: {  	_ =	shalt  }
0x85: {  	_ =	shalt  }
0x86: {  	_ =	shalt  }
0x87: {  	_ =	shalt  }
.Lfunc_end0:
.L_simem_size_0:
called_computation.4_lowered:
.L_overlay_start_0:
0x88: {  	s2 =	sld [smem:$0x3FD9]  }
0x89: {  	s3 =	sld [smem:$0x3FFE];
	_ =	sdelay $0x1  }
0x8a: {  	s1 =	srdreg.scid  }
0x8b: {  	s0 =	sand.u32 $0x1, s1  }
0x8c: {  	s17 =	sshll.u32 s0, $0xA;
	s2 =	sadd.s32 s3, s2  }
0x8d: {  	s2 =	sadd.s32 s2, s17  }
0x8e: {  	[smem:$0x3FBD] =	sst s2  }
0x8f: {  	_ = 	snop  }
0x90: {  	(tm) =	ssettm $0x1  }
0x91: {  	s18 =	sld [smem:$0x3FFB];
	_ =	sdelay $0x3  }
0x92: {  	_ =	strace s18  }
0x93: {  	s2 =	sld [smem:$0x3FFC];
	_ =	sdelay $0x3  }
0x94: {  	_ =	strace s2  }
0x95: {  	s2 =	sld [smem:$0x3FFD];
	_ =	sdelay $0x3  }
0x96: {  	_ =	strace s2  }
0x97: {  	_ =	strace $0x8FFFFFFF  }
0x98: {  	s19 =	sld [smem:$0x3FDB];
	_ =	sdelay $0x1  }
0x99: {  	s20 =	simm.s32 $_scs_section_size  }
0x9a: {  	s4 =	simm.s32 $_size__tile_overlayer_lowered;
	s5 =	simm.s32 $_tile_overlayer_lowered  }
0x9b: {  	s6 =	simm.s32 $0x1BFF;
	s21 =	sshll.u32 s5, $0x1;
	s3 =	sadd.s32 s20, s19  }
0x9c: {  	s22 =	simm.s32 $0x0;
	s4 =	sshll.u32 s4, $0x1;
	s5 =	sadd.s32 s21, s3  }
0x9d: {  	[timem:s22], [sflag:s6] =	dma.local [hbm:s5], s4  }
0x9e: {  	_ =	swait.ge [sflag:s6], s4  }
0x9f: {  	s4 =	ssub.s32 $0x0, s4;
	[sflag:s6] =	ssyncset.done $0x0  }
0xa0: {  	[sflag:s6] =	ssyncadd.s32 s4;
	_ =	sdelay $0x1  }
0xa1: {  	s23 =	simm.s32 $0x1B8B  }
0xa2: {  	_ =	swait.ge [sflag:s23], $0x1  }
0xa3: {  	[sflag:s23] =	ssyncset.done $0x0  }
0xa4: {  	[sflag:s23] =	ssyncadd.s32 $0xFFFFFFFF  }
0xa5: {  	s4 =	sld [smem:$0x0]  }
0xa6: {  	s5 =	sand.u32 $0xFFFFFFFE, s1  }
0xa7: {  	p0 =	sne.s32 s1, s5  }
0xa8: {  	s5 =	sshll.u32 @p0 s5, $0xE  }
0xa9: {  	s5 =	sadd.s32 @p0 $0x11B8D, s5;
	s6 =	sshll.u32 @p0 s4, $0x11  }
0xaa: {  	s5 =	sor.u32 @p0 s6, s5  }
0xab: {  	[sflag:s5] =	ssyncadd.remote.s32 @p0 $0x1;
	_ =	sdelay $0x1  }
0xac: {  	s5 =	simm.s32 @p0 $0x1B8D  }
0xad: {  	_ =	swait.eq @p0 [sflag:s5], $0x1  }
0xae: {  	[sflag:s5] =	ssyncadd.s32 @p0 $0xFFFFFFFF  }
0xaf: {  	s6 =	sshll.u32 @!p0 s1, $0xE  }
0xb0: {  	s6 =	sor.u32 @!p0 $0x4000, s6;
	s5 =	simm.s32 @!p0 $0x1B8D  }
0xb1: {  	s4 =	sshll.u32 @!p0 s4, $0x11;
	s6 =	sadd.s32 @!p0 $0x11B8D, s6;
	_ =	swait.eq @!p0 [sflag:s5], $0x1  }
0xb2: {  	s4 =	sor.u32 @!p0 s4, s6;
	[sflag:s5] =	ssyncadd.s32 @!p0 $0xFFFFFFFF  }
0xb3: {  	s25 =	simm.s32 $0x1B8E;
	s24 =	sld [smem:$0x3FFE];
	[sflag:s4] =	ssyncadd.remote.s32 @!p0 $0x1  }
0xb4: {  	s26 =	simm.s32 $execute0_lowered;
	[smem:$0x3FD2] =	sst s25  }
0xb5: {  	s5 =	sshll.u32 s26, $0x1;
	_ =	strace $0x80000052;
	[dreg:$0x1] =	wrdreg $0xFFFFFFFF  }
0xb6: {  	s28 =	simm.s32 $_size_execute0_lowered;
	s3 =	sadd.s32 s3, s5;
	[dreg:$0x0] =	wrdreg $0x0  }
0xb7: {  	s5 =	sshll.u32 s28, $0x1;
	[dreg:$0x2] =	wrdreg s3  }
0xb8: {  	[dreg:$0x3] =	wrdreg s5  }
0xb9: {  	[dreg:$0x4] =	wrdreg $0xC0  }
0xba: {  	_ =	task [dreg:s22], $0x5FFFF  }
0xbb: {  	[dreg:$0x1] =	wrdreg $0xFFFFFFFF  }
0xbc: {  	[dreg:$0x0] =	wrdreg $0x60  }
0xbd: {  	[dreg:$0x2] =	wrdreg s24  }
0xbe: {  	[dreg:$0x3] =	wrdreg $0xD  }
0xbf: {  	_ =	task.clear_ibuf [dreg:s22], $0x4FFFF;
	_ =	strace $0x90000052  }
0xc0: {  	s29 =	simm.s32 $0xD;
	_ =	strace $0x80000054  }
0xc1: {  	_ =	swait.ge [sflag:s29], $0x1  }
0xc2: {  	[sflag:s29] =	ssyncadd.s32 $0xFFFFFFFF  }
0xc3: {  	_ =	strace $0x90000054  }
0xc4: {  	_ =	sfence  }
0xc5: {  	s30 =	sld [smem:$0x0];
	_ =	sdelay $0x2  }
0xc6: {  	s31 =	sshll.u32 s1, $0xD;
	s1 =	sshrl.u32 s1, $0x2  }
0xc7: {  	s4 =	sand.u32 $0x4000, s31;
	s1 =	sadd.s32 s1, s30  }
0xc8: {  	s0 =	sor.u32 s4, s0;
	s1 =	sshll.u32 s1, $0x11  }
0xc9: {  	s0 =	sor.u32 s1, s0  }
0xca: {  	s0 =	sadd.s32 $0x8F2B, s0  }
0xcb: {  	[sflag:s0] =	ssyncadd.remote.s32 $0x1  }
0xcc: {  	_ =	sfence.sel $0xFFFF  }
0xcd: {  	[dreg:$0x0] =	wrdreg $0xFFFFFFFF;
	(pc) =	sbr.abs _section_cstart, $3  }
0xce: {  	[dreg:$0x1] =	wrdreg $0xFFFFFFFF  }
0xcf: {  	_ =	task.clear_ibuf [dreg:s22], $0x2FFFF;
	_ =	strace $0x9FFFFFFF  }
0xd0: {  	(tm) =	ssettm $0x7FFFFFFF  }
0xd1: {  	_ =	shalt  }
tec
execute0_lowered:
.L_overlay_start_1:
0x0: {  	(tag) =	ssettag $0x1  }
0x1: {  	s0 =	rddreg [dreg:$0x0];
	s1 =	simm.s32 $0x0  }
0x2: {  	s2 =	srdreg.scid;
	s13 =	stileid.u32;
	s28 =	simm.s32 $0xC200  }
0x3: {  	s29 =	simm.s32 $0x2;
	s30 =	simm.s32 $0x6;
	s31 =	simm.s32 $0x3  }
0x4: {  	[smem:$0x7FF] =	sst s1;
	s3 =	sadd.s32 $0x1D400, s0;
	s4 =	sadd.s32 $0x44600, s0  }
0x5: {  	s5 =	sadd.s32 $0x1B400, s0;
	s6 =	sadd.s32 $0x19400, s0;
	s2 =	sand.u32 $0x1, s2  }
0x6: {  	s7 =	sshll.u32 s13, $0x1;
	s8 =	sadd.s32 $0x843800, s0;
	s10 =	sadd.s32 $0x93E000, s0  }
0x7: {  	s17 =	sadd.s32 $0x93D800, s0;
	s19 =	sadd.s32 $0xA38000, s0;
	s25 =	sshll.u32 s13, $0x5  }
0x8: {  	_ =	strace $0x80000053;
	s9 =	ssub.s32 $0x2, s2;
	[dreg:$0xa] =	wrdreg s17  }
0x9: {  	s7 =	sor.u32 s2, s7;
	[dreg:$0xb] =	wrdreg s19;
	s11 =	sshrl.u32 s9, $0x1  }
0xa: {  	s12 =	sshll.u32 s7, $0x4;
	s16 =	sshll.u32 s7, $0xB;
	s9 =	ssub.s32 s9, s11  }
0xb: {  	s26 =	sadd.s32 s5, s12;
	s14 =	sor.u32 $0x200, s12;
	s12 =	sadd.s32 s6, s12  }
0xc: {  	s18 =	sor.u32 $0xE0000, s16;
	s16 =	sshll.u32 s13, $0xC;
	[dreg:$0x6] =	wrdreg s26  }
0xd: {  	[dreg:$0x7] =	wrdreg s12;
	s15 =	sadd.s32 s5, s14;
	s11 =	sadd.s32 s6, s14  }
0xe: {  	s20 =	sadd.s32 s8, s18;
	s17 =	sadd.s32 s16, s8;
	[dreg:$0x8] =	wrdreg s15  }
0xf: {  	s23 =	sadd.s32 s16, s10;
	s26 =	sadd.s32 $0x19800, s0;
	[dreg:$0x9] =	wrdreg s11  }
0x10: {  	s0 =	sadd.s32 $0x1B800, s0;
	[dreg:$0xc] =	wrdreg s20;
	s15 =	smin.u32 s7, $0x14  }
0x11: {  	s11 =	sadd.s32 s10, s18;
	s18 =	sshll.u32 s2, $0xB;
	[dreg:$0x4] =	wrdreg s26  }
0x12: {  	s2 =	sshll.u32 s2, $0x4;
	[dreg:$0x5] =	wrdreg s0;
	s20 =	simm.s32 $0x100  }
0x13: {  	s26 =	simm.s32 $0x4200;
	s0 =	simm.s32 $0x5;
	[dreg:$0xd] =	wrdreg s11  }
0x14: {  	s21 =	sshll.u32 s15, $0xB;
	s22 =	sadd.s32 s18, s17;
	s24 =	sadd.s32 s18, s23  }
0x15: {  	s17 =	smax.u32 s9, $0x1;
	s9 =	sor.u32 $0x60, s7;
	s23 =	simm.s32 $0x1  }
0x16: {  	s7 =	simm.s32 $0x0;
	s11 =	sor.u32 $0xF0000, s21;
	[dreg:$0x2] =	wrdreg s22  }
0x17: {  	[dreg:$0x3] =	wrdreg s24;
	s21 =	simm.s32 $0x80;
	s22 =	simm.s32 $0x180  }
0x18: {  	s24 =	simm.s32 $0x200;
	s15 =	sadd.s32 s8, s11;
	s16 =	sadd.s32 s10, s11  }
0x19: {  	s10 =	sor.u32 s2, s25;
	s25 =	simm.s32 $0x8200;
	s2 =	simm.s32 $0x4  }
.LBB2_1:
0x1a: {  	s8 =	rddreg [dreg:$0x6]  }
0x1b: {  	[tilespmem:s1], [sflag:$0x1] =	stream.linear.gather [hbm4b:s8+s1], $0x80, $0x38;
	[tilespmem:$0x10200] =	vst v63  }
0x1c: {  	s14 =	rddreg [dreg:$0x7]  }
0x1d: {  	[tilespmem:s20], [sflag:$0x1] =	stream.linear.gather [hbm4b:s14+s1], $0x80, $0x38;
	[tilespmem:$0x10200] =	vst v63  }
0x1e: {  	s18 =	rddreg [dreg:$0x8]  }
0x1f: {  	[tilespmem:s21], [sflag:$0x2] =	stream.linear.gather [hbm4b:s18+s1], $0x80, $0x38;
	[tilespmem:$0x10200] =	vst v63  }
0x20: {  	s19 =	rddreg [dreg:$0x9]  }
0x21: {  	[tilespmem:s22], [sflag:$0x2] =	stream.linear.gather [hbm4b:s19+s1], $0x80, $0x38;
	[tilespmem:$0x10200] =	vst v63  }
0x22: {  	_ =	swait.ge [sflag:s23], $0x80  }
0x23: {  	[sflag:s23] =	ssyncset.done $0x0  }
0x24: {  	[sflag:s23] =	ssyncadd.s32 $0xFFFFFF80  }
0x25: {  	_ =	swait.ge [sflag:s23], $0x80  }
0x26: {  	[sflag:s23] =	ssyncset.done $0x0  }
0x27: {  	[sflag:s23] =	ssyncadd.s32 $0xFFFFFF80  }
0x28: {  	[tilespmem:s24], [sflag:$0x3] =	stream.indirect.gather [hbm4b:s3+s21], $0x80, s1, s21, $0xb8;
	[tilespmem:$0x10200] =	vst v63  }
0x29: {  	_ = 	snop  }
0x2a: {  	[tilespmem:s25], [sflag:$0x3] =	stream.indirect.gather [hbm4b:s4+s21], $0x80, s20, s21, $0xb8;
	[tilespmem:$0x10200] =	vst v63  }
0x2b: {  	s11 =	rddreg [dreg:$0xa]  }
0x2c: {  	[hbm4b:s11+s1] =	stream.linear.scatter [tilespmem:s26], [sflag:$0x6], $0x4000, $0x38;
	[tilespmem:$0x10200] =	vst v63  }
0x2d: {  	s12 =	rddreg [dreg:$0xb]  }
0x2e: {  	[hbm4b:s12+s1] =	stream.linear.scatter [tilespmem:s28], [sflag:$0x6], $0x4000, $0x38;
	[tilespmem:$0x10200] =	vst v63  }
0x2f: {  	_ =	swait.ge [sflag:s29], $0x80  }
0x30: {  	[sflag:s29] =	ssyncset.done $0x0  }
0x31: {  	[sflag:s29] =	ssyncadd.s32 $0xFFFFFF80  }
0x32: {  	_ =	swait.ge [sflag:s29], $0x80  }
0x33: {  	[sflag:s29] =	ssyncset.done $0x0  }
0x34: {  	[sflag:s29] =	ssyncadd.s32 $0xFFFFFF80  }
0x35: {  	_ =	swait.ge [sflag:s30], $0x4000  }
0x36: {  	[sflag:s30] =	ssyncset.done $0x0  }
0x37: {  	[sflag:s30] =	ssyncadd.s32 $0xFFFFC000  }
0x38: {  	_ =	swait.ge [sflag:s30], $0x4000  }
0x39: {  	[sflag:s30] =	ssyncset.done $0x0  }
0x3a: {  	[sflag:s30] =	ssyncadd.s32 $0xFFFFC000  }
0x3b: {  	[tilespmem:s26], [sflag:$0x4] =	stream.indirect.gather [hbm4b:s3+s21], $0x80, s21, s21, $0xb8;
	[tilespmem:$0x10200] =	vst v63  }
0x3c: {  	_ = 	snop  }
0x3d: {  	[tilespmem:s28], [sflag:$0x4] =	stream.indirect.gather [hbm4b:s4+s21], $0x80, s22, s21, $0xb8;
	[tilespmem:$0x10200] =	vst v63  }
0x3e: {  	_ =	swait.ge [sflag:s31], $0x4000  }
0x3f: {  	[sflag:s31] =	ssyncset.done $0x0  }
0x40: {  	[sflag:s31] =	ssyncadd.s32 $0xFFFFC000  }
0x41: {  	_ =	swait.ge [sflag:s31], $0x4000  }
0x42: {  	s13 =	rddreg [dreg:$0x2];
	[sflag:s31] =	ssyncset.done $0x0  }
0x43: {  	s11 =	rddreg [dreg:$0x3];
	[sflag:s31] =	ssyncadd.s32 $0xFFFFC000;
	s8 =	sadd.s32 $0x0, s13  }
0x44: {  	[hbm4b:s8+s1] =	stream.linear.scatter [tilespmem:s24], [sflag:$0x5], $0x4000, $0x38;
	[tilespmem:$0x10200] =	vst v63  }
0x45: {  	s18 =	rddreg [dreg:$0x5];
	s11 =	sadd.s32 $0x0, s11  }
0x46: {  	[hbm4b:s11+s1] =	stream.linear.scatter [tilespmem:s25], [sflag:$0x5], $0x4000, $0x38;
	[tilespmem:$0x10200] =	vst v63  }
0x47: {  	s19 =	rddreg [dreg:$0x4];
	s18 =	sadd.s32 s10, s18  }
0x48: {  	[tilespmem:s1], [sflag:$0x1] =	stream.linear.gather [hbm4b:s18+s1], $0x80, $0x38;
	[tilespmem:$0x10200] =	vst v63  }
0x49: {  	s14 =	sadd.s32 s10, s19  }
0x4a: {  	[tilespmem:s20], [sflag:$0x1] =	stream.linear.gather [hbm4b:s14+s1], $0x80, $0x38;
	[tilespmem:$0x10200] =	vst v63  }
0x4b: {  	_ =	swait.ge [sflag:s23], $0x80  }
0x4c: {  	[sflag:s23] =	ssyncset.done $0x0  }
0x4d: {  	[sflag:s23] =	ssyncadd.s32 $0xFFFFFF80  }
0x4e: {  	_ =	swait.ge [sflag:s23], $0x80  }
0x4f: {  	[sflag:s23] =	ssyncset.done $0x0  }
0x50: {  	[sflag:s23] =	ssyncadd.s32 $0xFFFFFF80  }
0x51: {  	_ =	swait.ge [sflag:s0], $0x4000  }
0x52: {  	[sflag:s0] =	ssyncset.done $0x0  }
0x53: {  	[sflag:s0] =	ssyncadd.s32 $0xFFFFC000  }
0x54: {  	_ =	swait.ge [sflag:s0], $0x4000  }
0x55: {  	[sflag:s0] =	ssyncset.done $0x0  }
0x56: {  	[sflag:s0] =	ssyncadd.s32 $0xFFFFC000  }
0x57: {  	[tilespmem:s24], [sflag:$0x3] =	stream.indirect.gather [hbm4b:s3+s21], $0x80, s1, s21, $0xb8;
	[tilespmem:$0x10200] =	vst v63  }
0x58: {  	_ = 	snop  }
0x59: {  	[tilespmem:s25], [sflag:$0x3] =	stream.indirect.gather [hbm4b:s4+s21], $0x80, s20, s21, $0xb8;
	[tilespmem:$0x10200] =	vst v63  }
0x5a: {  	_ =	swait.ge [sflag:s2], $0x4000  }
0x5b: {  	[sflag:s2] =	ssyncset.done $0x0  }
0x5c: {  	[sflag:s2] =	ssyncadd.s32 $0xFFFFC000  }
0x5d: {  	_ =	swait.ge [sflag:s2], $0x4000  }
0x5e: {  	p0 =	slt.u32 s9, $0x1F4;
	s8 =	sadd.s32 $0x10000, s8;
	[sflag:s2] =	ssyncset.done $0x0  }
0x5f: {  	s18 =	sadd.s32 $0x10000, s11;
	s11 =	sadd.s32 $0x600, s10;
	[sflag:s2] =	ssyncadd.s32 $0xFFFFC000  }
0x60: {  	[hbm4b:s8+s1] =	stream.linear.scatter [tilespmem:s26], [sflag:$0x6], $0x4000, $0x38;
	[tilespmem:$0x10200] =	vst v63  }
0x61: {  	s11 =	simm.s32 @!p0 $0x0  }
0x62: {  	[hbm4b:s18+s1] =	stream.linear.scatter [tilespmem:s28], [sflag:$0x6], $0x4000, $0x38;
	[tilespmem:$0x10200] =	vst v63  }
0x63: {  	s19 =	sadd.s32 s5, s11;
	s11 =	sadd.s32 s6, s11  }
0x64: {  	[tilespmem:s21], [sflag:$0x2] =	stream.linear.gather [hbm4b:s19+s1], $0x80, $0x38;
	[tilespmem:$0x10200] =	vst v63  }
0x65: {  	s8 =	simm.s32 $0x20000;
	s18 =	smov.u32 s9;
	s19 =	smov.u32 s10  }
.LBB2_2:
0x66: {  	[tilespmem:s22], [sflag:$0x2] =	stream.linear.gather [hbm4b:s11+s1], $0x80, $0x38;
	[tilespmem:$0x10200] =	vst v63  }
0x67: {  	_ =	swait.ge [sflag:s29], $0x80  }
0x68: {  	[sflag:s29] =	ssyncset.done $0x0  }
0x69: {  	[sflag:s29] =	ssyncadd.s32 $0xFFFFFF80  }
0x6a: {  	_ =	swait.ge [sflag:s29], $0x80  }
0x6b: {  	[sflag:s29] =	ssyncset.done $0x0  }
0x6c: {  	[sflag:s29] =	ssyncadd.s32 $0xFFFFFF80  }
0x6d: {  	_ =	swait.ge [sflag:s30], $0x4000  }
0x6e: {  	[sflag:s30] =	ssyncset.done $0x0  }
0x6f: {  	[sflag:s30] =	ssyncadd.s32 $0xFFFFC000  }
0x70: {  	_ =	swait.ge [sflag:s30], $0x4000  }
0x71: {  	[sflag:s30] =	ssyncset.done $0x0  }
0x72: {  	[sflag:s30] =	ssyncadd.s32 $0xFFFFC000  }
0x73: {  	[tilespmem:s26], [sflag:$0x4] =	stream.indirect.gather [hbm4b:s3+s21], $0x80, s21, s21, $0xb8;
	[tilespmem:$0x10200] =	vst v63  }
0x74: {  	_ = 	snop  }
0x75: {  	[tilespmem:s28], [sflag:$0x4] =	stream.indirect.gather [hbm4b:s4+s21], $0x80, s22, s21, $0xb8;
	[tilespmem:$0x10200] =	vst v63  }
0x76: {  	_ =	swait.ge [sflag:s31], $0x4000  }
0x77: {  	[sflag:s31] =	ssyncset.done $0x0  }
0x78: {  	[sflag:s31] =	ssyncadd.s32 $0xFFFFC000  }
0x79: {  	_ =	swait.ge [sflag:s31], $0x4000  }
0x7a: {  	s11 =	smov.u32 s8;
	s12 =	rddreg [dreg:$0x2];
	[sflag:s31] =	ssyncset.done $0x0  }
0x7b: {  	s13 =	rddreg [dreg:$0x3];
	[sflag:s31] =	ssyncadd.s32 $0xFFFFC000;
	s12 =	sadd.s32 s11, s12  }
0x7c: {  	[hbm4b:s12+s1] =	stream.linear.scatter [tilespmem:s24], [sflag:$0x5], $0x4000, $0x38;
	[tilespmem:$0x10200] =	vst v63  }
0x7d: {  	s19 =	sadd.s32 $0x400, s19;
	s14 =	rddreg [dreg:$0x5];
	s11 =	sadd.s32 s11, s13  }
0x7e: {  	[hbm4b:s11+s1] =	stream.linear.scatter [tilespmem:s25], [sflag:$0x5], $0x4000, $0x38;
	[tilespmem:$0x10200] =	vst v63  }
0x7f: {  	s13 =	rddreg [dreg:$0x4];
	s14 =	sadd.s32 s19, s14  }
0x80: {  	[tilespmem:s1], [sflag:$0x1] =	stream.linear.gather [hbm4b:s14+s1], $0x80, $0x38;
	[tilespmem:$0x10200] =	vst v63  }
0x81: {  	s13 =	sadd.s32 s19, s13  }
0x82: {  	[tilespmem:s20], [sflag:$0x1] =	stream.linear.gather [hbm4b:s13+s1], $0x80, $0x38;
	[tilespmem:$0x10200] =	vst v63  }
0x83: {  	_ =	swait.ge [sflag:s23], $0x80  }
0x84: {  	[sflag:s23] =	ssyncset.done $0x0  }
0x85: {  	[sflag:s23] =	ssyncadd.s32 $0xFFFFFF80  }
0x86: {  	_ =	swait.ge [sflag:s23], $0x80  }
0x87: {  	[sflag:s23] =	ssyncset.done $0x0  }
0x88: {  	[sflag:s23] =	ssyncadd.s32 $0xFFFFFF80  }
0x89: {  	_ =	swait.ge [sflag:s0], $0x4000  }
0x8a: {  	[sflag:s0] =	ssyncset.done $0x0  }
0x8b: {  	[sflag:s0] =	ssyncadd.s32 $0xFFFFC000  }
0x8c: {  	_ =	swait.ge [sflag:s0], $0x4000  }
0x8d: {  	[sflag:s0] =	ssyncset.done $0x0  }
0x8e: {  	[sflag:s0] =	ssyncadd.s32 $0xFFFFC000  }
0x8f: {  	[tilespmem:s24], [sflag:$0x3] =	stream.indirect.gather [hbm4b:s3+s21], $0x80, s1, s21, $0xb8;
	[tilespmem:$0x10200] =	vst v63  }
0x90: {  	_ = 	snop  }
0x91: {  	[tilespmem:s25], [sflag:$0x3] =	stream.indirect.gather [hbm4b:s4+s21], $0x80, s20, s21, $0xb8;
	[tilespmem:$0x10200] =	vst v63  }
0x92: {  	_ =	swait.ge [sflag:s2], $0x4000  }
0x93: {  	[sflag:s2] =	ssyncset.done $0x0  }
0x94: {  	[sflag:s2] =	ssyncadd.s32 $0xFFFFC000  }
0x95: {  	_ =	swait.ge [sflag:s2], $0x4000  }
0x96: {  	p0 =	sne.s32 s8, $0xC0000;
	[sflag:s2] =	ssyncset.done $0x0  }
0x97: {  	s18 =	sadd.s32 $0x40, s18;
	s12 =	sadd.s32 $0x10000, s12;
	[sflag:s2] =	ssyncadd.s32 $0xFFFFC000  }
0x98: {  	[hbm4b:s12+s1] =	stream.linear.scatter [tilespmem:s26], [sflag:$0x6], $0x4000, $0x38;
	[tilespmem:$0x10200] =	vst v63  }
.Ltmp0:
0x99: {  	p1 =	slt.u32 s18, $0x1F4;
	s12 =	sadd.s32 $0x600, s19;
	(pc) =	sbr.rel @p0 .LBB2_2-.Ltmp0, $4  }
0x9a: {  	s11 =	sadd.s32 $0x10000, s11;
	s12 =	simm.s32 @!p1 $0x0  }
0x9b: {  	[hbm4b:s11+s1] =	stream.linear.scatter [tilespmem:s28], [sflag:$0x6], $0x4000, $0x38;
	[tilespmem:$0x10200] =	vst v63  }
0x9c: {  	s8 =	sadd.s32 $0x20000, s8;
	s14 =	sadd.s32 s5, s12;
	s11 =	sadd.s32 s6, s12  }
0x9d: {  	[tilespmem:s21], [sflag:$0x2] =	stream.linear.gather [hbm4b:s14+s1], $0x80, $0x38;
	[tilespmem:$0x10200] =	vst v63  }
0x9e: {  	[tilespmem:s22], [sflag:$0x2] =	stream.linear.gather [hbm4b:s11+s1], $0x80, $0x38;
	[tilespmem:$0x10200] =	vst v63  }
0x9f: {  	_ =	swait.ge [sflag:s29], $0x80  }
0xa0: {  	[sflag:s29] =	ssyncset.done $0x0  }
0xa1: {  	[sflag:s29] =	ssyncadd.s32 $0xFFFFFF80  }
0xa2: {  	_ =	swait.ge [sflag:s29], $0x80  }
0xa3: {  	[sflag:s29] =	ssyncset.done $0x0  }
0xa4: {  	[sflag:s29] =	ssyncadd.s32 $0xFFFFFF80  }
0xa5: {  	_ =	swait.ge [sflag:s30], $0x4000  }
0xa6: {  	[sflag:s30] =	ssyncset.done $0x0  }
0xa7: {  	[sflag:s30] =	ssyncadd.s32 $0xFFFFC000  }
0xa8: {  	_ =	swait.ge [sflag:s30], $0x4000  }
0xa9: {  	[sflag:s30] =	ssyncset.done $0x0  }
0xaa: {  	[sflag:s30] =	ssyncadd.s32 $0xFFFFC000  }
0xab: {  	[tilespmem:s26], [sflag:$0x4] =	stream.indirect.gather [hbm4b:s3+s21], $0x80, s21, s21, $0xb8;
	[tilespmem:$0x10200] =	vst v63  }
0xac: {  	_ = 	snop  }
0xad: {  	[tilespmem:s28], [sflag:$0x4] =	stream.indirect.gather [hbm4b:s4+s21], $0x80, s22, s21, $0xb8;
	[tilespmem:$0x10200] =	vst v63  }
0xae: {  	_ =	swait.ge [sflag:s31], $0x4000  }
0xaf: {  	[sflag:s31] =	ssyncset.done $0x0  }
0xb0: {  	[sflag:s31] =	ssyncadd.s32 $0xFFFFC000  }
0xb1: {  	_ =	swait.ge [sflag:s31], $0x4000  }
0xb2: {  	[sflag:s31] =	ssyncset.done $0x0  }
0xb3: {  	s8 =	rddreg [dreg:$0xc];
	[sflag:s31] =	ssyncadd.s32 $0xFFFFC000  }
0xb4: {  	[hbm4b:s8+s1] =	stream.linear.scatter [tilespmem:s24], [sflag:$0x5], $0x4000, $0x38;
	[tilespmem:$0x10200] =	vst v63  }
0xb5: {  	s19 =	rddreg [dreg:$0xd]  }
0xb6: {  	[hbm4b:s19+s1] =	stream.linear.scatter [tilespmem:s25], [sflag:$0x5], $0x4000, $0x38;
	[tilespmem:$0x10200] =	vst v63  }
0xb7: {  	_ =	swait.ge [sflag:s2], $0x4000  }
0xb8: {  	[sflag:s2] =	ssyncset.done $0x0  }
0xb9: {  	[sflag:s2] =	ssyncadd.s32 $0xFFFFC000  }
0xba: {  	_ =	swait.ge [sflag:s2], $0x4000  }
0xbb: {  	[sflag:s2] =	ssyncset.done $0x0  }
0xbc: {  	[sflag:s2] =	ssyncadd.s32 $0xFFFFC000  }
0xbd: {  	_ =	swait.ge [sflag:s0], $0x4000  }
0xbe: {  	[sflag:s0] =	ssyncset.done $0x0  }
0xbf: {  	[sflag:s0] =	ssyncadd.s32 $0xFFFFC000  }
0xc0: {  	_ =	swait.ge [sflag:s0], $0x4000  }
0xc1: {  	[sflag:s0] =	ssyncset.done $0x0  }
0xc2: {  	[sflag:s0] =	ssyncadd.s32 $0xFFFFC000  }
0xc3: {  	[hbm4b:s15+s1] =	stream.linear.scatter [tilespmem:s26], [sflag:$0x6], $0x4000, $0x38;
	[tilespmem:$0x10200] =	vst v63  }
0xc4: {  	s7 =	sadd.s32 $0x1, s7  }
0xc5: {  	[hbm4b:s16+s1] =	stream.linear.scatter [tilespmem:s28], [sflag:$0x6], $0x4000, $0x38;
	[tilespmem:$0x10200] =	vst v63  }
0xc6: {  	p0 =	sne.s32 s7, s17;
	_ =	swait.ge [sflag:s30], $0x4000  }
.Ltmp1:
0xc7: {  	[sflag:s30] =	ssyncset.done $0x0;
	(pc) =	sbr.rel @p0 .LBB2_1-.Ltmp1, $4  }
0xc8: {  	[sflag:s30] =	ssyncadd.s32 $0xFFFFC000  }
0xc9: {  	_ =	swait.ge [sflag:s30], $0x4000  }
0xca: {  	[sflag:s30] =	ssyncset.done $0x0  }
0xcb: {  	[sflag:s30] =	ssyncadd.s32 $0xFFFFC000  }
0xcc: {  	_ =	sfence.sel $0x180000  }
0xcd: {  	[bflag:$0x0] =	sbarrier.arrive $0xFFFF  }
0xce: {  	_ =	strace $0x90000053  }
0xcf: {  	s0 =	stileid.u32;
	[bflag:$0x2] =	sbarrier.arrive $0xFFFF  }
0xd0: {  	p0 =	sne.s32 s0, $0x0;
	s0 =	rddreg [dreg:$0x1]  }
0xd1: {  	s0 =	sadd.s32 @!p0 $0x100000, s0  }
0xd2: {  	[sflag:s0] =	ssyncadd.tile.s32 @!p0 $0x1;
	_ =	shalt  }
.Lfunc_end2:
_tile_overlayer_lowered:
.L_overlay_start_2:
0xd3: {  	(tag) =	ssettag $0x2  }
0xd4: {  	s0 =	rddreg [dreg:$0x0];
	s2 =	stileid.u32  }
0xd5: {  	s1 =	rddreg [dreg:$0x1];
	p0 =	sne.s32 s2, $0x0  }
0xd6: {  	s3 =	rddreg [dreg:$0x2];
	[bflag:$0x3] =	sbarrier.arrive $0xFFFF;
	s2 =	simm.s32 @!p0 $0x1C07  }
0xd7: {  	[timem:s3], [sflag:s2] =	dma.local @!p0 [hbm:s0], s1  }
0xd8: {  	s0 =	simm.s32 @!p0 $0x7  }
0xd9: {  	_ =	swait.ge @!p0 [sflag:s0], s1  }
0xda: {  	s1 =	ssub.s32 @!p0 $0x0, s1;
	[sflag:s0] =	ssyncset.done @!p0 $0x0  }
0xdb: {  	[sflag:s0] =	ssyncadd.s32 @!p0 s1  }
0xdc: {  	[bflag:$0x3] =	sbarrier.arrive $0xFFFF  }
0xdd: {  	_ =	shalt  }

// kernel: kernel.30.cloned.1.call-start
scs
__scs_entry_jumppad:
0x0: {  	(pc) =	sbr.rel $0x88, $3  }
0x1: {  	(tag) =	ssettag $0x0;
	lr =	simm.s32 $0x1  }
0x2: {  	[smem:$0x3F96] =	sst lr;
	_ =	strace $0xD0000000  }
0x3: {  	_ = 	snop  }
0x4: {  	_ = 	snop  }
0x5: {  	_ = 	snop  }
0x6: {  	_ = 	snop  }
0x7: {  	_ = 	snop  }
__scs_overlays_trampoline_lowered:
0x8: {  	[smem:$0x3FA5] =	sst s0  }
0x9: {  	[smem:$0x3FA6] =	sst s1  }
0xa: {  	[smem:$0x3FA7] =	sst s2  }
0xb: {  	[smem:$0x3FA8] =	sst s3  }
0xc: {  	[smem:$0x3FA9] =	sst s4  }
0xd: {  	[smem:$0x3FAA] =	sst s5  }
0xe: {  	[smem:$0x3FAB] =	sst s6  }
0xf: {  	[smem:$0x3FAC] =	sst s7  }
0x10: {  	[smem:$0x3FAD] =	sst s8  }
0x11: {  	[smem:$0x3FAE] =	sst s9;
	s0 =	simm.s32 @!p0 $0x0  }
0x12: {  	s1 =	sld [smem:$0x3F94];
	s0 =	simm.s32 @p0 $0x1  }
0x13: {  	[smem:$0x3FAF] =	sst s0;
	s0 =	simm.s32 @!p1 $0x0  }
0x14: {  	s2 =	sld [smem:$0x3F93];
	s0 =	simm.s32 @p1 $0x1  }
0x15: {  	[smem:$0x3FB0] =	sst s0;
	s0 =	simm.s32 @!p2 $0x0  }
0x16: {  	s3 =	sld [smem:$0x3FDB];
	s0 =	simm.s32 @p2 $0x1  }
0x17: {  	s4 =	simm.s32 $0x1BF5;
	[smem:$0x3FB2] =	sst s0  }
0x18: {  	s0 =	sld [smem:$0x3F95];
	_ =	swait.ge [sflag:s4], $0x0  }
0x19: {  	s7 =	sld [smem:$0x3F96]  }
0x1a: {  	s8 =	sadd.s32 $0xFFFFE003, lr  }
0x1b: {  	s9 =	sadd.s32 $0xFFFFFEF7, lr;
	s5 =	simm.s32 $0xFFFFFFFF;
	p2 =	slt.u32 s8, $0xFFFFF086  }
0x1c: {  	p1 =	slt.u32 s9, $0xF7A;
	s5 =	simm.s32 @!p2 $0x0  }
0x1d: {  	s5 =	simm.s32 @p1 $0x1;
	p0 =	seq.s32 s7, s2  }
0x1e: {  	s7 =	smul.u32 @!p0 $0xF7A, s2;
	p2 =	seq.s32 @!p0 s5, $0x0  }
0x1f: {  	s9 =	smul.u32 $0xF7A, s1;
	s8 =	simm.s32 @!p0 $0x1BF5;
	p2 =	por !p2, p0  }
0x20: {  	[sflag:s8] =	ssyncset.s32 @!p0 $0xFFFFF086;
	s6 =	sadd.s32 @!p0 s3, s7;
	s7 =	simm.s32 @!p0 $0x108  }
0x21: {  	s3 =	sadd.s32 s3, s9;
	s6 =	sadd.s32 @!p0 $0x88, s6;
	s7 =	simm.s32 @p2 $0x1082  }
0x22: {  	[simem:s7], [sflag:s8] =	dma.local @!p0 [hbm:s6], $0xF7A  }
0x23: {  	s9 =	sor.u32 $0xD0000000, s2;
	s6 =	simm.s32 $0x108;
	_ =	swait.ge @!p0 [sflag:s8], $0x0  }
0x24: {  	s3 =	sadd.s32 $0x88, s3;
	s6 =	simm.s32 @!p1 $0x1082;
	[sflag:s4] =	ssyncset.s32 $0xFFFFF086  }
0x25: {  	[simem:s6], [sflag:s4] =	dma.local [hbm:s3], $0xF7A  }
0x26: {  	[smem:$0x3F96] =	sst s1;
	(tag) =	ssettag s2;
	_ =	strace s9  }
0x27: {  	s1 =	sld [smem:$0x3FA6]  }
0x28: {  	s2 =	sld [smem:$0x3FA7]  }
0x29: {  	s4 =	sld [smem:$0x3FA9]  }
0x2a: {  	p0 =	seq.s32 s5, $0x0;
	s5 =	sld [smem:$0x3FAA]  }
0x2b: {  	s6 =	sld [smem:$0x3FAB]  }
0x2c: {  	s7 =	sld [smem:$0x3FAC]  }
0x2d: {  	s3 =	simm.s32 $0x108;
	s8 =	sld [smem:$0x3FAD]  }
0x2e: {  	s3 =	simm.s32 @!p0 $0x1082;
	s9 =	sld [smem:$0x3FAE]  }
0x2f: {  	lr =	sadd.s32 s0, s3;
	s0 =	sld [smem:$0x3FA5]  }
0x30: {  	s3 =	sld [smem:$0x3FA8]  }
0x31: {  	[smem:$0x3FB1] =	sst s10  }
0x32: {  	s10 =	sld [smem:$0x3FAF];
	_ =	sdelay $0x3  }
0x33: {  	p0 =	seq.s32 s10, $0x1;
	s10 =	sld [smem:$0x3FB1];
	_ =	sdelay $0x3  }
0x34: {  	[smem:$0x3FB1] =	sst s10  }
0x35: {  	s10 =	sld [smem:$0x3FB0];
	_ =	sdelay $0x3  }
0x36: {  	p1 =	seq.s32 s10, $0x1;
	s10 =	sld [smem:$0x3FB1];
	_ =	sdelay $0x3  }
0x37: {  	[smem:$0x3FB1] =	sst s10  }
0x38: {  	s10 =	sld [smem:$0x3FB2]  }
0x39: {  	_ = 	snop;
	(pc) =	sbr.ind lr, $3  }
0x3a: {  	_ = 	snop  }
0x3b: {  	_ = 	snop  }
0x3c: {  	p2 =	seq.s32 s10, $0x1;
	s10 =	sld [smem:$0x3FB1]  }
0x3d: {  	_ =	shalt  }
0x3e: {  	_ =	shalt  }
0x3f: {  	_ =	shalt  }
0x40: {  	_ =	shalt  }
0x41: {  	_ =	shalt  }
0x42: {  	_ =	shalt  }
0x43: {  	_ =	shalt  }
0x44: {  	_ =	shalt  }
0x45: {  	_ =	shalt  }
0x46: {  	_ =	shalt  }
0x47: {  	_ =	shalt  }
0x48: {  	_ =	shalt  }
0x49: {  	_ =	shalt  }
0x4a: {  	_ =	shalt  }
0x4b: {  	_ =	shalt  }
0x4c: {  	_ =	shalt  }
0x4d: {  	_ =	shalt  }
0x4e: {  	_ =	shalt  }
0x4f: {  	_ =	shalt  }
0x50: {  	_ =	shalt  }
0x51: {  	_ =	shalt  }
0x52: {  	_ =	shalt  }
0x53: {  	_ =	shalt  }
0x54: {  	_ =	shalt  }
0x55: {  	_ =	shalt  }
0x56: {  	_ =	shalt  }
0x57: {  	_ =	shalt  }
0x58: {  	_ =	shalt  }
0x59: {  	_ =	shalt  }
0x5a: {  	_ =	shalt  }
0x5b: {  	_ =	shalt  }
0x5c: {  	_ =	shalt  }
0x5d: {  	_ =	shalt  }
0x5e: {  	_ =	shalt  }
0x5f: {  	_ =	shalt  }
0x60: {  	_ =	shalt  }
0x61: {  	_ =	shalt  }
0x62: {  	_ =	shalt  }
0x63: {  	_ =	shalt  }
0x64: {  	_ =	shalt  }
0x65: {  	_ =	shalt  }
0x66: {  	_ =	shalt  }
0x67: {  	_ =	shalt  }
0x68: {  	_ =	shalt  }
0x69: {  	_ =	shalt  }
0x6a: {  	_ =	shalt  }
0x6b: {  	_ =	shalt  }
0x6c: {  	_ =	shalt  }
0x6d: {  	_ =	shalt  }
0x6e: {  	_ =	shalt  }
0x6f: {  	_ =	shalt  }
0x70: {  	_ =	shalt  }
0x71: {  	_ =	shalt  }
0x72: {  	_ =	shalt  }
0x73: {  	_ =	shalt  }
0x74: {  	_ =	shalt  }
0x75: {  	_ =	shalt  }
0x76: {  	_ =	shalt  }
0x77: {  	_ =	shalt  }
0x78: {  	_ =	shalt  }
0x79: {  	_ =	shalt  }
0x7a: {  	_ =	shalt  }
0x7b: {  	_ =	shalt  }
0x7c: {  	_ =	shalt  }
0x7d: {  	_ =	shalt  }
0x7e: {  	_ =	shalt  }
0x7f: {  	_ =	shalt  }
0x80: {  	_ =	shalt  }
0x81: {  	_ =	shalt  }
0x82: {  	_ =	shalt  }
0x83: {  	_ =	shalt  }
0x84: {  	_ =	shalt  }
0x85: {  	_ =	shalt  }
0x86: {  	_ =	shalt  }
0x87: {  	_ =	shalt  }
.Lfunc_end0:
.L_simem_size_0:
called_computation.5_lowered:
.L_overlay_start_0:
0x88: {  	s2 =	sld [smem:$0x3FD9]  }
0x89: {  	s3 =	sld [smem:$0x3FFE];
	_ =	sdelay $0x1  }
0x8a: {  	s1 =	srdreg.scid  }
0x8b: {  	s0 =	sand.u32 $0x1, s1  }
0x8c: {  	s17 =	sshll.u32 s0, $0xA;
	s2 =	sadd.s32 s3, s2  }
0x8d: {  	s2 =	sadd.s32 s2, s17  }
0x8e: {  	[smem:$0x3FBD] =	sst s2  }
0x8f: {  	_ = 	snop  }
0x90: {  	s2 =	sld [smem:$0x3FD0];
	(tm) =	ssettm $0x1  }
0x91: {  	s18 =	sld [smem:$0x3FFB];
	_ =	sdelay $0x3  }
0x92: {  	_ =	strace s18  }
0x93: {  	s3 =	sld [smem:$0x3FFC];
	_ =	sdelay $0x3  }
0x94: {  	_ =	strace s3  }
0x95: {  	s3 =	sld [smem:$0x3FFD];
	_ =	sdelay $0x3  }
0x96: {  	_ =	strace s3  }
0x97: {  	_ =	strace $0x8FFFFFFF  }
0x98: {  	s19 =	sld [smem:$0x3FDB];
	_ =	sdelay $0x1  }
0x99: {  	s4 =	simm.s32 $_scs_section_size  }
0x9a: {  	s5 =	simm.s32 $_size__tile_overlayer_lowered;
	s6 =	simm.s32 $_tile_overlayer_lowered  }
0x9b: {  	s22 =	simm.s32 $0x1BFF;
	s21 =	sshll.u32 s6, $0x1;
	s3 =	sadd.s32 s4, s19  }
0x9c: {  	s7 =	simm.s32 $0x0;
	s20 =	sshll.u32 s5, $0x1;
	s5 =	sadd.s32 s21, s3  }
0x9d: {  	[timem:s7], [sflag:s22] =	dma.local [hbm:s5], s20  }
0x9e: {  	_ =	swait.ge [sflag:s22], s20  }
0x9f: {  	s4 =	ssub.s32 $0x0, s20;
	[sflag:s22] =	ssyncset.done $0x0  }
0xa0: {  	[sflag:s22] =	ssyncadd.s32 s4;
	_ =	sdelay $0x1  }
0xa1: {  	s23 =	simm.s32 $0x1B8B  }
0xa2: {  	_ =	swait.ge [sflag:s23], $0x1  }
0xa3: {  	[sflag:s23] =	ssyncset.done $0x0  }
0xa4: {  	s25 =	simm.s32 $0x1B8E;
	s24 =	sld [smem:$0x3FFE];
	[sflag:s23] =	ssyncadd.s32 $0xFFFFFFFF  }
0xa5: {  	s26 =	simm.s32 $execute0_lowered;
	[smem:$0x3FD2] =	sst s25  }
0xa6: {  	s5 =	sshll.u32 s26, $0x1;
	_ =	strace $0x80000055;
	[dreg:$0x1] =	wrdreg $0xFFFFFFFF  }
0xa7: {  	s28 =	simm.s32 $_size_execute0_lowered;
	s3 =	sadd.s32 s3, s5;
	[dreg:$0x0] =	wrdreg $0x0  }
0xa8: {  	s5 =	sshll.u32 s28, $0x1;
	[dreg:$0x2] =	wrdreg s3  }
0xa9: {  	[dreg:$0x3] =	wrdreg s5  }
0xaa: {  	[dreg:$0x4] =	wrdreg $0xC0  }
0xab: {  	_ =	task [dreg:s7], $0x5FFFF  }
0xac: {  	[dreg:$0x1] =	wrdreg $0xFFFFFFFF  }
0xad: {  	[dreg:$0x0] =	wrdreg $0x60  }
0xae: {  	[dreg:$0x2] =	wrdreg s24  }
0xaf: {  	[dreg:$0x3] =	wrdreg s2  }
0xb0: {  	[dreg:$0x4] =	wrdreg $0x9  }
0xb1: {  	_ =	task.clear_ibuf [dreg:s7], $0x5FFFF;
	_ =	strace $0x90000055  }
0xb2: {  	s29 =	simm.s32 $0x9;
	_ =	strace $0x80000057  }
0xb3: {  	_ =	swait.ge [sflag:s29], $0x1  }
0xb4: {  	[sflag:s29] =	ssyncadd.s32 $0xFFFFFFFF  }
0xb5: {  	_ =	strace $0x90000057  }
0xb6: {  	_ =	sfence  }
0xb7: {  	s30 =	sld [smem:$0x0];
	_ =	sdelay $0x2  }
0xb8: {  	s31 =	sshll.u32 s1, $0xD;
	s1 =	sshrl.u32 s1, $0x2  }
0xb9: {  	s3 =	sand.u32 $0x4000, s31;
	s1 =	sadd.s32 s1, s30  }
0xba: {  	s0 =	sor.u32 s3, s0;
	s1 =	sshll.u32 s1, $0x11  }
0xbb: {  	s0 =	sor.u32 s1, s0  }
0xbc: {  	s0 =	sadd.s32 $0x8F2B, s0  }
0xbd: {  	[sflag:s0] =	ssyncadd.remote.s32 $0x1  }
0xbe: {  	_ =	sfence.sel $0xFFFF  }
0xbf: {  	[dreg:$0x0] =	wrdreg $0xFFFFFFFF;
	(pc) =	sbr.abs _section_cstart, $3  }
0xc0: {  	[dreg:$0x1] =	wrdreg $0xFFFFFFFF  }
0xc1: {  	_ =	task.clear_ibuf [dreg:s7], $0x2FFFF;
	_ =	strace $0x9FFFFFFF  }
0xc2: {  	(tm) =	ssettm $0x7FFFFFFF  }
0xc3: {  	_ =	shalt  }
tec
execute0_lowered:
.L_overlay_start_1:
0x0: {  	(tag) =	ssettag $0x1  }
0x1: {  	s5 =	rddreg [dreg:$0x0]  }
0x2: {  	s2 =	rddreg [dreg:$0x1]  }
0x3: {  	s0 =	rddreg [dreg:$0x2]  }
0x4: {  	s1 =	stileid.u32;
	s4 =	srdreg.scid  }
0x5: {  	s3 =	simm.s32 $0x0;
	s11 =	simm.s32 $0x200;
	s12 =	simm.s32 $0x138800  }
0x6: {  	s13 =	simm.s32 $0x80;
	s14 =	simm.s32 $0x0;
	s6 =	sand.u32 $0x1, s4  }
0x7: {  	s28 =	sshll.u32 s1, $0x1;
	[smem:$0x7FF] =	sst s3;
	s7 =	sshll.u32 s1, $0x7  }
0x8: {  	s9 =	sshll.u32 s1, $0x5;
	s4 =	sor.u32 s6, s28;
	_ =	strace $0x80000056  }
0x9: {  	s7 =	sadd.s32 s7, s5;
	s10 =	ssub.s32 $0x2, s6;
	s9 =	sadd.s32 s9, s5  }
.Ltmp0:
0xa: {  	s30 =	sshll.u32 s6, $0x4;
	s6 =	sshll.u32 s6, $0x6;
	(pc) =	sbr.rel .LBB2_1-.Ltmp0, $4  }
0xb: {  	s8 =	smul.u32 $0xF00, s4;
	s29 =	sshrl.u32 s10, $0x1;
	s9 =	sadd.s32 s30, s9  }
0xc: {  	s31 =	sadd.s32 s6, s7;
	s7 =	sadd.s32 $0x3600, s9;
	s9 =	simm.s32 $0x280  }
0xd: {  	s5 =	sadd.s32 s8, s5;
	s8 =	ssub.s32 s10, s29;
	s10 =	simm.s32 $0x1  }
0xe: {  	s5 =	sadd.s32 $0x34600, s5;
	s6 =	smax.u32 s8, $0x1;
	s8 =	sadd.s32 $0xD400, s31  }
.LBB2_5:
0xf: {  	s14 =	sadd.s32 $0x1, s14  }
0x10: {  	p0 =	sne.s32 s14, s6  }
.Ltmp1:
0x11: {  	_ = 	snop;
	(pc) =	sbr.rel @!p0 .LBB2_6-.Ltmp1, $4  }
0x12: {  	[hbm4b:s5+s3] =	stream.linear.scatter [tilespmem:s9], [sflag:$0x1], $0x7800, $0x38;
	[tilespmem:$0x7A80] =	vst v63  }
0x13: {  	_ =	swait.ge [sflag:s10], $0x7800  }
0x14: {  	[sflag:s10] =	ssyncset.done $0x0  }
0x15: {  	[sflag:s10] =	ssyncadd.s32 $0xFFFF8800  }
.LBB2_1:
.Ltmp2:
0x16: {  	(pc) =	sbr.rel .LBB2_2-.Ltmp2, $4  }
0x17: {  	[tilespmem:s9], [sflag:$0x1] =	stream.linear.gather [hbm4b:s2+s3], $0x7800, $0x38;
	[tilespmem:$0x7A80] =	vst v63  }
0x18: {  	_ =	swait.ge [sflag:s10], $0x7800  }
0x19: {  	s15 =	smov.u32 s8;
	[sflag:s10] =	ssyncset.done $0x0  }
0x1a: {  	s16 =	smov.u32 s7;
	s17 =	simm.s32 $0x0;
	[sflag:s10] =	ssyncadd.s32 $0xFFFF8800  }
.LBB2_4:
0x1b: {  	s17 =	sadd.s32 $0x20, s17  }
0x1c: {  	p0 =	sne.s32 s17, $0x9E0  }
.Ltmp3:
0x1d: {  	_ = 	snop;
	(pc) =	sbr.rel @!p0 .LBB2_5-.Ltmp3, $2  }
0x1e: {  	_ =	sdelay $0x2  }
0x1f: {  	s16 =	sadd.s32 $0x200, s16;
	s15 =	sadd.s32 $0x800, s15  }
.LBB2_2:
0x20: {  	s18 =	sadd.s32 s17, s4  }
0x21: {  	p0 =	sgt.u32 s18, $0x9C3  }
.Ltmp4:
0x22: {  	_ = 	snop;
	(pc) =	sbr.rel @p0 .LBB2_4-.Ltmp4, $1  }
0x23: {  	_ =	sdelay $0x3  }
0x24: {  	[tilespmem:s3], [sflag:$0x1] =	stream.linear.gather [hbm4b:s16+s3], $0x80, $0x38;
	[tilespmem:$0x7A80] =	vst v63  }
0x25: {  	_ =	swait.ge [sflag:s10], $0x80  }
0x26: {  	[sflag:s10] =	ssyncset.done $0x0  }
0x27: {  	[sflag:s10] =	ssyncadd.s32 $0xFFFFFF80  }
0x28: {  	[tilespmem:s13], [sflag:$0x1] =	stream.strided.gather [hbm4b:s15+s11], $0x0, s12, s11, $0x38;
	[tilespmem:$0x7A80] =	vst v63  }
0x29: {  	_ = 	snop  }
0x2a: {  	[tilespmem:s13], [sflag:$0x1] =	stream.linear.gather [hbm4b:s15+s3], $0x180, $0x38;
	[tilespmem:$0x7A80] =	vst v63  }
0x2b: {  	_ =	swait.ge [sflag:s10], $0x180  }
0x2c: {  	[sflag:s10] =	ssyncset.done $0x0  }
0x2d: {  	[sflag:s10] =	ssyncadd.s32 $0xFFFFFE80  }
0x2e: {  	v0 =	vld [tilespmem:$0x0];
	_ =	sdelay $0x2  }
0x2f: {  	v1 =	vld [tilespmem:$0x80];
	_ =	sdelay $0x4  }
0x30: {  	[tilespmem:v0+s9+$0x0] =	vst.idx.add.f32.msk $0xffff, v1  }
0x31: {  	v2 =	vadd.s32 $0x2800, v0;
	v1 =	vld [tilespmem:$0x100];
	_ =	sdelay $0x4  }
0x32: {  	[tilespmem:v2+s9+$0x0] =	vst.idx.add.f32.msk $0xffff, v1  }
0x33: {  	v0 =	vadd.s32 $0x5000, v0;
	v1 =	vld [tilespmem:$0x180];
	_ =	sdelay $0x4  }
0x34: {  	[tilespmem:v0+s9+$0x0] =	vst.idx.add.f32.msk $0xffff, v1  }
0x35: {  	v0 =	vld [tilespmem:$0x10];
	_ =	sdelay $0x2  }
0x36: {  	v1 =	vld [tilespmem:$0x90];
	_ =	sdelay $0x4  }
0x37: {  	[tilespmem:v0+s9+$0x0] =	vst.idx.add.f32.msk $0xffff, v1  }
0x38: {  	v57 =	vadd.s32 $0x2800, v0;
	v1 =	vld [tilespmem:$0x110];
	_ =	sdelay $0x4  }
0x39: {  	[tilespmem:v57+s9+$0x0] =	vst.idx.add.f32.msk $0xffff, v1  }
0x3a: {  	v0 =	vadd.s32 $0x5000, v0;
	v1 =	vld [tilespmem:$0x190];
	_ =	sdelay $0x4  }
0x3b: {  	[tilespmem:v0+s9+$0x0] =	vst.idx.add.f32.msk $0xffff, v1  }
0x3c: {  	v0 =	vld [tilespmem:$0x20];
	_ =	sdelay $0x2  }
0x3d: {  	v1 =	vld [tilespmem:$0xA0];
	_ =	sdelay $0x4  }
0x3e: {  	[tilespmem:v0+s9+$0x0] =	vst.idx.add.f32.msk $0xffff, v1  }
0x3f: {  	v58 =	vadd.s32 $0x2800, v0;
	v1 =	vld [tilespmem:$0x120];
	_ =	sdelay $0x4  }
0x40: {  	[tilespmem:v58+s9+$0x0] =	vst.idx.add.f32.msk $0xffff, v1  }
0x41: {  	v0 =	vadd.s32 $0x5000, v0;
	v1 =	vld [tilespmem:$0x1A0];
	_ =	sdelay $0x4  }
0x42: {  	[tilespmem:v0+s9+$0x0] =	vst.idx.add.f32.msk $0xffff, v1  }
0x43: {  	v0 =	vld [tilespmem:$0x30];
	_ =	sdelay $0x2  }
0x44: {  	v1 =	vld [tilespmem:$0xB0];
	_ =	sdelay $0x4  }
0x45: {  	[tilespmem:v0+s9+$0x0] =	vst.idx.add.f32.msk $0xffff, v1  }
0x46: {  	v59 =	vadd.s32 $0x2800, v0;
	v1 =	vld [tilespmem:$0x130];
	_ =	sdelay $0x4  }
0x47: {  	[tilespmem:v59+s9+$0x0] =	vst.idx.add.f32.msk $0xffff, v1  }
0x48: {  	v0 =	vadd.s32 $0x5000, v0;
	v1 =	vld [tilespmem:$0x1B0];
	_ =	sdelay $0x4  }
0x49: {  	[tilespmem:v0+s9+$0x0] =	vst.idx.add.f32.msk $0xffff, v1  }
0x4a: {  	v0 =	vld [tilespmem:$0x40];
	_ =	sdelay $0x2  }
0x4b: {  	v1 =	vld [tilespmem:$0xC0];
	_ =	sdelay $0x4  }
0x4c: {  	[tilespmem:v0+s9+$0x0] =	vst.idx.add.f32.msk $0xffff, v1  }
0x4d: {  	v60 =	vadd.s32 $0x2800, v0;
	v1 =	vld [tilespmem:$0x140];
	_ =	sdelay $0x4  }
0x4e: {  	[tilespmem:v60+s9+$0x0] =	vst.idx.add.f32.msk $0xffff, v1  }
0x4f: {  	v0 =	vadd.s32 $0x5000, v0;
	v1 =	vld [tilespmem:$0x1C0];
	_ =	sdelay $0x4  }
0x50: {  	[tilespmem:v0+s9+$0x0] =	vst.idx.add.f32.msk $0xffff, v1  }
0x51: {  	v0 =	vld [tilespmem:$0x50];
	_ =	sdelay $0x2  }
0x52: {  	v1 =	vld [tilespmem:$0xD0];
	_ =	sdelay $0x4  }
0x53: {  	[tilespmem:v0+s9+$0x0] =	vst.idx.add.f32.msk $0xffff, v1  }
0x54: {  	v61 =	vadd.s32 $0x2800, v0;
	v1 =	vld [tilespmem:$0x150];
	_ =	sdelay $0x4  }
0x55: {  	[tilespmem:v61+s9+$0x0] =	vst.idx.add.f32.msk $0xffff, v1  }
0x56: {  	v0 =	vadd.s32 $0x5000, v0;
	v1 =	vld [tilespmem:$0x1D0];
	_ =	sdelay $0x4  }
0x57: {  	[tilespmem:v0+s9+$0x0] =	vst.idx.add.f32.msk $0xffff, v1  }
0x58: {  	v0 =	vld [tilespmem:$0x60];
	_ =	sdelay $0x2  }
0x59: {  	v1 =	vld [tilespmem:$0xE0];
	_ =	sdelay $0x4  }
0x5a: {  	[tilespmem:v0+s9+$0x0] =	vst.idx.add.f32.msk $0xffff, v1  }
0x5b: {  	v62 =	vadd.s32 $0x2800, v0;
	v1 =	vld [tilespmem:$0x160];
	_ =	sdelay $0x4  }
0x5c: {  	[tilespmem:v62+s9+$0x0] =	vst.idx.add.f32.msk $0xffff, v1  }
0x5d: {  	v0 =	vadd.s32 $0x5000, v0;
	v1 =	vld [tilespmem:$0x1E0];
	_ =	sdelay $0x4  }
0x5e: {  	[tilespmem:v0+s9+$0x0] =	vst.idx.add.f32.msk $0xffff, v1  }
0x5f: {  	v0 =	vld [tilespmem:$0x70];
	_ =	sdelay $0x2  }
0x60: {  	v1 =	vld [tilespmem:$0xF0];
	_ =	sdelay $0x4  }
0x61: {  	[tilespmem:v0+s9+$0x0] =	vst.idx.add.f32.msk $0xffff, v1  }
0x62: {  	v63 =	vadd.s32 $0x2800, v0;
	v1 =	vld [tilespmem:$0x170];
	_ =	sdelay $0x4  }
0x63: {  	[tilespmem:v63+s9+$0x0] =	vst.idx.add.f32.msk $0xffff, v1  }
0x64: {  	v0 =	vadd.s32 $0x5000, v0;
	v1 =	vld [tilespmem:$0x1F0]  }
.Ltmp5:
0x65: {  	_ = 	snop;
	(pc) =	sbr.rel .LBB2_4-.Ltmp5, $2  }
0x66: {  	_ =	sdelay $0x2  }
0x67: {  	[tilespmem:v0+s9+$0x0] =	vst.idx.add.f32.msk $0xffff, v1  }
.LBB2_6:
0x68: {  	_ =	sfence.sel $0x180000  }
0x69: {  	[bflag:$0x0] =	sbarrier.arrive $0xFFFF  }
0x6a: {  	p0 =	sne.s32 s1, $0x0;
	_ =	strace $0x90000056  }
0x6b: {  	s0 =	sadd.s32 @!p0 $0x100000, s0;
	[bflag:$0x2] =	sbarrier.arrive $0xFFFF  }
0x6c: {  	[sflag:s0] =	ssyncadd.tile.s32 @!p0 $0x1;
	_ =	shalt  }
.Lfunc_end2:
_tile_overlayer_lowered:
.L_overlay_start_2:
0x6d: {  	(tag) =	ssettag $0x2  }
0x6e: {  	s0 =	rddreg [dreg:$0x0];
	s2 =	stileid.u32  }
0x6f: {  	s1 =	rddreg [dreg:$0x1];
	p0 =	sne.s32 s2, $0x0  }
0x70: {  	s3 =	rddreg [dreg:$0x2];
	[bflag:$0x3] =	sbarrier.arrive $0xFFFF;
	s2 =	simm.s32 @!p0 $0x1C01  }
0x71: {  	[timem:s3], [sflag:s2] =	dma.local @!p0 [hbm:s0], s1  }
0x72: {  	s0 =	simm.s32 @!p0 $0x1  }
0x73: {  	_ =	swait.ge @!p0 [sflag:s0], s1  }
0x74: {  	s1 =	ssub.s32 @!p0 $0x0, s1;
	[sflag:s0] =	ssyncset.done @!p0 $0x0  }
0x75: {  	[sflag:s0] =	ssyncadd.s32 @!p0 s1  }
0x76: {  	[bflag:$0x3] =	sbarrier.arrive $0xFFFF  }
0x77: {  	_ =	shalt  }

</sc_bundles>
